<compile_context>
chip_gen: v7x
topology: tpu7x:2x2x1
jax: 0.10.2.dev20260603
libtpu: 0.0.44.dev20260713+nightly
codegen_flags: <defaults>
</compile_context>

<pallas_src>
import functools

import jax
import jax.numpy as jnp
from jax import lax
from jax.experimental import pallas as pl
from jax.experimental.pallas import tpu as pltpu
from jax.experimental.pallas import tpu_sc as plsc

EPS = 1e-5
LANES = 16
CHUNK = 40



def _acosh(x0):
    return jnp.log(x0 + jnp.sqrt((x0 - 1.0) * (x0 + 1.0)))


def _tc_logmap0(x, sm):
    x0 = jnp.maximum(x[:, :1], 1.0 + EPS)
    xs = x * sm
    n = jnp.sqrt(jnp.maximum(jnp.sum(xs * xs, -1, keepdims=True), 1e-12))
    return (_acosh(x0) / n) * xs


def _tc_expmap0(u, e0):
    n = jnp.sqrt(jnp.maximum(jnp.sum(u * u, -1, keepdims=True), 1e-12))
    en = jnp.exp(n)
    inv = 1.0 / en
    c = 0.5 * (en + inv)
    s = 0.5 * (en - inv)
    return (s / n) * u + c * e0


def _tc_expmap(x, u):
    m = jnp.sum(u * u, -1, keepdims=True) - 2.0 * u[:, :1] * u[:, :1]
    n = jnp.sqrt(jnp.maximum(m, 1e-12))
    en = jnp.exp(n)
    inv = 1.0 / en
    c = 0.5 * (en + inv)
    s = 0.5 * (en - inv)
    return c * x + (s / n) * u


def _stage1_body(h_ref, w_ref, pb_ref, w1a_ref, w1b_ref, b1_ref, t_ref, u_ref):
    D = h_ref.shape[1]
    lane = lax.broadcasted_iota(jnp.int32, (1, D), 1)
    e0 = (lane == 0).astype(jnp.float32)
    sm = 1.0 - e0

    h = h_ref[...]
    t = _tc_logmap0(h, sm)
    xt = jnp.dot(t, w_ref[...], preferred_element_type=jnp.float32) * sm
    x = _tc_expmap0(xt, e0)
    pb = pb_ref[...]
    m = jnp.sum(x * pb, -1, keepdims=True)
    x0 = x[:, :1]
    b_t = pb + (m / (1.0 + x0)) * (x + e0)
    x = _tc_expmap(x, b_t)
    xtan = _tc_logmap0(x, sm)
    pr = jnp.dot(xtan, w1a_ref[...], preferred_element_type=jnp.float32) + b1_ref[...]
    pc = jnp.dot(xtan, w1b_ref[...], preferred_element_type=jnp.float32)
    t_ref[:, :D] = x
    t_ref[:, D:] = pr
    u_ref[:, :D] = x
    u_ref[:, D:] = pc


def _stage3_body(t_ref, p0_ref, p1_ref, g_ref, b_ref, o_ref):
    D = p0_ref.shape[1]
    lane = lax.broadcasted_iota(jnp.int32, (1, D), 1)
    e0 = (lane == 0).astype(jnp.float32)
    sm = 1.0 - e0

    x = t_ref[:, :D]
    out = (p0_ref[...] + p1_ref[...]) * 0.01
    m = jnp.sum(x * out, -1, keepdims=True) - 2.0 * x[:, :1] * out[:, :1]
    u = out + m * x
    x = _tc_expmap(x, u)
    ht = _tc_logmap0(x, sm)
    cnt = float(D - 1)
    mu = jnp.sum(ht, -1, keepdims=True) / cnt
    d2 = (ht - mu) * (ht - mu)
    var = (jnp.sum(d2, -1, keepdims=True) - mu * mu) / cnt
    ln = (ht - mu) / jnp.sqrt(var + 1e-5) * g_ref[...] + b_ref[...]
    x = _tc_expmap0(ln, e0)
    t2 = _tc_logmap0(x, sm)
    t2 = t2 / (1.0 + jnp.exp(-t2)) * sm
    o_ref[...] = _tc_expmap0(t2, e0)



_GATHER_DNUMS = lax.GatherDimensionNumbers(
    offset_dims=(), collapsed_slice_dims=(0,), start_index_map=(0,))


def _sc_permute(x, idx):
    return lax.gather(x, idx[:, None], _GATHER_DNUMS, slice_sizes=(1,),
                      mode=lax.GatherScatterMode.PROMISE_IN_BOUNDS)


def _sc_sum_all(x, lane):
    for sh in (1, 2, 4, 8):
        x = x + _sc_permute(x, lane ^ sh)
    return x


def _sc_rsqrt(v):
    i = lax.bitcast_convert_type(v, jnp.int32)
    i = 0x5F3759DF - (i >> 1)
    y = lax.bitcast_convert_type(i, jnp.float32)
    y = y * (1.5 - 0.5 * v * y * y)
    y = y * (1.5 - 0.5 * v * y * y)
    y = y * (1.5 - 0.5 * v * y * y)
    return y


def _sc_log(v):
    i = lax.bitcast_convert_type(v, jnp.int32)
    man = i & 0x007FFFFF
    ex = i >> 23
    bi = ((0x3504F3 - man) >> 31) & 1
    m = lax.bitcast_convert_type(man | (0x3F800000 - (bi << 23)), jnp.float32)
    exf = lax.bitcast_convert_type(0x4B000000 + ex + bi, jnp.float32) - 8388735.0
    s = (m - 1.0) / (m + 1.0)
    s2 = s * s
    p = 1.0 + s2 * (0.3333333333 + s2 * (0.2 + s2 * (0.14285714 + s2 * 0.11111111)))
    return exf * 0.6931471805599453 + 2.0 * s * p


def _make_edge_kernel(N, E, D, n_chunks, per_w):
    K = D // LANES
    blocks_lo = (N // 8) // LANES
    n_pairs = n_chunks // 2

    mesh = plsc.VectorSubcoreMesh(core_axis_name="c", subcore_axis_name="s")

    @functools.partial(
        pl.kernel,
        mesh=mesh,
        out_type=jax.ShapeDtypeStruct((2, N, D), jnp.float32),
        scratch_types=[
            pltpu.VMEM((CHUNK,), jnp.int32),
            pltpu.VMEM((CHUNK,), jnp.int32),
            pltpu.VMEM((CHUNK,), jnp.float32),
            pltpu.VMEM((CHUNK,), jnp.int32),
            pltpu.VMEM((CHUNK,), jnp.int32),
            pltpu.VMEM((CHUNK,), jnp.float32),
            pltpu.VMEM((CHUNK,), jnp.int32),
            pltpu.VMEM((CHUNK,), jnp.int32),
            pltpu.VMEM((CHUNK, 2 * D), jnp.float32),
            pltpu.VMEM((CHUNK, 2 * D), jnp.float32),
            pltpu.VMEM((CHUNK, 2 * D), jnp.float32),
            pltpu.VMEM((CHUNK, 2 * D), jnp.float32),
            pltpu.VMEM((CHUNK, D), jnp.float32),
            pltpu.VMEM((4, D), jnp.float32),
            pltpu.VMEM((8, D), jnp.float32),
            pltpu.VMEM_SHARED((N, D), jnp.float32),
            pltpu.SemaphoreType.DMA,
            pltpu.SemaphoreType.DMA,
            pltpu.SemaphoreType.DMA,
            pltpu.SemaphoreType.DMA,
            pltpu.SemaphoreType.DMA,
            pltpu.SemaphoreType.DMA,
            pltpu.SemaphoreType.DMA,
        ],
    )
    def edge_kernel(t_hbm, u_hbm, erow_hbm, ecol_hbm, dist_hbm, cst_hbm, out_hbm,
                    irA, icA, dvA, irB, icB, dvB, sidxA, sidxB,
                    trowsA, urowsA, trowsB, urowsB, agg, cst, zbuf,
                    acc, sem_tA, sem_uA, sem_tB, sem_uB, sem_ia, sem_ib, sem_sc):
        cid = lax.axis_index("c")
        sid = lax.axis_index("s")
        wid = cid * LANES + sid

        pltpu.sync_copy(cst_hbm, cst)
        zeros = jnp.zeros((LANES,), jnp.float32)
        w2 = [cst[0, pl.ds(k * LANES, LANES)] for k in range(K)]
        wdv = [cst[1, pl.ds(k * LANES, LANES)] for k in range(K)]
        wgv = [cst[2, pl.ds(k * LANES, LANES)] for k in range(K)]
        b2v = cst[3, pl.ds(0, LANES)]
        lane = lax.iota(jnp.int32, LANES)
        sgn = (2 * jnp.minimum(lane, 1) - 1).astype(jnp.float32)

        def zero_row(r, _):
            for k in range(K):
                zbuf[r, pl.ds(k * LANES, LANES)] = zeros
            return 0
        lax.fori_loop(0, 8, zero_row, 0)
        row_base = sid * (8 * blocks_lo)
        n_blocks = jnp.where(sid == LANES - 1, blocks_lo + 2, blocks_lo)

        def zero_blk(z, _):
            off = pl.multiple_of(row_base + z * 8, 8)
            pltpu.sync_copy(zbuf, acc.at[pl.ds(off, 8)])
            return 0
        lax.fori_loop(0, n_blocks, zero_blk, 0)
        plsc.subcore_barrier()

        ebase = wid * per_w

        def load_idx(c, ir, ic, dv, sem):
            b = pl.multiple_of(ebase + c * CHUNK, 8)
            cps = (pltpu.async_copy(erow_hbm.at[pl.ds(b, CHUNK)], ir, sem),
                   pltpu.async_copy(ecol_hbm.at[pl.ds(b, CHUNK)], ic, sem),
                   pltpu.async_copy(dist_hbm.at[pl.ds(b, CHUNK)], dv, sem))
            return cps

        def drain_idx(ir, ic, dv, sem):
            pltpu.make_async_copy(erow_hbm.at[pl.ds(0, CHUNK)], ir, sem).wait()
            pltpu.make_async_copy(ecol_hbm.at[pl.ds(0, CHUNK)], ic, sem).wait()
            pltpu.make_async_copy(dist_hbm.at[pl.ds(0, CHUNK)], dv, sem).wait()

        def compute_chunk(trows, urows, dvv):
            def do_one(e):
                dacc = trows[e, pl.ds(0, LANES)] * urows[e, pl.ds(0, LANES)] * sgn
                for k in range(1, K):
                    dacc = dacc + (trows[e, pl.ds(k * LANES, LANES)]
                                   * urows[e, pl.ds(k * LANES, LANES)])
                md = _sc_sum_all(dacc, lane)
                av = jnp.maximum(-md, 1.0 + EPS)
                bv = (av - 1.0) * (av + 1.0)
                rinv = _sc_rsqrt(bv)
                geo = _sc_log(av + bv * rinv)
                e_al = jnp.minimum((e >> 4) << 4, CHUNK - LANES)
                dvec = dvv[pl.ds(e_al, LANES)]
                dv = _sc_permute(dvec, jnp.full((LANES,), e - e_al, jnp.int32))
                sacc = jnp.zeros((LANES,), jnp.float32)
                for k in range(K):
                    p = (trows[e, pl.ds(D + k * LANES, LANES)]
                         + urows[e, pl.ds(D + k * LANES, LANES)]
                         + geo * wgv[k] + dv * wdv[k])
                    ah = p / (1.0 + jnp.exp(-p))
                    sacc = sacc + ah * w2[k]
                sv = _sc_sum_all(sacc, lane) + b2v
                att = 1.0 / (1.0 + jnp.exp(-sv))
                coef = att * geo * rinv
                for k in range(K):
                    agg[e, pl.ds(k * LANES, LANES)] = coef * (
                        urows[e, pl.ds(k * LANES, LANES)]
                        - av * trows[e, pl.ds(k * LANES, LANES)])

            @plsc.parallel_loop(0, CHUNK, unroll=1)
            def _edge_loop(e):
                do_one(e)

        for cp in load_idx(0, irA, icA, dvA, sem_ia):
            cp.wait()
        for cp in load_idx(1, irB, icB, dvB, sem_ib):
            cp.wait()
        pltpu.async_copy(t_hbm.at[irA], trowsA, sem_tA)
        pltpu.async_copy(u_hbm.at[icA], urowsA, sem_uA)

        def pair_body(p, _):
            a = 2 * p
            @pl.when(p > 0)
            def _():
                drain_idx(irB, icB, dvB, sem_ib)
            cp_tb = pltpu.async_copy(t_hbm.at[irB], trowsB, sem_tB)
            cp_ub = pltpu.async_copy(u_hbm.at[icB], urowsB, sem_uB)
            pltpu.make_async_copy(t_hbm.at[irA], trowsA, sem_tA).wait()
            pltpu.make_async_copy(u_hbm.at[icA], urowsA, sem_uA).wait()
            @pl.when(p > 0)
            def _():
                pltpu.make_async_copy(agg, acc.at[sidxB], sem_sc).wait()
            compute_chunk(trowsA, urowsA, dvA)
            for off in (0, 16, CHUNK - 16):
                sidxA[pl.ds(off, LANES)] = irA[pl.ds(off, LANES)]
            cp_sa = pltpu.async_copy(agg, acc.at[sidxA], sem_sc, add=True)
            @pl.when(p < n_pairs - 1)
            def _():
                for cp in load_idx(a + 2, irA, icA, dvA, sem_ia):
                    cp.wait()
                pltpu.async_copy(t_hbm.at[irA], trowsA, sem_tA)
                pltpu.async_copy(u_hbm.at[icA], urowsA, sem_uA)
            cp_tb.wait()
            cp_ub.wait()
            cp_sa.wait()
            compute_chunk(trowsB, urowsB, dvB)
            for off in (0, 16, CHUNK - 16):
                sidxB[pl.ds(off, LANES)] = irB[pl.ds(off, LANES)]
            pltpu.async_copy(agg, acc.at[sidxB], sem_sc, add=True)
            @pl.when(p < n_pairs - 1)
            def _():
                load_idx(a + 3, irB, icB, dvB, sem_ib)
            return 0

        lax.fori_loop(0, n_pairs, pair_body, 0)
        pltpu.make_async_copy(agg, acc.at[sidxB], sem_sc).wait()
        plsc.subcore_barrier()

        def dump_blk(z, _):
            off = pl.multiple_of(row_base + z * 8, 8)
            pltpu.sync_copy(acc.at[pl.ds(off, 8)],
                            out_hbm.at[cid, pl.ds(off, 8)])
            return 0
        lax.fori_loop(0, n_blocks, dump_blk, 0)

    return edge_kernel



def kernel(h, distances, edges, node_mask, edge_mask, W, bias, att_W1,
           att_b1, att_W2, att_b2, ln_g, ln_b):
    N, D = h.shape
    E = edges.shape[1]
    NW = 2 * LANES
    per_w = E // NW
    n_chunks = per_w // CHUNK

    lane0 = (jnp.arange(D) == 0)
    pb = jnp.where(lane0, 0.0, bias[0])[None, :]
    w1a = att_W1[:D]
    w1b = att_W1[D:2 * D]
    consts = jnp.stack([
        att_W2[:, 0],
        att_W1[2 * D],
        att_W1[2 * D + 1],
        jnp.full((D,), att_b2[0]),
    ])
    gp = jnp.concatenate([jnp.zeros((1,), ln_g.dtype), ln_g])[None, :]
    bp = jnp.concatenate([jnp.zeros((1,), ln_b.dtype), ln_b])[None, :]

    B = 1000
    full = lambda i: (0, 0)
    blk = lambda i: (i, 0)
    T, U = pl.pallas_call(
        _stage1_body,
        grid=(N // B,),
        in_specs=[
            pl.BlockSpec((B, D), blk),
            pl.BlockSpec((D, D), full),
            pl.BlockSpec((1, D), full),
            pl.BlockSpec((D, D), full),
            pl.BlockSpec((D, D), full),
            pl.BlockSpec((1, D), full),
        ],
        out_specs=[pl.BlockSpec((B, 2 * D), blk), pl.BlockSpec((B, 2 * D), blk)],
        out_shape=[
            jax.ShapeDtypeStruct((N, 2 * D), jnp.float32),
            jax.ShapeDtypeStruct((N, 2 * D), jnp.float32),
        ],
    )(h, W, pb, w1a, w1b, att_b1[None, :])

    edge_call = _make_edge_kernel(N, E, D, n_chunks, per_w)
    partials = edge_call(T, U, edges[0], edges[1], distances[:, 0], consts)

    out = pl.pallas_call(
        _stage3_body,
        grid=(N // B,),
        in_specs=[
            pl.BlockSpec((B, 2 * D), blk),
            pl.BlockSpec((B, D), blk),
            pl.BlockSpec((B, D), blk),
            pl.BlockSpec((1, D), full),
            pl.BlockSpec((1, D), full),
        ],
        out_specs=pl.BlockSpec((B, D), blk),
        out_shape=jax.ShapeDtypeStruct((N, D), jnp.float32),
    )(T, partials[0], partials[1], gp, bp)
    return out

# --- scband reference (transcript-rebuilt; emitter-appended) ---
"""Pipeline reference for scband-hgcn-76038101008914 (READ-ONLY COPY).

The authoritative reference and input builder live on the scoring server;
editing this copy changes nothing except your own understanding.
"""

import jax, jax.numpy as jnp
import numpy as np

EPS = 1e-5

def _mdot(x, y):
    return -x[..., :1] * y[..., :1] + jnp.sum(x[..., 1:] * y[..., 1:], axis=-1, keepdims=True)

def _proj_tan0(u):
    return jnp.concatenate([jnp.zeros_like(u[..., :1]), u[..., 1:]], axis=-1)

def _expmap0(u):
    us = u[..., 1:]
    n = jnp.sqrt(jnp.clip(jnp.sum(us * us, axis=-1, keepdims=True), 1e-12, None))
    return jnp.concatenate([jnp.cosh(n), jnp.sinh(n) / n * us], axis=-1)

def _logmap0(x):
    x0 = jnp.clip(x[..., :1], 1.0 + EPS, None)
    d = jnp.arccosh(x0)
    xs = x[..., 1:]
    n = jnp.sqrt(jnp.clip(jnp.sum(xs * xs, axis=-1, keepdims=True), 1e-12, None))
    return jnp.concatenate([jnp.zeros_like(x0), d / n * xs], axis=-1)

def _proju(x, u):
    return u + _mdot(x, u) * x

def _expmap(x, u):
    un = jnp.sqrt(jnp.clip(_mdot(u, u), 1e-12, None))
    return jnp.cosh(un) * x + jnp.sinh(un) / un * u

def _logmap(x, y):
    alpha = jnp.clip(-_mdot(x, y), 1.0 + EPS, None)
    d = jnp.arccosh(alpha)
    return d / jnp.sqrt(alpha * alpha - 1.0) * (y - alpha * x)

def _dist(x, y):
    return jnp.arccosh(jnp.clip(-_mdot(x, y), 1.0 + EPS, None))

def _transp0(y, v):
    o = jnp.concatenate([jnp.ones_like(y[..., :1]), jnp.zeros_like(y[..., 1:])], axis=-1)
    return v + _mdot(y, v) / (1.0 + y[..., :1]) * (o + y)

def _layernorm(x, g, b):
    mu = jnp.mean(x, axis=-1, keepdims=True)
    var = jnp.var(x, axis=-1, keepdims=True)
    return (x - mu) / jnp.sqrt(var + 1e-5) * g + b

def setup_inputs(seed: int = 0):
    key = jax.random.key(seed)
    ks = jax.random.split(key, 8)
    N, E, D = 10000, 320000, 128
    h_raw = 0.1 * jax.random.normal(ks[0], (N, D), dtype=jnp.float32)
    h = _expmap0(_proj_tan0(h_raw))
    distances = jax.random.uniform(ks[1], (E, 1), dtype=jnp.float32)
    edges = jax.random.randint(ks[2], (2, E), 0, N)
    node_mask = jnp.ones((N, 1), dtype=jnp.float32)
    edge_mask = jnp.ones((E, 1), dtype=jnp.float32)
    W = 0.05 * jax.random.normal(ks[3], (D, D), dtype=jnp.float32)
    bias = 0.1 * jnp.ones((1, D), dtype=jnp.float32)
    att_W1 = 0.05 * jax.random.normal(ks[4], (2 * D + 2, D), dtype=jnp.float32)
    att_b1 = jnp.zeros((D,), dtype=jnp.float32)
    att_W2 = 0.05 * jax.random.normal(ks[5], (D, 1), dtype=jnp.float32)
    att_b2 = jnp.zeros((1,), dtype=jnp.float32)
    ln_g = jnp.ones((D - 1,), dtype=jnp.float32)
    ln_b = jnp.zeros((D - 1,), dtype=jnp.float32)
    return dict(h=h, distances=distances, edges=edges, node_mask=node_mask, edge_mask=edge_mask, W=W, bias=bias, att_W1=att_W1, att_b1=att_b1, att_W2=att_W2, att_b2=att_b2, ln_g=ln_g, ln_b=ln_b)

def reference(h, distances, edges, node_mask, edge_mask, W, bias, att_W1, att_b1, att_W2, att_b2, ln_g, ln_b):
    # HypLinear
    xt = _logmap0(h) @ W
    xt = _proj_tan0(xt)
    x = _expmap0(xt)
    b_t = _transp0(x, _proj_tan0(bias))
    x = _expmap(x, b_t)
    # HypAgg
    x_tan = _logmap0(x)
    row, col = edges[0], edges[1]
    xr, xc = x[row], x[col]
    geo = _dist(xr, xc)
    df = jnp.concatenate([distances, geo], axis=-1)
    ain = jnp.concatenate([x_tan[row], x_tan[col], df], axis=-1)
    ah = jax.nn.silu(ain @ att_W1 + att_b1)
    att = jax.nn.sigmoid(ah @ att_W2 + att_b2) * edge_mask
    x_local = _logmap(xr, xc)
    agg = x_local * att
    out = jax.ops.segment_sum(agg, row, num_segments=h.shape[0]) / 100.0
    x = _expmap(x, _proju(x, out))
    # HNorm (Lorentz: layernorm over spatial coords only)
    ht = _logmap0(x)
    ht = jnp.concatenate([ht[..., :1], _layernorm(ht[..., 1:], ln_g, ln_b)], axis=-1)
    x = _expmap0(ht)
    # HypAct
    xt2 = _proj_tan0(jax.nn.silu(_logmap0(x)))
    return _expmap0(xt2)

if __name__ == "__main__":
    import jax
    _d = setup_inputs()
    print(jax.jit(kernel)(*tuple(_d.values())))

</pallas_src>

<mosaic_0001>
#map = affine_map<(d0, d1) -> (0, 0)>
#map1 = affine_map<(d0, d1) -> (0)>
#map2 = affine_map<(d0, d1) -> (0, 0, 0)>
module attributes {stable_mosaic.version = 14 : i64} {
  func.func @edge_kernel(%arg0: i32, %arg1: i32, %arg2: memref<10000x256xf32, #tpu.memory_space<hbm>>, %arg3: memref<10000x256xf32, #tpu.memory_space<hbm>>, %arg4: memref<320000xi32, #tpu.memory_space<hbm>>, %arg5: memref<320000xi32, #tpu.memory_space<hbm>>, %arg6: memref<320000xf32, #tpu.memory_space<hbm>>, %arg7: memref<4x128xf32, #tpu.memory_space<hbm>>, %arg8: memref<2x10000x128xf32, #tpu.memory_space<hbm>>, %arg9: memref<40xi32, #tpu.memory_space<vmem>>, %arg10: memref<40xi32, #tpu.memory_space<vmem>>, %arg11: memref<40xf32, #tpu.memory_space<vmem>>, %arg12: memref<40xi32, #tpu.memory_space<vmem>>, %arg13: memref<40xi32, #tpu.memory_space<vmem>>, %arg14: memref<40xf32, #tpu.memory_space<vmem>>, %arg15: memref<40xi32, #tpu.memory_space<vmem>>, %arg16: memref<40xi32, #tpu.memory_space<vmem>>, %arg17: memref<40x256xf32, #tpu.memory_space<vmem>>, %arg18: memref<40x256xf32, #tpu.memory_space<vmem>>, %arg19: memref<40x256xf32, #tpu.memory_space<vmem>>, %arg20: memref<40x256xf32, #tpu.memory_space<vmem>>, %arg21: memref<40x128xf32, #tpu.memory_space<vmem>>, %arg22: memref<4x128xf32, #tpu.memory_space<vmem>>, %arg23: memref<8x128xf32, #tpu.memory_space<vmem>>, %arg24: memref<10000x128xf32, #tpu.memory_space<vmem_shared>>, %arg25: memref<!tpu.dma_semaphore, #tpu.memory_space<semaphore_mem>>, %arg26: memref<!tpu.dma_semaphore, #tpu.memory_space<semaphore_mem>>, %arg27: memref<!tpu.dma_semaphore, #tpu.memory_space<semaphore_mem>>, %arg28: memref<!tpu.dma_semaphore, #tpu.memory_space<semaphore_mem>>, %arg29: memref<!tpu.dma_semaphore, #tpu.memory_space<semaphore_mem>>, %arg30: memref<!tpu.dma_semaphore, #tpu.memory_space<semaphore_mem>>, %arg31: memref<!tpu.dma_semaphore, #tpu.memory_space<semaphore_mem>>) attributes {dimension_semantics = [#tpu.dimension_semantics<core_parallel>, #tpu.dimension_semantics<subcore_parallel>], iteration_bounds = array<i64: 2, 16>, scalar_prefetch = 0 : i64, scratch_operands = 23 : i64, tpu.core_type = #tpu.core_type<sc_vector_subcore>, window_params = [{transform_indices = #map}, {transform_indices = #map}, {transform_indices = #map1}, {transform_indices = #map1}, {transform_indices = #map1}, {transform_indices = #map}, {transform_indices = #map2}]} {
    %mul3A = arith.constant 16 : i32
    %mul3A_0 = arith.muli %arg0, %mul3A : i32
    %add3A = arith.addi %mul3A_0, %arg1 : i32
    "tpu.region"() ({
      %run_scoped3A = tpu.sem_alloc : memref<!tpu.dma_semaphore, #tpu.memory_space<semaphore_mem>>
      tpu.enqueue_dma source(%arg7 : memref<4x128xf32, #tpu.memory_space<hbm>>) target(%arg22 : memref<4x128xf32, #tpu.memory_space<vmem>>) target_semaphore(%run_scoped3A : memref<!tpu.dma_semaphore, #tpu.memory_space<semaphore_mem>>)
      tpu.wait_dma2 semaphore(%run_scoped3A : memref<!tpu.dma_semaphore, #tpu.memory_space<semaphore_mem>>) src(%arg7 : memref<4x128xf32, #tpu.memory_space<hbm>>) dst(%arg22 : memref<4x128xf32, #tpu.memory_space<vmem>>)
      tpu.yield
    }) : () -> ()
    %broadcast_in_dim3A = arith.constant 0.000000e+00 : f32
    %broadcast_in_dim3A_1 = vector.broadcast %broadcast_in_dim3A : f32 to vector<16xf32>
    %get3A = arith.constant 0 : i32
    %get3A_2 = arith.index_cast %get3A : i32 to index
    %get3A_3 = arith.constant 0 : index
    %get3A_4 = tpu.vector_load %arg22[%get3A_2, %get3A_3] {strides = array<i32>} : memref<4x128xf32, #tpu.memory_space<vmem>>, vector<1x16xf32>,
    %get3A_5 = vector.shape_cast %get3A_4 : vector<1x16xf32> to vector<16xf32>
    %get3A_6 = arith.constant 0 : i32
    %get3A_7 = arith.index_cast %get3A_6 : i32 to index
    %get3A_8 = arith.constant 16 : index
    %get3A_9 = tpu.vector_load %arg22[%get3A_7, %get3A_8] {strides = array<i32>} : memref<4x128xf32, #tpu.memory_space<vmem>>, vector<1x16xf32>,
    %get3A_10 = vector.shape_cast %get3A_9 : vector<1x16xf32> to vector<16xf32>
    %get3A_11 = arith.constant 0 : i32
    %get3A_12 = arith.index_cast %get3A_11 : i32 to index
    %get3A_13 = arith.constant 32 : index
    %get3A_14 = tpu.vector_load %arg22[%get3A_12, %get3A_13] {strides = array<i32>} : memref<4x128xf32, #tpu.memory_space<vmem>>, vector<1x16xf32>,
    %get3A_15 = vector.shape_cast %get3A_14 : vector<1x16xf32> to vector<16xf32>
    %get3A_16 = arith.constant 0 : i32
    %get3A_17 = arith.index_cast %get3A_16 : i32 to index
    %get3A_18 = arith.constant 48 : index
    %get3A_19 = tpu.vector_load %arg22[%get3A_17, %get3A_18] {strides = array<i32>} : memref<4x128xf32, #tpu.memory_space<vmem>>, vector<1x16xf32>,
    %get3A_20 = vector.shape_cast %get3A_19 : vector<1x16xf32> to vector<16xf32>
    %get3A_21 = arith.constant 0 : i32
    %get3A_22 = arith.index_cast %get3A_21 : i32 to index
    %get3A_23 = arith.constant 64 : index
    %get3A_24 = tpu.vector_load %arg22[%get3A_22, %get3A_23] {strides = array<i32>} : memref<4x128xf32, #tpu.memory_space<vmem>>, vector<1x16xf32>,
    %get3A_25 = vector.shape_cast %get3A_24 : vector<1x16xf32> to vector<16xf32>
    %get3A_26 = arith.constant 0 : i32
    %get3A_27 = arith.index_cast %get3A_26 : i32 to index
    %get3A_28 = arith.constant 80 : index
    %get3A_29 = tpu.vector_load %arg22[%get3A_27, %get3A_28] {strides = array<i32>} : memref<4x128xf32, #tpu.memory_space<vmem>>, vector<1x16xf32>,
    %get3A_30 = vector.shape_cast %get3A_29 : vector<1x16xf32> to vector<16xf32>
    %get3A_31 = arith.constant 0 : i32
    %get3A_32 = arith.index_cast %get3A_31 : i32 to index
    %get3A_33 = arith.constant 96 : index
    %get3A_34 = tpu.vector_load %arg22[%get3A_32, %get3A_33] {strides = array<i32>} : memref<4x128xf32, #tpu.memory_space<vmem>>, vector<1x16xf32>,
    %get3A_35 = vector.shape_cast %get3A_34 : vector<1x16xf32> to vector<16xf32>
    %get3A_36 = arith.constant 0 : i32
    %get3A_37 = arith.index_cast %get3A_36 : i32 to index
    %get3A_38 = arith.constant 112 : index
    %get3A_39 = tpu.vector_load %arg22[%get3A_37, %get3A_38] {strides = array<i32>} : memref<4x128xf32, #tpu.memory_space<vmem>>, vector<1x16xf32>,
    %get3A_40 = vector.shape_cast %get3A_39 : vector<1x16xf32> to vector<16xf32>
    %get3A_41 = arith.constant 1 : i32
    %get3A_42 = arith.index_cast %get3A_41 : i32 to index
    %get3A_43 = arith.constant 0 : index
    %get3A_44 = tpu.vector_load %arg22[%get3A_42, %get3A_43] {strides = array<i32>} : memref<4x128xf32, #tpu.memory_space<vmem>>, vector<1x16xf32>,
    %get3A_45 = vector.shape_cast %get3A_44 : vector<1x16xf32> to vector<16xf32>
    %get3A_46 = arith.constant 1 : i32
    %get3A_47 = arith.index_cast %get3A_46 : i32 to index
    %get3A_48 = arith.constant 16 : index
    %get3A_49 = tpu.vector_load %arg22[%get3A_47, %get3A_48] {strides = array<i32>} : memref<4x128xf32, #tpu.memory_space<vmem>>, vector<1x16xf32>,
    %get3A_50 = vector.shape_cast %get3A_49 : vector<1x16xf32> to vector<16xf32>
    %get3A_51 = arith.constant 1 : i32
    %get3A_52 = arith.index_cast %get3A_51 : i32 to index
    %get3A_53 = arith.constant 32 : index
    %get3A_54 = tpu.vector_load %arg22[%get3A_52, %get3A_53] {strides = array<i32>} : memref<4x128xf32, #tpu.memory_space<vmem>>, vector<1x16xf32>,
    %get3A_55 = vector.shape_cast %get3A_54 : vector<1x16xf32> to vector<16xf32>
    %get3A_56 = arith.constant 1 : i32
    %get3A_57 = arith.index_cast %get3A_56 : i32 to index
    %get3A_58 = arith.constant 48 : index
    %get3A_59 = tpu.vector_load %arg22[%get3A_57, %get3A_58] {strides = array<i32>} : memref<4x128xf32, #tpu.memory_space<vmem>>, vector<1x16xf32>,
    %get3A_60 = vector.shape_cast %get3A_59 : vector<1x16xf32> to vector<16xf32>
    %get3A_61 = arith.constant 1 : i32
    %get3A_62 = arith.index_cast %get3A_61 : i32 to index
    %get3A_63 = arith.constant 64 : index
    %get3A_64 = tpu.vector_load %arg22[%get3A_62, %get3A_63] {strides = array<i32>} : memref<4x128xf32, #tpu.memory_space<vmem>>, vector<1x16xf32>,
    %get3A_65 = vector.shape_cast %get3A_64 : vector<1x16xf32> to vector<16xf32>
    %get3A_66 = arith.constant 1 : i32
    %get3A_67 = arith.index_cast %get3A_66 : i32 to index
    %get3A_68 = arith.constant 80 : index
    %get3A_69 = tpu.vector_load %arg22[%get3A_67, %get3A_68] {strides = array<i32>} : memref<4x128xf32, #tpu.memory_space<vmem>>, vector<1x16xf32>,
    %get3A_70 = vector.shape_cast %get3A_69 : vector<1x16xf32> to vector<16xf32>
    %get3A_71 = arith.constant 1 : i32
    %get3A_72 = arith.index_cast %get3A_71 : i32 to index
    %get3A_73 = arith.constant 96 : index
    %get3A_74 = tpu.vector_load %arg22[%get3A_72, %get3A_73] {strides = array<i32>} : memref<4x128xf32, #tpu.memory_space<vmem>>, vector<1x16xf32>,
    %get3A_75 = vector.shape_cast %get3A_74 : vector<1x16xf32> to vector<16xf32>
    %get3A_76 = arith.constant 1 : i32
    %get3A_77 = arith.index_cast %get3A_76 : i32 to index
    %get3A_78 = arith.constant 112 : index
    %get3A_79 = tpu.vector_load %arg22[%get3A_77, %get3A_78] {strides = array<i32>} : memref<4x128xf32, #tpu.memory_space<vmem>>, vector<1x16xf32>,
    %get3A_80 = vector.shape_cast %get3A_79 : vector<1x16xf32> to vector<16xf32>
    %get3A_81 = arith.constant 2 : i32
    %get3A_82 = arith.index_cast %get3A_81 : i32 to index
    %get3A_83 = arith.constant 0 : index
    %get3A_84 = tpu.vector_load %arg22[%get3A_82, %get3A_83] {strides = array<i32>} : memref<4x128xf32, #tpu.memory_space<vmem>>, vector<1x16xf32>,
    %get3A_85 = vector.shape_cast %get3A_84 : vector<1x16xf32> to vector<16xf32>
    %get3A_86 = arith.constant 2 : i32
    %get3A_87 = arith.index_cast %get3A_86 : i32 to index
    %get3A_88 = arith.constant 16 : index
    %get3A_89 = tpu.vector_load %arg22[%get3A_87, %get3A_88] {strides = array<i32>} : memref<4x128xf32, #tpu.memory_space<vmem>>, vector<1x16xf32>,
    %get3A_90 = vector.shape_cast %get3A_89 : vector<1x16xf32> to vector<16xf32>
    %get3A_91 = arith.constant 2 : i32
    %get3A_92 = arith.index_cast %get3A_91 : i32 to index
    %get3A_93 = arith.constant 32 : index
    %get3A_94 = tpu.vector_load %arg22[%get3A_92, %get3A_93] {strides = array<i32>} : memref<4x128xf32, #tpu.memory_space<vmem>>, vector<1x16xf32>,
    %get3A_95 = vector.shape_cast %get3A_94 : vector<1x16xf32> to vector<16xf32>
    %get3A_96 = arith.constant 2 : i32
    %get3A_97 = arith.index_cast %get3A_96 : i32 to index
    %get3A_98 = arith.constant 48 : index
    %get3A_99 = tpu.vector_load %arg22[%get3A_97, %get3A_98] {strides = array<i32>} : memref<4x128xf32, #tpu.memory_space<vmem>>, vector<1x16xf32>,
    %get3A_100 = vector.shape_cast %get3A_99 : vector<1x16xf32> to vector<16xf32>
    %get3A_101 = arith.constant 2 : i32
    %get3A_102 = arith.index_cast %get3A_101 : i32 to index
    %get3A_103 = arith.constant 64 : index
    %get3A_104 = tpu.vector_load %arg22[%get3A_102, %get3A_103] {strides = array<i32>} : memref<4x128xf32, #tpu.memory_space<vmem>>, vector<1x16xf32>,
    %get3A_105 = vector.shape_cast %get3A_104 : vector<1x16xf32> to vector<16xf32>
    %get3A_106 = arith.constant 2 : i32
    %get3A_107 = arith.index_cast %get3A_106 : i32 to index
    %get3A_108 = arith.constant 80 : index
    %get3A_109 = tpu.vector_load %arg22[%get3A_107, %get3A_108] {strides = array<i32>} : memref<4x128xf32, #tpu.memory_space<vmem>>, vector<1x16xf32>,
    %get3A_110 = vector.shape_cast %get3A_109 : vector<1x16xf32> to vector<16xf32>
    %get3A_111 = arith.constant 2 : i32
    %get3A_112 = arith.index_cast %get3A_111 : i32 to index
    %get3A_113 = arith.constant 96 : index
    %get3A_114 = tpu.vector_load %arg22[%get3A_112, %get3A_113] {strides = array<i32>} : memref<4x128xf32, #tpu.memory_space<vmem>>, vector<1x16xf32>,
    %get3A_115 = vector.shape_cast %get3A_114 : vector<1x16xf32> to vector<16xf32>
    %get3A_116 = arith.constant 2 : i32
    %get3A_117 = arith.index_cast %get3A_116 : i32 to index
    %get3A_118 = arith.constant 112 : index
    %get3A_119 = tpu.vector_load %arg22[%get3A_117, %get3A_118] {strides = array<i32>} : memref<4x128xf32, #tpu.memory_space<vmem>>, vector<1x16xf32>,
    %get3A_120 = vector.shape_cast %get3A_119 : vector<1x16xf32> to vector<16xf32>
    %get3A_121 = arith.constant 3 : i32
    %get3A_122 = arith.index_cast %get3A_121 : i32 to index
    %get3A_123 = arith.constant 0 : index
    %get3A_124 = tpu.vector_load %arg22[%get3A_122, %get3A_123] {strides = array<i32>} : memref<4x128xf32, #tpu.memory_space<vmem>>, vector<1x16xf32>,
    %get3A_125 = vector.shape_cast %get3A_124 : vector<1x16xf32> to vector<16xf32>
    %iota3A = tpu.iota {dimensions = array<i32: 0>} : vector<16xi32>
    %min3A = arith.constant 1 : i32
    %min3A_126 = vector.broadcast %min3A : i32 to vector<16xi32>
    %min3A_127 = arith.minsi %iota3A, %min3A_126 : vector<16xi32>
    %mul3A_128 = arith.constant 2 : i32
    %mul3A_129 = vector.broadcast %mul3A_128 : i32 to vector<16xi32>
    %mul3A_130 = arith.muli %mul3A_129, %min3A_127 : vector<16xi32>
    %sub3A = arith.constant 1 : i32
    %sub3A_131 = vector.broadcast %sub3A : i32 to vector<16xi32>
    %sub3A_132 = arith.subi %mul3A_130, %sub3A_131 : vector<16xi32>
    %convert_element_type3A = arith.sitofp %sub3A_132 : vector<16xi32> to vector<16xf32>
    %scan3A = arith.constant 0 : i32
    %scan3A_133 = arith.constant 0 : i32
    %scan3A_134 = arith.constant 8 : i32
    %scan3A_135 = arith.addi %scan3A_133, %scan3A_134 : i32
    %scan3A_136 = arith.constant 1 : i32
    %scan3A_137 = scf.for %scan3A_212 = %scan3A_133 to %scan3A_135 step %scan3A_136 iter_args(%scan3A_213 = %scan3A) -> (i32)  : i32 {
      %swap3A = arith.index_cast %scan3A_212 : i32 to index
      %swap3A_214 = arith.constant 0 : index
      %swap3A_215 = tpu.vector_load %arg23[%swap3A, %swap3A_214] {strides = array<i32>} : memref<8x128xf32, #tpu.memory_space<vmem>>, vector<1x16xf32>,
      %swap3A_216 = vector.shape_cast %swap3A_215 : vector<1x16xf32> to vector<16xf32>
      %swap3A_217 = vector.shape_cast %broadcast_in_dim3A_1 : vector<16xf32> to vector<1x16xf32>
      tpu.vector_store %arg23[%swap3A, %swap3A_214], %swap3A_217 {strides = array<i32>} : memref<8x128xf32, #tpu.memory_space<vmem>>, vector<1x16xf32>,
      %swap3A_218 = arith.index_cast %scan3A_212 : i32 to index
      %swap3A_219 = arith.constant 16 : index
      %swap3A_220 = tpu.vector_load %arg23[%swap3A_218, %swap3A_219] {strides = array<i32>} : memref<8x128xf32, #tpu.memory_space<vmem>>, vector<1x16xf32>,
      %swap3A_221 = vector.shape_cast %swap3A_220 : vector<1x16xf32> to vector<16xf32>
      %swap3A_222 = vector.shape_cast %broadcast_in_dim3A_1 : vector<16xf32> to vector<1x16xf32>
      tpu.vector_store %arg23[%swap3A_218, %swap3A_219], %swap3A_222 {strides = array<i32>} : memref<8x128xf32, #tpu.memory_space<vmem>>, vector<1x16xf32>,
      %swap3A_223 = arith.index_cast %scan3A_212 : i32 to index
      %swap3A_224 = arith.constant 32 : index
      %swap3A_225 = tpu.vector_load %arg23[%swap3A_223, %swap3A_224] {strides = array<i32>} : memref<8x128xf32, #tpu.memory_space<vmem>>, vector<1x16xf32>,
      %swap3A_226 = vector.shape_cast %swap3A_225 : vector<1x16xf32> to vector<16xf32>
      %swap3A_227 = vector.shape_cast %broadcast_in_dim3A_1 : vector<16xf32> to vector<1x16xf32>
      tpu.vector_store %arg23[%swap3A_223, %swap3A_224], %swap3A_227 {strides = array<i32>} : memref<8x128xf32, #tpu.memory_space<vmem>>, vector<1x16xf32>,
      %swap3A_228 = arith.index_cast %scan3A_212 : i32 to index
      %swap3A_229 = arith.constant 48 : index
      %swap3A_230 = tpu.vector_load %arg23[%swap3A_228, %swap3A_229] {strides = array<i32>} : memref<8x128xf32, #tpu.memory_space<vmem>>, vector<1x16xf32>,
      %swap3A_231 = vector.shape_cast %swap3A_230 : vector<1x16xf32> to vector<16xf32>
      %swap3A_232 = vector.shape_cast %broadcast_in_dim3A_1 : vector<16xf32> to vector<1x16xf32>
      tpu.vector_store %arg23[%swap3A_228, %swap3A_229], %swap3A_232 {strides = array<i32>} : memref<8x128xf32, #tpu.memory_space<vmem>>, vector<1x16xf32>,
      %swap3A_233 = arith.index_cast %scan3A_212 : i32 to index
      %swap3A_234 = arith.constant 64 : index
      %swap3A_235 = tpu.vector_load %arg23[%swap3A_233, %swap3A_234] {strides = array<i32>} : memref<8x128xf32, #tpu.memory_space<vmem>>, vector<1x16xf32>,
      %swap3A_236 = vector.shape_cast %swap3A_235 : vector<1x16xf32> to vector<16xf32>
      %swap3A_237 = vector.shape_cast %broadcast_in_dim3A_1 : vector<16xf32> to vector<1x16xf32>
      tpu.vector_store %arg23[%swap3A_233, %swap3A_234], %swap3A_237 {strides = array<i32>} : memref<8x128xf32, #tpu.memory_space<vmem>>, vector<1x16xf32>,
      %swap3A_238 = arith.index_cast %scan3A_212 : i32 to index
      %swap3A_239 = arith.constant 80 : index
      %swap3A_240 = tpu.vector_load %arg23[%swap3A_238, %swap3A_239] {strides = array<i32>} : memref<8x128xf32, #tpu.memory_space<vmem>>, vector<1x16xf32>,
      %swap3A_241 = vector.shape_cast %swap3A_240 : vector<1x16xf32> to vector<16xf32>
      %swap3A_242 = vector.shape_cast %broadcast_in_dim3A_1 : vector<16xf32> to vector<1x16xf32>
      tpu.vector_store %arg23[%swap3A_238, %swap3A_239], %swap3A_242 {strides = array<i32>} : memref<8x128xf32, #tpu.memory_space<vmem>>, vector<1x16xf32>,
      %swap3A_243 = arith.index_cast %scan3A_212 : i32 to index
      %swap3A_244 = arith.constant 96 : index
      %swap3A_245 = tpu.vector_load %arg23[%swap3A_243, %swap3A_244] {strides = array<i32>} : memref<8x128xf32, #tpu.memory_space<vmem>>, vector<1x16xf32>,
      %swap3A_246 = vector.shape_cast %swap3A_245 : vector<1x16xf32> to vector<16xf32>
      %swap3A_247 = vector.shape_cast %broadcast_in_dim3A_1 : vector<16xf32> to vector<1x16xf32>
      tpu.vector_store %arg23[%swap3A_243, %swap3A_244], %swap3A_247 {strides = array<i32>} : memref<8x128xf32, #tpu.memory_space<vmem>>, vector<1x16xf32>,
      %swap3A_248 = arith.index_cast %scan3A_212 : i32 to index
      %swap3A_249 = arith.constant 112 : index
      %swap3A_250 = tpu.vector_load %arg23[%swap3A_248, %swap3A_249] {strides = array<i32>} : memref<8x128xf32, #tpu.memory_space<vmem>>, vector<1x16xf32>,
      %swap3A_251 = vector.shape_cast %swap3A_250 : vector<1x16xf32> to vector<16xf32>
      %swap3A_252 = vector.shape_cast %broadcast_in_dim3A_1 : vector<16xf32> to vector<1x16xf32>
      tpu.vector_store %arg23[%swap3A_248, %swap3A_249], %swap3A_252 {strides = array<i32>} : memref<8x128xf32, #tpu.memory_space<vmem>>, vector<1x16xf32>,
      %scan3A_253 = arith.constant 0 : i32
      scf.yield %scan3A_253 : i32
    }
    %scan3A_138 = arith.constant 8 : i32
    %mul3A_139 = arith.constant 624 : i32
    %mul3A_140 = arith.muli %arg1, %mul3A_139 : i32
    %eq3A = arith.constant 15 : i32
    %eq3A_141 = arith.cmpi eq, %arg1, %eq3A : i32
    %jit3A = arith.constant 80 : i32
    %jit3A_142 = arith.constant 78 : i32
    %select_n3A = arith.select %eq3A_141, %jit3A, %jit3A_142 : i32
    %while3A = arith.constant 0 : i32
    %while3A_143 = arith.constant 0 : i32
    %while3A_144 = arith.subi %select_n3A, %while3A : i32
    %while3A_145 = arith.addi %while3A, %while3A_144 : i32
    %while3A_146 = arith.constant 1 : i32
    %while3A_147 = arith.divsi %while3A_144, %while3A_146 : i32
    %while3A_148 = arith.muli %while3A_147, %while3A_146 : i32
    %while3A_149 = arith.addi %while3A, %while3A_148 : i32
    %while3A_150 = arith.constant 1 : i32
    %while3A_151 = scf.for %while3A_212 = %while3A to %while3A_149 step %while3A_150 iter_args(%while3A_213 = %while3A_143) -> (i32)  : i32 {
      %mul3A_214 = arith.constant 8 : i32
      %mul3A_215 = arith.muli %while3A_212, %mul3A_214 : i32
      %add3A_216 = arith.addi %mul3A_140, %mul3A_215 : i32
      %multiple_of3A_217 = tpu.assume_multiple %add3A_216, 8 : i32
      "tpu.region"() ({
        %run_scoped3A = tpu.sem_alloc : memref<!tpu.dma_semaphore, #tpu.memory_space<semaphore_mem>>
        %dma_start3A_219 = arith.constant 0 : i32
        %dma_start3A_220 = tpu.memref_slice %arg24[%multiple_of3A_217, %dma_start3A_219] : memref<10000x128xf32, #tpu.memory_space<vmem_shared>> -> memref<8x128xf32, #tpu.memory_space<vmem_shared>>
        %dma_start3A_221 = arith.constant 0 : i32
        %dma_start3A_222 = tpu.memref_slice %arg24[%multiple_of3A_217, %dma_start3A_221] : memref<10000x128xf32, #tpu.memory_space<vmem_shared>> -> memref<8x128xf32, #tpu.memory_space<vmem_shared>>
        tpu.enqueue_dma source(%arg23 : memref<8x128xf32, #tpu.memory_space<vmem>>) target(%dma_start3A_222 : memref<8x128xf32, #tpu.memory_space<vmem_shared>>) target_semaphore(%run_scoped3A : memref<!tpu.dma_semaphore, #tpu.memory_space<semaphore_mem>>)
        %dma_wait3A_223 = arith.constant 0 : i32
        %dma_wait3A_224 = tpu.memref_slice %arg24[%multiple_of3A_217, %dma_wait3A_223] : memref<10000x128xf32, #tpu.memory_space<vmem_shared>> -> memref<8x128xf32, #tpu.memory_space<vmem_shared>>
        %dma_wait3A_225 = arith.constant 0 : i32
        %dma_wait3A_226 = tpu.memref_slice %arg24[%multiple_of3A_217, %dma_wait3A_225] : memref<10000x128xf32, #tpu.memory_space<vmem_shared>> -> memref<8x128xf32, #tpu.memory_space<vmem_shared>>
        tpu.wait_dma2 semaphore(%run_scoped3A : memref<!tpu.dma_semaphore, #tpu.memory_space<semaphore_mem>>) src(%arg23 : memref<8x128xf32, #tpu.memory_space<vmem>>) dst(%dma_wait3A_226 : memref<8x128xf32, #tpu.memory_space<vmem_shared>>)
        tpu.yield
      }) : () -> ()
      %while3A_218 = arith.constant 0 : i32
      scf.yield %while3A_218 : i32
    }
    %while3A_152 = arith.constant 1 : i32
    %while3A_153 = scf.for %while3A_212 = %while3A_149 to %while3A_145 step %while3A_152 iter_args(%while3A_213 = %while3A_151) -> (i32)  : i32 {
      %mul3A_214 = arith.constant 8 : i32
      %mul3A_215 = arith.muli %while3A_212, %mul3A_214 : i32
      %add3A_216 = arith.addi %mul3A_140, %mul3A_215 : i32
      %multiple_of3A_217 = tpu.assume_multiple %add3A_216, 8 : i32
      "tpu.region"() ({
        %run_scoped3A = tpu.sem_alloc : memref<!tpu.dma_semaphore, #tpu.memory_space<semaphore_mem>>
        %dma_start3A_219 = arith.constant 0 : i32
        %dma_start3A_220 = tpu.memref_slice %arg24[%multiple_of3A_217, %dma_start3A_219] : memref<10000x128xf32, #tpu.memory_space<vmem_shared>> -> memref<8x128xf32, #tpu.memory_space<vmem_shared>>
        %dma_start3A_221 = arith.constant 0 : i32
        %dma_start3A_222 = tpu.memref_slice %arg24[%multiple_of3A_217, %dma_start3A_221] : memref<10000x128xf32, #tpu.memory_space<vmem_shared>> -> memref<8x128xf32, #tpu.memory_space<vmem_shared>>
        tpu.enqueue_dma source(%arg23 : memref<8x128xf32, #tpu.memory_space<vmem>>) target(%dma_start3A_222 : memref<8x128xf32, #tpu.memory_space<vmem_shared>>) target_semaphore(%run_scoped3A : memref<!tpu.dma_semaphore, #tpu.memory_space<semaphore_mem>>)
        %dma_wait3A_223 = arith.constant 0 : i32
        %dma_wait3A_224 = tpu.memref_slice %arg24[%multiple_of3A_217, %dma_wait3A_223] : memref<10000x128xf32, #tpu.memory_space<vmem_shared>> -> memref<8x128xf32, #tpu.memory_space<vmem_shared>>
        %dma_wait3A_225 = arith.constant 0 : i32
        %dma_wait3A_226 = tpu.memref_slice %arg24[%multiple_of3A_217, %dma_wait3A_225] : memref<10000x128xf32, #tpu.memory_space<vmem_shared>> -> memref<8x128xf32, #tpu.memory_space<vmem_shared>>
        tpu.wait_dma2 semaphore(%run_scoped3A : memref<!tpu.dma_semaphore, #tpu.memory_space<semaphore_mem>>) src(%arg23 : memref<8x128xf32, #tpu.memory_space<vmem>>) dst(%dma_wait3A_226 : memref<8x128xf32, #tpu.memory_space<vmem_shared>>)
        tpu.yield
      }) : () -> ()
      %while3A_218 = arith.constant 0 : i32
      scf.yield %while3A_218 : i32
    }
    %barrier3A = arith.constant 0 : index
    tpu.barrier barrier_id(%barrier3A)
    %mul3A_154 = arith.constant 10000 : i32
    %mul3A_155 = arith.muli %add3A, %mul3A_154 : i32
    %add3A_156 = arith.constant 0 : i32
    %add3A_157 = arith.addi %mul3A_155, %add3A_156 : i32
    %multiple_of3A = tpu.assume_multiple %add3A_157, 8 : i32
    %dma_start3A = tpu.memref_slice %arg4[%multiple_of3A] : memref<320000xi32, #tpu.memory_space<hbm>> -> memref<40xi32, #tpu.memory_space<hbm>>
    %dma_start3A_158 = tpu.memref_slice %arg4[%multiple_of3A] : memref<320000xi32, #tpu.memory_space<hbm>> -> memref<40xi32, #tpu.memory_space<hbm>>
    tpu.enqueue_dma source(%dma_start3A_158 : memref<40xi32, #tpu.memory_space<hbm>>) target(%arg9 : memref<40xi32, #tpu.memory_space<vmem>>) target_semaphore(%arg29 : memref<!tpu.dma_semaphore, #tpu.memory_space<semaphore_mem>>)
    %dma_start3A_159 = tpu.memref_slice %arg5[%multiple_of3A] : memref<320000xi32, #tpu.memory_space<hbm>> -> memref<40xi32, #tpu.memory_space<hbm>>
    %dma_start3A_160 = tpu.memref_slice %arg5[%multiple_of3A] : memref<320000xi32, #tpu.memory_space<hbm>> -> memref<40xi32, #tpu.memory_space<hbm>>
    tpu.enqueue_dma source(%dma_start3A_160 : memref<40xi32, #tpu.memory_space<hbm>>) target(%arg10 : memref<40xi32, #tpu.memory_space<vmem>>) target_semaphore(%arg29 : memref<!tpu.dma_semaphore, #tpu.memory_space<semaphore_mem>>)
    %dma_start3A_161 = tpu.memref_slice %arg6[%multiple_of3A] : memref<320000xf32, #tpu.memory_space<hbm>> -> memref<40xf32, #tpu.memory_space<hbm>>
    %dma_start3A_162 = tpu.memref_slice %arg6[%multiple_of3A] : memref<320000xf32, #tpu.memory_space<hbm>> -> memref<40xf32, #tpu.memory_space<hbm>>
    tpu.enqueue_dma source(%dma_start3A_162 : memref<40xf32, #tpu.memory_space<hbm>>) target(%arg11 : memref<40xf32, #tpu.memory_space<vmem>>) target_semaphore(%arg29 : memref<!tpu.dma_semaphore, #tpu.memory_space<semaphore_mem>>)
    %dma_wait3A = tpu.memref_slice %arg4[%multiple_of3A] : memref<320000xi32, #tpu.memory_space<hbm>> -> memref<40xi32, #tpu.memory_space<hbm>>
    %dma_wait3A_163 = tpu.memref_slice %arg4[%multiple_of3A] : memref<320000xi32, #tpu.memory_space<hbm>> -> memref<40xi32, #tpu.memory_space<hbm>>
    tpu.wait_dma2 semaphore(%arg29 : memref<!tpu.dma_semaphore, #tpu.memory_space<semaphore_mem>>) src(%dma_wait3A_163 : memref<40xi32, #tpu.memory_space<hbm>>) dst(%arg9 : memref<40xi32, #tpu.memory_space<vmem>>)
    %dma_wait3A_164 = tpu.memref_slice %arg5[%multiple_of3A] : memref<320000xi32, #tpu.memory_space<hbm>> -> memref<40xi32, #tpu.memory_space<hbm>>
    %dma_wait3A_165 = tpu.memref_slice %arg5[%multiple_of3A] : memref<320000xi32, #tpu.memory_space<hbm>> -> memref<40xi32, #tpu.memory_space<hbm>>
    tpu.wait_dma2 semaphore(%arg29 : memref<!tpu.dma_semaphore, #tpu.memory_space<semaphore_mem>>) src(%dma_wait3A_165 : memref<40xi32, #tpu.memory_space<hbm>>) dst(%arg10 : memref<40xi32, #tpu.memory_space<vmem>>)
    %dma_wait3A_166 = tpu.memref_slice %arg6[%multiple_of3A] : memref<320000xf32, #tpu.memory_space<hbm>> -> memref<40xf32, #tpu.memory_space<hbm>>
    %dma_wait3A_167 = tpu.memref_slice %arg6[%multiple_of3A] : memref<320000xf32, #tpu.memory_space<hbm>> -> memref<40xf32, #tpu.memory_space<hbm>>
    tpu.wait_dma2 semaphore(%arg29 : memref<!tpu.dma_semaphore, #tpu.memory_space<semaphore_mem>>) src(%dma_wait3A_167 : memref<40xf32, #tpu.memory_space<hbm>>) dst(%arg11 : memref<40xf32, #tpu.memory_space<vmem>>)
    %add3A_168 = arith.constant 40 : i32
    %add3A_169 = arith.addi %mul3A_155, %add3A_168 : i32
    %multiple_of3A_170 = tpu.assume_multiple %add3A_169, 8 : i32
    %dma_start3A_171 = tpu.memref_slice %arg4[%multiple_of3A_170] : memref<320000xi32, #tpu.memory_space<hbm>> -> memref<40xi32, #tpu.memory_space<hbm>>
    %dma_start3A_172 = tpu.memref_slice %arg4[%multiple_of3A_170] : memref<320000xi32, #tpu.memory_space<hbm>> -> memref<40xi32, #tpu.memory_space<hbm>>
    tpu.enqueue_dma source(%dma_start3A_172 : memref<40xi32, #tpu.memory_space<hbm>>) target(%arg12 : memref<40xi32, #tpu.memory_space<vmem>>) target_semaphore(%arg30 : memref<!tpu.dma_semaphore, #tpu.memory_space<semaphore_mem>>)
    %dma_start3A_173 = tpu.memref_slice %arg5[%multiple_of3A_170] : memref<320000xi32, #tpu.memory_space<hbm>> -> memref<40xi32, #tpu.memory_space<hbm>>
    %dma_start3A_174 = tpu.memref_slice %arg5[%multiple_of3A_170] : memref<320000xi32, #tpu.memory_space<hbm>> -> memref<40xi32, #tpu.memory_space<hbm>>
    tpu.enqueue_dma source(%dma_start3A_174 : memref<40xi32, #tpu.memory_space<hbm>>) target(%arg13 : memref<40xi32, #tpu.memory_space<vmem>>) target_semaphore(%arg30 : memref<!tpu.dma_semaphore, #tpu.memory_space<semaphore_mem>>)
    %dma_start3A_175 = tpu.memref_slice %arg6[%multiple_of3A_170] : memref<320000xf32, #tpu.memory_space<hbm>> -> memref<40xf32, #tpu.memory_space<hbm>>
    %dma_start3A_176 = tpu.memref_slice %arg6[%multiple_of3A_170] : memref<320000xf32, #tpu.memory_space<hbm>> -> memref<40xf32, #tpu.memory_space<hbm>>
    tpu.enqueue_dma source(%dma_start3A_176 : memref<40xf32, #tpu.memory_space<hbm>>) target(%arg14 : memref<40xf32, #tpu.memory_space<vmem>>) target_semaphore(%arg30 : memref<!tpu.dma_semaphore, #tpu.memory_space<semaphore_mem>>)
    %dma_wait3A_177 = tpu.memref_slice %arg4[%multiple_of3A_170] : memref<320000xi32, #tpu.memory_space<hbm>> -> memref<40xi32, #tpu.memory_space<hbm>>
    %dma_wait3A_178 = tpu.memref_slice %arg4[%multiple_of3A_170] : memref<320000xi32, #tpu.memory_space<hbm>> -> memref<40xi32, #tpu.memory_space<hbm>>
    tpu.wait_dma2 semaphore(%arg30 : memref<!tpu.dma_semaphore, #tpu.memory_space<semaphore_mem>>) src(%dma_wait3A_178 : memref<40xi32, #tpu.memory_space<hbm>>) dst(%arg12 : memref<40xi32, #tpu.memory_space<vmem>>)
    %dma_wait3A_179 = tpu.memref_slice %arg5[%multiple_of3A_170] : memref<320000xi32, #tpu.memory_space<hbm>> -> memref<40xi32, #tpu.memory_space<hbm>>
    %dma_wait3A_180 = tpu.memref_slice %arg5[%multiple_of3A_170] : memref<320000xi32, #tpu.memory_space<hbm>> -> memref<40xi32, #tpu.memory_space<hbm>>
    tpu.wait_dma2 semaphore(%arg30 : memref<!tpu.dma_semaphore, #tpu.memory_space<semaphore_mem>>) src(%dma_wait3A_180 : memref<40xi32, #tpu.memory_space<hbm>>) dst(%arg13 : memref<40xi32, #tpu.memory_space<vmem>>)
    %dma_wait3A_181 = tpu.memref_slice %arg6[%multiple_of3A_170] : memref<320000xf32, #tpu.memory_space<hbm>> -> memref<40xf32, #tpu.memory_space<hbm>>
    %dma_wait3A_182 = tpu.memref_slice %arg6[%multiple_of3A_170] : memref<320000xf32, #tpu.memory_space<hbm>> -> memref<40xf32, #tpu.memory_space<hbm>>
    tpu.wait_dma2 semaphore(%arg30 : memref<!tpu.dma_semaphore, #tpu.memory_space<semaphore_mem>>) src(%dma_wait3A_182 : memref<40xf32, #tpu.memory_space<hbm>>) dst(%arg14 : memref<40xf32, #tpu.memory_space<vmem>>)
    %dma_start3A_183 = arith.constant 0 : i32
    %dma_start3A_184 = arith.constant 0 : i32
    %dma_start3A_185 = tpu.memref_slice %arg2[%dma_start3A_183, %dma_start3A_184] : memref<10000x256xf32, #tpu.memory_space<hbm>> -> memref<10000x256xf32, #tpu.memory_space<hbm>>
    tpu.enqueue_indirect_dma source(%dma_start3A_185 : memref<10000x256xf32, #tpu.memory_space<hbm>>) target(%arg17 : memref<40x256xf32, #tpu.memory_space<vmem>>) offsets(%arg9 : memref<40xi32, #tpu.memory_space<vmem>>) semaphore(%arg25 : memref<!tpu.dma_semaphore, #tpu.memory_space<semaphore_mem>>)
    %dma_start3A_186 = arith.constant 0 : i32
    %dma_start3A_187 = arith.constant 0 : i32
    %dma_start3A_188 = tpu.memref_slice %arg3[%dma_start3A_186, %dma_start3A_187] : memref<10000x256xf32, #tpu.memory_space<hbm>> -> memref<10000x256xf32, #tpu.memory_space<hbm>>
    tpu.enqueue_indirect_dma source(%dma_start3A_188 : memref<10000x256xf32, #tpu.memory_space<hbm>>) target(%arg18 : memref<40x256xf32, #tpu.memory_space<vmem>>) offsets(%arg10 : memref<40xi32, #tpu.memory_space<vmem>>) semaphore(%arg26 : memref<!tpu.dma_semaphore, #tpu.memory_space<semaphore_mem>>)
    %scan3A_189 = arith.constant 0 : i32
    %scan3A_190 = arith.constant 0 : i32
    %scan3A_191 = arith.constant 125 : i32
    %scan3A_192 = arith.addi %scan3A_190, %scan3A_191 : i32
    %scan3A_193 = arith.constant 1 : i32
    %scan3A_194 = scf.for %scan3A_212 = %scan3A_190 to %scan3A_192 step %scan3A_193 iter_args(%scan3A_213 = %scan3A_189) -> (i32)  : i32 {
      %mul3A_214 = arith.constant 2 : i32
      %mul3A_215 = arith.muli %mul3A_214, %scan3A_212 : i32
      %gt3A = arith.constant 0 : i32
      %gt3A_216 = arith.cmpi sgt, %scan3A_212, %gt3A : i32
      %convert_element_type3A_217 = arith.extui %gt3A_216 : i1 to i32
      %cond3A = arith.constant 0 : i32
      %cond3A_218 = arith.cmpi ne, %convert_element_type3A_217, %cond3A : i32
      scf.if %cond3A_218 {
        %dma_wait3A_307 = arith.constant 0 : i32
        %dma_wait3A_308 = tpu.memref_slice %arg4[%dma_wait3A_307] : memref<320000xi32, #tpu.memory_space<hbm>> -> memref<40xi32, #tpu.memory_space<hbm>>
        %dma_wait3A_309 = arith.constant 0 : i32
        %dma_wait3A_310 = tpu.memref_slice %arg4[%dma_wait3A_309] : memref<320000xi32, #tpu.memory_space<hbm>> -> memref<40xi32, #tpu.memory_space<hbm>>
        tpu.wait_dma2 semaphore(%arg30 : memref<!tpu.dma_semaphore, #tpu.memory_space<semaphore_mem>>) src(%dma_wait3A_310 : memref<40xi32, #tpu.memory_space<hbm>>) dst(%arg12 : memref<40xi32, #tpu.memory_space<vmem>>)
        %dma_wait3A_311 = arith.constant 0 : i32
        %dma_wait3A_312 = tpu.memref_slice %arg5[%dma_wait3A_311] : memref<320000xi32, #tpu.memory_space<hbm>> -> memref<40xi32, #tpu.memory_space<hbm>>
        %dma_wait3A_313 = arith.constant 0 : i32
        %dma_wait3A_314 = tpu.memref_slice %arg5[%dma_wait3A_313] : memref<320000xi32, #tpu.memory_space<hbm>> -> memref<40xi32, #tpu.memory_space<hbm>>
        tpu.wait_dma2 semaphore(%arg30 : memref<!tpu.dma_semaphore, #tpu.memory_space<semaphore_mem>>) src(%dma_wait3A_314 : memref<40xi32, #tpu.memory_space<hbm>>) dst(%arg13 : memref<40xi32, #tpu.memory_space<vmem>>)
        %dma_wait3A_315 = arith.constant 0 : i32
        %dma_wait3A_316 = tpu.memref_slice %arg6[%dma_wait3A_315] : memref<320000xf32, #tpu.memory_space<hbm>> -> memref<40xf32, #tpu.memory_space<hbm>>
        %dma_wait3A_317 = arith.constant 0 : i32
        %dma_wait3A_318 = tpu.memref_slice %arg6[%dma_wait3A_317] : memref<320000xf32, #tpu.memory_space<hbm>> -> memref<40xf32, #tpu.memory_space<hbm>>
        tpu.wait_dma2 semaphore(%arg30 : memref<!tpu.dma_semaphore, #tpu.memory_space<semaphore_mem>>) src(%dma_wait3A_318 : memref<40xf32, #tpu.memory_space<hbm>>) dst(%arg14 : memref<40xf32, #tpu.memory_space<vmem>>)
      } else {
      }
      %dma_start3A_219 = arith.constant 0 : i32
      %dma_start3A_220 = arith.constant 0 : i32
      %dma_start3A_221 = tpu.memref_slice %arg2[%dma_start3A_219, %dma_start3A_220] : memref<10000x256xf32, #tpu.memory_space<hbm>> -> memref<10000x256xf32, #tpu.memory_space<hbm>>
      tpu.enqueue_indirect_dma source(%dma_start3A_221 : memref<10000x256xf32, #tpu.memory_space<hbm>>) target(%arg19 : memref<40x256xf32, #tpu.memory_space<vmem>>) offsets(%arg12 : memref<40xi32, #tpu.memory_space<vmem>>) semaphore(%arg27 : memref<!tpu.dma_semaphore, #tpu.memory_space<semaphore_mem>>)
      %dma_start3A_222 = arith.constant 0 : i32
      %dma_start3A_223 = arith.constant 0 : i32
      %dma_start3A_224 = tpu.memref_slice %arg3[%dma_start3A_222, %dma_start3A_223] : memref<10000x256xf32, #tpu.memory_space<hbm>> -> memref<10000x256xf32, #tpu.memory_space<hbm>>
      tpu.enqueue_indirect_dma source(%dma_start3A_224 : memref<10000x256xf32, #tpu.memory_space<hbm>>) target(%arg20 : memref<40x256xf32, #tpu.memory_space<vmem>>) offsets(%arg13 : memref<40xi32, #tpu.memory_space<vmem>>) semaphore(%arg28 : memref<!tpu.dma_semaphore, #tpu.memory_space<semaphore_mem>>)
      %dma_wait3A_225 = arith.constant 0 : i32
      %dma_wait3A_226 = arith.constant 0 : i32
      %dma_wait3A_227 = tpu.memref_slice %arg2[%dma_wait3A_225, %dma_wait3A_226] : memref<10000x256xf32, #tpu.memory_space<hbm>> -> memref<10000x256xf32, #tpu.memory_space<hbm>>
      tpu.wait_indirect_dma semaphore(%arg25 : memref<!tpu.dma_semaphore, #tpu.memory_space<semaphore_mem>>) src(%dma_wait3A_227 : memref<10000x256xf32, #tpu.memory_space<hbm>>) dst(%arg17 : memref<40x256xf32, #tpu.memory_space<vmem>>)
      %dma_wait3A_228 = arith.constant 0 : i32
      %dma_wait3A_229 = arith.constant 0 : i32
      %dma_wait3A_230 = tpu.memref_slice %arg3[%dma_wait3A_228, %dma_wait3A_229] : memref<10000x256xf32, #tpu.memory_space<hbm>> -> memref<10000x256xf32, #tpu.memory_space<hbm>>
      tpu.wait_indirect_dma semaphore(%arg26 : memref<!tpu.dma_semaphore, #tpu.memory_space<semaphore_mem>>) src(%dma_wait3A_230 : memref<10000x256xf32, #tpu.memory_space<hbm>>) dst(%arg18 : memref<40x256xf32, #tpu.memory_space<vmem>>)
      %gt3A_231 = arith.constant 0 : i32
      %gt3A_232 = arith.cmpi sgt, %scan3A_212, %gt3A_231 : i32
      %convert_element_type3A_233 = arith.extui %gt3A_232 : i1 to i32
      %cond3A_234 = arith.constant 0 : i32
      %cond3A_235 = arith.cmpi ne, %convert_element_type3A_233, %cond3A_234 : i32
      scf.if %cond3A_235 {
        %dma_wait3A_307 = arith.constant 0 : i32
        %dma_wait3A_308 = arith.constant 0 : i32
        %dma_wait3A_309 = tpu.memref_slice %arg24[%dma_wait3A_307, %dma_wait3A_308] : memref<10000x128xf32, #tpu.memory_space<vmem_shared>> -> memref<10000x128xf32, #tpu.memory_space<vmem_shared>>
        tpu.wait_indirect_dma semaphore(%arg31 : memref<!tpu.dma_semaphore, #tpu.memory_space<semaphore_mem>>) src(%arg21 : memref<40x128xf32, #tpu.memory_space<vmem>>) dst(%dma_wait3A_309 : memref<10000x128xf32, #tpu.memory_space<vmem_shared>>)
      } else {
      }
      %parallel_loop3A = arith.constant 0 : i32
      %parallel_loop3A_236 = arith.constant 40 : i32
      %parallel_loop3A_237 = arith.constant 1 : i32
      scf.for %parallel_loop3A_307 = %parallel_loop3A to %parallel_loop3A_236 step %parallel_loop3A_237  : i32 {
        %parallel_loop3A_308 = arith.index_cast %parallel_loop3A_307 : i32 to index
        %parallel_loop3A_309 = arith.constant 0 : index
        %parallel_loop3A_310 = tpu.vector_load %arg17[%parallel_loop3A_308, %parallel_loop3A_309] {strides = array<i32>} : memref<40x256xf32, #tpu.memory_space<vmem>>, vector<1x16xf32>,
        %parallel_loop3A_311 = vector.shape_cast %parallel_loop3A_310 : vector<1x16xf32> to vector<16xf32>
        %parallel_loop3A_312 = arith.index_cast %parallel_loop3A_307 : i32 to index
        %parallel_loop3A_313 = arith.constant 0 : index
        %parallel_loop3A_314 = tpu.vector_load %arg18[%parallel_loop3A_312, %parallel_loop3A_313] {strides = array<i32>} : memref<40x256xf32, #tpu.memory_space<vmem>>, vector<1x16xf32>,
        %parallel_loop3A_315 = vector.shape_cast %parallel_loop3A_314 : vector<1x16xf32> to vector<16xf32>
        %parallel_loop3A_316 = arith.mulf %parallel_loop3A_311, %parallel_loop3A_315 : vector<16xf32>
        %parallel_loop3A_317 = arith.mulf %parallel_loop3A_316, %convert_element_type3A : vector<16xf32>
        %parallel_loop3A_318 = arith.index_cast %parallel_loop3A_307 : i32 to index
        %parallel_loop3A_319 = arith.constant 16 : index
        %parallel_loop3A_320 = tpu.vector_load %arg17[%parallel_loop3A_318, %parallel_loop3A_319] {strides = array<i32>} : memref<40x256xf32, #tpu.memory_space<vmem>>, vector<1x16xf32>,
        %parallel_loop3A_321 = vector.shape_cast %parallel_loop3A_320 : vector<1x16xf32> to vector<16xf32>
        %parallel_loop3A_322 = arith.index_cast %parallel_loop3A_307 : i32 to index
        %parallel_loop3A_323 = arith.constant 16 : index
        %parallel_loop3A_324 = tpu.vector_load %arg18[%parallel_loop3A_322, %parallel_loop3A_323] {strides = array<i32>} : memref<40x256xf32, #tpu.memory_space<vmem>>, vector<1x16xf32>,
        %parallel_loop3A_325 = vector.shape_cast %parallel_loop3A_324 : vector<1x16xf32> to vector<16xf32>
        %parallel_loop3A_326 = arith.mulf %parallel_loop3A_321, %parallel_loop3A_325 : vector<16xf32>
        %parallel_loop3A_327 = arith.addf %parallel_loop3A_317, %parallel_loop3A_326 : vector<16xf32>
        %parallel_loop3A_328 = arith.index_cast %parallel_loop3A_307 : i32 to index
        %parallel_loop3A_329 = arith.constant 32 : index
        %parallel_loop3A_330 = tpu.vector_load %arg17[%parallel_loop3A_328, %parallel_loop3A_329] {strides = array<i32>} : memref<40x256xf32, #tpu.memory_space<vmem>>, vector<1x16xf32>,
        %parallel_loop3A_331 = vector.shape_cast %parallel_loop3A_330 : vector<1x16xf32> to vector<16xf32>
        %parallel_loop3A_332 = arith.index_cast %parallel_loop3A_307 : i32 to index
        %parallel_loop3A_333 = arith.constant 32 : index
        %parallel_loop3A_334 = tpu.vector_load %arg18[%parallel_loop3A_332, %parallel_loop3A_333] {strides = array<i32>} : memref<40x256xf32, #tpu.memory_space<vmem>>, vector<1x16xf32>,
        %parallel_loop3A_335 = vector.shape_cast %parallel_loop3A_334 : vector<1x16xf32> to vector<16xf32>
        %parallel_loop3A_336 = arith.mulf %parallel_loop3A_331, %parallel_loop3A_335 : vector<16xf32>
        %parallel_loop3A_337 = arith.addf %parallel_loop3A_327, %parallel_loop3A_336 : vector<16xf32>
        %parallel_loop3A_338 = arith.index_cast %parallel_loop3A_307 : i32 to index
        %parallel_loop3A_339 = arith.constant 48 : index
        %parallel_loop3A_340 = tpu.vector_load %arg17[%parallel_loop3A_338, %parallel_loop3A_339] {strides = array<i32>} : memref<40x256xf32, #tpu.memory_space<vmem>>, vector<1x16xf32>,
        %parallel_loop3A_341 = vector.shape_cast %parallel_loop3A_340 : vector<1x16xf32> to vector<16xf32>
        %parallel_loop3A_342 = arith.index_cast %parallel_loop3A_307 : i32 to index
        %parallel_loop3A_343 = arith.constant 48 : index
        %parallel_loop3A_344 = tpu.vector_load %arg18[%parallel_loop3A_342, %parallel_loop3A_343] {strides = array<i32>} : memref<40x256xf32, #tpu.memory_space<vmem>>, vector<1x16xf32>,
        %parallel_loop3A_345 = vector.shape_cast %parallel_loop3A_344 : vector<1x16xf32> to vector<16xf32>
        %parallel_loop3A_346 = arith.mulf %parallel_loop3A_341, %parallel_loop3A_345 : vector<16xf32>
        %parallel_loop3A_347 = arith.addf %parallel_loop3A_337, %parallel_loop3A_346 : vector<16xf32>
        %parallel_loop3A_348 = arith.index_cast %parallel_loop3A_307 : i32 to index
        %parallel_loop3A_349 = arith.constant 64 : index
        %parallel_loop3A_350 = tpu.vector_load %arg17[%parallel_loop3A_348, %parallel_loop3A_349] {strides = array<i32>} : memref<40x256xf32, #tpu.memory_space<vmem>>, vector<1x16xf32>,
        %parallel_loop3A_351 = vector.shape_cast %parallel_loop3A_350 : vector<1x16xf32> to vector<16xf32>
        %parallel_loop3A_352 = arith.index_cast %parallel_loop3A_307 : i32 to index
        %parallel_loop3A_353 = arith.constant 64 : index
        %parallel_loop3A_354 = tpu.vector_load %arg18[%parallel_loop3A_352, %parallel_loop3A_353] {strides = array<i32>} : memref<40x256xf32, #tpu.memory_space<vmem>>, vector<1x16xf32>,
        %parallel_loop3A_355 = vector.shape_cast %parallel_loop3A_354 : vector<1x16xf32> to vector<16xf32>
        %parallel_loop3A_356 = arith.mulf %parallel_loop3A_351, %parallel_loop3A_355 : vector<16xf32>
        %parallel_loop3A_357 = arith.addf %parallel_loop3A_347, %parallel_loop3A_356 : vector<16xf32>
        %parallel_loop3A_358 = arith.index_cast %parallel_loop3A_307 : i32 to index
        %parallel_loop3A_359 = arith.constant 80 : index
        %parallel_loop3A_360 = tpu.vector_load %arg17[%parallel_loop3A_358, %parallel_loop3A_359] {strides = array<i32>} : memref<40x256xf32, #tpu.memory_space<vmem>>, vector<1x16xf32>,
        %parallel_loop3A_361 = vector.shape_cast %parallel_loop3A_360 : vector<1x16xf32> to vector<16xf32>
        %parallel_loop3A_362 = arith.index_cast %parallel_loop3A_307 : i32 to index
        %parallel_loop3A_363 = arith.constant 80 : index
        %parallel_loop3A_364 = tpu.vector_load %arg18[%parallel_loop3A_362, %parallel_loop3A_363] {strides = array<i32>} : memref<40x256xf32, #tpu.memory_space<vmem>>, vector<1x16xf32>,
        %parallel_loop3A_365 = vector.shape_cast %parallel_loop3A_364 : vector<1x16xf32> to vector<16xf32>
        %parallel_loop3A_366 = arith.mulf %parallel_loop3A_361, %parallel_loop3A_365 : vector<16xf32>
        %parallel_loop3A_367 = arith.addf %parallel_loop3A_357, %parallel_loop3A_366 : vector<16xf32>
        %parallel_loop3A_368 = arith.index_cast %parallel_loop3A_307 : i32 to index
        %parallel_loop3A_369 = arith.constant 96 : index
        %parallel_loop3A_370 = tpu.vector_load %arg17[%parallel_loop3A_368, %parallel_loop3A_369] {strides = array<i32>} : memref<40x256xf32, #tpu.memory_space<vmem>>, vector<1x16xf32>,
        %parallel_loop3A_371 = vector.shape_cast %parallel_loop3A_370 : vector<1x16xf32> to vector<16xf32>
        %parallel_loop3A_372 = arith.index_cast %parallel_loop3A_307 : i32 to index
        %parallel_loop3A_373 = arith.constant 96 : index
        %parallel_loop3A_374 = tpu.vector_load %arg18[%parallel_loop3A_372, %parallel_loop3A_373] {strides = array<i32>} : memref<40x256xf32, #tpu.memory_space<vmem>>, vector<1x16xf32>,
        %parallel_loop3A_375 = vector.shape_cast %parallel_loop3A_374 : vector<1x16xf32> to vector<16xf32>
        %parallel_loop3A_376 = arith.mulf %parallel_loop3A_371, %parallel_loop3A_375 : vector<16xf32>
        %parallel_loop3A_377 = arith.addf %parallel_loop3A_367, %parallel_loop3A_376 : vector<16xf32>
        %parallel_loop3A_378 = arith.index_cast %parallel_loop3A_307 : i32 to index
        %parallel_loop3A_379 = arith.constant 112 : index
        %parallel_loop3A_380 = tpu.vector_load %arg17[%parallel_loop3A_378, %parallel_loop3A_379] {strides = array<i32>} : memref<40x256xf32, #tpu.memory_space<vmem>>, vector<1x16xf32>,
        %parallel_loop3A_381 = vector.shape_cast %parallel_loop3A_380 : vector<1x16xf32> to vector<16xf32>
        %parallel_loop3A_382 = arith.index_cast %parallel_loop3A_307 : i32 to index
        %parallel_loop3A_383 = arith.constant 112 : index
        %parallel_loop3A_384 = tpu.vector_load %arg18[%parallel_loop3A_382, %parallel_loop3A_383] {strides = array<i32>} : memref<40x256xf32, #tpu.memory_space<vmem>>, vector<1x16xf32>,
        %parallel_loop3A_385 = vector.shape_cast %parallel_loop3A_384 : vector<1x16xf32> to vector<16xf32>
        %parallel_loop3A_386 = arith.mulf %parallel_loop3A_381, %parallel_loop3A_385 : vector<16xf32>
        %parallel_loop3A_387 = arith.addf %parallel_loop3A_377, %parallel_loop3A_386 : vector<16xf32>
        %parallel_loop3A_388 = arith.constant 1 : i32
        %parallel_loop3A_389 = vector.broadcast %parallel_loop3A_388 : i32 to vector<16xi32>
        %parallel_loop3A_390 = arith.xori %iota3A, %parallel_loop3A_389 : vector<16xi32>
        %parallel_loop3A_391 = vector.shape_cast %parallel_loop3A_390 : vector<16xi32> to vector<16x1xi32>
        %parallel_loop3A_392 = vector.shape_cast %parallel_loop3A_391 : vector<16x1xi32> to vector<16xi32>
        %parallel_loop3A_393 = tpu.dynamic_gather %parallel_loop3A_387[%parallel_loop3A_392] in [0] : vector<16xf32>, vector<16xi32> -> vector<16xf32>
        %parallel_loop3A_394 = arith.addf %parallel_loop3A_387, %parallel_loop3A_393 : vector<16xf32>
        %parallel_loop3A_395 = arith.constant 2 : i32
        %parallel_loop3A_396 = vector.broadcast %parallel_loop3A_395 : i32 to vector<16xi32>
        %parallel_loop3A_397 = arith.xori %iota3A, %parallel_loop3A_396 : vector<16xi32>
        %parallel_loop3A_398 = vector.shape_cast %parallel_loop3A_397 : vector<16xi32> to vector<16x1xi32>
        %parallel_loop3A_399 = vector.shape_cast %parallel_loop3A_398 : vector<16x1xi32> to vector<16xi32>
        %parallel_loop3A_400 = tpu.dynamic_gather %parallel_loop3A_394[%parallel_loop3A_399] in [0] : vector<16xf32>, vector<16xi32> -> vector<16xf32>
        %parallel_loop3A_401 = arith.addf %parallel_loop3A_394, %parallel_loop3A_400 : vector<16xf32>
        %parallel_loop3A_402 = arith.constant 4 : i32
        %parallel_loop3A_403 = vector.broadcast %parallel_loop3A_402 : i32 to vector<16xi32>
        %parallel_loop3A_404 = arith.xori %iota3A, %parallel_loop3A_403 : vector<16xi32>
        %parallel_loop3A_405 = vector.shape_cast %parallel_loop3A_404 : vector<16xi32> to vector<16x1xi32>
        %parallel_loop3A_406 = vector.shape_cast %parallel_loop3A_405 : vector<16x1xi32> to vector<16xi32>
        %parallel_loop3A_407 = tpu.dynamic_gather %parallel_loop3A_401[%parallel_loop3A_406] in [0] : vector<16xf32>, vector<16xi32> -> vector<16xf32>
        %parallel_loop3A_408 = arith.addf %parallel_loop3A_401, %parallel_loop3A_407 : vector<16xf32>
        %parallel_loop3A_409 = arith.constant 8 : i32
        %parallel_loop3A_410 = vector.broadcast %parallel_loop3A_409 : i32 to vector<16xi32>
        %parallel_loop3A_411 = arith.xori %iota3A, %parallel_loop3A_410 : vector<16xi32>
        %parallel_loop3A_412 = vector.shape_cast %parallel_loop3A_411 : vector<16xi32> to vector<16x1xi32>
        %parallel_loop3A_413 = vector.shape_cast %parallel_loop3A_412 : vector<16x1xi32> to vector<16xi32>
        %parallel_loop3A_414 = tpu.dynamic_gather %parallel_loop3A_408[%parallel_loop3A_413] in [0] : vector<16xf32>, vector<16xi32> -> vector<16xf32>
        %parallel_loop3A_415 = arith.addf %parallel_loop3A_408, %parallel_loop3A_414 : vector<16xf32>
        %parallel_loop3A_416 = arith.constant 0.000000e+00 : f32
        %parallel_loop3A_417 = vector.broadcast %parallel_loop3A_416 : f32 to vector<16xf32>
        %parallel_loop3A_418 = arith.subf %parallel_loop3A_417, %parallel_loop3A_415 : vector<16xf32>
        %parallel_loop3A_419 = arith.constant 1.000010e+00 : f32
        %parallel_loop3A_420 = vector.broadcast %parallel_loop3A_419 : f32 to vector<16xf32>
        %parallel_loop3A_421 = arith.maximumf %parallel_loop3A_418, %parallel_loop3A_420 : vector<16xf32>
        %parallel_loop3A_422 = arith.constant 1.000000e+00 : f32
        %parallel_loop3A_423 = vector.broadcast %parallel_loop3A_422 : f32 to vector<16xf32>
        %parallel_loop3A_424 = arith.subf %parallel_loop3A_421, %parallel_loop3A_423 : vector<16xf32>
        %parallel_loop3A_425 = arith.constant 1.000000e+00 : f32
        %parallel_loop3A_426 = vector.broadcast %parallel_loop3A_425 : f32 to vector<16xf32>
        %parallel_loop3A_427 = arith.addf %parallel_loop3A_421, %parallel_loop3A_426 : vector<16xf32>
        %parallel_loop3A_428 = arith.mulf %parallel_loop3A_424, %parallel_loop3A_427 : vector<16xf32>
        %parallel_loop3A_429 = tpu.bitcast %parallel_loop3A_428 : vector<16xf32> -> vector<16xi32>
        %parallel_loop3A_430 = arith.constant 1 : i32
        %parallel_loop3A_431 = vector.broadcast %parallel_loop3A_430 : i32 to vector<16xi32>
        %parallel_loop3A_432 = arith.shrsi %parallel_loop3A_429, %parallel_loop3A_431 : vector<16xi32>
        %parallel_loop3A_433 = arith.constant 1597463007 : i32
        %parallel_loop3A_434 = vector.broadcast %parallel_loop3A_433 : i32 to vector<16xi32>
        %parallel_loop3A_435 = arith.subi %parallel_loop3A_434, %parallel_loop3A_432 : vector<16xi32>
        %parallel_loop3A_436 = tpu.bitcast %parallel_loop3A_435 : vector<16xi32> -> vector<16xf32>
        %parallel_loop3A_437 = arith.constant 5.000000e-01 : f32
        %parallel_loop3A_438 = vector.broadcast %parallel_loop3A_437 : f32 to vector<16xf32>
        %parallel_loop3A_439 = arith.mulf %parallel_loop3A_438, %parallel_loop3A_428 : vector<16xf32>
        %parallel_loop3A_440 = arith.mulf %parallel_loop3A_439, %parallel_loop3A_436 : vector<16xf32>
        %parallel_loop3A_441 = arith.mulf %parallel_loop3A_440, %parallel_loop3A_436 : vector<16xf32>
        %parallel_loop3A_442 = arith.constant 1.500000e+00 : f32
        %parallel_loop3A_443 = vector.broadcast %parallel_loop3A_442 : f32 to vector<16xf32>
        %parallel_loop3A_444 = arith.subf %parallel_loop3A_443, %parallel_loop3A_441 : vector<16xf32>
        %parallel_loop3A_445 = arith.mulf %parallel_loop3A_436, %parallel_loop3A_444 : vector<16xf32>
        %parallel_loop3A_446 = arith.constant 5.000000e-01 : f32
        %parallel_loop3A_447 = vector.broadcast %parallel_loop3A_446 : f32 to vector<16xf32>
        %parallel_loop3A_448 = arith.mulf %parallel_loop3A_447, %parallel_loop3A_428 : vector<16xf32>
        %parallel_loop3A_449 = arith.mulf %parallel_loop3A_448, %parallel_loop3A_445 : vector<16xf32>
        %parallel_loop3A_450 = arith.mulf %parallel_loop3A_449, %parallel_loop3A_445 : vector<16xf32>
        %parallel_loop3A_451 = arith.constant 1.500000e+00 : f32
        %parallel_loop3A_452 = vector.broadcast %parallel_loop3A_451 : f32 to vector<16xf32>
        %parallel_loop3A_453 = arith.subf %parallel_loop3A_452, %parallel_loop3A_450 : vector<16xf32>
        %parallel_loop3A_454 = arith.mulf %parallel_loop3A_445, %parallel_loop3A_453 : vector<16xf32>
        %parallel_loop3A_455 = arith.constant 5.000000e-01 : f32
        %parallel_loop3A_456 = vector.broadcast %parallel_loop3A_455 : f32 to vector<16xf32>
        %parallel_loop3A_457 = arith.mulf %parallel_loop3A_456, %parallel_loop3A_428 : vector<16xf32>
        %parallel_loop3A_458 = arith.mulf %parallel_loop3A_457, %parallel_loop3A_454 : vector<16xf32>
        %parallel_loop3A_459 = arith.mulf %parallel_loop3A_458, %parallel_loop3A_454 : vector<16xf32>
        %parallel_loop3A_460 = arith.constant 1.500000e+00 : f32
        %parallel_loop3A_461 = vector.broadcast %parallel_loop3A_460 : f32 to vector<16xf32>
        %parallel_loop3A_462 = arith.subf %parallel_loop3A_461, %parallel_loop3A_459 : vector<16xf32>
        %parallel_loop3A_463 = arith.mulf %parallel_loop3A_454, %parallel_loop3A_462 : vector<16xf32>
        %parallel_loop3A_464 = arith.mulf %parallel_loop3A_428, %parallel_loop3A_463 : vector<16xf32>
        %parallel_loop3A_465 = arith.addf %parallel_loop3A_421, %parallel_loop3A_464 : vector<16xf32>
        %parallel_loop3A_466 = tpu.bitcast %parallel_loop3A_465 : vector<16xf32> -> vector<16xi32>
        %parallel_loop3A_467 = arith.constant 8388607 : i32
        %parallel_loop3A_468 = vector.broadcast %parallel_loop3A_467 : i32 to vector<16xi32>
        %parallel_loop3A_469 = arith.andi %parallel_loop3A_466, %parallel_loop3A_468 : vector<16xi32>
        %parallel_loop3A_470 = arith.constant 23 : i32
        %parallel_loop3A_471 = vector.broadcast %parallel_loop3A_470 : i32 to vector<16xi32>
        %parallel_loop3A_472 = arith.shrsi %parallel_loop3A_466, %parallel_loop3A_471 : vector<16xi32>
        %parallel_loop3A_473 = arith.constant 3474675 : i32
        %parallel_loop3A_474 = vector.broadcast %parallel_loop3A_473 : i32 to vector<16xi32>
        %parallel_loop3A_475 = arith.subi %parallel_loop3A_474, %parallel_loop3A_469 : vector<16xi32>
        %parallel_loop3A_476 = arith.constant 31 : i32
        %parallel_loop3A_477 = vector.broadcast %parallel_loop3A_476 : i32 to vector<16xi32>
        %parallel_loop3A_478 = arith.shrsi %parallel_loop3A_475, %parallel_loop3A_477 : vector<16xi32>
        %parallel_loop3A_479 = arith.constant 1 : i32
        %parallel_loop3A_480 = vector.broadcast %parallel_loop3A_479 : i32 to vector<16xi32>
        %parallel_loop3A_481 = arith.andi %parallel_loop3A_478, %parallel_loop3A_480 : vector<16xi32>
        %parallel_loop3A_482 = arith.constant 23 : i32
        %parallel_loop3A_483 = vector.broadcast %parallel_loop3A_482 : i32 to vector<16xi32>
        %parallel_loop3A_484 = arith.shli %parallel_loop3A_481, %parallel_loop3A_483 : vector<16xi32>
        %parallel_loop3A_485 = arith.constant 1065353216 : i32
        %parallel_loop3A_486 = vector.broadcast %parallel_loop3A_485 : i32 to vector<16xi32>
        %parallel_loop3A_487 = arith.subi %parallel_loop3A_486, %parallel_loop3A_484 : vector<16xi32>
        %parallel_loop3A_488 = arith.ori %parallel_loop3A_469, %parallel_loop3A_487 : vector<16xi32>
        %parallel_loop3A_489 = tpu.bitcast %parallel_loop3A_488 : vector<16xi32> -> vector<16xf32>
        %parallel_loop3A_490 = arith.constant 1258291200 : i32
        %parallel_loop3A_491 = vector.broadcast %parallel_loop3A_490 : i32 to vector<16xi32>
        %parallel_loop3A_492 = arith.addi %parallel_loop3A_491, %parallel_loop3A_472 : vector<16xi32>
        %parallel_loop3A_493 = arith.addi %parallel_loop3A_492, %parallel_loop3A_481 : vector<16xi32>
        %parallel_loop3A_494 = tpu.bitcast %parallel_loop3A_493 : vector<16xi32> -> vector<16xf32>
        %parallel_loop3A_495 = arith.constant 0x4B00007F : f32
        %parallel_loop3A_496 = vector.broadcast %parallel_loop3A_495 : f32 to vector<16xf32>
        %parallel_loop3A_497 = arith.subf %parallel_loop3A_494, %parallel_loop3A_496 : vector<16xf32>
        %parallel_loop3A_498 = arith.constant 1.000000e+00 : f32
        %parallel_loop3A_499 = vector.broadcast %parallel_loop3A_498 : f32 to vector<16xf32>
        %parallel_loop3A_500 = arith.subf %parallel_loop3A_489, %parallel_loop3A_499 : vector<16xf32>
        %parallel_loop3A_501 = arith.constant 1.000000e+00 : f32
        %parallel_loop3A_502 = vector.broadcast %parallel_loop3A_501 : f32 to vector<16xf32>
        %parallel_loop3A_503 = arith.addf %parallel_loop3A_489, %parallel_loop3A_502 : vector<16xf32>
        %parallel_loop3A_504 = arith.divf %parallel_loop3A_500, %parallel_loop3A_503 : vector<16xf32>
        %parallel_loop3A_505 = arith.mulf %parallel_loop3A_504, %parallel_loop3A_504 : vector<16xf32>
        %parallel_loop3A_506 = arith.constant 0.111111112 : f32
        %parallel_loop3A_507 = vector.broadcast %parallel_loop3A_506 : f32 to vector<16xf32>
        %parallel_loop3A_508 = arith.mulf %parallel_loop3A_505, %parallel_loop3A_507 : vector<16xf32>
        %parallel_loop3A_509 = arith.constant 0.142857134 : f32
        %parallel_loop3A_510 = vector.broadcast %parallel_loop3A_509 : f32 to vector<16xf32>
        %parallel_loop3A_511 = arith.addf %parallel_loop3A_510, %parallel_loop3A_508 : vector<16xf32>
        %parallel_loop3A_512 = arith.mulf %parallel_loop3A_505, %parallel_loop3A_511 : vector<16xf32>
        %parallel_loop3A_513 = arith.constant 2.000000e-01 : f32
        %parallel_loop3A_514 = vector.broadcast %parallel_loop3A_513 : f32 to vector<16xf32>
        %parallel_loop3A_515 = arith.addf %parallel_loop3A_514, %parallel_loop3A_512 : vector<16xf32>
        %parallel_loop3A_516 = arith.mulf %parallel_loop3A_505, %parallel_loop3A_515 : vector<16xf32>
        %parallel_loop3A_517 = arith.constant 0.333333343 : f32
        %parallel_loop3A_518 = vector.broadcast %parallel_loop3A_517 : f32 to vector<16xf32>
        %parallel_loop3A_519 = arith.addf %parallel_loop3A_518, %parallel_loop3A_516 : vector<16xf32>
        %parallel_loop3A_520 = arith.mulf %parallel_loop3A_505, %parallel_loop3A_519 : vector<16xf32>
        %parallel_loop3A_521 = arith.constant 1.000000e+00 : f32
        %parallel_loop3A_522 = vector.broadcast %parallel_loop3A_521 : f32 to vector<16xf32>
        %parallel_loop3A_523 = arith.addf %parallel_loop3A_522, %parallel_loop3A_520 : vector<16xf32>
        %parallel_loop3A_524 = arith.constant 0.693147182 : f32
        %parallel_loop3A_525 = vector.broadcast %parallel_loop3A_524 : f32 to vector<16xf32>
        %parallel_loop3A_526 = arith.mulf %parallel_loop3A_497, %parallel_loop3A_525 : vector<16xf32>
        %parallel_loop3A_527 = arith.constant 2.000000e+00 : f32
        %parallel_loop3A_528 = vector.broadcast %parallel_loop3A_527 : f32 to vector<16xf32>
        %parallel_loop3A_529 = arith.mulf %parallel_loop3A_528, %parallel_loop3A_504 : vector<16xf32>
        %parallel_loop3A_530 = arith.mulf %parallel_loop3A_529, %parallel_loop3A_523 : vector<16xf32>
        %parallel_loop3A_531 = arith.addf %parallel_loop3A_526, %parallel_loop3A_530 : vector<16xf32>
        %parallel_loop3A_532 = arith.constant 4 : i32
        %parallel_loop3A_533 = arith.shrsi %parallel_loop3A_307, %parallel_loop3A_532 : i32
        %parallel_loop3A_534 = arith.constant 4 : i32
        %parallel_loop3A_535 = arith.shli %parallel_loop3A_533, %parallel_loop3A_534 : i32
        %parallel_loop3A_536 = arith.constant 24 : i32
        %parallel_loop3A_537 = arith.minsi %parallel_loop3A_535, %parallel_loop3A_536 : i32
        %parallel_loop3A_538 = arith.index_cast %parallel_loop3A_537 : i32 to index
        %parallel_loop3A_539 = tpu.vector_load %arg11[%parallel_loop3A_538] {strides = array<i32>} : memref<40xf32, #tpu.memory_space<vmem>>, vector<16xf32>,
        %parallel_loop3A_540 = vector.shape_cast %parallel_loop3A_539 : vector<16xf32> to vector<16xf32>
        %parallel_loop3A_541 = arith.subi %parallel_loop3A_307, %parallel_loop3A_537 : i32
        %parallel_loop3A_542 = vector.broadcast %parallel_loop3A_541 : i32 to vector<16xi32>
        %parallel_loop3A_543 = vector.shape_cast %parallel_loop3A_542 : vector<16xi32> to vector<16x1xi32>
        %parallel_loop3A_544 = vector.shape_cast %parallel_loop3A_543 : vector<16x1xi32> to vector<16xi32>
        %parallel_loop3A_545 = tpu.dynamic_gather %parallel_loop3A_540[%parallel_loop3A_544] in [0] : vector<16xf32>, vector<16xi32> -> vector<16xf32>
        %parallel_loop3A_546 = arith.constant 0.000000e+00 : f32
        %parallel_loop3A_547 = vector.broadcast %parallel_loop3A_546 : f32 to vector<16xf32>
        %parallel_loop3A_548 = arith.index_cast %parallel_loop3A_307 : i32 to index
        %parallel_loop3A_549 = arith.constant 128 : index
        %parallel_loop3A_550 = tpu.vector_load %arg17[%parallel_loop3A_548, %parallel_loop3A_549] {strides = array<i32>} : memref<40x256xf32, #tpu.memory_space<vmem>>, vector<1x16xf32>,
        %parallel_loop3A_551 = vector.shape_cast %parallel_loop3A_550 : vector<1x16xf32> to vector<16xf32>
        %parallel_loop3A_552 = arith.index_cast %parallel_loop3A_307 : i32 to index
        %parallel_loop3A_553 = arith.constant 128 : index
        %parallel_loop3A_554 = tpu.vector_load %arg18[%parallel_loop3A_552, %parallel_loop3A_553] {strides = array<i32>} : memref<40x256xf32, #tpu.memory_space<vmem>>, vector<1x16xf32>,
        %parallel_loop3A_555 = vector.shape_cast %parallel_loop3A_554 : vector<1x16xf32> to vector<16xf32>
        %parallel_loop3A_556 = arith.addf %parallel_loop3A_551, %parallel_loop3A_555 : vector<16xf32>
        %parallel_loop3A_557 = arith.mulf %parallel_loop3A_531, %get3A_85 : vector<16xf32>
        %parallel_loop3A_558 = arith.addf %parallel_loop3A_556, %parallel_loop3A_557 : vector<16xf32>
        %parallel_loop3A_559 = arith.mulf %parallel_loop3A_545, %get3A_45 : vector<16xf32>
        %parallel_loop3A_560 = arith.addf %parallel_loop3A_558, %parallel_loop3A_559 : vector<16xf32>
        %parallel_loop3A_561 = arith.constant 0.000000e+00 : f32
        %parallel_loop3A_562 = vector.broadcast %parallel_loop3A_561 : f32 to vector<16xf32>
        %parallel_loop3A_563 = arith.subf %parallel_loop3A_562, %parallel_loop3A_560 : vector<16xf32>
        %parallel_loop3A_564 = math.exp %parallel_loop3A_563 : vector<16xf32>
        %parallel_loop3A_565 = arith.constant 1.000000e+00 : f32
        %parallel_loop3A_566 = vector.broadcast %parallel_loop3A_565 : f32 to vector<16xf32>
        %parallel_loop3A_567 = arith.addf %parallel_loop3A_566, %parallel_loop3A_564 : vector<16xf32>
        %parallel_loop3A_568 = arith.divf %parallel_loop3A_560, %parallel_loop3A_567 : vector<16xf32>
        %parallel_loop3A_569 = arith.mulf %parallel_loop3A_568, %get3A_5 : vector<16xf32>
        %parallel_loop3A_570 = arith.addf %parallel_loop3A_547, %parallel_loop3A_569 : vector<16xf32>
        %parallel_loop3A_571 = arith.index_cast %parallel_loop3A_307 : i32 to index
        %parallel_loop3A_572 = arith.constant 144 : index
        %parallel_loop3A_573 = tpu.vector_load %arg17[%parallel_loop3A_571, %parallel_loop3A_572] {strides = array<i32>} : memref<40x256xf32, #tpu.memory_space<vmem>>, vector<1x16xf32>,
        %parallel_loop3A_574 = vector.shape_cast %parallel_loop3A_573 : vector<1x16xf32> to vector<16xf32>
        %parallel_loop3A_575 = arith.index_cast %parallel_loop3A_307 : i32 to index
        %parallel_loop3A_576 = arith.constant 144 : index
        %parallel_loop3A_577 = tpu.vector_load %arg18[%parallel_loop3A_575, %parallel_loop3A_576] {strides = array<i32>} : memref<40x256xf32, #tpu.memory_space<vmem>>, vector<1x16xf32>,
        %parallel_loop3A_578 = vector.shape_cast %parallel_loop3A_577 : vector<1x16xf32> to vector<16xf32>
        %parallel_loop3A_579 = arith.addf %parallel_loop3A_574, %parallel_loop3A_578 : vector<16xf32>
        %parallel_loop3A_580 = arith.mulf %parallel_loop3A_531, %get3A_90 : vector<16xf32>
        %parallel_loop3A_581 = arith.addf %parallel_loop3A_579, %parallel_loop3A_580 : vector<16xf32>
        %parallel_loop3A_582 = arith.mulf %parallel_loop3A_545, %get3A_50 : vector<16xf32>
        %parallel_loop3A_583 = arith.addf %parallel_loop3A_581, %parallel_loop3A_582 : vector<16xf32>
        %parallel_loop3A_584 = arith.constant 0.000000e+00 : f32
        %parallel_loop3A_585 = vector.broadcast %parallel_loop3A_584 : f32 to vector<16xf32>
        %parallel_loop3A_586 = arith.subf %parallel_loop3A_585, %parallel_loop3A_583 : vector<16xf32>
        %parallel_loop3A_587 = math.exp %parallel_loop3A_586 : vector<16xf32>
        %parallel_loop3A_588 = arith.constant 1.000000e+00 : f32
        %parallel_loop3A_589 = vector.broadcast %parallel_loop3A_588 : f32 to vector<16xf32>
        %parallel_loop3A_590 = arith.addf %parallel_loop3A_589, %parallel_loop3A_587 : vector<16xf32>
        %parallel_loop3A_591 = arith.divf %parallel_loop3A_583, %parallel_loop3A_590 : vector<16xf32>
        %parallel_loop3A_592 = arith.mulf %parallel_loop3A_591, %get3A_10 : vector<16xf32>
        %parallel_loop3A_593 = arith.addf %parallel_loop3A_570, %parallel_loop3A_592 : vector<16xf32>
        %parallel_loop3A_594 = arith.index_cast %parallel_loop3A_307 : i32 to index
        %parallel_loop3A_595 = arith.constant 160 : index
        %parallel_loop3A_596 = tpu.vector_load %arg17[%parallel_loop3A_594, %parallel_loop3A_595] {strides = array<i32>} : memref<40x256xf32, #tpu.memory_space<vmem>>, vector<1x16xf32>,
        %parallel_loop3A_597 = vector.shape_cast %parallel_loop3A_596 : vector<1x16xf32> to vector<16xf32>
        %parallel_loop3A_598 = arith.index_cast %parallel_loop3A_307 : i32 to index
        %parallel_loop3A_599 = arith.constant 160 : index
        %parallel_loop3A_600 = tpu.vector_load %arg18[%parallel_loop3A_598, %parallel_loop3A_599] {strides = array<i32>} : memref<40x256xf32, #tpu.memory_space<vmem>>, vector<1x16xf32>,
        %parallel_loop3A_601 = vector.shape_cast %parallel_loop3A_600 : vector<1x16xf32> to vector<16xf32>
        %parallel_loop3A_602 = arith.addf %parallel_loop3A_597, %parallel_loop3A_601 : vector<16xf32>
        %parallel_loop3A_603 = arith.mulf %parallel_loop3A_531, %get3A_95 : vector<16xf32>
        %parallel_loop3A_604 = arith.addf %parallel_loop3A_602, %parallel_loop3A_603 : vector<16xf32>
        %parallel_loop3A_605 = arith.mulf %parallel_loop3A_545, %get3A_55 : vector<16xf32>
        %parallel_loop3A_606 = arith.addf %parallel_loop3A_604, %parallel_loop3A_605 : vector<16xf32>
        %parallel_loop3A_607 = arith.constant 0.000000e+00 : f32
        %parallel_loop3A_608 = vector.broadcast %parallel_loop3A_607 : f32 to vector<16xf32>
        %parallel_loop3A_609 = arith.subf %parallel_loop3A_608, %parallel_loop3A_606 : vector<16xf32>
        %parallel_loop3A_610 = math.exp %parallel_loop3A_609 : vector<16xf32>
        %parallel_loop3A_611 = arith.constant 1.000000e+00 : f32
        %parallel_loop3A_612 = vector.broadcast %parallel_loop3A_611 : f32 to vector<16xf32>
        %parallel_loop3A_613 = arith.addf %parallel_loop3A_612, %parallel_loop3A_610 : vector<16xf32>
        %parallel_loop3A_614 = arith.divf %parallel_loop3A_606, %parallel_loop3A_613 : vector<16xf32>
        %parallel_loop3A_615 = arith.mulf %parallel_loop3A_614, %get3A_15 : vector<16xf32>
        %parallel_loop3A_616 = arith.addf %parallel_loop3A_593, %parallel_loop3A_615 : vector<16xf32>
        %parallel_loop3A_617 = arith.index_cast %parallel_loop3A_307 : i32 to index
        %parallel_loop3A_618 = arith.constant 176 : index
        %parallel_loop3A_619 = tpu.vector_load %arg17[%parallel_loop3A_617, %parallel_loop3A_618] {strides = array<i32>} : memref<40x256xf32, #tpu.memory_space<vmem>>, vector<1x16xf32>,
        %parallel_loop3A_620 = vector.shape_cast %parallel_loop3A_619 : vector<1x16xf32> to vector<16xf32>
        %parallel_loop3A_621 = arith.index_cast %parallel_loop3A_307 : i32 to index
        %parallel_loop3A_622 = arith.constant 176 : index
        %parallel_loop3A_623 = tpu.vector_load %arg18[%parallel_loop3A_621, %parallel_loop3A_622] {strides = array<i32>} : memref<40x256xf32, #tpu.memory_space<vmem>>, vector<1x16xf32>,
        %parallel_loop3A_624 = vector.shape_cast %parallel_loop3A_623 : vector<1x16xf32> to vector<16xf32>
        %parallel_loop3A_625 = arith.addf %parallel_loop3A_620, %parallel_loop3A_624 : vector<16xf32>
        %parallel_loop3A_626 = arith.mulf %parallel_loop3A_531, %get3A_100 : vector<16xf32>
        %parallel_loop3A_627 = arith.addf %parallel_loop3A_625, %parallel_loop3A_626 : vector<16xf32>
        %parallel_loop3A_628 = arith.mulf %parallel_loop3A_545, %get3A_60 : vector<16xf32>
        %parallel_loop3A_629 = arith.addf %parallel_loop3A_627, %parallel_loop3A_628 : vector<16xf32>
        %parallel_loop3A_630 = arith.constant 0.000000e+00 : f32
        %parallel_loop3A_631 = vector.broadcast %parallel_loop3A_630 : f32 to vector<16xf32>
        %parallel_loop3A_632 = arith.subf %parallel_loop3A_631, %parallel_loop3A_629 : vector<16xf32>
        %parallel_loop3A_633 = math.exp %parallel_loop3A_632 : vector<16xf32>
        %parallel_loop3A_634 = arith.constant 1.000000e+00 : f32
        %parallel_loop3A_635 = vector.broadcast %parallel_loop3A_634 : f32 to vector<16xf32>
        %parallel_loop3A_636 = arith.addf %parallel_loop3A_635, %parallel_loop3A_633 : vector<16xf32>
        %parallel_loop3A_637 = arith.divf %parallel_loop3A_629, %parallel_loop3A_636 : vector<16xf32>
        %parallel_loop3A_638 = arith.mulf %parallel_loop3A_637, %get3A_20 : vector<16xf32>
        %parallel_loop3A_639 = arith.addf %parallel_loop3A_616, %parallel_loop3A_638 : vector<16xf32>
        %parallel_loop3A_640 = arith.index_cast %parallel_loop3A_307 : i32 to index
        %parallel_loop3A_641 = arith.constant 192 : index
        %parallel_loop3A_642 = tpu.vector_load %arg17[%parallel_loop3A_640, %parallel_loop3A_641] {strides = array<i32>} : memref<40x256xf32, #tpu.memory_space<vmem>>, vector<1x16xf32>,
        %parallel_loop3A_643 = vector.shape_cast %parallel_loop3A_642 : vector<1x16xf32> to vector<16xf32>
        %parallel_loop3A_644 = arith.index_cast %parallel_loop3A_307 : i32 to index
        %parallel_loop3A_645 = arith.constant 192 : index
        %parallel_loop3A_646 = tpu.vector_load %arg18[%parallel_loop3A_644, %parallel_loop3A_645] {strides = array<i32>} : memref<40x256xf32, #tpu.memory_space<vmem>>, vector<1x16xf32>,
        %parallel_loop3A_647 = vector.shape_cast %parallel_loop3A_646 : vector<1x16xf32> to vector<16xf32>
        %parallel_loop3A_648 = arith.addf %parallel_loop3A_643, %parallel_loop3A_647 : vector<16xf32>
        %parallel_loop3A_649 = arith.mulf %parallel_loop3A_531, %get3A_105 : vector<16xf32>
        %parallel_loop3A_650 = arith.addf %parallel_loop3A_648, %parallel_loop3A_649 : vector<16xf32>
        %parallel_loop3A_651 = arith.mulf %parallel_loop3A_545, %get3A_65 : vector<16xf32>
        %parallel_loop3A_652 = arith.addf %parallel_loop3A_650, %parallel_loop3A_651 : vector<16xf32>
        %parallel_loop3A_653 = arith.constant 0.000000e+00 : f32
        %parallel_loop3A_654 = vector.broadcast %parallel_loop3A_653 : f32 to vector<16xf32>
        %parallel_loop3A_655 = arith.subf %parallel_loop3A_654, %parallel_loop3A_652 : vector<16xf32>
        %parallel_loop3A_656 = math.exp %parallel_loop3A_655 : vector<16xf32>
        %parallel_loop3A_657 = arith.constant 1.000000e+00 : f32
        %parallel_loop3A_658 = vector.broadcast %parallel_loop3A_657 : f32 to vector<16xf32>
        %parallel_loop3A_659 = arith.addf %parallel_loop3A_658, %parallel_loop3A_656 : vector<16xf32>
        %parallel_loop3A_660 = arith.divf %parallel_loop3A_652, %parallel_loop3A_659 : vector<16xf32>
        %parallel_loop3A_661 = arith.mulf %parallel_loop3A_660, %get3A_25 : vector<16xf32>
        %parallel_loop3A_662 = arith.addf %parallel_loop3A_639, %parallel_loop3A_661 : vector<16xf32>
        %parallel_loop3A_663 = arith.index_cast %parallel_loop3A_307 : i32 to index
        %parallel_loop3A_664 = arith.constant 208 : index
        %parallel_loop3A_665 = tpu.vector_load %arg17[%parallel_loop3A_663, %parallel_loop3A_664] {strides = array<i32>} : memref<40x256xf32, #tpu.memory_space<vmem>>, vector<1x16xf32>,
        %parallel_loop3A_666 = vector.shape_cast %parallel_loop3A_665 : vector<1x16xf32> to vector<16xf32>
        %parallel_loop3A_667 = arith.index_cast %parallel_loop3A_307 : i32 to index
        %parallel_loop3A_668 = arith.constant 208 : index
        %parallel_loop3A_669 = tpu.vector_load %arg18[%parallel_loop3A_667, %parallel_loop3A_668] {strides = array<i32>} : memref<40x256xf32, #tpu.memory_space<vmem>>, vector<1x16xf32>,
        %parallel_loop3A_670 = vector.shape_cast %parallel_loop3A_669 : vector<1x16xf32> to vector<16xf32>
        %parallel_loop3A_671 = arith.addf %parallel_loop3A_666, %parallel_loop3A_670 : vector<16xf32>
        %parallel_loop3A_672 = arith.mulf %parallel_loop3A_531, %get3A_110 : vector<16xf32>
        %parallel_loop3A_673 = arith.addf %parallel_loop3A_671, %parallel_loop3A_672 : vector<16xf32>
        %parallel_loop3A_674 = arith.mulf %parallel_loop3A_545, %get3A_70 : vector<16xf32>
        %parallel_loop3A_675 = arith.addf %parallel_loop3A_673, %parallel_loop3A_674 : vector<16xf32>
        %parallel_loop3A_676 = arith.constant 0.000000e+00 : f32
        %parallel_loop3A_677 = vector.broadcast %parallel_loop3A_676 : f32 to vector<16xf32>
        %parallel_loop3A_678 = arith.subf %parallel_loop3A_677, %parallel_loop3A_675 : vector<16xf32>
        %parallel_loop3A_679 = math.exp %parallel_loop3A_678 : vector<16xf32>
        %parallel_loop3A_680 = arith.constant 1.000000e+00 : f32
        %parallel_loop3A_681 = vector.broadcast %parallel_loop3A_680 : f32 to vector<16xf32>
        %parallel_loop3A_682 = arith.addf %parallel_loop3A_681, %parallel_loop3A_679 : vector<16xf32>
        %parallel_loop3A_683 = arith.divf %parallel_loop3A_675, %parallel_loop3A_682 : vector<16xf32>
        %parallel_loop3A_684 = arith.mulf %parallel_loop3A_683, %get3A_30 : vector<16xf32>
        %parallel_loop3A_685 = arith.addf %parallel_loop3A_662, %parallel_loop3A_684 : vector<16xf32>
        %parallel_loop3A_686 = arith.index_cast %parallel_loop3A_307 : i32 to index
        %parallel_loop3A_687 = arith.constant 224 : index
        %parallel_loop3A_688 = tpu.vector_load %arg17[%parallel_loop3A_686, %parallel_loop3A_687] {strides = array<i32>} : memref<40x256xf32, #tpu.memory_space<vmem>>, vector<1x16xf32>,
        %parallel_loop3A_689 = vector.shape_cast %parallel_loop3A_688 : vector<1x16xf32> to vector<16xf32>
        %parallel_loop3A_690 = arith.index_cast %parallel_loop3A_307 : i32 to index
        %parallel_loop3A_691 = arith.constant 224 : index
        %parallel_loop3A_692 = tpu.vector_load %arg18[%parallel_loop3A_690, %parallel_loop3A_691] {strides = array<i32>} : memref<40x256xf32, #tpu.memory_space<vmem>>, vector<1x16xf32>,
        %parallel_loop3A_693 = vector.shape_cast %parallel_loop3A_692 : vector<1x16xf32> to vector<16xf32>
        %parallel_loop3A_694 = arith.addf %parallel_loop3A_689, %parallel_loop3A_693 : vector<16xf32>
        %parallel_loop3A_695 = arith.mulf %parallel_loop3A_531, %get3A_115 : vector<16xf32>
        %parallel_loop3A_696 = arith.addf %parallel_loop3A_694, %parallel_loop3A_695 : vector<16xf32>
        %parallel_loop3A_697 = arith.mulf %parallel_loop3A_545, %get3A_75 : vector<16xf32>
        %parallel_loop3A_698 = arith.addf %parallel_loop3A_696, %parallel_loop3A_697 : vector<16xf32>
        %parallel_loop3A_699 = arith.constant 0.000000e+00 : f32
        %parallel_loop3A_700 = vector.broadcast %parallel_loop3A_699 : f32 to vector<16xf32>
        %parallel_loop3A_701 = arith.subf %parallel_loop3A_700, %parallel_loop3A_698 : vector<16xf32>
        %parallel_loop3A_702 = math.exp %parallel_loop3A_701 : vector<16xf32>
        %parallel_loop3A_703 = arith.constant 1.000000e+00 : f32
        %parallel_loop3A_704 = vector.broadcast %parallel_loop3A_703 : f32 to vector<16xf32>
        %parallel_loop3A_705 = arith.addf %parallel_loop3A_704, %parallel_loop3A_702 : vector<16xf32>
        %parallel_loop3A_706 = arith.divf %parallel_loop3A_698, %parallel_loop3A_705 : vector<16xf32>
        %parallel_loop3A_707 = arith.mulf %parallel_loop3A_706, %get3A_35 : vector<16xf32>
        %parallel_loop3A_708 = arith.addf %parallel_loop3A_685, %parallel_loop3A_707 : vector<16xf32>
        %parallel_loop3A_709 = arith.index_cast %parallel_loop3A_307 : i32 to index
        %parallel_loop3A_710 = arith.constant 240 : index
        %parallel_loop3A_711 = tpu.vector_load %arg17[%parallel_loop3A_709, %parallel_loop3A_710] {strides = array<i32>} : memref<40x256xf32, #tpu.memory_space<vmem>>, vector<1x16xf32>,
        %parallel_loop3A_712 = vector.shape_cast %parallel_loop3A_711 : vector<1x16xf32> to vector<16xf32>
        %parallel_loop3A_713 = arith.index_cast %parallel_loop3A_307 : i32 to index
        %parallel_loop3A_714 = arith.constant 240 : index
        %parallel_loop3A_715 = tpu.vector_load %arg18[%parallel_loop3A_713, %parallel_loop3A_714] {strides = array<i32>} : memref<40x256xf32, #tpu.memory_space<vmem>>, vector<1x16xf32>,
        %parallel_loop3A_716 = vector.shape_cast %parallel_loop3A_715 : vector<1x16xf32> to vector<16xf32>
        %parallel_loop3A_717 = arith.addf %parallel_loop3A_712, %parallel_loop3A_716 : vector<16xf32>
        %parallel_loop3A_718 = arith.mulf %parallel_loop3A_531, %get3A_120 : vector<16xf32>
        %parallel_loop3A_719 = arith.addf %parallel_loop3A_717, %parallel_loop3A_718 : vector<16xf32>
        %parallel_loop3A_720 = arith.mulf %parallel_loop3A_545, %get3A_80 : vector<16xf32>
        %parallel_loop3A_721 = arith.addf %parallel_loop3A_719, %parallel_loop3A_720 : vector<16xf32>
        %parallel_loop3A_722 = arith.constant 0.000000e+00 : f32
        %parallel_loop3A_723 = vector.broadcast %parallel_loop3A_722 : f32 to vector<16xf32>
        %parallel_loop3A_724 = arith.subf %parallel_loop3A_723, %parallel_loop3A_721 : vector<16xf32>
        %parallel_loop3A_725 = math.exp %parallel_loop3A_724 : vector<16xf32>
        %parallel_loop3A_726 = arith.constant 1.000000e+00 : f32
        %parallel_loop3A_727 = vector.broadcast %parallel_loop3A_726 : f32 to vector<16xf32>
        %parallel_loop3A_728 = arith.addf %parallel_loop3A_727, %parallel_loop3A_725 : vector<16xf32>
        %parallel_loop3A_729 = arith.divf %parallel_loop3A_721, %parallel_loop3A_728 : vector<16xf32>
        %parallel_loop3A_730 = arith.mulf %parallel_loop3A_729, %get3A_40 : vector<16xf32>
        %parallel_loop3A_731 = arith.addf %parallel_loop3A_708, %parallel_loop3A_730 : vector<16xf32>
        %parallel_loop3A_732 = arith.constant 1 : i32
        %parallel_loop3A_733 = vector.broadcast %parallel_loop3A_732 : i32 to vector<16xi32>
        %parallel_loop3A_734 = arith.xori %iota3A, %parallel_loop3A_733 : vector<16xi32>
        %parallel_loop3A_735 = vector.shape_cast %parallel_loop3A_734 : vector<16xi32> to vector<16x1xi32>
        %parallel_loop3A_736 = vector.shape_cast %parallel_loop3A_735 : vector<16x1xi32> to vector<16xi32>
        %parallel_loop3A_737 = tpu.dynamic_gather %parallel_loop3A_731[%parallel_loop3A_736] in [0] : vector<16xf32>, vector<16xi32> -> vector<16xf32>
        %parallel_loop3A_738 = arith.addf %parallel_loop3A_731, %parallel_loop3A_737 : vector<16xf32>
        %parallel_loop3A_739 = arith.constant 2 : i32
        %parallel_loop3A_740 = vector.broadcast %parallel_loop3A_739 : i32 to vector<16xi32>
        %parallel_loop3A_741 = arith.xori %iota3A, %parallel_loop3A_740 : vector<16xi32>
        %parallel_loop3A_742 = vector.shape_cast %parallel_loop3A_741 : vector<16xi32> to vector<16x1xi32>
        %parallel_loop3A_743 = vector.shape_cast %parallel_loop3A_742 : vector<16x1xi32> to vector<16xi32>
        %parallel_loop3A_744 = tpu.dynamic_gather %parallel_loop3A_738[%parallel_loop3A_743] in [0] : vector<16xf32>, vector<16xi32> -> vector<16xf32>
        %parallel_loop3A_745 = arith.addf %parallel_loop3A_738, %parallel_loop3A_744 : vector<16xf32>
        %parallel_loop3A_746 = arith.constant 4 : i32
        %parallel_loop3A_747 = vector.broadcast %parallel_loop3A_746 : i32 to vector<16xi32>
        %parallel_loop3A_748 = arith.xori %iota3A, %parallel_loop3A_747 : vector<16xi32>
        %parallel_loop3A_749 = vector.shape_cast %parallel_loop3A_748 : vector<16xi32> to vector<16x1xi32>
        %parallel_loop3A_750 = vector.shape_cast %parallel_loop3A_749 : vector<16x1xi32> to vector<16xi32>
        %parallel_loop3A_751 = tpu.dynamic_gather %parallel_loop3A_745[%parallel_loop3A_750] in [0] : vector<16xf32>, vector<16xi32> -> vector<16xf32>
        %parallel_loop3A_752 = arith.addf %parallel_loop3A_745, %parallel_loop3A_751 : vector<16xf32>
        %parallel_loop3A_753 = arith.constant 8 : i32
        %parallel_loop3A_754 = vector.broadcast %parallel_loop3A_753 : i32 to vector<16xi32>
        %parallel_loop3A_755 = arith.xori %iota3A, %parallel_loop3A_754 : vector<16xi32>
        %parallel_loop3A_756 = vector.shape_cast %parallel_loop3A_755 : vector<16xi32> to vector<16x1xi32>
        %parallel_loop3A_757 = vector.shape_cast %parallel_loop3A_756 : vector<16x1xi32> to vector<16xi32>
        %parallel_loop3A_758 = tpu.dynamic_gather %parallel_loop3A_752[%parallel_loop3A_757] in [0] : vector<16xf32>, vector<16xi32> -> vector<16xf32>
        %parallel_loop3A_759 = arith.addf %parallel_loop3A_752, %parallel_loop3A_758 : vector<16xf32>
        %parallel_loop3A_760 = arith.addf %parallel_loop3A_759, %get3A_125 : vector<16xf32>
        %parallel_loop3A_761 = arith.constant 0.000000e+00 : f32
        %parallel_loop3A_762 = vector.broadcast %parallel_loop3A_761 : f32 to vector<16xf32>
        %parallel_loop3A_763 = arith.subf %parallel_loop3A_762, %parallel_loop3A_760 : vector<16xf32>
        %parallel_loop3A_764 = math.exp %parallel_loop3A_763 : vector<16xf32>
        %parallel_loop3A_765 = arith.constant 1.000000e+00 : f32
        %parallel_loop3A_766 = vector.broadcast %parallel_loop3A_765 : f32 to vector<16xf32>
        %parallel_loop3A_767 = arith.addf %parallel_loop3A_766, %parallel_loop3A_764 : vector<16xf32>
        %parallel_loop3A_768 = arith.constant 1.000000e+00 : f32
        %parallel_loop3A_769 = vector.broadcast %parallel_loop3A_768 : f32 to vector<16xf32>
        %parallel_loop3A_770 = arith.divf %parallel_loop3A_769, %parallel_loop3A_767 : vector<16xf32>
        %parallel_loop3A_771 = arith.mulf %parallel_loop3A_770, %parallel_loop3A_531 : vector<16xf32>
        %parallel_loop3A_772 = arith.mulf %parallel_loop3A_771, %parallel_loop3A_463 : vector<16xf32>
        %parallel_loop3A_773 = arith.index_cast %parallel_loop3A_307 : i32 to index
        %parallel_loop3A_774 = arith.constant 0 : index
        %parallel_loop3A_775 = tpu.vector_load %arg18[%parallel_loop3A_773, %parallel_loop3A_774] {strides = array<i32>} : memref<40x256xf32, #tpu.memory_space<vmem>>, vector<1x16xf32>,
        %parallel_loop3A_776 = vector.shape_cast %parallel_loop3A_775 : vector<1x16xf32> to vector<16xf32>
        %parallel_loop3A_777 = arith.index_cast %parallel_loop3A_307 : i32 to index
        %parallel_loop3A_778 = arith.constant 0 : index
        %parallel_loop3A_779 = tpu.vector_load %arg17[%parallel_loop3A_777, %parallel_loop3A_778] {strides = array<i32>} : memref<40x256xf32, #tpu.memory_space<vmem>>, vector<1x16xf32>,
        %parallel_loop3A_780 = vector.shape_cast %parallel_loop3A_779 : vector<1x16xf32> to vector<16xf32>
        %parallel_loop3A_781 = arith.mulf %parallel_loop3A_421, %parallel_loop3A_780 : vector<16xf32>
        %parallel_loop3A_782 = arith.subf %parallel_loop3A_776, %parallel_loop3A_781 : vector<16xf32>
        %parallel_loop3A_783 = arith.mulf %parallel_loop3A_772, %parallel_loop3A_782 : vector<16xf32>
        %parallel_loop3A_784 = arith.index_cast %parallel_loop3A_307 : i32 to index
        %parallel_loop3A_785 = arith.constant 0 : index
        %parallel_loop3A_786 = tpu.vector_load %arg21[%parallel_loop3A_784, %parallel_loop3A_785] {strides = array<i32>} : memref<40x128xf32, #tpu.memory_space<vmem>>, vector<1x16xf32>,
        %parallel_loop3A_787 = vector.shape_cast %parallel_loop3A_786 : vector<1x16xf32> to vector<16xf32>
        %parallel_loop3A_788 = vector.shape_cast %parallel_loop3A_783 : vector<16xf32> to vector<1x16xf32>
        tpu.vector_store %arg21[%parallel_loop3A_784, %parallel_loop3A_785], %parallel_loop3A_788 {strides = array<i32>} : memref<40x128xf32, #tpu.memory_space<vmem>>, vector<1x16xf32>,
        %parallel_loop3A_789 = arith.index_cast %parallel_loop3A_307 : i32 to index
        %parallel_loop3A_790 = arith.constant 16 : index
        %parallel_loop3A_791 = tpu.vector_load %arg18[%parallel_loop3A_789, %parallel_loop3A_790] {strides = array<i32>} : memref<40x256xf32, #tpu.memory_space<vmem>>, vector<1x16xf32>,
        %parallel_loop3A_792 = vector.shape_cast %parallel_loop3A_791 : vector<1x16xf32> to vector<16xf32>
        %parallel_loop3A_793 = arith.index_cast %parallel_loop3A_307 : i32 to index
        %parallel_loop3A_794 = arith.constant 16 : index
        %parallel_loop3A_795 = tpu.vector_load %arg17[%parallel_loop3A_793, %parallel_loop3A_794] {strides = array<i32>} : memref<40x256xf32, #tpu.memory_space<vmem>>, vector<1x16xf32>,
        %parallel_loop3A_796 = vector.shape_cast %parallel_loop3A_795 : vector<1x16xf32> to vector<16xf32>
        %parallel_loop3A_797 = arith.mulf %parallel_loop3A_421, %parallel_loop3A_796 : vector<16xf32>
        %parallel_loop3A_798 = arith.subf %parallel_loop3A_792, %parallel_loop3A_797 : vector<16xf32>
        %parallel_loop3A_799 = arith.mulf %parallel_loop3A_772, %parallel_loop3A_798 : vector<16xf32>
        %parallel_loop3A_800 = arith.index_cast %parallel_loop3A_307 : i32 to index
        %parallel_loop3A_801 = arith.constant 16 : index
        %parallel_loop3A_802 = tpu.vector_load %arg21[%parallel_loop3A_800, %parallel_loop3A_801] {strides = array<i32>} : memref<40x128xf32, #tpu.memory_space<vmem>>, vector<1x16xf32>,
        %parallel_loop3A_803 = vector.shape_cast %parallel_loop3A_802 : vector<1x16xf32> to vector<16xf32>
        %parallel_loop3A_804 = vector.shape_cast %parallel_loop3A_799 : vector<16xf32> to vector<1x16xf32>
        tpu.vector_store %arg21[%parallel_loop3A_800, %parallel_loop3A_801], %parallel_loop3A_804 {strides = array<i32>} : memref<40x128xf32, #tpu.memory_space<vmem>>, vector<1x16xf32>,
        %parallel_loop3A_805 = arith.index_cast %parallel_loop3A_307 : i32 to index
        %parallel_loop3A_806 = arith.constant 32 : index
        %parallel_loop3A_807 = tpu.vector_load %arg18[%parallel_loop3A_805, %parallel_loop3A_806] {strides = array<i32>} : memref<40x256xf32, #tpu.memory_space<vmem>>, vector<1x16xf32>,
        %parallel_loop3A_808 = vector.shape_cast %parallel_loop3A_807 : vector<1x16xf32> to vector<16xf32>
        %parallel_loop3A_809 = arith.index_cast %parallel_loop3A_307 : i32 to index
        %parallel_loop3A_810 = arith.constant 32 : index
        %parallel_loop3A_811 = tpu.vector_load %arg17[%parallel_loop3A_809, %parallel_loop3A_810] {strides = array<i32>} : memref<40x256xf32, #tpu.memory_space<vmem>>, vector<1x16xf32>,
        %parallel_loop3A_812 = vector.shape_cast %parallel_loop3A_811 : vector<1x16xf32> to vector<16xf32>
        %parallel_loop3A_813 = arith.mulf %parallel_loop3A_421, %parallel_loop3A_812 : vector<16xf32>
        %parallel_loop3A_814 = arith.subf %parallel_loop3A_808, %parallel_loop3A_813 : vector<16xf32>
        %parallel_loop3A_815 = arith.mulf %parallel_loop3A_772, %parallel_loop3A_814 : vector<16xf32>
        %parallel_loop3A_816 = arith.index_cast %parallel_loop3A_307 : i32 to index
        %parallel_loop3A_817 = arith.constant 32 : index
        %parallel_loop3A_818 = tpu.vector_load %arg21[%parallel_loop3A_816, %parallel_loop3A_817] {strides = array<i32>} : memref<40x128xf32, #tpu.memory_space<vmem>>, vector<1x16xf32>,
        %parallel_loop3A_819 = vector.shape_cast %parallel_loop3A_818 : vector<1x16xf32> to vector<16xf32>
        %parallel_loop3A_820 = vector.shape_cast %parallel_loop3A_815 : vector<16xf32> to vector<1x16xf32>
        tpu.vector_store %arg21[%parallel_loop3A_816, %parallel_loop3A_817], %parallel_loop3A_820 {strides = array<i32>} : memref<40x128xf32, #tpu.memory_space<vmem>>, vector<1x16xf32>,
        %parallel_loop3A_821 = arith.index_cast %parallel_loop3A_307 : i32 to index
        %parallel_loop3A_822 = arith.constant 48 : index
        %parallel_loop3A_823 = tpu.vector_load %arg18[%parallel_loop3A_821, %parallel_loop3A_822] {strides = array<i32>} : memref<40x256xf32, #tpu.memory_space<vmem>>, vector<1x16xf32>,
        %parallel_loop3A_824 = vector.shape_cast %parallel_loop3A_823 : vector<1x16xf32> to vector<16xf32>
        %parallel_loop3A_825 = arith.index_cast %parallel_loop3A_307 : i32 to index
        %parallel_loop3A_826 = arith.constant 48 : index
        %parallel_loop3A_827 = tpu.vector_load %arg17[%parallel_loop3A_825, %parallel_loop3A_826] {strides = array<i32>} : memref<40x256xf32, #tpu.memory_space<vmem>>, vector<1x16xf32>,
        %parallel_loop3A_828 = vector.shape_cast %parallel_loop3A_827 : vector<1x16xf32> to vector<16xf32>
        %parallel_loop3A_829 = arith.mulf %parallel_loop3A_421, %parallel_loop3A_828 : vector<16xf32>
        %parallel_loop3A_830 = arith.subf %parallel_loop3A_824, %parallel_loop3A_829 : vector<16xf32>
        %parallel_loop3A_831 = arith.mulf %parallel_loop3A_772, %parallel_loop3A_830 : vector<16xf32>
        %parallel_loop3A_832 = arith.index_cast %parallel_loop3A_307 : i32 to index
        %parallel_loop3A_833 = arith.constant 48 : index
        %parallel_loop3A_834 = tpu.vector_load %arg21[%parallel_loop3A_832, %parallel_loop3A_833] {strides = array<i32>} : memref<40x128xf32, #tpu.memory_space<vmem>>, vector<1x16xf32>,
        %parallel_loop3A_835 = vector.shape_cast %parallel_loop3A_834 : vector<1x16xf32> to vector<16xf32>
        %parallel_loop3A_836 = vector.shape_cast %parallel_loop3A_831 : vector<16xf32> to vector<1x16xf32>
        tpu.vector_store %arg21[%parallel_loop3A_832, %parallel_loop3A_833], %parallel_loop3A_836 {strides = array<i32>} : memref<40x128xf32, #tpu.memory_space<vmem>>, vector<1x16xf32>,
        %parallel_loop3A_837 = arith.index_cast %parallel_loop3A_307 : i32 to index
        %parallel_loop3A_838 = arith.constant 64 : index
        %parallel_loop3A_839 = tpu.vector_load %arg18[%parallel_loop3A_837, %parallel_loop3A_838] {strides = array<i32>} : memref<40x256xf32, #tpu.memory_space<vmem>>, vector<1x16xf32>,
        %parallel_loop3A_840 = vector.shape_cast %parallel_loop3A_839 : vector<1x16xf32> to vector<16xf32>
        %parallel_loop3A_841 = arith.index_cast %parallel_loop3A_307 : i32 to index
        %parallel_loop3A_842 = arith.constant 64 : index
        %parallel_loop3A_843 = tpu.vector_load %arg17[%parallel_loop3A_841, %parallel_loop3A_842] {strides = array<i32>} : memref<40x256xf32, #tpu.memory_space<vmem>>, vector<1x16xf32>,
        %parallel_loop3A_844 = vector.shape_cast %parallel_loop3A_843 : vector<1x16xf32> to vector<16xf32>
        %parallel_loop3A_845 = arith.mulf %parallel_loop3A_421, %parallel_loop3A_844 : vector<16xf32>
        %parallel_loop3A_846 = arith.subf %parallel_loop3A_840, %parallel_loop3A_845 : vector<16xf32>
        %parallel_loop3A_847 = arith.mulf %parallel_loop3A_772, %parallel_loop3A_846 : vector<16xf32>
        %parallel_loop3A_848 = arith.index_cast %parallel_loop3A_307 : i32 to index
        %parallel_loop3A_849 = arith.constant 64 : index
        %parallel_loop3A_850 = tpu.vector_load %arg21[%parallel_loop3A_848, %parallel_loop3A_849] {strides = array<i32>} : memref<40x128xf32, #tpu.memory_space<vmem>>, vector<1x16xf32>,
        %parallel_loop3A_851 = vector.shape_cast %parallel_loop3A_850 : vector<1x16xf32> to vector<16xf32>
        %parallel_loop3A_852 = vector.shape_cast %parallel_loop3A_847 : vector<16xf32> to vector<1x16xf32>
        tpu.vector_store %arg21[%parallel_loop3A_848, %parallel_loop3A_849], %parallel_loop3A_852 {strides = array<i32>} : memref<40x128xf32, #tpu.memory_space<vmem>>, vector<1x16xf32>,
        %parallel_loop3A_853 = arith.index_cast %parallel_loop3A_307 : i32 to index
        %parallel_loop3A_854 = arith.constant 80 : index
        %parallel_loop3A_855 = tpu.vector_load %arg18[%parallel_loop3A_853, %parallel_loop3A_854] {strides = array<i32>} : memref<40x256xf32, #tpu.memory_space<vmem>>, vector<1x16xf32>,
        %parallel_loop3A_856 = vector.shape_cast %parallel_loop3A_855 : vector<1x16xf32> to vector<16xf32>
        %parallel_loop3A_857 = arith.index_cast %parallel_loop3A_307 : i32 to index
        %parallel_loop3A_858 = arith.constant 80 : index
        %parallel_loop3A_859 = tpu.vector_load %arg17[%parallel_loop3A_857, %parallel_loop3A_858] {strides = array<i32>} : memref<40x256xf32, #tpu.memory_space<vmem>>, vector<1x16xf32>,
        %parallel_loop3A_860 = vector.shape_cast %parallel_loop3A_859 : vector<1x16xf32> to vector<16xf32>
        %parallel_loop3A_861 = arith.mulf %parallel_loop3A_421, %parallel_loop3A_860 : vector<16xf32>
        %parallel_loop3A_862 = arith.subf %parallel_loop3A_856, %parallel_loop3A_861 : vector<16xf32>
        %parallel_loop3A_863 = arith.mulf %parallel_loop3A_772, %parallel_loop3A_862 : vector<16xf32>
        %parallel_loop3A_864 = arith.index_cast %parallel_loop3A_307 : i32 to index
        %parallel_loop3A_865 = arith.constant 80 : index
        %parallel_loop3A_866 = tpu.vector_load %arg21[%parallel_loop3A_864, %parallel_loop3A_865] {strides = array<i32>} : memref<40x128xf32, #tpu.memory_space<vmem>>, vector<1x16xf32>,
        %parallel_loop3A_867 = vector.shape_cast %parallel_loop3A_866 : vector<1x16xf32> to vector<16xf32>
        %parallel_loop3A_868 = vector.shape_cast %parallel_loop3A_863 : vector<16xf32> to vector<1x16xf32>
        tpu.vector_store %arg21[%parallel_loop3A_864, %parallel_loop3A_865], %parallel_loop3A_868 {strides = array<i32>} : memref<40x128xf32, #tpu.memory_space<vmem>>, vector<1x16xf32>,
        %parallel_loop3A_869 = arith.index_cast %parallel_loop3A_307 : i32 to index
        %parallel_loop3A_870 = arith.constant 96 : index
        %parallel_loop3A_871 = tpu.vector_load %arg18[%parallel_loop3A_869, %parallel_loop3A_870] {strides = array<i32>} : memref<40x256xf32, #tpu.memory_space<vmem>>, vector<1x16xf32>,
        %parallel_loop3A_872 = vector.shape_cast %parallel_loop3A_871 : vector<1x16xf32> to vector<16xf32>
        %parallel_loop3A_873 = arith.index_cast %parallel_loop3A_307 : i32 to index
        %parallel_loop3A_874 = arith.constant 96 : index
        %parallel_loop3A_875 = tpu.vector_load %arg17[%parallel_loop3A_873, %parallel_loop3A_874] {strides = array<i32>} : memref<40x256xf32, #tpu.memory_space<vmem>>, vector<1x16xf32>,
        %parallel_loop3A_876 = vector.shape_cast %parallel_loop3A_875 : vector<1x16xf32> to vector<16xf32>
        %parallel_loop3A_877 = arith.mulf %parallel_loop3A_421, %parallel_loop3A_876 : vector<16xf32>
        %parallel_loop3A_878 = arith.subf %parallel_loop3A_872, %parallel_loop3A_877 : vector<16xf32>
        %parallel_loop3A_879 = arith.mulf %parallel_loop3A_772, %parallel_loop3A_878 : vector<16xf32>
        %parallel_loop3A_880 = arith.index_cast %parallel_loop3A_307 : i32 to index
        %parallel_loop3A_881 = arith.constant 96 : index
        %parallel_loop3A_882 = tpu.vector_load %arg21[%parallel_loop3A_880, %parallel_loop3A_881] {strides = array<i32>} : memref<40x128xf32, #tpu.memory_space<vmem>>, vector<1x16xf32>,
        %parallel_loop3A_883 = vector.shape_cast %parallel_loop3A_882 : vector<1x16xf32> to vector<16xf32>
        %parallel_loop3A_884 = vector.shape_cast %parallel_loop3A_879 : vector<16xf32> to vector<1x16xf32>
        tpu.vector_store %arg21[%parallel_loop3A_880, %parallel_loop3A_881], %parallel_loop3A_884 {strides = array<i32>} : memref<40x128xf32, #tpu.memory_space<vmem>>, vector<1x16xf32>,
        %parallel_loop3A_885 = arith.index_cast %parallel_loop3A_307 : i32 to index
        %parallel_loop3A_886 = arith.constant 112 : index
        %parallel_loop3A_887 = tpu.vector_load %arg18[%parallel_loop3A_885, %parallel_loop3A_886] {strides = array<i32>} : memref<40x256xf32, #tpu.memory_space<vmem>>, vector<1x16xf32>,
        %parallel_loop3A_888 = vector.shape_cast %parallel_loop3A_887 : vector<1x16xf32> to vector<16xf32>
        %parallel_loop3A_889 = arith.index_cast %parallel_loop3A_307 : i32 to index
        %parallel_loop3A_890 = arith.constant 112 : index
        %parallel_loop3A_891 = tpu.vector_load %arg17[%parallel_loop3A_889, %parallel_loop3A_890] {strides = array<i32>} : memref<40x256xf32, #tpu.memory_space<vmem>>, vector<1x16xf32>,
        %parallel_loop3A_892 = vector.shape_cast %parallel_loop3A_891 : vector<1x16xf32> to vector<16xf32>
        %parallel_loop3A_893 = arith.mulf %parallel_loop3A_421, %parallel_loop3A_892 : vector<16xf32>
        %parallel_loop3A_894 = arith.subf %parallel_loop3A_888, %parallel_loop3A_893 : vector<16xf32>
        %parallel_loop3A_895 = arith.mulf %parallel_loop3A_772, %parallel_loop3A_894 : vector<16xf32>
        %parallel_loop3A_896 = arith.index_cast %parallel_loop3A_307 : i32 to index
        %parallel_loop3A_897 = arith.constant 112 : index
        %parallel_loop3A_898 = tpu.vector_load %arg21[%parallel_loop3A_896, %parallel_loop3A_897] {strides = array<i32>} : memref<40x128xf32, #tpu.memory_space<vmem>>, vector<1x16xf32>,
        %parallel_loop3A_899 = vector.shape_cast %parallel_loop3A_898 : vector<1x16xf32> to vector<16xf32>
        %parallel_loop3A_900 = vector.shape_cast %parallel_loop3A_895 : vector<16xf32> to vector<1x16xf32>
        tpu.vector_store %arg21[%parallel_loop3A_896, %parallel_loop3A_897], %parallel_loop3A_900 {strides = array<i32>} : memref<40x128xf32, #tpu.memory_space<vmem>>, vector<1x16xf32>,
      } {sc.loop_unroll_factor = 1 : i64, sc.parallel_access}
      %get3A_238 = arith.constant 0 : index
      %get3A_239 = tpu.vector_load %arg9[%get3A_238] {strides = array<i32>} : memref<40xi32, #tpu.memory_space<vmem>>, vector<16xi32>,
      %get3A_240 = vector.shape_cast %get3A_239 : vector<16xi32> to vector<16xi32>
      %swap3A = arith.constant 0 : index
      %swap3A_241 = tpu.vector_load %arg15[%swap3A] {strides = array<i32>} : memref<40xi32, #tpu.memory_space<vmem>>, vector<16xi32>,
      %swap3A_242 = vector.shape_cast %swap3A_241 : vector<16xi32> to vector<16xi32>
      %swap3A_243 = vector.shape_cast %get3A_240 : vector<16xi32> to vector<16xi32>
      tpu.vector_store %arg15[%swap3A], %swap3A_243 {strides = array<i32>} : memref<40xi32, #tpu.memory_space<vmem>>, vector<16xi32>,
      %get3A_244 = arith.constant 16 : index
      %get3A_245 = tpu.vector_load %arg9[%get3A_244] {strides = array<i32>} : memref<40xi32, #tpu.memory_space<vmem>>, vector<16xi32>,
      %get3A_246 = vector.shape_cast %get3A_245 : vector<16xi32> to vector<16xi32>
      %swap3A_247 = arith.constant 16 : index
      %swap3A_248 = tpu.vector_load %arg15[%swap3A_247] {strides = array<i32>} : memref<40xi32, #tpu.memory_space<vmem>>, vector<16xi32>,
      %swap3A_249 = vector.shape_cast %swap3A_248 : vector<16xi32> to vector<16xi32>
      %swap3A_250 = vector.shape_cast %get3A_246 : vector<16xi32> to vector<16xi32>
      tpu.vector_store %arg15[%swap3A_247], %swap3A_250 {strides = array<i32>} : memref<40xi32, #tpu.memory_space<vmem>>, vector<16xi32>,
      %get3A_251 = arith.constant 24 : index
      %get3A_252 = tpu.vector_load %arg9[%get3A_251] {strides = array<i32>} : memref<40xi32, #tpu.memory_space<vmem>>, vector<16xi32>,
      %get3A_253 = vector.shape_cast %get3A_252 : vector<16xi32> to vector<16xi32>
      %swap3A_254 = arith.constant 24 : index
      %swap3A_255 = tpu.vector_load %arg15[%swap3A_254] {strides = array<i32>} : memref<40xi32, #tpu.memory_space<vmem>>, vector<16xi32>,
      %swap3A_256 = vector.shape_cast %swap3A_255 : vector<16xi32> to vector<16xi32>
      %swap3A_257 = vector.shape_cast %get3A_253 : vector<16xi32> to vector<16xi32>
      tpu.vector_store %arg15[%swap3A_254], %swap3A_257 {strides = array<i32>} : memref<40xi32, #tpu.memory_space<vmem>>, vector<16xi32>,
      %dma_start3A_258 = arith.constant 0 : i32
      %dma_start3A_259 = arith.constant 0 : i32
      %dma_start3A_260 = tpu.memref_slice %arg24[%dma_start3A_258, %dma_start3A_259] : memref<10000x128xf32, #tpu.memory_space<vmem_shared>> -> memref<10000x128xf32, #tpu.memory_space<vmem_shared>>
      tpu.enqueue_indirect_dma source(%arg21 : memref<40x128xf32, #tpu.memory_space<vmem>>) target(%dma_start3A_260 : memref<10000x128xf32, #tpu.memory_space<vmem_shared>>) offsets(%arg15 : memref<40xi32, #tpu.memory_space<vmem>>) semaphore(%arg31 : memref<!tpu.dma_semaphore, #tpu.memory_space<semaphore_mem>>) {add = true}
      %lt3A = arith.constant 124 : i32
      %lt3A_261 = arith.cmpi slt, %scan3A_212, %lt3A : i32
      %convert_element_type3A_262 = arith.extui %lt3A_261 : i1 to i32
      %cond3A_263 = arith.constant 0 : i32
      %cond3A_264 = arith.cmpi ne, %convert_element_type3A_262, %cond3A_263 : i32
      scf.if %cond3A_264 {
        %add3A_307 = arith.constant 2 : i32
        %add3A_308 = arith.addi %mul3A_215, %add3A_307 : i32
        %mul3A_309 = arith.constant 40 : i32
        %mul3A_310 = arith.muli %add3A_308, %mul3A_309 : i32
        %add3A_311 = arith.addi %mul3A_155, %mul3A_310 : i32
        %multiple_of3A_312 = tpu.assume_multiple %add3A_311, 8 : i32
        %dma_start3A_313 = tpu.memref_slice %arg4[%multiple_of3A_312] : memref<320000xi32, #tpu.memory_space<hbm>> -> memref<40xi32, #tpu.memory_space<hbm>>
        %dma_start3A_314 = tpu.memref_slice %arg4[%multiple_of3A_312] : memref<320000xi32, #tpu.memory_space<hbm>> -> memref<40xi32, #tpu.memory_space<hbm>>
        tpu.enqueue_dma source(%dma_start3A_314 : memref<40xi32, #tpu.memory_space<hbm>>) target(%arg9 : memref<40xi32, #tpu.memory_space<vmem>>) target_semaphore(%arg29 : memref<!tpu.dma_semaphore, #tpu.memory_space<semaphore_mem>>)
        %dma_start3A_315 = tpu.memref_slice %arg5[%multiple_of3A_312] : memref<320000xi32, #tpu.memory_space<hbm>> -> memref<40xi32, #tpu.memory_space<hbm>>
        %dma_start3A_316 = tpu.memref_slice %arg5[%multiple_of3A_312] : memref<320000xi32, #tpu.memory_space<hbm>> -> memref<40xi32, #tpu.memory_space<hbm>>
        tpu.enqueue_dma source(%dma_start3A_316 : memref<40xi32, #tpu.memory_space<hbm>>) target(%arg10 : memref<40xi32, #tpu.memory_space<vmem>>) target_semaphore(%arg29 : memref<!tpu.dma_semaphore, #tpu.memory_space<semaphore_mem>>)
        %dma_start3A_317 = tpu.memref_slice %arg6[%multiple_of3A_312] : memref<320000xf32, #tpu.memory_space<hbm>> -> memref<40xf32, #tpu.memory_space<hbm>>
        %dma_start3A_318 = tpu.memref_slice %arg6[%multiple_of3A_312] : memref<320000xf32, #tpu.memory_space<hbm>> -> memref<40xf32, #tpu.memory_space<hbm>>
        tpu.enqueue_dma source(%dma_start3A_318 : memref<40xf32, #tpu.memory_space<hbm>>) target(%arg11 : memref<40xf32, #tpu.memory_space<vmem>>) target_semaphore(%arg29 : memref<!tpu.dma_semaphore, #tpu.memory_space<semaphore_mem>>)
        %dma_wait3A_319 = tpu.memref_slice %arg4[%multiple_of3A_312] : memref<320000xi32, #tpu.memory_space<hbm>> -> memref<40xi32, #tpu.memory_space<hbm>>
        %dma_wait3A_320 = tpu.memref_slice %arg4[%multiple_of3A_312] : memref<320000xi32, #tpu.memory_space<hbm>> -> memref<40xi32, #tpu.memory_space<hbm>>
        tpu.wait_dma2 semaphore(%arg29 : memref<!tpu.dma_semaphore, #tpu.memory_space<semaphore_mem>>) src(%dma_wait3A_320 : memref<40xi32, #tpu.memory_space<hbm>>) dst(%arg9 : memref<40xi32, #tpu.memory_space<vmem>>)
        %dma_wait3A_321 = tpu.memref_slice %arg5[%multiple_of3A_312] : memref<320000xi32, #tpu.memory_space<hbm>> -> memref<40xi32, #tpu.memory_space<hbm>>
        %dma_wait3A_322 = tpu.memref_slice %arg5[%multiple_of3A_312] : memref<320000xi32, #tpu.memory_space<hbm>> -> memref<40xi32, #tpu.memory_space<hbm>>
        tpu.wait_dma2 semaphore(%arg29 : memref<!tpu.dma_semaphore, #tpu.memory_space<semaphore_mem>>) src(%dma_wait3A_322 : memref<40xi32, #tpu.memory_space<hbm>>) dst(%arg10 : memref<40xi32, #tpu.memory_space<vmem>>)
        %dma_wait3A_323 = tpu.memref_slice %arg6[%multiple_of3A_312] : memref<320000xf32, #tpu.memory_space<hbm>> -> memref<40xf32, #tpu.memory_space<hbm>>
        %dma_wait3A_324 = tpu.memref_slice %arg6[%multiple_of3A_312] : memref<320000xf32, #tpu.memory_space<hbm>> -> memref<40xf32, #tpu.memory_space<hbm>>
        tpu.wait_dma2 semaphore(%arg29 : memref<!tpu.dma_semaphore, #tpu.memory_space<semaphore_mem>>) src(%dma_wait3A_324 : memref<40xf32, #tpu.memory_space<hbm>>) dst(%arg11 : memref<40xf32, #tpu.memory_space<vmem>>)
        %dma_start3A_325 = arith.constant 0 : i32
        %dma_start3A_326 = arith.constant 0 : i32
        %dma_start3A_327 = tpu.memref_slice %arg2[%dma_start3A_325, %dma_start3A_326] : memref<10000x256xf32, #tpu.memory_space<hbm>> -> memref<10000x256xf32, #tpu.memory_space<hbm>>
        tpu.enqueue_indirect_dma source(%dma_start3A_327 : memref<10000x256xf32, #tpu.memory_space<hbm>>) target(%arg17 : memref<40x256xf32, #tpu.memory_space<vmem>>) offsets(%arg9 : memref<40xi32, #tpu.memory_space<vmem>>) semaphore(%arg25 : memref<!tpu.dma_semaphore, #tpu.memory_space<semaphore_mem>>)
        %dma_start3A_328 = arith.constant 0 : i32
        %dma_start3A_329 = arith.constant 0 : i32
        %dma_start3A_330 = tpu.memref_slice %arg3[%dma_start3A_328, %dma_start3A_329] : memref<10000x256xf32, #tpu.memory_space<hbm>> -> memref<10000x256xf32, #tpu.memory_space<hbm>>
        tpu.enqueue_indirect_dma source(%dma_start3A_330 : memref<10000x256xf32, #tpu.memory_space<hbm>>) target(%arg18 : memref<40x256xf32, #tpu.memory_space<vmem>>) offsets(%arg10 : memref<40xi32, #tpu.memory_space<vmem>>) semaphore(%arg26 : memref<!tpu.dma_semaphore, #tpu.memory_space<semaphore_mem>>)
      } else {
      }
      %dma_wait3A_265 = arith.constant 0 : i32
      %dma_wait3A_266 = arith.constant 0 : i32
      %dma_wait3A_267 = tpu.memref_slice %arg2[%dma_wait3A_265, %dma_wait3A_266] : memref<10000x256xf32, #tpu.memory_space<hbm>> -> memref<10000x256xf32, #tpu.memory_space<hbm>>
      tpu.wait_indirect_dma semaphore(%arg27 : memref<!tpu.dma_semaphore, #tpu.memory_space<semaphore_mem>>) src(%dma_wait3A_267 : memref<10000x256xf32, #tpu.memory_space<hbm>>) dst(%arg19 : memref<40x256xf32, #tpu.memory_space<vmem>>)
      %dma_wait3A_268 = arith.constant 0 : i32
      %dma_wait3A_269 = arith.constant 0 : i32
      %dma_wait3A_270 = tpu.memref_slice %arg3[%dma_wait3A_268, %dma_wait3A_269] : memref<10000x256xf32, #tpu.memory_space<hbm>> -> memref<10000x256xf32, #tpu.memory_space<hbm>>
      tpu.wait_indirect_dma semaphore(%arg28 : memref<!tpu.dma_semaphore, #tpu.memory_space<semaphore_mem>>) src(%dma_wait3A_270 : memref<10000x256xf32, #tpu.memory_space<hbm>>) dst(%arg20 : memref<40x256xf32, #tpu.memory_space<vmem>>)
      %dma_wait3A_271 = arith.constant 0 : i32
      %dma_wait3A_272 = arith.constant 0 : i32
      %dma_wait3A_273 = tpu.memref_slice %arg24[%dma_wait3A_271, %dma_wait3A_272] : memref<10000x128xf32, #tpu.memory_space<vmem_shared>> -> memref<10000x128xf32, #tpu.memory_space<vmem_shared>>
      tpu.wait_indirect_dma semaphore(%arg31 : memref<!tpu.dma_semaphore, #tpu.memory_space<semaphore_mem>>) src(%arg21 : memref<40x128xf32, #tpu.memory_space<vmem>>) dst(%dma_wait3A_273 : memref<10000x128xf32, #tpu.memory_space<vmem_shared>>)
      %parallel_loop3A_274 = arith.constant 0 : i32
      %parallel_loop3A_275 = arith.constant 40 : i32
      %parallel_loop3A_276 = arith.constant 1 : i32
      scf.for %parallel_loop3A_307 = %parallel_loop3A_274 to %parallel_loop3A_275 step %parallel_loop3A_276  : i32 {
        %parallel_loop3A_308 = arith.index_cast %parallel_loop3A_307 : i32 to index
        %parallel_loop3A_309 = arith.constant 0 : index
        %parallel_loop3A_310 = tpu.vector_load %arg19[%parallel_loop3A_308, %parallel_loop3A_309] {strides = array<i32>} : memref<40x256xf32, #tpu.memory_space<vmem>>, vector<1x16xf32>,
        %parallel_loop3A_311 = vector.shape_cast %parallel_loop3A_310 : vector<1x16xf32> to vector<16xf32>
        %parallel_loop3A_312 = arith.index_cast %parallel_loop3A_307 : i32 to index
        %parallel_loop3A_313 = arith.constant 0 : index
        %parallel_loop3A_314 = tpu.vector_load %arg20[%parallel_loop3A_312, %parallel_loop3A_313] {strides = array<i32>} : memref<40x256xf32, #tpu.memory_space<vmem>>, vector<1x16xf32>,
        %parallel_loop3A_315 = vector.shape_cast %parallel_loop3A_314 : vector<1x16xf32> to vector<16xf32>
        %parallel_loop3A_316 = arith.mulf %parallel_loop3A_311, %parallel_loop3A_315 : vector<16xf32>
        %parallel_loop3A_317 = arith.mulf %parallel_loop3A_316, %convert_element_type3A : vector<16xf32>
        %parallel_loop3A_318 = arith.index_cast %parallel_loop3A_307 : i32 to index
        %parallel_loop3A_319 = arith.constant 16 : index
        %parallel_loop3A_320 = tpu.vector_load %arg19[%parallel_loop3A_318, %parallel_loop3A_319] {strides = array<i32>} : memref<40x256xf32, #tpu.memory_space<vmem>>, vector<1x16xf32>,
        %parallel_loop3A_321 = vector.shape_cast %parallel_loop3A_320 : vector<1x16xf32> to vector<16xf32>
        %parallel_loop3A_322 = arith.index_cast %parallel_loop3A_307 : i32 to index
        %parallel_loop3A_323 = arith.constant 16 : index
        %parallel_loop3A_324 = tpu.vector_load %arg20[%parallel_loop3A_322, %parallel_loop3A_323] {strides = array<i32>} : memref<40x256xf32, #tpu.memory_space<vmem>>, vector<1x16xf32>,
        %parallel_loop3A_325 = vector.shape_cast %parallel_loop3A_324 : vector<1x16xf32> to vector<16xf32>
        %parallel_loop3A_326 = arith.mulf %parallel_loop3A_321, %parallel_loop3A_325 : vector<16xf32>
        %parallel_loop3A_327 = arith.addf %parallel_loop3A_317, %parallel_loop3A_326 : vector<16xf32>
        %parallel_loop3A_328 = arith.index_cast %parallel_loop3A_307 : i32 to index
        %parallel_loop3A_329 = arith.constant 32 : index
        %parallel_loop3A_330 = tpu.vector_load %arg19[%parallel_loop3A_328, %parallel_loop3A_329] {strides = array<i32>} : memref<40x256xf32, #tpu.memory_space<vmem>>, vector<1x16xf32>,
        %parallel_loop3A_331 = vector.shape_cast %parallel_loop3A_330 : vector<1x16xf32> to vector<16xf32>
        %parallel_loop3A_332 = arith.index_cast %parallel_loop3A_307 : i32 to index
        %parallel_loop3A_333 = arith.constant 32 : index
        %parallel_loop3A_334 = tpu.vector_load %arg20[%parallel_loop3A_332, %parallel_loop3A_333] {strides = array<i32>} : memref<40x256xf32, #tpu.memory_space<vmem>>, vector<1x16xf32>,
        %parallel_loop3A_335 = vector.shape_cast %parallel_loop3A_334 : vector<1x16xf32> to vector<16xf32>
        %parallel_loop3A_336 = arith.mulf %parallel_loop3A_331, %parallel_loop3A_335 : vector<16xf32>
        %parallel_loop3A_337 = arith.addf %parallel_loop3A_327, %parallel_loop3A_336 : vector<16xf32>
        %parallel_loop3A_338 = arith.index_cast %parallel_loop3A_307 : i32 to index
        %parallel_loop3A_339 = arith.constant 48 : index
        %parallel_loop3A_340 = tpu.vector_load %arg19[%parallel_loop3A_338, %parallel_loop3A_339] {strides = array<i32>} : memref<40x256xf32, #tpu.memory_space<vmem>>, vector<1x16xf32>,
        %parallel_loop3A_341 = vector.shape_cast %parallel_loop3A_340 : vector<1x16xf32> to vector<16xf32>
        %parallel_loop3A_342 = arith.index_cast %parallel_loop3A_307 : i32 to index
        %parallel_loop3A_343 = arith.constant 48 : index
        %parallel_loop3A_344 = tpu.vector_load %arg20[%parallel_loop3A_342, %parallel_loop3A_343] {strides = array<i32>} : memref<40x256xf32, #tpu.memory_space<vmem>>, vector<1x16xf32>,
        %parallel_loop3A_345 = vector.shape_cast %parallel_loop3A_344 : vector<1x16xf32> to vector<16xf32>
        %parallel_loop3A_346 = arith.mulf %parallel_loop3A_341, %parallel_loop3A_345 : vector<16xf32>
        %parallel_loop3A_347 = arith.addf %parallel_loop3A_337, %parallel_loop3A_346 : vector<16xf32>
        %parallel_loop3A_348 = arith.index_cast %parallel_loop3A_307 : i32 to index
        %parallel_loop3A_349 = arith.constant 64 : index
        %parallel_loop3A_350 = tpu.vector_load %arg19[%parallel_loop3A_348, %parallel_loop3A_349] {strides = array<i32>} : memref<40x256xf32, #tpu.memory_space<vmem>>, vector<1x16xf32>,
        %parallel_loop3A_351 = vector.shape_cast %parallel_loop3A_350 : vector<1x16xf32> to vector<16xf32>
        %parallel_loop3A_352 = arith.index_cast %parallel_loop3A_307 : i32 to index
        %parallel_loop3A_353 = arith.constant 64 : index
        %parallel_loop3A_354 = tpu.vector_load %arg20[%parallel_loop3A_352, %parallel_loop3A_353] {strides = array<i32>} : memref<40x256xf32, #tpu.memory_space<vmem>>, vector<1x16xf32>,
        %parallel_loop3A_355 = vector.shape_cast %parallel_loop3A_354 : vector<1x16xf32> to vector<16xf32>
        %parallel_loop3A_356 = arith.mulf %parallel_loop3A_351, %parallel_loop3A_355 : vector<16xf32>
        %parallel_loop3A_357 = arith.addf %parallel_loop3A_347, %parallel_loop3A_356 : vector<16xf32>
        %parallel_loop3A_358 = arith.index_cast %parallel_loop3A_307 : i32 to index
        %parallel_loop3A_359 = arith.constant 80 : index
        %parallel_loop3A_360 = tpu.vector_load %arg19[%parallel_loop3A_358, %parallel_loop3A_359] {strides = array<i32>} : memref<40x256xf32, #tpu.memory_space<vmem>>, vector<1x16xf32>,
        %parallel_loop3A_361 = vector.shape_cast %parallel_loop3A_360 : vector<1x16xf32> to vector<16xf32>
        %parallel_loop3A_362 = arith.index_cast %parallel_loop3A_307 : i32 to index
        %parallel_loop3A_363 = arith.constant 80 : index
        %parallel_loop3A_364 = tpu.vector_load %arg20[%parallel_loop3A_362, %parallel_loop3A_363] {strides = array<i32>} : memref<40x256xf32, #tpu.memory_space<vmem>>, vector<1x16xf32>,
        %parallel_loop3A_365 = vector.shape_cast %parallel_loop3A_364 : vector<1x16xf32> to vector<16xf32>
        %parallel_loop3A_366 = arith.mulf %parallel_loop3A_361, %parallel_loop3A_365 : vector<16xf32>
        %parallel_loop3A_367 = arith.addf %parallel_loop3A_357, %parallel_loop3A_366 : vector<16xf32>
        %parallel_loop3A_368 = arith.index_cast %parallel_loop3A_307 : i32 to index
        %parallel_loop3A_369 = arith.constant 96 : index
        %parallel_loop3A_370 = tpu.vector_load %arg19[%parallel_loop3A_368, %parallel_loop3A_369] {strides = array<i32>} : memref<40x256xf32, #tpu.memory_space<vmem>>, vector<1x16xf32>,
        %parallel_loop3A_371 = vector.shape_cast %parallel_loop3A_370 : vector<1x16xf32> to vector<16xf32>
        %parallel_loop3A_372 = arith.index_cast %parallel_loop3A_307 : i32 to index
        %parallel_loop3A_373 = arith.constant 96 : index
        %parallel_loop3A_374 = tpu.vector_load %arg20[%parallel_loop3A_372, %parallel_loop3A_373] {strides = array<i32>} : memref<40x256xf32, #tpu.memory_space<vmem>>, vector<1x16xf32>,
        %parallel_loop3A_375 = vector.shape_cast %parallel_loop3A_374 : vector<1x16xf32> to vector<16xf32>
        %parallel_loop3A_376 = arith.mulf %parallel_loop3A_371, %parallel_loop3A_375 : vector<16xf32>
        %parallel_loop3A_377 = arith.addf %parallel_loop3A_367, %parallel_loop3A_376 : vector<16xf32>
        %parallel_loop3A_378 = arith.index_cast %parallel_loop3A_307 : i32 to index
        %parallel_loop3A_379 = arith.constant 112 : index
        %parallel_loop3A_380 = tpu.vector_load %arg19[%parallel_loop3A_378, %parallel_loop3A_379] {strides = array<i32>} : memref<40x256xf32, #tpu.memory_space<vmem>>, vector<1x16xf32>,
        %parallel_loop3A_381 = vector.shape_cast %parallel_loop3A_380 : vector<1x16xf32> to vector<16xf32>
        %parallel_loop3A_382 = arith.index_cast %parallel_loop3A_307 : i32 to index
        %parallel_loop3A_383 = arith.constant 112 : index
        %parallel_loop3A_384 = tpu.vector_load %arg20[%parallel_loop3A_382, %parallel_loop3A_383] {strides = array<i32>} : memref<40x256xf32, #tpu.memory_space<vmem>>, vector<1x16xf32>,
        %parallel_loop3A_385 = vector.shape_cast %parallel_loop3A_384 : vector<1x16xf32> to vector<16xf32>
        %parallel_loop3A_386 = arith.mulf %parallel_loop3A_381, %parallel_loop3A_385 : vector<16xf32>
        %parallel_loop3A_387 = arith.addf %parallel_loop3A_377, %parallel_loop3A_386 : vector<16xf32>
        %parallel_loop3A_388 = arith.constant 1 : i32
        %parallel_loop3A_389 = vector.broadcast %parallel_loop3A_388 : i32 to vector<16xi32>
        %parallel_loop3A_390 = arith.xori %iota3A, %parallel_loop3A_389 : vector<16xi32>
        %parallel_loop3A_391 = vector.shape_cast %parallel_loop3A_390 : vector<16xi32> to vector<16x1xi32>
        %parallel_loop3A_392 = vector.shape_cast %parallel_loop3A_391 : vector<16x1xi32> to vector<16xi32>
        %parallel_loop3A_393 = tpu.dynamic_gather %parallel_loop3A_387[%parallel_loop3A_392] in [0] : vector<16xf32>, vector<16xi32> -> vector<16xf32>
        %parallel_loop3A_394 = arith.addf %parallel_loop3A_387, %parallel_loop3A_393 : vector<16xf32>
        %parallel_loop3A_395 = arith.constant 2 : i32
        %parallel_loop3A_396 = vector.broadcast %parallel_loop3A_395 : i32 to vector<16xi32>
        %parallel_loop3A_397 = arith.xori %iota3A, %parallel_loop3A_396 : vector<16xi32>
        %parallel_loop3A_398 = vector.shape_cast %parallel_loop3A_397 : vector<16xi32> to vector<16x1xi32>
        %parallel_loop3A_399 = vector.shape_cast %parallel_loop3A_398 : vector<16x1xi32> to vector<16xi32>
        %parallel_loop3A_400 = tpu.dynamic_gather %parallel_loop3A_394[%parallel_loop3A_399] in [0] : vector<16xf32>, vector<16xi32> -> vector<16xf32>
        %parallel_loop3A_401 = arith.addf %parallel_loop3A_394, %parallel_loop3A_400 : vector<16xf32>
        %parallel_loop3A_402 = arith.constant 4 : i32
        %parallel_loop3A_403 = vector.broadcast %parallel_loop3A_402 : i32 to vector<16xi32>
        %parallel_loop3A_404 = arith.xori %iota3A, %parallel_loop3A_403 : vector<16xi32>
        %parallel_loop3A_405 = vector.shape_cast %parallel_loop3A_404 : vector<16xi32> to vector<16x1xi32>
        %parallel_loop3A_406 = vector.shape_cast %parallel_loop3A_405 : vector<16x1xi32> to vector<16xi32>
        %parallel_loop3A_407 = tpu.dynamic_gather %parallel_loop3A_401[%parallel_loop3A_406] in [0] : vector<16xf32>, vector<16xi32> -> vector<16xf32>
        %parallel_loop3A_408 = arith.addf %parallel_loop3A_401, %parallel_loop3A_407 : vector<16xf32>
        %parallel_loop3A_409 = arith.constant 8 : i32
        %parallel_loop3A_410 = vector.broadcast %parallel_loop3A_409 : i32 to vector<16xi32>
        %parallel_loop3A_411 = arith.xori %iota3A, %parallel_loop3A_410 : vector<16xi32>
        %parallel_loop3A_412 = vector.shape_cast %parallel_loop3A_411 : vector<16xi32> to vector<16x1xi32>
        %parallel_loop3A_413 = vector.shape_cast %parallel_loop3A_412 : vector<16x1xi32> to vector<16xi32>
        %parallel_loop3A_414 = tpu.dynamic_gather %parallel_loop3A_408[%parallel_loop3A_413] in [0] : vector<16xf32>, vector<16xi32> -> vector<16xf32>
        %parallel_loop3A_415 = arith.addf %parallel_loop3A_408, %parallel_loop3A_414 : vector<16xf32>
        %parallel_loop3A_416 = arith.constant 0.000000e+00 : f32
        %parallel_loop3A_417 = vector.broadcast %parallel_loop3A_416 : f32 to vector<16xf32>
        %parallel_loop3A_418 = arith.subf %parallel_loop3A_417, %parallel_loop3A_415 : vector<16xf32>
        %parallel_loop3A_419 = arith.constant 1.000010e+00 : f32
        %parallel_loop3A_420 = vector.broadcast %parallel_loop3A_419 : f32 to vector<16xf32>
        %parallel_loop3A_421 = arith.maximumf %parallel_loop3A_418, %parallel_loop3A_420 : vector<16xf32>
        %parallel_loop3A_422 = arith.constant 1.000000e+00 : f32
        %parallel_loop3A_423 = vector.broadcast %parallel_loop3A_422 : f32 to vector<16xf32>
        %parallel_loop3A_424 = arith.subf %parallel_loop3A_421, %parallel_loop3A_423 : vector<16xf32>
        %parallel_loop3A_425 = arith.constant 1.000000e+00 : f32
        %parallel_loop3A_426 = vector.broadcast %parallel_loop3A_425 : f32 to vector<16xf32>
        %parallel_loop3A_427 = arith.addf %parallel_loop3A_421, %parallel_loop3A_426 : vector<16xf32>
        %parallel_loop3A_428 = arith.mulf %parallel_loop3A_424, %parallel_loop3A_427 : vector<16xf32>
        %parallel_loop3A_429 = tpu.bitcast %parallel_loop3A_428 : vector<16xf32> -> vector<16xi32>
        %parallel_loop3A_430 = arith.constant 1 : i32
        %parallel_loop3A_431 = vector.broadcast %parallel_loop3A_430 : i32 to vector<16xi32>
        %parallel_loop3A_432 = arith.shrsi %parallel_loop3A_429, %parallel_loop3A_431 : vector<16xi32>
        %parallel_loop3A_433 = arith.constant 1597463007 : i32
        %parallel_loop3A_434 = vector.broadcast %parallel_loop3A_433 : i32 to vector<16xi32>
        %parallel_loop3A_435 = arith.subi %parallel_loop3A_434, %parallel_loop3A_432 : vector<16xi32>
        %parallel_loop3A_436 = tpu.bitcast %parallel_loop3A_435 : vector<16xi32> -> vector<16xf32>
        %parallel_loop3A_437 = arith.constant 5.000000e-01 : f32
        %parallel_loop3A_438 = vector.broadcast %parallel_loop3A_437 : f32 to vector<16xf32>
        %parallel_loop3A_439 = arith.mulf %parallel_loop3A_438, %parallel_loop3A_428 : vector<16xf32>
        %parallel_loop3A_440 = arith.mulf %parallel_loop3A_439, %parallel_loop3A_436 : vector<16xf32>
        %parallel_loop3A_441 = arith.mulf %parallel_loop3A_440, %parallel_loop3A_436 : vector<16xf32>
        %parallel_loop3A_442 = arith.constant 1.500000e+00 : f32
        %parallel_loop3A_443 = vector.broadcast %parallel_loop3A_442 : f32 to vector<16xf32>
        %parallel_loop3A_444 = arith.subf %parallel_loop3A_443, %parallel_loop3A_441 : vector<16xf32>
        %parallel_loop3A_445 = arith.mulf %parallel_loop3A_436, %parallel_loop3A_444 : vector<16xf32>
        %parallel_loop3A_446 = arith.constant 5.000000e-01 : f32
        %parallel_loop3A_447 = vector.broadcast %parallel_loop3A_446 : f32 to vector<16xf32>
        %parallel_loop3A_448 = arith.mulf %parallel_loop3A_447, %parallel_loop3A_428 : vector<16xf32>
        %parallel_loop3A_449 = arith.mulf %parallel_loop3A_448, %parallel_loop3A_445 : vector<16xf32>
        %parallel_loop3A_450 = arith.mulf %parallel_loop3A_449, %parallel_loop3A_445 : vector<16xf32>
        %parallel_loop3A_451 = arith.constant 1.500000e+00 : f32
        %parallel_loop3A_452 = vector.broadcast %parallel_loop3A_451 : f32 to vector<16xf32>
        %parallel_loop3A_453 = arith.subf %parallel_loop3A_452, %parallel_loop3A_450 : vector<16xf32>
        %parallel_loop3A_454 = arith.mulf %parallel_loop3A_445, %parallel_loop3A_453 : vector<16xf32>
        %parallel_loop3A_455 = arith.constant 5.000000e-01 : f32
        %parallel_loop3A_456 = vector.broadcast %parallel_loop3A_455 : f32 to vector<16xf32>
        %parallel_loop3A_457 = arith.mulf %parallel_loop3A_456, %parallel_loop3A_428 : vector<16xf32>
        %parallel_loop3A_458 = arith.mulf %parallel_loop3A_457, %parallel_loop3A_454 : vector<16xf32>
        %parallel_loop3A_459 = arith.mulf %parallel_loop3A_458, %parallel_loop3A_454 : vector<16xf32>
        %parallel_loop3A_460 = arith.constant 1.500000e+00 : f32
        %parallel_loop3A_461 = vector.broadcast %parallel_loop3A_460 : f32 to vector<16xf32>
        %parallel_loop3A_462 = arith.subf %parallel_loop3A_461, %parallel_loop3A_459 : vector<16xf32>
        %parallel_loop3A_463 = arith.mulf %parallel_loop3A_454, %parallel_loop3A_462 : vector<16xf32>
        %parallel_loop3A_464 = arith.mulf %parallel_loop3A_428, %parallel_loop3A_463 : vector<16xf32>
        %parallel_loop3A_465 = arith.addf %parallel_loop3A_421, %parallel_loop3A_464 : vector<16xf32>
        %parallel_loop3A_466 = tpu.bitcast %parallel_loop3A_465 : vector<16xf32> -> vector<16xi32>
        %parallel_loop3A_467 = arith.constant 8388607 : i32
        %parallel_loop3A_468 = vector.broadcast %parallel_loop3A_467 : i32 to vector<16xi32>
        %parallel_loop3A_469 = arith.andi %parallel_loop3A_466, %parallel_loop3A_468 : vector<16xi32>
        %parallel_loop3A_470 = arith.constant 23 : i32
        %parallel_loop3A_471 = vector.broadcast %parallel_loop3A_470 : i32 to vector<16xi32>
        %parallel_loop3A_472 = arith.shrsi %parallel_loop3A_466, %parallel_loop3A_471 : vector<16xi32>
        %parallel_loop3A_473 = arith.constant 3474675 : i32
        %parallel_loop3A_474 = vector.broadcast %parallel_loop3A_473 : i32 to vector<16xi32>
        %parallel_loop3A_475 = arith.subi %parallel_loop3A_474, %parallel_loop3A_469 : vector<16xi32>
        %parallel_loop3A_476 = arith.constant 31 : i32
        %parallel_loop3A_477 = vector.broadcast %parallel_loop3A_476 : i32 to vector<16xi32>
        %parallel_loop3A_478 = arith.shrsi %parallel_loop3A_475, %parallel_loop3A_477 : vector<16xi32>
        %parallel_loop3A_479 = arith.constant 1 : i32
        %parallel_loop3A_480 = vector.broadcast %parallel_loop3A_479 : i32 to vector<16xi32>
        %parallel_loop3A_481 = arith.andi %parallel_loop3A_478, %parallel_loop3A_480 : vector<16xi32>
        %parallel_loop3A_482 = arith.constant 23 : i32
        %parallel_loop3A_483 = vector.broadcast %parallel_loop3A_482 : i32 to vector<16xi32>
        %parallel_loop3A_484 = arith.shli %parallel_loop3A_481, %parallel_loop3A_483 : vector<16xi32>
        %parallel_loop3A_485 = arith.constant 1065353216 : i32
        %parallel_loop3A_486 = vector.broadcast %parallel_loop3A_485 : i32 to vector<16xi32>
        %parallel_loop3A_487 = arith.subi %parallel_loop3A_486, %parallel_loop3A_484 : vector<16xi32>
        %parallel_loop3A_488 = arith.ori %parallel_loop3A_469, %parallel_loop3A_487 : vector<16xi32>
        %parallel_loop3A_489 = tpu.bitcast %parallel_loop3A_488 : vector<16xi32> -> vector<16xf32>
        %parallel_loop3A_490 = arith.constant 1258291200 : i32
        %parallel_loop3A_491 = vector.broadcast %parallel_loop3A_490 : i32 to vector<16xi32>
        %parallel_loop3A_492 = arith.addi %parallel_loop3A_491, %parallel_loop3A_472 : vector<16xi32>
        %parallel_loop3A_493 = arith.addi %parallel_loop3A_492, %parallel_loop3A_481 : vector<16xi32>
        %parallel_loop3A_494 = tpu.bitcast %parallel_loop3A_493 : vector<16xi32> -> vector<16xf32>
        %parallel_loop3A_495 = arith.constant 0x4B00007F : f32
        %parallel_loop3A_496 = vector.broadcast %parallel_loop3A_495 : f32 to vector<16xf32>
        %parallel_loop3A_497 = arith.subf %parallel_loop3A_494, %parallel_loop3A_496 : vector<16xf32>
        %parallel_loop3A_498 = arith.constant 1.000000e+00 : f32
        %parallel_loop3A_499 = vector.broadcast %parallel_loop3A_498 : f32 to vector<16xf32>
        %parallel_loop3A_500 = arith.subf %parallel_loop3A_489, %parallel_loop3A_499 : vector<16xf32>
        %parallel_loop3A_501 = arith.constant 1.000000e+00 : f32
        %parallel_loop3A_502 = vector.broadcast %parallel_loop3A_501 : f32 to vector<16xf32>
        %parallel_loop3A_503 = arith.addf %parallel_loop3A_489, %parallel_loop3A_502 : vector<16xf32>
        %parallel_loop3A_504 = arith.divf %parallel_loop3A_500, %parallel_loop3A_503 : vector<16xf32>
        %parallel_loop3A_505 = arith.mulf %parallel_loop3A_504, %parallel_loop3A_504 : vector<16xf32>
        %parallel_loop3A_506 = arith.constant 0.111111112 : f32
        %parallel_loop3A_507 = vector.broadcast %parallel_loop3A_506 : f32 to vector<16xf32>
        %parallel_loop3A_508 = arith.mulf %parallel_loop3A_505, %parallel_loop3A_507 : vector<16xf32>
        %parallel_loop3A_509 = arith.constant 0.142857134 : f32
        %parallel_loop3A_510 = vector.broadcast %parallel_loop3A_509 : f32 to vector<16xf32>
        %parallel_loop3A_511 = arith.addf %parallel_loop3A_510, %parallel_loop3A_508 : vector<16xf32>
        %parallel_loop3A_512 = arith.mulf %parallel_loop3A_505, %parallel_loop3A_511 : vector<16xf32>
        %parallel_loop3A_513 = arith.constant 2.000000e-01 : f32
        %parallel_loop3A_514 = vector.broadcast %parallel_loop3A_513 : f32 to vector<16xf32>
        %parallel_loop3A_515 = arith.addf %parallel_loop3A_514, %parallel_loop3A_512 : vector<16xf32>
        %parallel_loop3A_516 = arith.mulf %parallel_loop3A_505, %parallel_loop3A_515 : vector<16xf32>
        %parallel_loop3A_517 = arith.constant 0.333333343 : f32
        %parallel_loop3A_518 = vector.broadcast %parallel_loop3A_517 : f32 to vector<16xf32>
        %parallel_loop3A_519 = arith.addf %parallel_loop3A_518, %parallel_loop3A_516 : vector<16xf32>
        %parallel_loop3A_520 = arith.mulf %parallel_loop3A_505, %parallel_loop3A_519 : vector<16xf32>
        %parallel_loop3A_521 = arith.constant 1.000000e+00 : f32
        %parallel_loop3A_522 = vector.broadcast %parallel_loop3A_521 : f32 to vector<16xf32>
        %parallel_loop3A_523 = arith.addf %parallel_loop3A_522, %parallel_loop3A_520 : vector<16xf32>
        %parallel_loop3A_524 = arith.constant 0.693147182 : f32
        %parallel_loop3A_525 = vector.broadcast %parallel_loop3A_524 : f32 to vector<16xf32>
        %parallel_loop3A_526 = arith.mulf %parallel_loop3A_497, %parallel_loop3A_525 : vector<16xf32>
        %parallel_loop3A_527 = arith.constant 2.000000e+00 : f32
        %parallel_loop3A_528 = vector.broadcast %parallel_loop3A_527 : f32 to vector<16xf32>
        %parallel_loop3A_529 = arith.mulf %parallel_loop3A_528, %parallel_loop3A_504 : vector<16xf32>
        %parallel_loop3A_530 = arith.mulf %parallel_loop3A_529, %parallel_loop3A_523 : vector<16xf32>
        %parallel_loop3A_531 = arith.addf %parallel_loop3A_526, %parallel_loop3A_530 : vector<16xf32>
        %parallel_loop3A_532 = arith.constant 4 : i32
        %parallel_loop3A_533 = arith.shrsi %parallel_loop3A_307, %parallel_loop3A_532 : i32
        %parallel_loop3A_534 = arith.constant 4 : i32
        %parallel_loop3A_535 = arith.shli %parallel_loop3A_533, %parallel_loop3A_534 : i32
        %parallel_loop3A_536 = arith.constant 24 : i32
        %parallel_loop3A_537 = arith.minsi %parallel_loop3A_535, %parallel_loop3A_536 : i32
        %parallel_loop3A_538 = arith.index_cast %parallel_loop3A_537 : i32 to index
        %parallel_loop3A_539 = tpu.vector_load %arg14[%parallel_loop3A_538] {strides = array<i32>} : memref<40xf32, #tpu.memory_space<vmem>>, vector<16xf32>,
        %parallel_loop3A_540 = vector.shape_cast %parallel_loop3A_539 : vector<16xf32> to vector<16xf32>
        %parallel_loop3A_541 = arith.subi %parallel_loop3A_307, %parallel_loop3A_537 : i32
        %parallel_loop3A_542 = vector.broadcast %parallel_loop3A_541 : i32 to vector<16xi32>
        %parallel_loop3A_543 = vector.shape_cast %parallel_loop3A_542 : vector<16xi32> to vector<16x1xi32>
        %parallel_loop3A_544 = vector.shape_cast %parallel_loop3A_543 : vector<16x1xi32> to vector<16xi32>
        %parallel_loop3A_545 = tpu.dynamic_gather %parallel_loop3A_540[%parallel_loop3A_544] in [0] : vector<16xf32>, vector<16xi32> -> vector<16xf32>
        %parallel_loop3A_546 = arith.constant 0.000000e+00 : f32
        %parallel_loop3A_547 = vector.broadcast %parallel_loop3A_546 : f32 to vector<16xf32>
        %parallel_loop3A_548 = arith.index_cast %parallel_loop3A_307 : i32 to index
        %parallel_loop3A_549 = arith.constant 128 : index
        %parallel_loop3A_550 = tpu.vector_load %arg19[%parallel_loop3A_548, %parallel_loop3A_549] {strides = array<i32>} : memref<40x256xf32, #tpu.memory_space<vmem>>, vector<1x16xf32>,
        %parallel_loop3A_551 = vector.shape_cast %parallel_loop3A_550 : vector<1x16xf32> to vector<16xf32>
        %parallel_loop3A_552 = arith.index_cast %parallel_loop3A_307 : i32 to index
        %parallel_loop3A_553 = arith.constant 128 : index
        %parallel_loop3A_554 = tpu.vector_load %arg20[%parallel_loop3A_552, %parallel_loop3A_553] {strides = array<i32>} : memref<40x256xf32, #tpu.memory_space<vmem>>, vector<1x16xf32>,
        %parallel_loop3A_555 = vector.shape_cast %parallel_loop3A_554 : vector<1x16xf32> to vector<16xf32>
        %parallel_loop3A_556 = arith.addf %parallel_loop3A_551, %parallel_loop3A_555 : vector<16xf32>
        %parallel_loop3A_557 = arith.mulf %parallel_loop3A_531, %get3A_85 : vector<16xf32>
        %parallel_loop3A_558 = arith.addf %parallel_loop3A_556, %parallel_loop3A_557 : vector<16xf32>
        %parallel_loop3A_559 = arith.mulf %parallel_loop3A_545, %get3A_45 : vector<16xf32>
        %parallel_loop3A_560 = arith.addf %parallel_loop3A_558, %parallel_loop3A_559 : vector<16xf32>
        %parallel_loop3A_561 = arith.constant 0.000000e+00 : f32
        %parallel_loop3A_562 = vector.broadcast %parallel_loop3A_561 : f32 to vector<16xf32>
        %parallel_loop3A_563 = arith.subf %parallel_loop3A_562, %parallel_loop3A_560 : vector<16xf32>
        %parallel_loop3A_564 = math.exp %parallel_loop3A_563 : vector<16xf32>
        %parallel_loop3A_565 = arith.constant 1.000000e+00 : f32
        %parallel_loop3A_566 = vector.broadcast %parallel_loop3A_565 : f32 to vector<16xf32>
        %parallel_loop3A_567 = arith.addf %parallel_loop3A_566, %parallel_loop3A_564 : vector<16xf32>
        %parallel_loop3A_568 = arith.divf %parallel_loop3A_560, %parallel_loop3A_567 : vector<16xf32>
        %parallel_loop3A_569 = arith.mulf %parallel_loop3A_568, %get3A_5 : vector<16xf32>
        %parallel_loop3A_570 = arith.addf %parallel_loop3A_547, %parallel_loop3A_569 : vector<16xf32>
        %parallel_loop3A_571 = arith.index_cast %parallel_loop3A_307 : i32 to index
        %parallel_loop3A_572 = arith.constant 144 : index
        %parallel_loop3A_573 = tpu.vector_load %arg19[%parallel_loop3A_571, %parallel_loop3A_572] {strides = array<i32>} : memref<40x256xf32, #tpu.memory_space<vmem>>, vector<1x16xf32>,
        %parallel_loop3A_574 = vector.shape_cast %parallel_loop3A_573 : vector<1x16xf32> to vector<16xf32>
        %parallel_loop3A_575 = arith.index_cast %parallel_loop3A_307 : i32 to index
        %parallel_loop3A_576 = arith.constant 144 : index
        %parallel_loop3A_577 = tpu.vector_load %arg20[%parallel_loop3A_575, %parallel_loop3A_576] {strides = array<i32>} : memref<40x256xf32, #tpu.memory_space<vmem>>, vector<1x16xf32>,
        %parallel_loop3A_578 = vector.shape_cast %parallel_loop3A_577 : vector<1x16xf32> to vector<16xf32>
        %parallel_loop3A_579 = arith.addf %parallel_loop3A_574, %parallel_loop3A_578 : vector<16xf32>
        %parallel_loop3A_580 = arith.mulf %parallel_loop3A_531, %get3A_90 : vector<16xf32>
        %parallel_loop3A_581 = arith.addf %parallel_loop3A_579, %parallel_loop3A_580 : vector<16xf32>
        %parallel_loop3A_582 = arith.mulf %parallel_loop3A_545, %get3A_50 : vector<16xf32>
        %parallel_loop3A_583 = arith.addf %parallel_loop3A_581, %parallel_loop3A_582 : vector<16xf32>
        %parallel_loop3A_584 = arith.constant 0.000000e+00 : f32
        %parallel_loop3A_585 = vector.broadcast %parallel_loop3A_584 : f32 to vector<16xf32>
        %parallel_loop3A_586 = arith.subf %parallel_loop3A_585, %parallel_loop3A_583 : vector<16xf32>
        %parallel_loop3A_587 = math.exp %parallel_loop3A_586 : vector<16xf32>
        %parallel_loop3A_588 = arith.constant 1.000000e+00 : f32
        %parallel_loop3A_589 = vector.broadcast %parallel_loop3A_588 : f32 to vector<16xf32>
        %parallel_loop3A_590 = arith.addf %parallel_loop3A_589, %parallel_loop3A_587 : vector<16xf32>
        %parallel_loop3A_591 = arith.divf %parallel_loop3A_583, %parallel_loop3A_590 : vector<16xf32>
        %parallel_loop3A_592 = arith.mulf %parallel_loop3A_591, %get3A_10 : vector<16xf32>
        %parallel_loop3A_593 = arith.addf %parallel_loop3A_570, %parallel_loop3A_592 : vector<16xf32>
        %parallel_loop3A_594 = arith.index_cast %parallel_loop3A_307 : i32 to index
        %parallel_loop3A_595 = arith.constant 160 : index
        %parallel_loop3A_596 = tpu.vector_load %arg19[%parallel_loop3A_594, %parallel_loop3A_595] {strides = array<i32>} : memref<40x256xf32, #tpu.memory_space<vmem>>, vector<1x16xf32>,
        %parallel_loop3A_597 = vector.shape_cast %parallel_loop3A_596 : vector<1x16xf32> to vector<16xf32>
        %parallel_loop3A_598 = arith.index_cast %parallel_loop3A_307 : i32 to index
        %parallel_loop3A_599 = arith.constant 160 : index
        %parallel_loop3A_600 = tpu.vector_load %arg20[%parallel_loop3A_598, %parallel_loop3A_599] {strides = array<i32>} : memref<40x256xf32, #tpu.memory_space<vmem>>, vector<1x16xf32>,
        %parallel_loop3A_601 = vector.shape_cast %parallel_loop3A_600 : vector<1x16xf32> to vector<16xf32>
        %parallel_loop3A_602 = arith.addf %parallel_loop3A_597, %parallel_loop3A_601 : vector<16xf32>
        %parallel_loop3A_603 = arith.mulf %parallel_loop3A_531, %get3A_95 : vector<16xf32>
        %parallel_loop3A_604 = arith.addf %parallel_loop3A_602, %parallel_loop3A_603 : vector<16xf32>
        %parallel_loop3A_605 = arith.mulf %parallel_loop3A_545, %get3A_55 : vector<16xf32>
        %parallel_loop3A_606 = arith.addf %parallel_loop3A_604, %parallel_loop3A_605 : vector<16xf32>
        %parallel_loop3A_607 = arith.constant 0.000000e+00 : f32
        %parallel_loop3A_608 = vector.broadcast %parallel_loop3A_607 : f32 to vector<16xf32>
        %parallel_loop3A_609 = arith.subf %parallel_loop3A_608, %parallel_loop3A_606 : vector<16xf32>
        %parallel_loop3A_610 = math.exp %parallel_loop3A_609 : vector<16xf32>
        %parallel_loop3A_611 = arith.constant 1.000000e+00 : f32
        %parallel_loop3A_612 = vector.broadcast %parallel_loop3A_611 : f32 to vector<16xf32>
        %parallel_loop3A_613 = arith.addf %parallel_loop3A_612, %parallel_loop3A_610 : vector<16xf32>
        %parallel_loop3A_614 = arith.divf %parallel_loop3A_606, %parallel_loop3A_613 : vector<16xf32>
        %parallel_loop3A_615 = arith.mulf %parallel_loop3A_614, %get3A_15 : vector<16xf32>
        %parallel_loop3A_616 = arith.addf %parallel_loop3A_593, %parallel_loop3A_615 : vector<16xf32>
        %parallel_loop3A_617 = arith.index_cast %parallel_loop3A_307 : i32 to index
        %parallel_loop3A_618 = arith.constant 176 : index
        %parallel_loop3A_619 = tpu.vector_load %arg19[%parallel_loop3A_617, %parallel_loop3A_618] {strides = array<i32>} : memref<40x256xf32, #tpu.memory_space<vmem>>, vector<1x16xf32>,
        %parallel_loop3A_620 = vector.shape_cast %parallel_loop3A_619 : vector<1x16xf32> to vector<16xf32>
        %parallel_loop3A_621 = arith.index_cast %parallel_loop3A_307 : i32 to index
        %parallel_loop3A_622 = arith.constant 176 : index
        %parallel_loop3A_623 = tpu.vector_load %arg20[%parallel_loop3A_621, %parallel_loop3A_622] {strides = array<i32>} : memref<40x256xf32, #tpu.memory_space<vmem>>, vector<1x16xf32>,
        %parallel_loop3A_624 = vector.shape_cast %parallel_loop3A_623 : vector<1x16xf32> to vector<16xf32>
        %parallel_loop3A_625 = arith.addf %parallel_loop3A_620, %parallel_loop3A_624 : vector<16xf32>
        %parallel_loop3A_626 = arith.mulf %parallel_loop3A_531, %get3A_100 : vector<16xf32>
        %parallel_loop3A_627 = arith.addf %parallel_loop3A_625, %parallel_loop3A_626 : vector<16xf32>
        %parallel_loop3A_628 = arith.mulf %parallel_loop3A_545, %get3A_60 : vector<16xf32>
        %parallel_loop3A_629 = arith.addf %parallel_loop3A_627, %parallel_loop3A_628 : vector<16xf32>
        %parallel_loop3A_630 = arith.constant 0.000000e+00 : f32
        %parallel_loop3A_631 = vector.broadcast %parallel_loop3A_630 : f32 to vector<16xf32>
        %parallel_loop3A_632 = arith.subf %parallel_loop3A_631, %parallel_loop3A_629 : vector<16xf32>
        %parallel_loop3A_633 = math.exp %parallel_loop3A_632 : vector<16xf32>
        %parallel_loop3A_634 = arith.constant 1.000000e+00 : f32
        %parallel_loop3A_635 = vector.broadcast %parallel_loop3A_634 : f32 to vector<16xf32>
        %parallel_loop3A_636 = arith.addf %parallel_loop3A_635, %parallel_loop3A_633 : vector<16xf32>
        %parallel_loop3A_637 = arith.divf %parallel_loop3A_629, %parallel_loop3A_636 : vector<16xf32>
        %parallel_loop3A_638 = arith.mulf %parallel_loop3A_637, %get3A_20 : vector<16xf32>
        %parallel_loop3A_639 = arith.addf %parallel_loop3A_616, %parallel_loop3A_638 : vector<16xf32>
        %parallel_loop3A_640 = arith.index_cast %parallel_loop3A_307 : i32 to index
        %parallel_loop3A_641 = arith.constant 192 : index
        %parallel_loop3A_642 = tpu.vector_load %arg19[%parallel_loop3A_640, %parallel_loop3A_641] {strides = array<i32>} : memref<40x256xf32, #tpu.memory_space<vmem>>, vector<1x16xf32>,
        %parallel_loop3A_643 = vector.shape_cast %parallel_loop3A_642 : vector<1x16xf32> to vector<16xf32>
        %parallel_loop3A_644 = arith.index_cast %parallel_loop3A_307 : i32 to index
        %parallel_loop3A_645 = arith.constant 192 : index
        %parallel_loop3A_646 = tpu.vector_load %arg20[%parallel_loop3A_644, %parallel_loop3A_645] {strides = array<i32>} : memref<40x256xf32, #tpu.memory_space<vmem>>, vector<1x16xf32>,
        %parallel_loop3A_647 = vector.shape_cast %parallel_loop3A_646 : vector<1x16xf32> to vector<16xf32>
        %parallel_loop3A_648 = arith.addf %parallel_loop3A_643, %parallel_loop3A_647 : vector<16xf32>
        %parallel_loop3A_649 = arith.mulf %parallel_loop3A_531, %get3A_105 : vector<16xf32>
        %parallel_loop3A_650 = arith.addf %parallel_loop3A_648, %parallel_loop3A_649 : vector<16xf32>
        %parallel_loop3A_651 = arith.mulf %parallel_loop3A_545, %get3A_65 : vector<16xf32>
        %parallel_loop3A_652 = arith.addf %parallel_loop3A_650, %parallel_loop3A_651 : vector<16xf32>
        %parallel_loop3A_653 = arith.constant 0.000000e+00 : f32
        %parallel_loop3A_654 = vector.broadcast %parallel_loop3A_653 : f32 to vector<16xf32>
        %parallel_loop3A_655 = arith.subf %parallel_loop3A_654, %parallel_loop3A_652 : vector<16xf32>
        %parallel_loop3A_656 = math.exp %parallel_loop3A_655 : vector<16xf32>
        %parallel_loop3A_657 = arith.constant 1.000000e+00 : f32
        %parallel_loop3A_658 = vector.broadcast %parallel_loop3A_657 : f32 to vector<16xf32>
        %parallel_loop3A_659 = arith.addf %parallel_loop3A_658, %parallel_loop3A_656 : vector<16xf32>
        %parallel_loop3A_660 = arith.divf %parallel_loop3A_652, %parallel_loop3A_659 : vector<16xf32>
        %parallel_loop3A_661 = arith.mulf %parallel_loop3A_660, %get3A_25 : vector<16xf32>
        %parallel_loop3A_662 = arith.addf %parallel_loop3A_639, %parallel_loop3A_661 : vector<16xf32>
        %parallel_loop3A_663 = arith.index_cast %parallel_loop3A_307 : i32 to index
        %parallel_loop3A_664 = arith.constant 208 : index
        %parallel_loop3A_665 = tpu.vector_load %arg19[%parallel_loop3A_663, %parallel_loop3A_664] {strides = array<i32>} : memref<40x256xf32, #tpu.memory_space<vmem>>, vector<1x16xf32>,
        %parallel_loop3A_666 = vector.shape_cast %parallel_loop3A_665 : vector<1x16xf32> to vector<16xf32>
        %parallel_loop3A_667 = arith.index_cast %parallel_loop3A_307 : i32 to index
        %parallel_loop3A_668 = arith.constant 208 : index
        %parallel_loop3A_669 = tpu.vector_load %arg20[%parallel_loop3A_667, %parallel_loop3A_668] {strides = array<i32>} : memref<40x256xf32, #tpu.memory_space<vmem>>, vector<1x16xf32>,
        %parallel_loop3A_670 = vector.shape_cast %parallel_loop3A_669 : vector<1x16xf32> to vector<16xf32>
        %parallel_loop3A_671 = arith.addf %parallel_loop3A_666, %parallel_loop3A_670 : vector<16xf32>
        %parallel_loop3A_672 = arith.mulf %parallel_loop3A_531, %get3A_110 : vector<16xf32>
        %parallel_loop3A_673 = arith.addf %parallel_loop3A_671, %parallel_loop3A_672 : vector<16xf32>
        %parallel_loop3A_674 = arith.mulf %parallel_loop3A_545, %get3A_70 : vector<16xf32>
        %parallel_loop3A_675 = arith.addf %parallel_loop3A_673, %parallel_loop3A_674 : vector<16xf32>
        %parallel_loop3A_676 = arith.constant 0.000000e+00 : f32
        %parallel_loop3A_677 = vector.broadcast %parallel_loop3A_676 : f32 to vector<16xf32>
        %parallel_loop3A_678 = arith.subf %parallel_loop3A_677, %parallel_loop3A_675 : vector<16xf32>
        %parallel_loop3A_679 = math.exp %parallel_loop3A_678 : vector<16xf32>
        %parallel_loop3A_680 = arith.constant 1.000000e+00 : f32
        %parallel_loop3A_681 = vector.broadcast %parallel_loop3A_680 : f32 to vector<16xf32>
        %parallel_loop3A_682 = arith.addf %parallel_loop3A_681, %parallel_loop3A_679 : vector<16xf32>
        %parallel_loop3A_683 = arith.divf %parallel_loop3A_675, %parallel_loop3A_682 : vector<16xf32>
        %parallel_loop3A_684 = arith.mulf %parallel_loop3A_683, %get3A_30 : vector<16xf32>
        %parallel_loop3A_685 = arith.addf %parallel_loop3A_662, %parallel_loop3A_684 : vector<16xf32>
        %parallel_loop3A_686 = arith.index_cast %parallel_loop3A_307 : i32 to index
        %parallel_loop3A_687 = arith.constant 224 : index
        %parallel_loop3A_688 = tpu.vector_load %arg19[%parallel_loop3A_686, %parallel_loop3A_687] {strides = array<i32>} : memref<40x256xf32, #tpu.memory_space<vmem>>, vector<1x16xf32>,
        %parallel_loop3A_689 = vector.shape_cast %parallel_loop3A_688 : vector<1x16xf32> to vector<16xf32>
        %parallel_loop3A_690 = arith.index_cast %parallel_loop3A_307 : i32 to index
        %parallel_loop3A_691 = arith.constant 224 : index
        %parallel_loop3A_692 = tpu.vector_load %arg20[%parallel_loop3A_690, %parallel_loop3A_691] {strides = array<i32>} : memref<40x256xf32, #tpu.memory_space<vmem>>, vector<1x16xf32>,
        %parallel_loop3A_693 = vector.shape_cast %parallel_loop3A_692 : vector<1x16xf32> to vector<16xf32>
        %parallel_loop3A_694 = arith.addf %parallel_loop3A_689, %parallel_loop3A_693 : vector<16xf32>
        %parallel_loop3A_695 = arith.mulf %parallel_loop3A_531, %get3A_115 : vector<16xf32>
        %parallel_loop3A_696 = arith.addf %parallel_loop3A_694, %parallel_loop3A_695 : vector<16xf32>
        %parallel_loop3A_697 = arith.mulf %parallel_loop3A_545, %get3A_75 : vector<16xf32>
        %parallel_loop3A_698 = arith.addf %parallel_loop3A_696, %parallel_loop3A_697 : vector<16xf32>
        %parallel_loop3A_699 = arith.constant 0.000000e+00 : f32
        %parallel_loop3A_700 = vector.broadcast %parallel_loop3A_699 : f32 to vector<16xf32>
        %parallel_loop3A_701 = arith.subf %parallel_loop3A_700, %parallel_loop3A_698 : vector<16xf32>
        %parallel_loop3A_702 = math.exp %parallel_loop3A_701 : vector<16xf32>
        %parallel_loop3A_703 = arith.constant 1.000000e+00 : f32
        %parallel_loop3A_704 = vector.broadcast %parallel_loop3A_703 : f32 to vector<16xf32>
        %parallel_loop3A_705 = arith.addf %parallel_loop3A_704, %parallel_loop3A_702 : vector<16xf32>
        %parallel_loop3A_706 = arith.divf %parallel_loop3A_698, %parallel_loop3A_705 : vector<16xf32>
        %parallel_loop3A_707 = arith.mulf %parallel_loop3A_706, %get3A_35 : vector<16xf32>
        %parallel_loop3A_708 = arith.addf %parallel_loop3A_685, %parallel_loop3A_707 : vector<16xf32>
        %parallel_loop3A_709 = arith.index_cast %parallel_loop3A_307 : i32 to index
        %parallel_loop3A_710 = arith.constant 240 : index
        %parallel_loop3A_711 = tpu.vector_load %arg19[%parallel_loop3A_709, %parallel_loop3A_710] {strides = array<i32>} : memref<40x256xf32, #tpu.memory_space<vmem>>, vector<1x16xf32>,
        %parallel_loop3A_712 = vector.shape_cast %parallel_loop3A_711 : vector<1x16xf32> to vector<16xf32>
        %parallel_loop3A_713 = arith.index_cast %parallel_loop3A_307 : i32 to index
        %parallel_loop3A_714 = arith.constant 240 : index
        %parallel_loop3A_715 = tpu.vector_load %arg20[%parallel_loop3A_713, %parallel_loop3A_714] {strides = array<i32>} : memref<40x256xf32, #tpu.memory_space<vmem>>, vector<1x16xf32>,
        %parallel_loop3A_716 = vector.shape_cast %parallel_loop3A_715 : vector<1x16xf32> to vector<16xf32>
        %parallel_loop3A_717 = arith.addf %parallel_loop3A_712, %parallel_loop3A_716 : vector<16xf32>
        %parallel_loop3A_718 = arith.mulf %parallel_loop3A_531, %get3A_120 : vector<16xf32>
        %parallel_loop3A_719 = arith.addf %parallel_loop3A_717, %parallel_loop3A_718 : vector<16xf32>
        %parallel_loop3A_720 = arith.mulf %parallel_loop3A_545, %get3A_80 : vector<16xf32>
        %parallel_loop3A_721 = arith.addf %parallel_loop3A_719, %parallel_loop3A_720 : vector<16xf32>
        %parallel_loop3A_722 = arith.constant 0.000000e+00 : f32
        %parallel_loop3A_723 = vector.broadcast %parallel_loop3A_722 : f32 to vector<16xf32>
        %parallel_loop3A_724 = arith.subf %parallel_loop3A_723, %parallel_loop3A_721 : vector<16xf32>
        %parallel_loop3A_725 = math.exp %parallel_loop3A_724 : vector<16xf32>
        %parallel_loop3A_726 = arith.constant 1.000000e+00 : f32
        %parallel_loop3A_727 = vector.broadcast %parallel_loop3A_726 : f32 to vector<16xf32>
        %parallel_loop3A_728 = arith.addf %parallel_loop3A_727, %parallel_loop3A_725 : vector<16xf32>
        %parallel_loop3A_729 = arith.divf %parallel_loop3A_721, %parallel_loop3A_728 : vector<16xf32>
        %parallel_loop3A_730 = arith.mulf %parallel_loop3A_729, %get3A_40 : vector<16xf32>
        %parallel_loop3A_731 = arith.addf %parallel_loop3A_708, %parallel_loop3A_730 : vector<16xf32>
        %parallel_loop3A_732 = arith.constant 1 : i32
        %parallel_loop3A_733 = vector.broadcast %parallel_loop3A_732 : i32 to vector<16xi32>
        %parallel_loop3A_734 = arith.xori %iota3A, %parallel_loop3A_733 : vector<16xi32>
        %parallel_loop3A_735 = vector.shape_cast %parallel_loop3A_734 : vector<16xi32> to vector<16x1xi32>
        %parallel_loop3A_736 = vector.shape_cast %parallel_loop3A_735 : vector<16x1xi32> to vector<16xi32>
        %parallel_loop3A_737 = tpu.dynamic_gather %parallel_loop3A_731[%parallel_loop3A_736] in [0] : vector<16xf32>, vector<16xi32> -> vector<16xf32>
        %parallel_loop3A_738 = arith.addf %parallel_loop3A_731, %parallel_loop3A_737 : vector<16xf32>
        %parallel_loop3A_739 = arith.constant 2 : i32
        %parallel_loop3A_740 = vector.broadcast %parallel_loop3A_739 : i32 to vector<16xi32>
        %parallel_loop3A_741 = arith.xori %iota3A, %parallel_loop3A_740 : vector<16xi32>
        %parallel_loop3A_742 = vector.shape_cast %parallel_loop3A_741 : vector<16xi32> to vector<16x1xi32>
        %parallel_loop3A_743 = vector.shape_cast %parallel_loop3A_742 : vector<16x1xi32> to vector<16xi32>
        %parallel_loop3A_744 = tpu.dynamic_gather %parallel_loop3A_738[%parallel_loop3A_743] in [0] : vector<16xf32>, vector<16xi32> -> vector<16xf32>
        %parallel_loop3A_745 = arith.addf %parallel_loop3A_738, %parallel_loop3A_744 : vector<16xf32>
        %parallel_loop3A_746 = arith.constant 4 : i32
        %parallel_loop3A_747 = vector.broadcast %parallel_loop3A_746 : i32 to vector<16xi32>
        %parallel_loop3A_748 = arith.xori %iota3A, %parallel_loop3A_747 : vector<16xi32>
        %parallel_loop3A_749 = vector.shape_cast %parallel_loop3A_748 : vector<16xi32> to vector<16x1xi32>
        %parallel_loop3A_750 = vector.shape_cast %parallel_loop3A_749 : vector<16x1xi32> to vector<16xi32>
        %parallel_loop3A_751 = tpu.dynamic_gather %parallel_loop3A_745[%parallel_loop3A_750] in [0] : vector<16xf32>, vector<16xi32> -> vector<16xf32>
        %parallel_loop3A_752 = arith.addf %parallel_loop3A_745, %parallel_loop3A_751 : vector<16xf32>
        %parallel_loop3A_753 = arith.constant 8 : i32
        %parallel_loop3A_754 = vector.broadcast %parallel_loop3A_753 : i32 to vector<16xi32>
        %parallel_loop3A_755 = arith.xori %iota3A, %parallel_loop3A_754 : vector<16xi32>
        %parallel_loop3A_756 = vector.shape_cast %parallel_loop3A_755 : vector<16xi32> to vector<16x1xi32>
        %parallel_loop3A_757 = vector.shape_cast %parallel_loop3A_756 : vector<16x1xi32> to vector<16xi32>
        %parallel_loop3A_758 = tpu.dynamic_gather %parallel_loop3A_752[%parallel_loop3A_757] in [0] : vector<16xf32>, vector<16xi32> -> vector<16xf32>
        %parallel_loop3A_759 = arith.addf %parallel_loop3A_752, %parallel_loop3A_758 : vector<16xf32>
        %parallel_loop3A_760 = arith.addf %parallel_loop3A_759, %get3A_125 : vector<16xf32>
        %parallel_loop3A_761 = arith.constant 0.000000e+00 : f32
        %parallel_loop3A_762 = vector.broadcast %parallel_loop3A_761 : f32 to vector<16xf32>
        %parallel_loop3A_763 = arith.subf %parallel_loop3A_762, %parallel_loop3A_760 : vector<16xf32>
        %parallel_loop3A_764 = math.exp %parallel_loop3A_763 : vector<16xf32>
        %parallel_loop3A_765 = arith.constant 1.000000e+00 : f32
        %parallel_loop3A_766 = vector.broadcast %parallel_loop3A_765 : f32 to vector<16xf32>
        %parallel_loop3A_767 = arith.addf %parallel_loop3A_766, %parallel_loop3A_764 : vector<16xf32>
        %parallel_loop3A_768 = arith.constant 1.000000e+00 : f32
        %parallel_loop3A_769 = vector.broadcast %parallel_loop3A_768 : f32 to vector<16xf32>
        %parallel_loop3A_770 = arith.divf %parallel_loop3A_769, %parallel_loop3A_767 : vector<16xf32>
        %parallel_loop3A_771 = arith.mulf %parallel_loop3A_770, %parallel_loop3A_531 : vector<16xf32>
        %parallel_loop3A_772 = arith.mulf %parallel_loop3A_771, %parallel_loop3A_463 : vector<16xf32>
        %parallel_loop3A_773 = arith.index_cast %parallel_loop3A_307 : i32 to index
        %parallel_loop3A_774 = arith.constant 0 : index
        %parallel_loop3A_775 = tpu.vector_load %arg20[%parallel_loop3A_773, %parallel_loop3A_774] {strides = array<i32>} : memref<40x256xf32, #tpu.memory_space<vmem>>, vector<1x16xf32>,
        %parallel_loop3A_776 = vector.shape_cast %parallel_loop3A_775 : vector<1x16xf32> to vector<16xf32>
        %parallel_loop3A_777 = arith.index_cast %parallel_loop3A_307 : i32 to index
        %parallel_loop3A_778 = arith.constant 0 : index
        %parallel_loop3A_779 = tpu.vector_load %arg19[%parallel_loop3A_777, %parallel_loop3A_778] {strides = array<i32>} : memref<40x256xf32, #tpu.memory_space<vmem>>, vector<1x16xf32>,
        %parallel_loop3A_780 = vector.shape_cast %parallel_loop3A_779 : vector<1x16xf32> to vector<16xf32>
        %parallel_loop3A_781 = arith.mulf %parallel_loop3A_421, %parallel_loop3A_780 : vector<16xf32>
        %parallel_loop3A_782 = arith.subf %parallel_loop3A_776, %parallel_loop3A_781 : vector<16xf32>
        %parallel_loop3A_783 = arith.mulf %parallel_loop3A_772, %parallel_loop3A_782 : vector<16xf32>
        %parallel_loop3A_784 = arith.index_cast %parallel_loop3A_307 : i32 to index
        %parallel_loop3A_785 = arith.constant 0 : index
        %parallel_loop3A_786 = tpu.vector_load %arg21[%parallel_loop3A_784, %parallel_loop3A_785] {strides = array<i32>} : memref<40x128xf32, #tpu.memory_space<vmem>>, vector<1x16xf32>,
        %parallel_loop3A_787 = vector.shape_cast %parallel_loop3A_786 : vector<1x16xf32> to vector<16xf32>
        %parallel_loop3A_788 = vector.shape_cast %parallel_loop3A_783 : vector<16xf32> to vector<1x16xf32>
        tpu.vector_store %arg21[%parallel_loop3A_784, %parallel_loop3A_785], %parallel_loop3A_788 {strides = array<i32>} : memref<40x128xf32, #tpu.memory_space<vmem>>, vector<1x16xf32>,
        %parallel_loop3A_789 = arith.index_cast %parallel_loop3A_307 : i32 to index
        %parallel_loop3A_790 = arith.constant 16 : index
        %parallel_loop3A_791 = tpu.vector_load %arg20[%parallel_loop3A_789, %parallel_loop3A_790] {strides = array<i32>} : memref<40x256xf32, #tpu.memory_space<vmem>>, vector<1x16xf32>,
        %parallel_loop3A_792 = vector.shape_cast %parallel_loop3A_791 : vector<1x16xf32> to vector<16xf32>
        %parallel_loop3A_793 = arith.index_cast %parallel_loop3A_307 : i32 to index
        %parallel_loop3A_794 = arith.constant 16 : index
        %parallel_loop3A_795 = tpu.vector_load %arg19[%parallel_loop3A_793, %parallel_loop3A_794] {strides = array<i32>} : memref<40x256xf32, #tpu.memory_space<vmem>>, vector<1x16xf32>,
        %parallel_loop3A_796 = vector.shape_cast %parallel_loop3A_795 : vector<1x16xf32> to vector<16xf32>
        %parallel_loop3A_797 = arith.mulf %parallel_loop3A_421, %parallel_loop3A_796 : vector<16xf32>
        %parallel_loop3A_798 = arith.subf %parallel_loop3A_792, %parallel_loop3A_797 : vector<16xf32>
        %parallel_loop3A_799 = arith.mulf %parallel_loop3A_772, %parallel_loop3A_798 : vector<16xf32>
        %parallel_loop3A_800 = arith.index_cast %parallel_loop3A_307 : i32 to index
        %parallel_loop3A_801 = arith.constant 16 : index
        %parallel_loop3A_802 = tpu.vector_load %arg21[%parallel_loop3A_800, %parallel_loop3A_801] {strides = array<i32>} : memref<40x128xf32, #tpu.memory_space<vmem>>, vector<1x16xf32>,
        %parallel_loop3A_803 = vector.shape_cast %parallel_loop3A_802 : vector<1x16xf32> to vector<16xf32>
        %parallel_loop3A_804 = vector.shape_cast %parallel_loop3A_799 : vector<16xf32> to vector<1x16xf32>
        tpu.vector_store %arg21[%parallel_loop3A_800, %parallel_loop3A_801], %parallel_loop3A_804 {strides = array<i32>} : memref<40x128xf32, #tpu.memory_space<vmem>>, vector<1x16xf32>,
        %parallel_loop3A_805 = arith.index_cast %parallel_loop3A_307 : i32 to index
        %parallel_loop3A_806 = arith.constant 32 : index
        %parallel_loop3A_807 = tpu.vector_load %arg20[%parallel_loop3A_805, %parallel_loop3A_806] {strides = array<i32>} : memref<40x256xf32, #tpu.memory_space<vmem>>, vector<1x16xf32>,
        %parallel_loop3A_808 = vector.shape_cast %parallel_loop3A_807 : vector<1x16xf32> to vector<16xf32>
        %parallel_loop3A_809 = arith.index_cast %parallel_loop3A_307 : i32 to index
        %parallel_loop3A_810 = arith.constant 32 : index
        %parallel_loop3A_811 = tpu.vector_load %arg19[%parallel_loop3A_809, %parallel_loop3A_810] {strides = array<i32>} : memref<40x256xf32, #tpu.memory_space<vmem>>, vector<1x16xf32>,
        %parallel_loop3A_812 = vector.shape_cast %parallel_loop3A_811 : vector<1x16xf32> to vector<16xf32>
        %parallel_loop3A_813 = arith.mulf %parallel_loop3A_421, %parallel_loop3A_812 : vector<16xf32>
        %parallel_loop3A_814 = arith.subf %parallel_loop3A_808, %parallel_loop3A_813 : vector<16xf32>
        %parallel_loop3A_815 = arith.mulf %parallel_loop3A_772, %parallel_loop3A_814 : vector<16xf32>
        %parallel_loop3A_816 = arith.index_cast %parallel_loop3A_307 : i32 to index
        %parallel_loop3A_817 = arith.constant 32 : index
        %parallel_loop3A_818 = tpu.vector_load %arg21[%parallel_loop3A_816, %parallel_loop3A_817] {strides = array<i32>} : memref<40x128xf32, #tpu.memory_space<vmem>>, vector<1x16xf32>,
        %parallel_loop3A_819 = vector.shape_cast %parallel_loop3A_818 : vector<1x16xf32> to vector<16xf32>
        %parallel_loop3A_820 = vector.shape_cast %parallel_loop3A_815 : vector<16xf32> to vector<1x16xf32>
        tpu.vector_store %arg21[%parallel_loop3A_816, %parallel_loop3A_817], %parallel_loop3A_820 {strides = array<i32>} : memref<40x128xf32, #tpu.memory_space<vmem>>, vector<1x16xf32>,
        %parallel_loop3A_821 = arith.index_cast %parallel_loop3A_307 : i32 to index
        %parallel_loop3A_822 = arith.constant 48 : index
        %parallel_loop3A_823 = tpu.vector_load %arg20[%parallel_loop3A_821, %parallel_loop3A_822] {strides = array<i32>} : memref<40x256xf32, #tpu.memory_space<vmem>>, vector<1x16xf32>,
        %parallel_loop3A_824 = vector.shape_cast %parallel_loop3A_823 : vector<1x16xf32> to vector<16xf32>
        %parallel_loop3A_825 = arith.index_cast %parallel_loop3A_307 : i32 to index
        %parallel_loop3A_826 = arith.constant 48 : index
        %parallel_loop3A_827 = tpu.vector_load %arg19[%parallel_loop3A_825, %parallel_loop3A_826] {strides = array<i32>} : memref<40x256xf32, #tpu.memory_space<vmem>>, vector<1x16xf32>,
        %parallel_loop3A_828 = vector.shape_cast %parallel_loop3A_827 : vector<1x16xf32> to vector<16xf32>
        %parallel_loop3A_829 = arith.mulf %parallel_loop3A_421, %parallel_loop3A_828 : vector<16xf32>
        %parallel_loop3A_830 = arith.subf %parallel_loop3A_824, %parallel_loop3A_829 : vector<16xf32>
        %parallel_loop3A_831 = arith.mulf %parallel_loop3A_772, %parallel_loop3A_830 : vector<16xf32>
        %parallel_loop3A_832 = arith.index_cast %parallel_loop3A_307 : i32 to index
        %parallel_loop3A_833 = arith.constant 48 : index
        %parallel_loop3A_834 = tpu.vector_load %arg21[%parallel_loop3A_832, %parallel_loop3A_833] {strides = array<i32>} : memref<40x128xf32, #tpu.memory_space<vmem>>, vector<1x16xf32>,
        %parallel_loop3A_835 = vector.shape_cast %parallel_loop3A_834 : vector<1x16xf32> to vector<16xf32>
        %parallel_loop3A_836 = vector.shape_cast %parallel_loop3A_831 : vector<16xf32> to vector<1x16xf32>
        tpu.vector_store %arg21[%parallel_loop3A_832, %parallel_loop3A_833], %parallel_loop3A_836 {strides = array<i32>} : memref<40x128xf32, #tpu.memory_space<vmem>>, vector<1x16xf32>,
        %parallel_loop3A_837 = arith.index_cast %parallel_loop3A_307 : i32 to index
        %parallel_loop3A_838 = arith.constant 64 : index
        %parallel_loop3A_839 = tpu.vector_load %arg20[%parallel_loop3A_837, %parallel_loop3A_838] {strides = array<i32>} : memref<40x256xf32, #tpu.memory_space<vmem>>, vector<1x16xf32>,
        %parallel_loop3A_840 = vector.shape_cast %parallel_loop3A_839 : vector<1x16xf32> to vector<16xf32>
        %parallel_loop3A_841 = arith.index_cast %parallel_loop3A_307 : i32 to index
        %parallel_loop3A_842 = arith.constant 64 : index
        %parallel_loop3A_843 = tpu.vector_load %arg19[%parallel_loop3A_841, %parallel_loop3A_842] {strides = array<i32>} : memref<40x256xf32, #tpu.memory_space<vmem>>, vector<1x16xf32>,
        %parallel_loop3A_844 = vector.shape_cast %parallel_loop3A_843 : vector<1x16xf32> to vector<16xf32>
        %parallel_loop3A_845 = arith.mulf %parallel_loop3A_421, %parallel_loop3A_844 : vector<16xf32>
        %parallel_loop3A_846 = arith.subf %parallel_loop3A_840, %parallel_loop3A_845 : vector<16xf32>
        %parallel_loop3A_847 = arith.mulf %parallel_loop3A_772, %parallel_loop3A_846 : vector<16xf32>
        %parallel_loop3A_848 = arith.index_cast %parallel_loop3A_307 : i32 to index
        %parallel_loop3A_849 = arith.constant 64 : index
        %parallel_loop3A_850 = tpu.vector_load %arg21[%parallel_loop3A_848, %parallel_loop3A_849] {strides = array<i32>} : memref<40x128xf32, #tpu.memory_space<vmem>>, vector<1x16xf32>,
        %parallel_loop3A_851 = vector.shape_cast %parallel_loop3A_850 : vector<1x16xf32> to vector<16xf32>
        %parallel_loop3A_852 = vector.shape_cast %parallel_loop3A_847 : vector<16xf32> to vector<1x16xf32>
        tpu.vector_store %arg21[%parallel_loop3A_848, %parallel_loop3A_849], %parallel_loop3A_852 {strides = array<i32>} : memref<40x128xf32, #tpu.memory_space<vmem>>, vector<1x16xf32>,
        %parallel_loop3A_853 = arith.index_cast %parallel_loop3A_307 : i32 to index
        %parallel_loop3A_854 = arith.constant 80 : index
        %parallel_loop3A_855 = tpu.vector_load %arg20[%parallel_loop3A_853, %parallel_loop3A_854] {strides = array<i32>} : memref<40x256xf32, #tpu.memory_space<vmem>>, vector<1x16xf32>,
        %parallel_loop3A_856 = vector.shape_cast %parallel_loop3A_855 : vector<1x16xf32> to vector<16xf32>
        %parallel_loop3A_857 = arith.index_cast %parallel_loop3A_307 : i32 to index
        %parallel_loop3A_858 = arith.constant 80 : index
        %parallel_loop3A_859 = tpu.vector_load %arg19[%parallel_loop3A_857, %parallel_loop3A_858] {strides = array<i32>} : memref<40x256xf32, #tpu.memory_space<vmem>>, vector<1x16xf32>,
        %parallel_loop3A_860 = vector.shape_cast %parallel_loop3A_859 : vector<1x16xf32> to vector<16xf32>
        %parallel_loop3A_861 = arith.mulf %parallel_loop3A_421, %parallel_loop3A_860 : vector<16xf32>
        %parallel_loop3A_862 = arith.subf %parallel_loop3A_856, %parallel_loop3A_861 : vector<16xf32>
        %parallel_loop3A_863 = arith.mulf %parallel_loop3A_772, %parallel_loop3A_862 : vector<16xf32>
        %parallel_loop3A_864 = arith.index_cast %parallel_loop3A_307 : i32 to index
        %parallel_loop3A_865 = arith.constant 80 : index
        %parallel_loop3A_866 = tpu.vector_load %arg21[%parallel_loop3A_864, %parallel_loop3A_865] {strides = array<i32>} : memref<40x128xf32, #tpu.memory_space<vmem>>, vector<1x16xf32>,
        %parallel_loop3A_867 = vector.shape_cast %parallel_loop3A_866 : vector<1x16xf32> to vector<16xf32>
        %parallel_loop3A_868 = vector.shape_cast %parallel_loop3A_863 : vector<16xf32> to vector<1x16xf32>
        tpu.vector_store %arg21[%parallel_loop3A_864, %parallel_loop3A_865], %parallel_loop3A_868 {strides = array<i32>} : memref<40x128xf32, #tpu.memory_space<vmem>>, vector<1x16xf32>,
        %parallel_loop3A_869 = arith.index_cast %parallel_loop3A_307 : i32 to index
        %parallel_loop3A_870 = arith.constant 96 : index
        %parallel_loop3A_871 = tpu.vector_load %arg20[%parallel_loop3A_869, %parallel_loop3A_870] {strides = array<i32>} : memref<40x256xf32, #tpu.memory_space<vmem>>, vector<1x16xf32>,
        %parallel_loop3A_872 = vector.shape_cast %parallel_loop3A_871 : vector<1x16xf32> to vector<16xf32>
        %parallel_loop3A_873 = arith.index_cast %parallel_loop3A_307 : i32 to index
        %parallel_loop3A_874 = arith.constant 96 : index
        %parallel_loop3A_875 = tpu.vector_load %arg19[%parallel_loop3A_873, %parallel_loop3A_874] {strides = array<i32>} : memref<40x256xf32, #tpu.memory_space<vmem>>, vector<1x16xf32>,
        %parallel_loop3A_876 = vector.shape_cast %parallel_loop3A_875 : vector<1x16xf32> to vector<16xf32>
        %parallel_loop3A_877 = arith.mulf %parallel_loop3A_421, %parallel_loop3A_876 : vector<16xf32>
        %parallel_loop3A_878 = arith.subf %parallel_loop3A_872, %parallel_loop3A_877 : vector<16xf32>
        %parallel_loop3A_879 = arith.mulf %parallel_loop3A_772, %parallel_loop3A_878 : vector<16xf32>
        %parallel_loop3A_880 = arith.index_cast %parallel_loop3A_307 : i32 to index
        %parallel_loop3A_881 = arith.constant 96 : index
        %parallel_loop3A_882 = tpu.vector_load %arg21[%parallel_loop3A_880, %parallel_loop3A_881] {strides = array<i32>} : memref<40x128xf32, #tpu.memory_space<vmem>>, vector<1x16xf32>,
        %parallel_loop3A_883 = vector.shape_cast %parallel_loop3A_882 : vector<1x16xf32> to vector<16xf32>
        %parallel_loop3A_884 = vector.shape_cast %parallel_loop3A_879 : vector<16xf32> to vector<1x16xf32>
        tpu.vector_store %arg21[%parallel_loop3A_880, %parallel_loop3A_881], %parallel_loop3A_884 {strides = array<i32>} : memref<40x128xf32, #tpu.memory_space<vmem>>, vector<1x16xf32>,
        %parallel_loop3A_885 = arith.index_cast %parallel_loop3A_307 : i32 to index
        %parallel_loop3A_886 = arith.constant 112 : index
        %parallel_loop3A_887 = tpu.vector_load %arg20[%parallel_loop3A_885, %parallel_loop3A_886] {strides = array<i32>} : memref<40x256xf32, #tpu.memory_space<vmem>>, vector<1x16xf32>,
        %parallel_loop3A_888 = vector.shape_cast %parallel_loop3A_887 : vector<1x16xf32> to vector<16xf32>
        %parallel_loop3A_889 = arith.index_cast %parallel_loop3A_307 : i32 to index
        %parallel_loop3A_890 = arith.constant 112 : index
        %parallel_loop3A_891 = tpu.vector_load %arg19[%parallel_loop3A_889, %parallel_loop3A_890] {strides = array<i32>} : memref<40x256xf32, #tpu.memory_space<vmem>>, vector<1x16xf32>,
        %parallel_loop3A_892 = vector.shape_cast %parallel_loop3A_891 : vector<1x16xf32> to vector<16xf32>
        %parallel_loop3A_893 = arith.mulf %parallel_loop3A_421, %parallel_loop3A_892 : vector<16xf32>
        %parallel_loop3A_894 = arith.subf %parallel_loop3A_888, %parallel_loop3A_893 : vector<16xf32>
        %parallel_loop3A_895 = arith.mulf %parallel_loop3A_772, %parallel_loop3A_894 : vector<16xf32>
        %parallel_loop3A_896 = arith.index_cast %parallel_loop3A_307 : i32 to index
        %parallel_loop3A_897 = arith.constant 112 : index
        %parallel_loop3A_898 = tpu.vector_load %arg21[%parallel_loop3A_896, %parallel_loop3A_897] {strides = array<i32>} : memref<40x128xf32, #tpu.memory_space<vmem>>, vector<1x16xf32>,
        %parallel_loop3A_899 = vector.shape_cast %parallel_loop3A_898 : vector<1x16xf32> to vector<16xf32>
        %parallel_loop3A_900 = vector.shape_cast %parallel_loop3A_895 : vector<16xf32> to vector<1x16xf32>
        tpu.vector_store %arg21[%parallel_loop3A_896, %parallel_loop3A_897], %parallel_loop3A_900 {strides = array<i32>} : memref<40x128xf32, #tpu.memory_space<vmem>>, vector<1x16xf32>,
      } {sc.loop_unroll_factor = 1 : i64, sc.parallel_access}
      %get3A_277 = arith.constant 0 : index
      %get3A_278 = tpu.vector_load %arg12[%get3A_277] {strides = array<i32>} : memref<40xi32, #tpu.memory_space<vmem>>, vector<16xi32>,
      %get3A_279 = vector.shape_cast %get3A_278 : vector<16xi32> to vector<16xi32>
      %swap3A_280 = arith.constant 0 : index
      %swap3A_281 = tpu.vector_load %arg16[%swap3A_280] {strides = array<i32>} : memref<40xi32, #tpu.memory_space<vmem>>, vector<16xi32>,
      %swap3A_282 = vector.shape_cast %swap3A_281 : vector<16xi32> to vector<16xi32>
      %swap3A_283 = vector.shape_cast %get3A_279 : vector<16xi32> to vector<16xi32>
      tpu.vector_store %arg16[%swap3A_280], %swap3A_283 {strides = array<i32>} : memref<40xi32, #tpu.memory_space<vmem>>, vector<16xi32>,
      %get3A_284 = arith.constant 16 : index
      %get3A_285 = tpu.vector_load %arg12[%get3A_284] {strides = array<i32>} : memref<40xi32, #tpu.memory_space<vmem>>, vector<16xi32>,
      %get3A_286 = vector.shape_cast %get3A_285 : vector<16xi32> to vector<16xi32>
      %swap3A_287 = arith.constant 16 : index
      %swap3A_288 = tpu.vector_load %arg16[%swap3A_287] {strides = array<i32>} : memref<40xi32, #tpu.memory_space<vmem>>, vector<16xi32>,
      %swap3A_289 = vector.shape_cast %swap3A_288 : vector<16xi32> to vector<16xi32>
      %swap3A_290 = vector.shape_cast %get3A_286 : vector<16xi32> to vector<16xi32>
      tpu.vector_store %arg16[%swap3A_287], %swap3A_290 {strides = array<i32>} : memref<40xi32, #tpu.memory_space<vmem>>, vector<16xi32>,
      %get3A_291 = arith.constant 24 : index
      %get3A_292 = tpu.vector_load %arg12[%get3A_291] {strides = array<i32>} : memref<40xi32, #tpu.memory_space<vmem>>, vector<16xi32>,
      %get3A_293 = vector.shape_cast %get3A_292 : vector<16xi32> to vector<16xi32>
      %swap3A_294 = arith.constant 24 : index
      %swap3A_295 = tpu.vector_load %arg16[%swap3A_294] {strides = array<i32>} : memref<40xi32, #tpu.memory_space<vmem>>, vector<16xi32>,
      %swap3A_296 = vector.shape_cast %swap3A_295 : vector<16xi32> to vector<16xi32>
      %swap3A_297 = vector.shape_cast %get3A_293 : vector<16xi32> to vector<16xi32>
      tpu.vector_store %arg16[%swap3A_294], %swap3A_297 {strides = array<i32>} : memref<40xi32, #tpu.memory_space<vmem>>, vector<16xi32>,
      %dma_start3A_298 = arith.constant 0 : i32
      %dma_start3A_299 = arith.constant 0 : i32
      %dma_start3A_300 = tpu.memref_slice %arg24[%dma_start3A_298, %dma_start3A_299] : memref<10000x128xf32, #tpu.memory_space<vmem_shared>> -> memref<10000x128xf32, #tpu.memory_space<vmem_shared>>
      tpu.enqueue_indirect_dma source(%arg21 : memref<40x128xf32, #tpu.memory_space<vmem>>) target(%dma_start3A_300 : memref<10000x128xf32, #tpu.memory_space<vmem_shared>>) offsets(%arg16 : memref<40xi32, #tpu.memory_space<vmem>>) semaphore(%arg31 : memref<!tpu.dma_semaphore, #tpu.memory_space<semaphore_mem>>) {add = true}
      %lt3A_301 = arith.constant 124 : i32
      %lt3A_302 = arith.cmpi slt, %scan3A_212, %lt3A_301 : i32
      %convert_element_type3A_303 = arith.extui %lt3A_302 : i1 to i32
      %cond3A_304 = arith.constant 0 : i32
      %cond3A_305 = arith.cmpi ne, %convert_element_type3A_303, %cond3A_304 : i32
      scf.if %cond3A_305 {
        %add3A_307 = arith.constant 3 : i32
        %add3A_308 = arith.addi %mul3A_215, %add3A_307 : i32
        %mul3A_309 = arith.constant 40 : i32
        %mul3A_310 = arith.muli %add3A_308, %mul3A_309 : i32
        %add3A_311 = arith.addi %mul3A_155, %mul3A_310 : i32
        %multiple_of3A_312 = tpu.assume_multiple %add3A_311, 8 : i32
        %dma_start3A_313 = tpu.memref_slice %arg4[%multiple_of3A_312] : memref<320000xi32, #tpu.memory_space<hbm>> -> memref<40xi32, #tpu.memory_space<hbm>>
        %dma_start3A_314 = tpu.memref_slice %arg4[%multiple_of3A_312] : memref<320000xi32, #tpu.memory_space<hbm>> -> memref<40xi32, #tpu.memory_space<hbm>>
        tpu.enqueue_dma source(%dma_start3A_314 : memref<40xi32, #tpu.memory_space<hbm>>) target(%arg12 : memref<40xi32, #tpu.memory_space<vmem>>) target_semaphore(%arg30 : memref<!tpu.dma_semaphore, #tpu.memory_space<semaphore_mem>>)
        %dma_start3A_315 = tpu.memref_slice %arg5[%multiple_of3A_312] : memref<320000xi32, #tpu.memory_space<hbm>> -> memref<40xi32, #tpu.memory_space<hbm>>
        %dma_start3A_316 = tpu.memref_slice %arg5[%multiple_of3A_312] : memref<320000xi32, #tpu.memory_space<hbm>> -> memref<40xi32, #tpu.memory_space<hbm>>
        tpu.enqueue_dma source(%dma_start3A_316 : memref<40xi32, #tpu.memory_space<hbm>>) target(%arg13 : memref<40xi32, #tpu.memory_space<vmem>>) target_semaphore(%arg30 : memref<!tpu.dma_semaphore, #tpu.memory_space<semaphore_mem>>)
        %dma_start3A_317 = tpu.memref_slice %arg6[%multiple_of3A_312] : memref<320000xf32, #tpu.memory_space<hbm>> -> memref<40xf32, #tpu.memory_space<hbm>>
        %dma_start3A_318 = tpu.memref_slice %arg6[%multiple_of3A_312] : memref<320000xf32, #tpu.memory_space<hbm>> -> memref<40xf32, #tpu.memory_space<hbm>>
        tpu.enqueue_dma source(%dma_start3A_318 : memref<40xf32, #tpu.memory_space<hbm>>) target(%arg14 : memref<40xf32, #tpu.memory_space<vmem>>) target_semaphore(%arg30 : memref<!tpu.dma_semaphore, #tpu.memory_space<semaphore_mem>>)
      } else {
      }
      %scan3A_306 = arith.constant 0 : i32
      scf.yield %scan3A_306 : i32
    }
    %scan3A_195 = arith.constant 125 : i32
    %dma_wait3A_196 = arith.constant 0 : i32
    %dma_wait3A_197 = arith.constant 0 : i32
    %dma_wait3A_198 = tpu.memref_slice %arg24[%dma_wait3A_196, %dma_wait3A_197] : memref<10000x128xf32, #tpu.memory_space<vmem_shared>> -> memref<10000x128xf32, #tpu.memory_space<vmem_shared>>
    tpu.wait_indirect_dma semaphore(%arg31 : memref<!tpu.dma_semaphore, #tpu.memory_space<semaphore_mem>>) src(%arg21 : memref<40x128xf32, #tpu.memory_space<vmem>>) dst(%dma_wait3A_198 : memref<10000x128xf32, #tpu.memory_space<vmem_shared>>)
    %barrier3A_199 = arith.constant 0 : index
    tpu.barrier barrier_id(%barrier3A_199)
    %while3A_200 = arith.constant 0 : i32
    %while3A_201 = arith.constant 0 : i32
    %while3A_202 = arith.subi %select_n3A, %while3A_200 : i32
    %while3A_203 = arith.addi %while3A_200, %while3A_202 : i32
    %while3A_204 = arith.constant 1 : i32
    %while3A_205 = arith.divsi %while3A_202, %while3A_204 : i32
    %while3A_206 = arith.muli %while3A_205, %while3A_204 : i32
    %while3A_207 = arith.addi %while3A_200, %while3A_206 : i32
    %while3A_208 = arith.constant 1 : i32
    %while3A_209 = scf.for %while3A_212 = %while3A_200 to %while3A_207 step %while3A_208 iter_args(%while3A_213 = %while3A_201) -> (i32)  : i32 {
      %mul3A_214 = arith.constant 8 : i32
      %mul3A_215 = arith.muli %while3A_212, %mul3A_214 : i32
      %add3A_216 = arith.addi %mul3A_140, %mul3A_215 : i32
      %multiple_of3A_217 = tpu.assume_multiple %add3A_216, 8 : i32
      "tpu.region"() ({
        %run_scoped3A = tpu.sem_alloc : memref<!tpu.dma_semaphore, #tpu.memory_space<semaphore_mem>>
        %dma_start3A_219 = arith.constant 0 : i32
        %dma_start3A_220 = tpu.memref_slice %arg8[%arg0, %multiple_of3A_217, %dma_start3A_219] : memref<2x10000x128xf32, #tpu.memory_space<hbm>> -> memref<1x8x128xf32, #tpu.memory_space<hbm>>
        %dma_start3A_221 = tpu.memref_squeeze %dma_start3A_220 : memref<1x8x128xf32, #tpu.memory_space<hbm>> -> memref<8x128xf32, #tpu.memory_space<hbm>>
        %dma_start3A_222 = arith.constant 0 : i32
        %dma_start3A_223 = tpu.memref_slice %arg24[%multiple_of3A_217, %dma_start3A_222] : memref<10000x128xf32, #tpu.memory_space<vmem_shared>> -> memref<8x128xf32, #tpu.memory_space<vmem_shared>>
        tpu.enqueue_dma source(%dma_start3A_223 : memref<8x128xf32, #tpu.memory_space<vmem_shared>>) target(%dma_start3A_221 : memref<8x128xf32, #tpu.memory_space<hbm>>) target_semaphore(%run_scoped3A : memref<!tpu.dma_semaphore, #tpu.memory_space<semaphore_mem>>)
        %dma_wait3A_224 = arith.constant 0 : i32
        %dma_wait3A_225 = tpu.memref_slice %arg8[%arg0, %multiple_of3A_217, %dma_wait3A_224] : memref<2x10000x128xf32, #tpu.memory_space<hbm>> -> memref<1x8x128xf32, #tpu.memory_space<hbm>>
        %dma_wait3A_226 = tpu.memref_squeeze %dma_wait3A_225 : memref<1x8x128xf32, #tpu.memory_space<hbm>> -> memref<8x128xf32, #tpu.memory_space<hbm>>
        %dma_wait3A_227 = arith.constant 0 : i32
        %dma_wait3A_228 = tpu.memref_slice %arg24[%multiple_of3A_217, %dma_wait3A_227] : memref<10000x128xf32, #tpu.memory_space<vmem_shared>> -> memref<8x128xf32, #tpu.memory_space<vmem_shared>>
        tpu.wait_dma2 semaphore(%run_scoped3A : memref<!tpu.dma_semaphore, #tpu.memory_space<semaphore_mem>>) src(%dma_wait3A_228 : memref<8x128xf32, #tpu.memory_space<vmem_shared>>) dst(%dma_wait3A_226 : memref<8x128xf32, #tpu.memory_space<hbm>>)
        tpu.yield
      }) : () -> ()
      %while3A_218 = arith.constant 0 : i32
      scf.yield %while3A_218 : i32
    }
    %while3A_210 = arith.constant 1 : i32
    %while3A_211 = scf.for %while3A_212 = %while3A_207 to %while3A_203 step %while3A_210 iter_args(%while3A_213 = %while3A_209) -> (i32)  : i32 {
      %mul3A_214 = arith.constant 8 : i32
      %mul3A_215 = arith.muli %while3A_212, %mul3A_214 : i32
      %add3A_216 = arith.addi %mul3A_140, %mul3A_215 : i32
      %multiple_of3A_217 = tpu.assume_multiple %add3A_216, 8 : i32
      "tpu.region"() ({
        %run_scoped3A = tpu.sem_alloc : memref<!tpu.dma_semaphore, #tpu.memory_space<semaphore_mem>>
        %dma_start3A_219 = arith.constant 0 : i32
        %dma_start3A_220 = tpu.memref_slice %arg8[%arg0, %multiple_of3A_217, %dma_start3A_219] : memref<2x10000x128xf32, #tpu.memory_space<hbm>> -> memref<1x8x128xf32, #tpu.memory_space<hbm>>
        %dma_start3A_221 = tpu.memref_squeeze %dma_start3A_220 : memref<1x8x128xf32, #tpu.memory_space<hbm>> -> memref<8x128xf32, #tpu.memory_space<hbm>>
        %dma_start3A_222 = arith.constant 0 : i32
        %dma_start3A_223 = tpu.memref_slice %arg24[%multiple_of3A_217, %dma_start3A_222] : memref<10000x128xf32, #tpu.memory_space<vmem_shared>> -> memref<8x128xf32, #tpu.memory_space<vmem_shared>>
        tpu.enqueue_dma source(%dma_start3A_223 : memref<8x128xf32, #tpu.memory_space<vmem_shared>>) target(%dma_start3A_221 : memref<8x128xf32, #tpu.memory_space<hbm>>) target_semaphore(%run_scoped3A : memref<!tpu.dma_semaphore, #tpu.memory_space<semaphore_mem>>)
        %dma_wait3A_224 = arith.constant 0 : i32
        %dma_wait3A_225 = tpu.memref_slice %arg8[%arg0, %multiple_of3A_217, %dma_wait3A_224] : memref<2x10000x128xf32, #tpu.memory_space<hbm>> -> memref<1x8x128xf32, #tpu.memory_space<hbm>>
        %dma_wait3A_226 = tpu.memref_squeeze %dma_wait3A_225 : memref<1x8x128xf32, #tpu.memory_space<hbm>> -> memref<8x128xf32, #tpu.memory_space<hbm>>
        %dma_wait3A_227 = arith.constant 0 : i32
        %dma_wait3A_228 = tpu.memref_slice %arg24[%multiple_of3A_217, %dma_wait3A_227] : memref<10000x128xf32, #tpu.memory_space<vmem_shared>> -> memref<8x128xf32, #tpu.memory_space<vmem_shared>>
        tpu.wait_dma2 semaphore(%run_scoped3A : memref<!tpu.dma_semaphore, #tpu.memory_space<semaphore_mem>>) src(%dma_wait3A_228 : memref<8x128xf32, #tpu.memory_space<vmem_shared>>) dst(%dma_wait3A_226 : memref<8x128xf32, #tpu.memory_space<hbm>>)
        tpu.yield
      }) : () -> ()
      %while3A_218 = arith.constant 0 : i32
      scf.yield %while3A_218 : i32
    }
    return
  }
}

module attributes {stable_mosaic.version = 14 : i64} {
  func.func @_stage1_body(%arg0: i32, %arg1: memref<1000x128xf32, #tpu.memory_space<vmem>>, %arg2: memref<128x128xf32, #tpu.memory_space<vmem>>, %arg3: memref<1x128xf32, #tpu.memory_space<vmem>>, %arg4: memref<128x128xf32, #tpu.memory_space<vmem>>, %arg5: memref<128x128xf32, #tpu.memory_space<vmem>>, %arg6: memref<1x128xf32, #tpu.memory_space<vmem>>, %arg7: memref<1000x256xf32, #tpu.memory_space<vmem>>, %arg8: memref<1000x256xf32, #tpu.memory_space<vmem>>) attributes {dimension_semantics = [#tpu.dimension_semantics<arbitrary>], iteration_bounds = array<i64: 10>, scalar_prefetch = 0 : i64, scratch_operands = 0 : i64, tpu.core_type = #tpu.core_type<tc>, window_params = [{transform_indices = @transform_0, window_bounds = array<i64: 1000, 128>}, {pipeline_mode = #tpu.pipeline_mode<synchronous>, transform_indices = @transform_1, window_bounds = array<i64: 128, 128>}, {pipeline_mode = #tpu.pipeline_mode<synchronous>, transform_indices = @transform_2, window_bounds = array<i64: 1, 128>}, {pipeline_mode = #tpu.pipeline_mode<synchronous>, transform_indices = @transform_3, window_bounds = array<i64: 128, 128>}, {pipeline_mode = #tpu.pipeline_mode<synchronous>, transform_indices = @transform_4, window_bounds = array<i64: 128, 128>}, {pipeline_mode = #tpu.pipeline_mode<synchronous>, transform_indices = @transform_5, window_bounds = array<i64: 1, 128>}, {transform_indices = @transform_6, window_bounds = array<i64: 1000, 256>}, {transform_indices = @transform_7, window_bounds = array<i64: 1000, 256>}]} {
    %iota3A = tpu.iota {dimensions = array<i32: 1>} : vector<1x128xi32>
    %eq3A = arith.constant 0 : i32
    %eq3A_0 = vector.broadcast %eq3A : i32 to vector<1x128xi32>
    %eq3A_1 = arith.cmpi eq, %iota3A, %eq3A_0 : vector<1x128xi32>
    %convert_element_type3A = arith.extui %eq3A_1 : vector<1x128xi1> to vector<1x128xi32>
    %convert_element_type3A_2 = arith.sitofp %convert_element_type3A : vector<1x128xi32> to vector<1x128xf32>
    %sub3A = arith.constant 1.000000e+00 : f32
    %sub3A_3 = vector.broadcast %sub3A : f32 to vector<1x128xf32>
    %sub3A_4 = arith.subf %sub3A_3, %convert_element_type3A_2 : vector<1x128xf32>
    %get3A = arith.constant 0 : index
    %get3A_5 = arith.constant 0 : index
    %get3A_6 = vector.load %arg1[%get3A, %get3A_5] : memref<1000x128xf32, #tpu.memory_space<vmem>>, vector<1000x128xf32>
    %slice3A = vector.extract_strided_slice %get3A_6 {offsets = [0, 0], sizes = [1000, 1], strides = [1, 1]} : vector<1000x128xf32> to vector<1000x1xf32>
    %max3A = arith.constant 1.000010e+00 : f32
    %max3A_7 = vector.broadcast %max3A : f32 to vector<1000x1xf32>
    %max3A_8 = arith.maximumf %slice3A, %max3A_7 : vector<1000x1xf32>
    %mul3A = vector.broadcast %sub3A_4 : vector<1x128xf32> to vector<1000x128xf32>
    %mul3A_9 = arith.mulf %get3A_6, %mul3A : vector<1000x128xf32>
    %mul3A_10 = arith.mulf %mul3A_9, %mul3A_9 : vector<1000x128xf32>
    %reduce_sum3A = arith.constant dense<0.000000e+00> : vector<1000xf32>
    %reduce_sum3A_11 = vector.multi_reduction <add>, %mul3A_10, %reduce_sum3A [1] : vector<1000x128xf32> to vector<1000xf32>
    %broadcast_in_dim3A = vector.shape_cast %reduce_sum3A_11 : vector<1000xf32> to vector<1000x1xf32>
    %max3A_12 = arith.constant 9.99999996E-13 : f32
    %max3A_13 = vector.broadcast %max3A_12 : f32 to vector<1000x1xf32>
    %max3A_14 = arith.maximumf %broadcast_in_dim3A, %max3A_13 : vector<1000x1xf32>
    %sqrt3A = math.sqrt %max3A_14 : vector<1000x1xf32>
    %sub3A_15 = arith.constant 1.000000e+00 : f32
    %sub3A_16 = vector.broadcast %sub3A_15 : f32 to vector<1000x1xf32>
    %sub3A_17 = arith.subf %max3A_8, %sub3A_16 : vector<1000x1xf32>
    %add3A = arith.constant 1.000000e+00 : f32
    %add3A_18 = vector.broadcast %add3A : f32 to vector<1000x1xf32>
    %add3A_19 = arith.addf %max3A_8, %add3A_18 : vector<1000x1xf32>
    %mul3A_20 = arith.mulf %sub3A_17, %add3A_19 : vector<1000x1xf32>
    %sqrt3A_21 = math.sqrt %mul3A_20 : vector<1000x1xf32>
    %add3A_22 = arith.addf %max3A_8, %sqrt3A_21 : vector<1000x1xf32>
    %log3A = math.log %add3A_22 : vector<1000x1xf32>
    %div3A = arith.divf %log3A, %sqrt3A : vector<1000x1xf32>
    %mul3A_23 = vector.broadcast %div3A : vector<1000x1xf32> to vector<1000x128xf32>
    %mul3A_24 = arith.mulf %mul3A_23, %mul3A_9 : vector<1000x128xf32>
    %get3A_25 = arith.constant 0 : index
    %get3A_26 = arith.constant 0 : index
    %get3A_27 = vector.load %arg2[%get3A_25, %get3A_26] : memref<128x128xf32, #tpu.memory_space<vmem>>, vector<128x128xf32>
    %dot_general3A = arith.constant dense<0.000000e+00> : vector<1000x128xf32>
    %dot_general3A_28 = tpu.matmul %mul3A_24, %get3A_27, %dot_general3A {dimension_numbers = #tpu.dot_dimension_numbers<[1], [0], [0], [1], [0, 0, 1, 1], [], []>, transpose_lhs_hint = false} : vector<1000x128xf32>, vector<128x128xf32>, vector<1000x128xf32> -> vector<1000x128xf32>
    %mul3A_29 = vector.broadcast %sub3A_4 : vector<1x128xf32> to vector<1000x128xf32>
    %mul3A_30 = arith.mulf %dot_general3A_28, %mul3A_29 : vector<1000x128xf32>
    %mul3A_31 = arith.mulf %mul3A_30, %mul3A_30 : vector<1000x128xf32>
    %reduce_sum3A_32 = arith.constant dense<0.000000e+00> : vector<1000xf32>
    %reduce_sum3A_33 = vector.multi_reduction <add>, %mul3A_31, %reduce_sum3A_32 [1] : vector<1000x128xf32> to vector<1000xf32>
    %broadcast_in_dim3A_34 = vector.shape_cast %reduce_sum3A_33 : vector<1000xf32> to vector<1000x1xf32>
    %max3A_35 = arith.constant 9.99999996E-13 : f32
    %max3A_36 = vector.broadcast %max3A_35 : f32 to vector<1000x1xf32>
    %max3A_37 = arith.maximumf %broadcast_in_dim3A_34, %max3A_36 : vector<1000x1xf32>
    %sqrt3A_38 = math.sqrt %max3A_37 : vector<1000x1xf32>
    %exp3A = math.exp %sqrt3A_38 : vector<1000x1xf32>
    %div3A_39 = arith.constant 1.000000e+00 : f32
    %div3A_40 = vector.broadcast %div3A_39 : f32 to vector<1000x1xf32>
    %div3A_41 = arith.divf %div3A_40, %exp3A : vector<1000x1xf32>
    %add3A_42 = arith.addf %exp3A, %div3A_41 : vector<1000x1xf32>
    %mul3A_43 = arith.constant 5.000000e-01 : f32
    %mul3A_44 = vector.broadcast %mul3A_43 : f32 to vector<1000x1xf32>
    %mul3A_45 = arith.mulf %mul3A_44, %add3A_42 : vector<1000x1xf32>
    %sub3A_46 = arith.subf %exp3A, %div3A_41 : vector<1000x1xf32>
    %mul3A_47 = arith.constant 5.000000e-01 : f32
    %mul3A_48 = vector.broadcast %mul3A_47 : f32 to vector<1000x1xf32>
    %mul3A_49 = arith.mulf %mul3A_48, %sub3A_46 : vector<1000x1xf32>
    %div3A_50 = arith.divf %mul3A_49, %sqrt3A_38 : vector<1000x1xf32>
    %mul3A_51 = vector.broadcast %div3A_50 : vector<1000x1xf32> to vector<1000x128xf32>
    %mul3A_52 = arith.mulf %mul3A_51, %mul3A_30 : vector<1000x128xf32>
    %mul3A_53 = vector.broadcast %mul3A_45 : vector<1000x1xf32> to vector<1000x128xf32>
    %mul3A_54 = vector.broadcast %convert_element_type3A_2 : vector<1x128xf32> to vector<1000x128xf32>
    %mul3A_55 = arith.mulf %mul3A_53, %mul3A_54 : vector<1000x128xf32>
    %add3A_56 = arith.addf %mul3A_52, %mul3A_55 : vector<1000x128xf32>
    %get3A_57 = arith.constant 0 : index
    %get3A_58 = arith.constant 0 : index
    %get3A_59 = vector.load %arg3[%get3A_57, %get3A_58] : memref<1x128xf32, #tpu.memory_space<vmem>>, vector<1x128xf32>
    %mul3A_60 = vector.broadcast %get3A_59 : vector<1x128xf32> to vector<1000x128xf32>
    %mul3A_61 = arith.mulf %add3A_56, %mul3A_60 : vector<1000x128xf32>
    %reduce_sum3A_62 = arith.constant dense<0.000000e+00> : vector<1000xf32>
    %reduce_sum3A_63 = vector.multi_reduction <add>, %mul3A_61, %reduce_sum3A_62 [1] : vector<1000x128xf32> to vector<1000xf32>
    %broadcast_in_dim3A_64 = vector.shape_cast %reduce_sum3A_63 : vector<1000xf32> to vector<1000x1xf32>
    %slice3A_65 = vector.extract_strided_slice %add3A_56 {offsets = [0, 0], sizes = [1000, 1], strides = [1, 1]} : vector<1000x128xf32> to vector<1000x1xf32>
    %add3A_66 = arith.constant 1.000000e+00 : f32
    %add3A_67 = vector.broadcast %add3A_66 : f32 to vector<1000x1xf32>
    %add3A_68 = arith.addf %add3A_67, %slice3A_65 : vector<1000x1xf32>
    %div3A_69 = arith.divf %broadcast_in_dim3A_64, %add3A_68 : vector<1000x1xf32>
    %add3A_70 = vector.broadcast %convert_element_type3A_2 : vector<1x128xf32> to vector<1000x128xf32>
    %add3A_71 = arith.addf %add3A_56, %add3A_70 : vector<1000x128xf32>
    %mul3A_72 = vector.broadcast %div3A_69 : vector<1000x1xf32> to vector<1000x128xf32>
    %mul3A_73 = arith.mulf %mul3A_72, %add3A_71 : vector<1000x128xf32>
    %add3A_74 = vector.broadcast %get3A_59 : vector<1x128xf32> to vector<1000x128xf32>
    %add3A_75 = arith.addf %add3A_74, %mul3A_73 : vector<1000x128xf32>
    %mul3A_76 = arith.mulf %add3A_75, %add3A_75 : vector<1000x128xf32>
    %reduce_sum3A_77 = arith.constant dense<0.000000e+00> : vector<1000xf32>
    %reduce_sum3A_78 = vector.multi_reduction <add>, %mul3A_76, %reduce_sum3A_77 [1] : vector<1000x128xf32> to vector<1000xf32>
    %broadcast_in_dim3A_79 = vector.shape_cast %reduce_sum3A_78 : vector<1000xf32> to vector<1000x1xf32>
    %slice3A_80 = vector.extract_strided_slice %add3A_75 {offsets = [0, 0], sizes = [1000, 1], strides = [1, 1]} : vector<1000x128xf32> to vector<1000x1xf32>
    %mul3A_81 = arith.constant 2.000000e+00 : f32
    %mul3A_82 = vector.broadcast %mul3A_81 : f32 to vector<1000x1xf32>
    %mul3A_83 = arith.mulf %mul3A_82, %slice3A_80 : vector<1000x1xf32>
    %slice3A_84 = vector.extract_strided_slice %add3A_75 {offsets = [0, 0], sizes = [1000, 1], strides = [1, 1]} : vector<1000x128xf32> to vector<1000x1xf32>
    %mul3A_85 = arith.mulf %mul3A_83, %slice3A_84 : vector<1000x1xf32>
    %sub3A_86 = arith.subf %broadcast_in_dim3A_79, %mul3A_85 : vector<1000x1xf32>
    %max3A_87 = arith.constant 9.99999996E-13 : f32
    %max3A_88 = vector.broadcast %max3A_87 : f32 to vector<1000x1xf32>
    %max3A_89 = arith.maximumf %sub3A_86, %max3A_88 : vector<1000x1xf32>
    %sqrt3A_90 = math.sqrt %max3A_89 : vector<1000x1xf32>
    %exp3A_91 = math.exp %sqrt3A_90 : vector<1000x1xf32>
    %div3A_92 = arith.constant 1.000000e+00 : f32
    %div3A_93 = vector.broadcast %div3A_92 : f32 to vector<1000x1xf32>
    %div3A_94 = arith.divf %div3A_93, %exp3A_91 : vector<1000x1xf32>
    %add3A_95 = arith.addf %exp3A_91, %div3A_94 : vector<1000x1xf32>
    %mul3A_96 = arith.constant 5.000000e-01 : f32
    %mul3A_97 = vector.broadcast %mul3A_96 : f32 to vector<1000x1xf32>
    %mul3A_98 = arith.mulf %mul3A_97, %add3A_95 : vector<1000x1xf32>
    %sub3A_99 = arith.subf %exp3A_91, %div3A_94 : vector<1000x1xf32>
    %mul3A_100 = arith.constant 5.000000e-01 : f32
    %mul3A_101 = vector.broadcast %mul3A_100 : f32 to vector<1000x1xf32>
    %mul3A_102 = arith.mulf %mul3A_101, %sub3A_99 : vector<1000x1xf32>
    %mul3A_103 = vector.broadcast %mul3A_98 : vector<1000x1xf32> to vector<1000x128xf32>
    %mul3A_104 = arith.mulf %mul3A_103, %add3A_56 : vector<1000x128xf32>
    %div3A_105 = arith.divf %mul3A_102, %sqrt3A_90 : vector<1000x1xf32>
    %mul3A_106 = vector.broadcast %div3A_105 : vector<1000x1xf32> to vector<1000x128xf32>
    %mul3A_107 = arith.mulf %mul3A_106, %add3A_75 : vector<1000x128xf32>
    %add3A_108 = arith.addf %mul3A_104, %mul3A_107 : vector<1000x128xf32>
    %slice3A_109 = vector.extract_strided_slice %add3A_108 {offsets = [0, 0], sizes = [1000, 1], strides = [1, 1]} : vector<1000x128xf32> to vector<1000x1xf32>
    %max3A_110 = arith.constant 1.000010e+00 : f32
    %max3A_111 = vector.broadcast %max3A_110 : f32 to vector<1000x1xf32>
    %max3A_112 = arith.maximumf %slice3A_109, %max3A_111 : vector<1000x1xf32>
    %mul3A_113 = vector.broadcast %sub3A_4 : vector<1x128xf32> to vector<1000x128xf32>
    %mul3A_114 = arith.mulf %add3A_108, %mul3A_113 : vector<1000x128xf32>
    %mul3A_115 = arith.mulf %mul3A_114, %mul3A_114 : vector<1000x128xf32>
    %reduce_sum3A_116 = arith.constant dense<0.000000e+00> : vector<1000xf32>
    %reduce_sum3A_117 = vector.multi_reduction <add>, %mul3A_115, %reduce_sum3A_116 [1] : vector<1000x128xf32> to vector<1000xf32>
    %broadcast_in_dim3A_118 = vector.shape_cast %reduce_sum3A_117 : vector<1000xf32> to vector<1000x1xf32>
    %max3A_119 = arith.constant 9.99999996E-13 : f32
    %max3A_120 = vector.broadcast %max3A_119 : f32 to vector<1000x1xf32>
    %max3A_121 = arith.maximumf %broadcast_in_dim3A_118, %max3A_120 : vector<1000x1xf32>
    %sqrt3A_122 = math.sqrt %max3A_121 : vector<1000x1xf32>
    %sub3A_123 = arith.constant 1.000000e+00 : f32
    %sub3A_124 = vector.broadcast %sub3A_123 : f32 to vector<1000x1xf32>
    %sub3A_125 = arith.subf %max3A_112, %sub3A_124 : vector<1000x1xf32>
    %add3A_126 = arith.constant 1.000000e+00 : f32
    %add3A_127 = vector.broadcast %add3A_126 : f32 to vector<1000x1xf32>
    %add3A_128 = arith.addf %max3A_112, %add3A_127 : vector<1000x1xf32>
    %mul3A_129 = arith.mulf %sub3A_125, %add3A_128 : vector<1000x1xf32>
    %sqrt3A_130 = math.sqrt %mul3A_129 : vector<1000x1xf32>
    %add3A_131 = arith.addf %max3A_112, %sqrt3A_130 : vector<1000x1xf32>
    %log3A_132 = math.log %add3A_131 : vector<1000x1xf32>
    %div3A_133 = arith.divf %log3A_132, %sqrt3A_122 : vector<1000x1xf32>
    %mul3A_134 = vector.broadcast %div3A_133 : vector<1000x1xf32> to vector<1000x128xf32>
    %mul3A_135 = arith.mulf %mul3A_134, %mul3A_114 : vector<1000x128xf32>
    %get3A_136 = arith.constant 0 : index
    %get3A_137 = arith.constant 0 : index
    %get3A_138 = vector.load %arg4[%get3A_136, %get3A_137] : memref<128x128xf32, #tpu.memory_space<vmem>>, vector<128x128xf32>
    %dot_general3A_139 = arith.constant dense<0.000000e+00> : vector<1000x128xf32>
    %dot_general3A_140 = tpu.matmul %mul3A_135, %get3A_138, %dot_general3A_139 {dimension_numbers = #tpu.dot_dimension_numbers<[1], [0], [0], [1], [0, 0, 1, 1], [], []>, transpose_lhs_hint = false} : vector<1000x128xf32>, vector<128x128xf32>, vector<1000x128xf32> -> vector<1000x128xf32>
    %get3A_141 = arith.constant 0 : index
    %get3A_142 = arith.constant 0 : index
    %get3A_143 = vector.load %arg6[%get3A_141, %get3A_142] : memref<1x128xf32, #tpu.memory_space<vmem>>, vector<1x128xf32>
    %add3A_144 = vector.broadcast %get3A_143 : vector<1x128xf32> to vector<1000x128xf32>
    %add3A_145 = arith.addf %dot_general3A_140, %add3A_144 : vector<1000x128xf32>
    %get3A_146 = arith.constant 0 : index
    %get3A_147 = arith.constant 0 : index
    %get3A_148 = vector.load %arg5[%get3A_146, %get3A_147] : memref<128x128xf32, #tpu.memory_space<vmem>>, vector<128x128xf32>
    %dot_general3A_149 = arith.constant dense<0.000000e+00> : vector<1000x128xf32>
    %dot_general3A_150 = tpu.matmul %mul3A_135, %get3A_148, %dot_general3A_149 {dimension_numbers = #tpu.dot_dimension_numbers<[1], [0], [0], [1], [0, 0, 1, 1], [], []>, transpose_lhs_hint = false} : vector<1000x128xf32>, vector<128x128xf32>, vector<1000x128xf32> -> vector<1000x128xf32>
    %swap3A = arith.constant 0 : index
    %swap3A_151 = arith.constant 0 : index
    %swap3A_152 = vector.load %arg7[%swap3A, %swap3A_151] : memref<1000x256xf32, #tpu.memory_space<vmem>>, vector<1000x128xf32>
    tpu.vector_store %arg7[%swap3A, %swap3A_151], %add3A_108 {strides = array<i32>} : memref<1000x256xf32, #tpu.memory_space<vmem>>, vector<1000x128xf32>,
    %swap3A_153 = arith.constant 0 : index
    %swap3A_154 = arith.constant 128 : index
    %swap3A_155 = vector.load %arg7[%swap3A_153, %swap3A_154] : memref<1000x256xf32, #tpu.memory_space<vmem>>, vector<1000x128xf32>
    tpu.vector_store %arg7[%swap3A_153, %swap3A_154], %add3A_145 {strides = array<i32>} : memref<1000x256xf32, #tpu.memory_space<vmem>>, vector<1000x128xf32>,
    %swap3A_156 = arith.constant 0 : index
    %swap3A_157 = arith.constant 0 : index
    %swap3A_158 = vector.load %arg8[%swap3A_156, %swap3A_157] : memref<1000x256xf32, #tpu.memory_space<vmem>>, vector<1000x128xf32>
    tpu.vector_store %arg8[%swap3A_156, %swap3A_157], %add3A_108 {strides = array<i32>} : memref<1000x256xf32, #tpu.memory_space<vmem>>, vector<1000x128xf32>,
    %swap3A_159 = arith.constant 0 : index
    %swap3A_160 = arith.constant 128 : index
    %swap3A_161 = vector.load %arg8[%swap3A_159, %swap3A_160] : memref<1000x256xf32, #tpu.memory_space<vmem>>, vector<1000x128xf32>
    tpu.vector_store %arg8[%swap3A_159, %swap3A_160], %dot_general3A_150 {strides = array<i32>} : memref<1000x256xf32, #tpu.memory_space<vmem>>, vector<1000x128xf32>,
    return
  }
  func.func @transform_0(%arg0: i32) -> (i32, i32) {
    %c0_i32 = arith.constant 0 : i32
    %c0_i32_0 = arith.constant 0 : i32
    return %arg0, %c0_i32 : i32, i32
  }
  func.func @transform_1(%arg0: i32) -> (i32, i32) {
    %c0_i32 = arith.constant 0 : i32
    %c0_i32_0 = arith.constant 0 : i32
    %c0_i32_1 = arith.constant 0 : i32
    return %c0_i32, %c0_i32_0 : i32, i32
  }
  func.func @transform_2(%arg0: i32) -> (i32, i32) {
    %c0_i32 = arith.constant 0 : i32
    %c0_i32_0 = arith.constant 0 : i32
    %c0_i32_1 = arith.constant 0 : i32
    return %c0_i32, %c0_i32_0 : i32, i32
  }
  func.func @transform_3(%arg0: i32) -> (i32, i32) {
    %c0_i32 = arith.constant 0 : i32
    %c0_i32_0 = arith.constant 0 : i32
    %c0_i32_1 = arith.constant 0 : i32
    return %c0_i32, %c0_i32_0 : i32, i32
  }
  func.func @transform_4(%arg0: i32) -> (i32, i32) {
    %c0_i32 = arith.constant 0 : i32
    %c0_i32_0 = arith.constant 0 : i32
    %c0_i32_1 = arith.constant 0 : i32
    return %c0_i32, %c0_i32_0 : i32, i32
  }
  func.func @transform_5(%arg0: i32) -> (i32, i32) {
    %c0_i32 = arith.constant 0 : i32
    %c0_i32_0 = arith.constant 0 : i32
    %c0_i32_1 = arith.constant 0 : i32
    return %c0_i32, %c0_i32_0 : i32, i32
  }
  func.func @transform_6(%arg0: i32) -> (i32, i32) {
    %c0_i32 = arith.constant 0 : i32
    %c0_i32_0 = arith.constant 0 : i32
    return %arg0, %c0_i32 : i32, i32
  }
  func.func @transform_7(%arg0: i32) -> (i32, i32) {
    %c0_i32 = arith.constant 0 : i32
    %c0_i32_0 = arith.constant 0 : i32
    return %arg0, %c0_i32 : i32, i32
  }
}

module attributes {stable_mosaic.version = 14 : i64} {
  func.func @_stage3_body(%arg0: i32, %arg1: memref<1000x256xf32, #tpu.memory_space<vmem>>, %arg2: memref<1000x128xf32, #tpu.memory_space<vmem>>, %arg3: memref<1000x128xf32, #tpu.memory_space<vmem>>, %arg4: memref<1x128xf32, #tpu.memory_space<vmem>>, %arg5: memref<1x128xf32, #tpu.memory_space<vmem>>, %arg6: memref<1000x128xf32, #tpu.memory_space<vmem>>) attributes {dimension_semantics = [#tpu.dimension_semantics<arbitrary>], iteration_bounds = array<i64: 10>, scalar_prefetch = 0 : i64, scratch_operands = 0 : i64, tpu.core_type = #tpu.core_type<tc>, window_params = [{transform_indices = @transform_0, window_bounds = array<i64: 1000, 256>}, {transform_indices = @transform_1, window_bounds = array<i64: 1000, 128>}, {transform_indices = @transform_2, window_bounds = array<i64: 1000, 128>}, {pipeline_mode = #tpu.pipeline_mode<synchronous>, transform_indices = @transform_3, window_bounds = array<i64: 1, 128>}, {pipeline_mode = #tpu.pipeline_mode<synchronous>, transform_indices = @transform_4, window_bounds = array<i64: 1, 128>}, {transform_indices = @transform_5, window_bounds = array<i64: 1000, 128>}]} {
    %iota3A = tpu.iota {dimensions = array<i32: 1>} : vector<1x128xi32>
    %eq3A = arith.constant 0 : i32
    %eq3A_0 = vector.broadcast %eq3A : i32 to vector<1x128xi32>
    %eq3A_1 = arith.cmpi eq, %iota3A, %eq3A_0 : vector<1x128xi32>
    %convert_element_type3A = arith.extui %eq3A_1 : vector<1x128xi1> to vector<1x128xi32>
    %convert_element_type3A_2 = arith.sitofp %convert_element_type3A : vector<1x128xi32> to vector<1x128xf32>
    %sub3A = arith.constant 1.000000e+00 : f32
    %sub3A_3 = vector.broadcast %sub3A : f32 to vector<1x128xf32>
    %sub3A_4 = arith.subf %sub3A_3, %convert_element_type3A_2 : vector<1x128xf32>
    %get3A = arith.constant 0 : index
    %get3A_5 = arith.constant 0 : index
    %get3A_6 = vector.load %arg1[%get3A, %get3A_5] : memref<1000x256xf32, #tpu.memory_space<vmem>>, vector<1000x128xf32>
    %get3A_7 = arith.constant 0 : index
    %get3A_8 = arith.constant 0 : index
    %get3A_9 = vector.load %arg2[%get3A_7, %get3A_8] : memref<1000x128xf32, #tpu.memory_space<vmem>>, vector<1000x128xf32>
    %get3A_10 = arith.constant 0 : index
    %get3A_11 = arith.constant 0 : index
    %get3A_12 = vector.load %arg3[%get3A_10, %get3A_11] : memref<1000x128xf32, #tpu.memory_space<vmem>>, vector<1000x128xf32>
    %add3A = arith.addf %get3A_9, %get3A_12 : vector<1000x128xf32>
    %mul3A = arith.constant 0.00999999977 : f32
    %mul3A_13 = vector.broadcast %mul3A : f32 to vector<1000x128xf32>
    %mul3A_14 = arith.mulf %add3A, %mul3A_13 : vector<1000x128xf32>
    %mul3A_15 = arith.mulf %get3A_6, %mul3A_14 : vector<1000x128xf32>
    %reduce_sum3A = arith.constant dense<0.000000e+00> : vector<1000xf32>
    %reduce_sum3A_16 = vector.multi_reduction <add>, %mul3A_15, %reduce_sum3A [1] : vector<1000x128xf32> to vector<1000xf32>
    %broadcast_in_dim3A = vector.shape_cast %reduce_sum3A_16 : vector<1000xf32> to vector<1000x1xf32>
    %slice3A = vector.extract_strided_slice %get3A_6 {offsets = [0, 0], sizes = [1000, 1], strides = [1, 1]} : vector<1000x128xf32> to vector<1000x1xf32>
    %mul3A_17 = arith.constant 2.000000e+00 : f32
    %mul3A_18 = vector.broadcast %mul3A_17 : f32 to vector<1000x1xf32>
    %mul3A_19 = arith.mulf %mul3A_18, %slice3A : vector<1000x1xf32>
    %slice3A_20 = vector.extract_strided_slice %mul3A_14 {offsets = [0, 0], sizes = [1000, 1], strides = [1, 1]} : vector<1000x128xf32> to vector<1000x1xf32>
    %mul3A_21 = arith.mulf %mul3A_19, %slice3A_20 : vector<1000x1xf32>
    %sub3A_22 = arith.subf %broadcast_in_dim3A, %mul3A_21 : vector<1000x1xf32>
    %mul3A_23 = vector.broadcast %sub3A_22 : vector<1000x1xf32> to vector<1000x128xf32>
    %mul3A_24 = arith.mulf %mul3A_23, %get3A_6 : vector<1000x128xf32>
    %add3A_25 = arith.addf %mul3A_14, %mul3A_24 : vector<1000x128xf32>
    %mul3A_26 = arith.mulf %add3A_25, %add3A_25 : vector<1000x128xf32>
    %reduce_sum3A_27 = arith.constant dense<0.000000e+00> : vector<1000xf32>
    %reduce_sum3A_28 = vector.multi_reduction <add>, %mul3A_26, %reduce_sum3A_27 [1] : vector<1000x128xf32> to vector<1000xf32>
    %broadcast_in_dim3A_29 = vector.shape_cast %reduce_sum3A_28 : vector<1000xf32> to vector<1000x1xf32>
    %slice3A_30 = vector.extract_strided_slice %add3A_25 {offsets = [0, 0], sizes = [1000, 1], strides = [1, 1]} : vector<1000x128xf32> to vector<1000x1xf32>
    %mul3A_31 = arith.constant 2.000000e+00 : f32
    %mul3A_32 = vector.broadcast %mul3A_31 : f32 to vector<1000x1xf32>
    %mul3A_33 = arith.mulf %mul3A_32, %slice3A_30 : vector<1000x1xf32>
    %slice3A_34 = vector.extract_strided_slice %add3A_25 {offsets = [0, 0], sizes = [1000, 1], strides = [1, 1]} : vector<1000x128xf32> to vector<1000x1xf32>
    %mul3A_35 = arith.mulf %mul3A_33, %slice3A_34 : vector<1000x1xf32>
    %sub3A_36 = arith.subf %broadcast_in_dim3A_29, %mul3A_35 : vector<1000x1xf32>
    %max3A = arith.constant 9.99999996E-13 : f32
    %max3A_37 = vector.broadcast %max3A : f32 to vector<1000x1xf32>
    %max3A_38 = arith.maximumf %sub3A_36, %max3A_37 : vector<1000x1xf32>
    %sqrt3A = math.sqrt %max3A_38 : vector<1000x1xf32>
    %exp3A = math.exp %sqrt3A : vector<1000x1xf32>
    %div3A = arith.constant 1.000000e+00 : f32
    %div3A_39 = vector.broadcast %div3A : f32 to vector<1000x1xf32>
    %div3A_40 = arith.divf %div3A_39, %exp3A : vector<1000x1xf32>
    %add3A_41 = arith.addf %exp3A, %div3A_40 : vector<1000x1xf32>
    %mul3A_42 = arith.constant 5.000000e-01 : f32
    %mul3A_43 = vector.broadcast %mul3A_42 : f32 to vector<1000x1xf32>
    %mul3A_44 = arith.mulf %mul3A_43, %add3A_41 : vector<1000x1xf32>
    %sub3A_45 = arith.subf %exp3A, %div3A_40 : vector<1000x1xf32>
    %mul3A_46 = arith.constant 5.000000e-01 : f32
    %mul3A_47 = vector.broadcast %mul3A_46 : f32 to vector<1000x1xf32>
    %mul3A_48 = arith.mulf %mul3A_47, %sub3A_45 : vector<1000x1xf32>
    %mul3A_49 = vector.broadcast %mul3A_44 : vector<1000x1xf32> to vector<1000x128xf32>
    %mul3A_50 = arith.mulf %mul3A_49, %get3A_6 : vector<1000x128xf32>
    %div3A_51 = arith.divf %mul3A_48, %sqrt3A : vector<1000x1xf32>
    %mul3A_52 = vector.broadcast %div3A_51 : vector<1000x1xf32> to vector<1000x128xf32>
    %mul3A_53 = arith.mulf %mul3A_52, %add3A_25 : vector<1000x128xf32>
    %add3A_54 = arith.addf %mul3A_50, %mul3A_53 : vector<1000x128xf32>
    %slice3A_55 = vector.extract_strided_slice %add3A_54 {offsets = [0, 0], sizes = [1000, 1], strides = [1, 1]} : vector<1000x128xf32> to vector<1000x1xf32>
    %max3A_56 = arith.constant 1.000010e+00 : f32
    %max3A_57 = vector.broadcast %max3A_56 : f32 to vector<1000x1xf32>
    %max3A_58 = arith.maximumf %slice3A_55, %max3A_57 : vector<1000x1xf32>
    %mul3A_59 = vector.broadcast %sub3A_4 : vector<1x128xf32> to vector<1000x128xf32>
    %mul3A_60 = arith.mulf %add3A_54, %mul3A_59 : vector<1000x128xf32>
    %mul3A_61 = arith.mulf %mul3A_60, %mul3A_60 : vector<1000x128xf32>
    %reduce_sum3A_62 = arith.constant dense<0.000000e+00> : vector<1000xf32>
    %reduce_sum3A_63 = vector.multi_reduction <add>, %mul3A_61, %reduce_sum3A_62 [1] : vector<1000x128xf32> to vector<1000xf32>
    %broadcast_in_dim3A_64 = vector.shape_cast %reduce_sum3A_63 : vector<1000xf32> to vector<1000x1xf32>
    %max3A_65 = arith.constant 9.99999996E-13 : f32
    %max3A_66 = vector.broadcast %max3A_65 : f32 to vector<1000x1xf32>
    %max3A_67 = arith.maximumf %broadcast_in_dim3A_64, %max3A_66 : vector<1000x1xf32>
    %sqrt3A_68 = math.sqrt %max3A_67 : vector<1000x1xf32>
    %sub3A_69 = arith.constant 1.000000e+00 : f32
    %sub3A_70 = vector.broadcast %sub3A_69 : f32 to vector<1000x1xf32>
    %sub3A_71 = arith.subf %max3A_58, %sub3A_70 : vector<1000x1xf32>
    %add3A_72 = arith.constant 1.000000e+00 : f32
    %add3A_73 = vector.broadcast %add3A_72 : f32 to vector<1000x1xf32>
    %add3A_74 = arith.addf %max3A_58, %add3A_73 : vector<1000x1xf32>
    %mul3A_75 = arith.mulf %sub3A_71, %add3A_74 : vector<1000x1xf32>
    %sqrt3A_76 = math.sqrt %mul3A_75 : vector<1000x1xf32>
    %add3A_77 = arith.addf %max3A_58, %sqrt3A_76 : vector<1000x1xf32>
    %log3A = math.log %add3A_77 : vector<1000x1xf32>
    %div3A_78 = arith.divf %log3A, %sqrt3A_68 : vector<1000x1xf32>
    %mul3A_79 = vector.broadcast %div3A_78 : vector<1000x1xf32> to vector<1000x128xf32>
    %mul3A_80 = arith.mulf %mul3A_79, %mul3A_60 : vector<1000x128xf32>
    %reduce_sum3A_81 = arith.constant dense<0.000000e+00> : vector<1000xf32>
    %reduce_sum3A_82 = vector.multi_reduction <add>, %mul3A_80, %reduce_sum3A_81 [1] : vector<1000x128xf32> to vector<1000xf32>
    %broadcast_in_dim3A_83 = vector.shape_cast %reduce_sum3A_82 : vector<1000xf32> to vector<1000x1xf32>
    %div3A_84 = arith.constant 1.270000e+02 : f32
    %div3A_85 = vector.broadcast %div3A_84 : f32 to vector<1000x1xf32>
    %div3A_86 = arith.divf %broadcast_in_dim3A_83, %div3A_85 : vector<1000x1xf32>
    %sub3A_87 = vector.broadcast %div3A_86 : vector<1000x1xf32> to vector<1000x128xf32>
    %sub3A_88 = arith.subf %mul3A_80, %sub3A_87 : vector<1000x128xf32>
    %sub3A_89 = vector.broadcast %div3A_86 : vector<1000x1xf32> to vector<1000x128xf32>
    %sub3A_90 = arith.subf %mul3A_80, %sub3A_89 : vector<1000x128xf32>
    %mul3A_91 = arith.mulf %sub3A_88, %sub3A_90 : vector<1000x128xf32>
    %reduce_sum3A_92 = arith.constant dense<0.000000e+00> : vector<1000xf32>
    %reduce_sum3A_93 = vector.multi_reduction <add>, %mul3A_91, %reduce_sum3A_92 [1] : vector<1000x128xf32> to vector<1000xf32>
    %broadcast_in_dim3A_94 = vector.shape_cast %reduce_sum3A_93 : vector<1000xf32> to vector<1000x1xf32>
    %mul3A_95 = arith.mulf %div3A_86, %div3A_86 : vector<1000x1xf32>
    %sub3A_96 = arith.subf %broadcast_in_dim3A_94, %mul3A_95 : vector<1000x1xf32>
    %div3A_97 = arith.constant 1.270000e+02 : f32
    %div3A_98 = vector.broadcast %div3A_97 : f32 to vector<1000x1xf32>
    %div3A_99 = arith.divf %sub3A_96, %div3A_98 : vector<1000x1xf32>
    %sub3A_100 = vector.broadcast %div3A_86 : vector<1000x1xf32> to vector<1000x128xf32>
    %sub3A_101 = arith.subf %mul3A_80, %sub3A_100 : vector<1000x128xf32>
    %add3A_102 = arith.constant 9.99999974E-6 : f32
    %add3A_103 = vector.broadcast %add3A_102 : f32 to vector<1000x1xf32>
    %add3A_104 = arith.addf %div3A_99, %add3A_103 : vector<1000x1xf32>
    %sqrt3A_105 = math.sqrt %add3A_104 : vector<1000x1xf32>
    %div3A_106 = vector.broadcast %sqrt3A_105 : vector<1000x1xf32> to vector<1000x128xf32>
    %div3A_107 = arith.divf %sub3A_101, %div3A_106 : vector<1000x128xf32>
    %get3A_108 = arith.constant 0 : index
    %get3A_109 = arith.constant 0 : index
    %get3A_110 = vector.load %arg4[%get3A_108, %get3A_109] : memref<1x128xf32, #tpu.memory_space<vmem>>, vector<1x128xf32>
    %mul3A_111 = vector.broadcast %get3A_110 : vector<1x128xf32> to vector<1000x128xf32>
    %mul3A_112 = arith.mulf %div3A_107, %mul3A_111 : vector<1000x128xf32>
    %get3A_113 = arith.constant 0 : index
    %get3A_114 = arith.constant 0 : index
    %get3A_115 = vector.load %arg5[%get3A_113, %get3A_114] : memref<1x128xf32, #tpu.memory_space<vmem>>, vector<1x128xf32>
    %add3A_116 = vector.broadcast %get3A_115 : vector<1x128xf32> to vector<1000x128xf32>
    %add3A_117 = arith.addf %mul3A_112, %add3A_116 : vector<1000x128xf32>
    %mul3A_118 = arith.mulf %add3A_117, %add3A_117 : vector<1000x128xf32>
    %reduce_sum3A_119 = arith.constant dense<0.000000e+00> : vector<1000xf32>
    %reduce_sum3A_120 = vector.multi_reduction <add>, %mul3A_118, %reduce_sum3A_119 [1] : vector<1000x128xf32> to vector<1000xf32>
    %broadcast_in_dim3A_121 = vector.shape_cast %reduce_sum3A_120 : vector<1000xf32> to vector<1000x1xf32>
    %max3A_122 = arith.constant 9.99999996E-13 : f32
    %max3A_123 = vector.broadcast %max3A_122 : f32 to vector<1000x1xf32>
    %max3A_124 = arith.maximumf %broadcast_in_dim3A_121, %max3A_123 : vector<1000x1xf32>
    %sqrt3A_125 = math.sqrt %max3A_124 : vector<1000x1xf32>
    %exp3A_126 = math.exp %sqrt3A_125 : vector<1000x1xf32>
    %div3A_127 = arith.constant 1.000000e+00 : f32
    %div3A_128 = vector.broadcast %div3A_127 : f32 to vector<1000x1xf32>
    %div3A_129 = arith.divf %div3A_128, %exp3A_126 : vector<1000x1xf32>
    %add3A_130 = arith.addf %exp3A_126, %div3A_129 : vector<1000x1xf32>
    %mul3A_131 = arith.constant 5.000000e-01 : f32
    %mul3A_132 = vector.broadcast %mul3A_131 : f32 to vector<1000x1xf32>
    %mul3A_133 = arith.mulf %mul3A_132, %add3A_130 : vector<1000x1xf32>
    %sub3A_134 = arith.subf %exp3A_126, %div3A_129 : vector<1000x1xf32>
    %mul3A_135 = arith.constant 5.000000e-01 : f32
    %mul3A_136 = vector.broadcast %mul3A_135 : f32 to vector<1000x1xf32>
    %mul3A_137 = arith.mulf %mul3A_136, %sub3A_134 : vector<1000x1xf32>
    %div3A_138 = arith.divf %mul3A_137, %sqrt3A_125 : vector<1000x1xf32>
    %mul3A_139 = vector.broadcast %div3A_138 : vector<1000x1xf32> to vector<1000x128xf32>
    %mul3A_140 = arith.mulf %mul3A_139, %add3A_117 : vector<1000x128xf32>
    %mul3A_141 = vector.broadcast %mul3A_133 : vector<1000x1xf32> to vector<1000x128xf32>
    %mul3A_142 = vector.broadcast %convert_element_type3A_2 : vector<1x128xf32> to vector<1000x128xf32>
    %mul3A_143 = arith.mulf %mul3A_141, %mul3A_142 : vector<1000x128xf32>
    %add3A_144 = arith.addf %mul3A_140, %mul3A_143 : vector<1000x128xf32>
    %slice3A_145 = vector.extract_strided_slice %add3A_144 {offsets = [0, 0], sizes = [1000, 1], strides = [1, 1]} : vector<1000x128xf32> to vector<1000x1xf32>
    %max3A_146 = arith.constant 1.000010e+00 : f32
    %max3A_147 = vector.broadcast %max3A_146 : f32 to vector<1000x1xf32>
    %max3A_148 = arith.maximumf %slice3A_145, %max3A_147 : vector<1000x1xf32>
    %mul3A_149 = vector.broadcast %sub3A_4 : vector<1x128xf32> to vector<1000x128xf32>
    %mul3A_150 = arith.mulf %add3A_144, %mul3A_149 : vector<1000x128xf32>
    %mul3A_151 = arith.mulf %mul3A_150, %mul3A_150 : vector<1000x128xf32>
    %reduce_sum3A_152 = arith.constant dense<0.000000e+00> : vector<1000xf32>
    %reduce_sum3A_153 = vector.multi_reduction <add>, %mul3A_151, %reduce_sum3A_152 [1] : vector<1000x128xf32> to vector<1000xf32>
    %broadcast_in_dim3A_154 = vector.shape_cast %reduce_sum3A_153 : vector<1000xf32> to vector<1000x1xf32>
    %max3A_155 = arith.constant 9.99999996E-13 : f32
    %max3A_156 = vector.broadcast %max3A_155 : f32 to vector<1000x1xf32>
    %max3A_157 = arith.maximumf %broadcast_in_dim3A_154, %max3A_156 : vector<1000x1xf32>
    %sqrt3A_158 = math.sqrt %max3A_157 : vector<1000x1xf32>
    %sub3A_159 = arith.constant 1.000000e+00 : f32
    %sub3A_160 = vector.broadcast %sub3A_159 : f32 to vector<1000x1xf32>
    %sub3A_161 = arith.subf %max3A_148, %sub3A_160 : vector<1000x1xf32>
    %add3A_162 = arith.constant 1.000000e+00 : f32
    %add3A_163 = vector.broadcast %add3A_162 : f32 to vector<1000x1xf32>
    %add3A_164 = arith.addf %max3A_148, %add3A_163 : vector<1000x1xf32>
    %mul3A_165 = arith.mulf %sub3A_161, %add3A_164 : vector<1000x1xf32>
    %sqrt3A_166 = math.sqrt %mul3A_165 : vector<1000x1xf32>
    %add3A_167 = arith.addf %max3A_148, %sqrt3A_166 : vector<1000x1xf32>
    %log3A_168 = math.log %add3A_167 : vector<1000x1xf32>
    %div3A_169 = arith.divf %log3A_168, %sqrt3A_158 : vector<1000x1xf32>
    %mul3A_170 = vector.broadcast %div3A_169 : vector<1000x1xf32> to vector<1000x128xf32>
    %mul3A_171 = arith.mulf %mul3A_170, %mul3A_150 : vector<1000x128xf32>
    %neg3A = arith.constant 0.000000e+00 : f32
    %neg3A_172 = vector.broadcast %neg3A : f32 to vector<1000x128xf32>
    %neg3A_173 = arith.subf %neg3A_172, %mul3A_171 : vector<1000x128xf32>
    %exp3A_174 = math.exp %neg3A_173 : vector<1000x128xf32>
    %add3A_175 = arith.constant 1.000000e+00 : f32
    %add3A_176 = vector.broadcast %add3A_175 : f32 to vector<1000x128xf32>
    %add3A_177 = arith.addf %add3A_176, %exp3A_174 : vector<1000x128xf32>
    %div3A_178 = arith.divf %mul3A_171, %add3A_177 : vector<1000x128xf32>
    %mul3A_179 = vector.broadcast %sub3A_4 : vector<1x128xf32> to vector<1000x128xf32>
    %mul3A_180 = arith.mulf %div3A_178, %mul3A_179 : vector<1000x128xf32>
    %mul3A_181 = arith.mulf %mul3A_180, %mul3A_180 : vector<1000x128xf32>
    %reduce_sum3A_182 = arith.constant dense<0.000000e+00> : vector<1000xf32>
    %reduce_sum3A_183 = vector.multi_reduction <add>, %mul3A_181, %reduce_sum3A_182 [1] : vector<1000x128xf32> to vector<1000xf32>
    %broadcast_in_dim3A_184 = vector.shape_cast %reduce_sum3A_183 : vector<1000xf32> to vector<1000x1xf32>
    %max3A_185 = arith.constant 9.99999996E-13 : f32
    %max3A_186 = vector.broadcast %max3A_185 : f32 to vector<1000x1xf32>
    %max3A_187 = arith.maximumf %broadcast_in_dim3A_184, %max3A_186 : vector<1000x1xf32>
    %sqrt3A_188 = math.sqrt %max3A_187 : vector<1000x1xf32>
    %exp3A_189 = math.exp %sqrt3A_188 : vector<1000x1xf32>
    %div3A_190 = arith.constant 1.000000e+00 : f32
    %div3A_191 = vector.broadcast %div3A_190 : f32 to vector<1000x1xf32>
    %div3A_192 = arith.divf %div3A_191, %exp3A_189 : vector<1000x1xf32>
    %add3A_193 = arith.addf %exp3A_189, %div3A_192 : vector<1000x1xf32>
    %mul3A_194 = arith.constant 5.000000e-01 : f32
    %mul3A_195 = vector.broadcast %mul3A_194 : f32 to vector<1000x1xf32>
    %mul3A_196 = arith.mulf %mul3A_195, %add3A_193 : vector<1000x1xf32>
    %sub3A_197 = arith.subf %exp3A_189, %div3A_192 : vector<1000x1xf32>
    %mul3A_198 = arith.constant 5.000000e-01 : f32
    %mul3A_199 = vector.broadcast %mul3A_198 : f32 to vector<1000x1xf32>
    %mul3A_200 = arith.mulf %mul3A_199, %sub3A_197 : vector<1000x1xf32>
    %div3A_201 = arith.divf %mul3A_200, %sqrt3A_188 : vector<1000x1xf32>
    %mul3A_202 = vector.broadcast %div3A_201 : vector<1000x1xf32> to vector<1000x128xf32>
    %mul3A_203 = arith.mulf %mul3A_202, %mul3A_180 : vector<1000x128xf32>
    %mul3A_204 = vector.broadcast %mul3A_196 : vector<1000x1xf32> to vector<1000x128xf32>
    %mul3A_205 = vector.broadcast %convert_element_type3A_2 : vector<1x128xf32> to vector<1000x128xf32>
    %mul3A_206 = arith.mulf %mul3A_204, %mul3A_205 : vector<1000x128xf32>
    %add3A_207 = arith.addf %mul3A_203, %mul3A_206 : vector<1000x128xf32>
    %swap3A = arith.constant 0 : index
    %swap3A_208 = arith.constant 0 : index
    %swap3A_209 = vector.load %arg6[%swap3A, %swap3A_208] : memref<1000x128xf32, #tpu.memory_space<vmem>>, vector<1000x128xf32>
    tpu.vector_store %arg6[%swap3A, %swap3A_208], %add3A_207 {strides = array<i32>} : memref<1000x128xf32, #tpu.memory_space<vmem>>, vector<1000x128xf32>,
    return
  }
  func.func @transform_0(%arg0: i32) -> (i32, i32) {
    %c0_i32 = arith.constant 0 : i32
    %c0_i32_0 = arith.constant 0 : i32
    return %arg0, %c0_i32 : i32, i32
  }
  func.func @transform_1(%arg0: i32) -> (i32, i32) {
    %c0_i32 = arith.constant 0 : i32
    %c0_i32_0 = arith.constant 0 : i32
    return %arg0, %c0_i32 : i32, i32
  }
  func.func @transform_2(%arg0: i32) -> (i32, i32) {
    %c0_i32 = arith.constant 0 : i32
    %c0_i32_0 = arith.constant 0 : i32
    return %arg0, %c0_i32 : i32, i32
  }
  func.func @transform_3(%arg0: i32) -> (i32, i32) {
    %c0_i32 = arith.constant 0 : i32
    %c0_i32_0 = arith.constant 0 : i32
    %c0_i32_1 = arith.constant 0 : i32
    return %c0_i32, %c0_i32_0 : i32, i32
  }
  func.func @transform_4(%arg0: i32) -> (i32, i32) {
    %c0_i32 = arith.constant 0 : i32
    %c0_i32_0 = arith.constant 0 : i32
    %c0_i32_1 = arith.constant 0 : i32
    return %c0_i32, %c0_i32_0 : i32, i32
  }
  func.func @transform_5(%arg0: i32) -> (i32, i32) {
    %c0_i32 = arith.constant 0 : i32
    %c0_i32_0 = arith.constant 0 : i32
    return %arg0, %c0_i32 : i32, i32
  }
}

</mosaic_0001>

<sc_bundles>
// kernel: kernel.5.cloned.1.call-start
scs
__scs_entry_jumppad:
0x0: {  	(pc) =	sbr.rel $0x88, $3  }
0x1: {  	(tag) =	ssettag $0x0;
	lr =	simm.s32 $0x1  }
0x2: {  	[smem:$0x3F96] =	sst lr;
	_ =	strace $0xD0000000  }
0x3: {  	_ = 	snop  }
0x4: {  	_ = 	snop  }
0x5: {  	_ = 	snop  }
0x6: {  	_ = 	snop  }
0x7: {  	_ = 	snop  }
__scs_overlays_trampoline_lowered:
0x8: {  	[smem:$0x3FA5] =	sst s0  }
0x9: {  	[smem:$0x3FA6] =	sst s1  }
0xa: {  	[smem:$0x3FA7] =	sst s2  }
0xb: {  	[smem:$0x3FA8] =	sst s3  }
0xc: {  	[smem:$0x3FA9] =	sst s4  }
0xd: {  	[smem:$0x3FAA] =	sst s5  }
0xe: {  	[smem:$0x3FAB] =	sst s6  }
0xf: {  	[smem:$0x3FAC] =	sst s7  }
0x10: {  	[smem:$0x3FAD] =	sst s8  }
0x11: {  	[smem:$0x3FAE] =	sst s9;
	s0 =	simm.s32 @!p0 $0x0  }
0x12: {  	s1 =	sld [smem:$0x3F94];
	s0 =	simm.s32 @p0 $0x1  }
0x13: {  	[smem:$0x3FAF] =	sst s0;
	s0 =	simm.s32 @!p1 $0x0  }
0x14: {  	s2 =	sld [smem:$0x3F93];
	s0 =	simm.s32 @p1 $0x1  }
0x15: {  	[smem:$0x3FB0] =	sst s0;
	s0 =	simm.s32 @!p2 $0x0  }
0x16: {  	s3 =	sld [smem:$0x3FDB];
	s0 =	simm.s32 @p2 $0x1  }
0x17: {  	s4 =	simm.s32 $0x1BF5;
	[smem:$0x3FB2] =	sst s0  }
0x18: {  	s0 =	sld [smem:$0x3F95];
	_ =	swait.ge [sflag:s4], $0x0  }
0x19: {  	s7 =	sld [smem:$0x3F96]  }
0x1a: {  	s8 =	sadd.s32 $0xFFFFE003, lr  }
0x1b: {  	s9 =	sadd.s32 $0xFFFFFEF7, lr;
	s5 =	simm.s32 $0xFFFFFFFF;
	p2 =	slt.u32 s8, $0xFFFFF086  }
0x1c: {  	p1 =	slt.u32 s9, $0xF7A;
	s5 =	simm.s32 @!p2 $0x0  }
0x1d: {  	s5 =	simm.s32 @p1 $0x1;
	p0 =	seq.s32 s7, s2  }
0x1e: {  	s7 =	smul.u32 @!p0 $0xF7A, s2;
	p2 =	seq.s32 @!p0 s5, $0x0  }
0x1f: {  	s9 =	smul.u32 $0xF7A, s1;
	s8 =	simm.s32 @!p0 $0x1BF5;
	p2 =	por !p2, p0  }
0x20: {  	[sflag:s8] =	ssyncset.s32 @!p0 $0xFFFFF086;
	s6 =	sadd.s32 @!p0 s3, s7;
	s7 =	simm.s32 @!p0 $0x108  }
0x21: {  	s3 =	sadd.s32 s3, s9;
	s6 =	sadd.s32 @!p0 $0x88, s6;
	s7 =	simm.s32 @p2 $0x1082  }
0x22: {  	[simem:s7], [sflag:s8] =	dma.local @!p0 [hbm:s6], $0xF7A  }
0x23: {  	s9 =	sor.u32 $0xD0000000, s2;
	s6 =	simm.s32 $0x108;
	_ =	swait.ge @!p0 [sflag:s8], $0x0  }
0x24: {  	s3 =	sadd.s32 $0x88, s3;
	s6 =	simm.s32 @!p1 $0x1082;
	[sflag:s4] =	ssyncset.s32 $0xFFFFF086  }
0x25: {  	[simem:s6], [sflag:s4] =	dma.local [hbm:s3], $0xF7A  }
0x26: {  	[smem:$0x3F96] =	sst s1;
	(tag) =	ssettag s2;
	_ =	strace s9  }
0x27: {  	s1 =	sld [smem:$0x3FA6]  }
0x28: {  	s2 =	sld [smem:$0x3FA7]  }
0x29: {  	s4 =	sld [smem:$0x3FA9]  }
0x2a: {  	p0 =	seq.s32 s5, $0x0;
	s5 =	sld [smem:$0x3FAA]  }
0x2b: {  	s6 =	sld [smem:$0x3FAB]  }
0x2c: {  	s7 =	sld [smem:$0x3FAC]  }
0x2d: {  	s3 =	simm.s32 $0x108;
	s8 =	sld [smem:$0x3FAD]  }
0x2e: {  	s3 =	simm.s32 @!p0 $0x1082;
	s9 =	sld [smem:$0x3FAE]  }
0x2f: {  	lr =	sadd.s32 s0, s3;
	s0 =	sld [smem:$0x3FA5]  }
0x30: {  	s3 =	sld [smem:$0x3FA8]  }
0x31: {  	[smem:$0x3FB1] =	sst s10  }
0x32: {  	s10 =	sld [smem:$0x3FAF];
	_ =	sdelay $0x3  }
0x33: {  	p0 =	seq.s32 s10, $0x1;
	s10 =	sld [smem:$0x3FB1];
	_ =	sdelay $0x3  }
0x34: {  	[smem:$0x3FB1] =	sst s10  }
0x35: {  	s10 =	sld [smem:$0x3FB0];
	_ =	sdelay $0x3  }
0x36: {  	p1 =	seq.s32 s10, $0x1;
	s10 =	sld [smem:$0x3FB1];
	_ =	sdelay $0x3  }
0x37: {  	[smem:$0x3FB1] =	sst s10  }
0x38: {  	s10 =	sld [smem:$0x3FB2]  }
0x39: {  	_ = 	snop;
	(pc) =	sbr.ind lr, $3  }
0x3a: {  	_ = 	snop  }
0x3b: {  	_ = 	snop  }
0x3c: {  	p2 =	seq.s32 s10, $0x1;
	s10 =	sld [smem:$0x3FB1]  }
0x3d: {  	_ =	shalt  }
0x3e: {  	_ =	shalt  }
0x3f: {  	_ =	shalt  }
0x40: {  	_ =	shalt  }
0x41: {  	_ =	shalt  }
0x42: {  	_ =	shalt  }
0x43: {  	_ =	shalt  }
0x44: {  	_ =	shalt  }
0x45: {  	_ =	shalt  }
0x46: {  	_ =	shalt  }
0x47: {  	_ =	shalt  }
0x48: {  	_ =	shalt  }
0x49: {  	_ =	shalt  }
0x4a: {  	_ =	shalt  }
0x4b: {  	_ =	shalt  }
0x4c: {  	_ =	shalt  }
0x4d: {  	_ =	shalt  }
0x4e: {  	_ =	shalt  }
0x4f: {  	_ =	shalt  }
0x50: {  	_ =	shalt  }
0x51: {  	_ =	shalt  }
0x52: {  	_ =	shalt  }
0x53: {  	_ =	shalt  }
0x54: {  	_ =	shalt  }
0x55: {  	_ =	shalt  }
0x56: {  	_ =	shalt  }
0x57: {  	_ =	shalt  }
0x58: {  	_ =	shalt  }
0x59: {  	_ =	shalt  }
0x5a: {  	_ =	shalt  }
0x5b: {  	_ =	shalt  }
0x5c: {  	_ =	shalt  }
0x5d: {  	_ =	shalt  }
0x5e: {  	_ =	shalt  }
0x5f: {  	_ =	shalt  }
0x60: {  	_ =	shalt  }
0x61: {  	_ =	shalt  }
0x62: {  	_ =	shalt  }
0x63: {  	_ =	shalt  }
0x64: {  	_ =	shalt  }
0x65: {  	_ =	shalt  }
0x66: {  	_ =	shalt  }
0x67: {  	_ =	shalt  }
0x68: {  	_ =	shalt  }
0x69: {  	_ =	shalt  }
0x6a: {  	_ =	shalt  }
0x6b: {  	_ =	shalt  }
0x6c: {  	_ =	shalt  }
0x6d: {  	_ =	shalt  }
0x6e: {  	_ =	shalt  }
0x6f: {  	_ =	shalt  }
0x70: {  	_ =	shalt  }
0x71: {  	_ =	shalt  }
0x72: {  	_ =	shalt  }
0x73: {  	_ =	shalt  }
0x74: {  	_ =	shalt  }
0x75: {  	_ =	shalt  }
0x76: {  	_ =	shalt  }
0x77: {  	_ =	shalt  }
0x78: {  	_ =	shalt  }
0x79: {  	_ =	shalt  }
0x7a: {  	_ =	shalt  }
0x7b: {  	_ =	shalt  }
0x7c: {  	_ =	shalt  }
0x7d: {  	_ =	shalt  }
0x7e: {  	_ =	shalt  }
0x7f: {  	_ =	shalt  }
0x80: {  	_ =	shalt  }
0x81: {  	_ =	shalt  }
0x82: {  	_ =	shalt  }
0x83: {  	_ =	shalt  }
0x84: {  	_ =	shalt  }
0x85: {  	_ =	shalt  }
0x86: {  	_ =	shalt  }
0x87: {  	_ =	shalt  }
.Lfunc_end0:
.L_simem_size_0:
called_computation_lowered:
.L_overlay_start_0:
0x88: {  	s2 =	sld [smem:$0x3FD9]  }
0x89: {  	s3 =	sld [smem:$0x3FFE];
	_ =	sdelay $0x1  }
0x8a: {  	s1 =	srdreg.scid  }
0x8b: {  	s0 =	sand.u32 $0x1, s1  }
0x8c: {  	s17 =	sshll.u32 s0, $0xA;
	s2 =	sadd.s32 s3, s2  }
0x8d: {  	s2 =	sadd.s32 s2, s17  }
0x8e: {  	[smem:$0x3FBD] =	sst s2  }
0x8f: {  	_ = 	snop  }
0x90: {  	s2 =	sld [smem:$0x3FD0];
	(tm) =	ssettm $0x1  }
0x91: {  	s18 =	sld [smem:$0x3FFB];
	_ =	sdelay $0x3  }
0x92: {  	_ =	strace s18  }
0x93: {  	s3 =	sld [smem:$0x3FFC];
	_ =	sdelay $0x3  }
0x94: {  	_ =	strace s3  }
0x95: {  	s3 =	sld [smem:$0x3FFD];
	_ =	sdelay $0x3  }
0x96: {  	_ =	strace s3  }
0x97: {  	_ =	strace $0x8FFFFFFF  }
0x98: {  	s19 =	sld [smem:$0x3FDB];
	_ =	sdelay $0x1  }
0x99: {  	s4 =	simm.s32 $_scs_section_size  }
0x9a: {  	s5 =	simm.s32 $_size__tile_overlayer_lowered;
	s6 =	simm.s32 $_tile_overlayer_lowered  }
0x9b: {  	s22 =	simm.s32 $0x1BFF;
	s21 =	sshll.u32 s6, $0x1;
	s3 =	sadd.s32 s4, s19  }
0x9c: {  	s7 =	simm.s32 $0x0;
	s20 =	sshll.u32 s5, $0x1;
	s5 =	sadd.s32 s21, s3  }
0x9d: {  	[timem:s7], [sflag:s22] =	dma.local [hbm:s5], s20  }
0x9e: {  	_ =	swait.ge [sflag:s22], s20  }
0x9f: {  	s4 =	ssub.s32 $0x0, s20;
	[sflag:s22] =	ssyncset.done $0x0  }
0xa0: {  	[sflag:s22] =	ssyncadd.s32 s4;
	_ =	sdelay $0x1  }
0xa1: {  	s23 =	simm.s32 $0x1B8B  }
0xa2: {  	_ =	swait.ge [sflag:s23], $0x1  }
0xa3: {  	[sflag:s23] =	ssyncset.done $0x0  }
0xa4: {  	s25 =	simm.s32 $0x1B8E;
	s24 =	sld [smem:$0x3FFE];
	[sflag:s23] =	ssyncadd.s32 $0xFFFFFFFF  }
0xa5: {  	s26 =	simm.s32 $execute0_lowered;
	[smem:$0x3FD2] =	sst s25  }
0xa6: {  	s5 =	sshll.u32 s26, $0x1;
	_ =	strace $0x80000046;
	[dreg:$0x1] =	wrdreg $0xFFFFFFFF  }
0xa7: {  	s28 =	simm.s32 $_size_execute0_lowered;
	s3 =	sadd.s32 s3, s5;
	[dreg:$0x0] =	wrdreg $0x0  }
0xa8: {  	s5 =	sshll.u32 s28, $0x1;
	[dreg:$0x2] =	wrdreg s3  }
0xa9: {  	[dreg:$0x3] =	wrdreg s5  }
0xaa: {  	[dreg:$0x4] =	wrdreg $0xC0  }
0xab: {  	_ =	task [dreg:s7], $0x5FFFF  }
0xac: {  	[dreg:$0x1] =	wrdreg $0xFFFFFFFF  }
0xad: {  	[dreg:$0x0] =	wrdreg $0x60  }
0xae: {  	[dreg:$0x2] =	wrdreg s24  }
0xaf: {  	[dreg:$0x3] =	wrdreg s2  }
0xb0: {  	[dreg:$0x4] =	wrdreg $0xBE000  }
0xb1: {  	[dreg:$0x5] =	wrdreg $0x9  }
0xb2: {  	_ =	task.clear_ibuf [dreg:s7], $0x6FFFF;
	_ =	strace $0x90000046  }
0xb3: {  	s29 =	simm.s32 $0x9;
	_ =	strace $0x80000048  }
0xb4: {  	_ =	swait.ge [sflag:s29], $0x1  }
0xb5: {  	[sflag:s29] =	ssyncadd.s32 $0xFFFFFFFF  }
0xb6: {  	_ =	strace $0x90000048  }
0xb7: {  	_ =	sfence  }
0xb8: {  	s30 =	sld [smem:$0x0];
	_ =	sdelay $0x2  }
0xb9: {  	s31 =	sshll.u32 s1, $0xD;
	s1 =	sshrl.u32 s1, $0x2  }
0xba: {  	s3 =	sand.u32 $0x4000, s31;
	s1 =	sadd.s32 s1, s30  }
0xbb: {  	s0 =	sor.u32 s3, s0;
	s1 =	sshll.u32 s1, $0x11  }
0xbc: {  	s0 =	sor.u32 s1, s0  }
0xbd: {  	s0 =	sadd.s32 $0x8F2B, s0  }
0xbe: {  	[sflag:s0] =	ssyncadd.remote.s32 $0x1  }
0xbf: {  	_ =	sfence.sel $0xFFFF  }
0xc0: {  	[dreg:$0x0] =	wrdreg $0xFFFFFFFF;
	(pc) =	sbr.abs _section_cstart, $3  }
0xc1: {  	[dreg:$0x1] =	wrdreg $0xFFFFFFFF  }
0xc2: {  	_ =	task.clear_ibuf [dreg:s7], $0x2FFFF;
	_ =	strace $0x9FFFFFFF  }
0xc3: {  	(tm) =	ssettm $0x7FFFFFFF  }
tec
execute0_lowered:
.L_overlay_start_1:
0x0: {  	(tag) =	ssettag $0x1  }
0x1: {  	s0 =	rddreg [dreg:$0x0]  }
0x2: {  	s1 =	rddreg [dreg:$0x1]  }
0x3: {  	s2 =	rddreg [dreg:$0x2]  }
0x4: {  	s3 =	srdreg.scid;
	s4 =	simm.s32 $0x0;
	s12 =	stileid.u32  }
0x5: {  	s28 =	simm.s32 $0x5;
	s14 =	simm.s32 $0x2;
	s15 =	simm.s32 $0x28  }
0x6: {  	s3 =	sand.u32 $0x1, s3;
	[smem:$0x7FF] =	sst s4;
	s9 =	smul.u32 $0x13800, s12  }
0x7: {  	s5 =	sadd.s32 $0x63E00, s0;
	s6 =	sadd.s32 $0x15C00, s0;
	s7 =	sadd.s32 $0x1E00, s0  }
0x8: {  	s10 =	sadd.s32 $0x15A00, s0;
	s11 =	smul.u32 $0x4E000, s12;
	p0 =	seq.s32 s12, $0xF  }
0x9: {  	s29 =	simm.s32 $0x7;
	s8 =	smul.u32 $0x138800, s3;
	_ =	strace $0x80000047  }
0xa: {  	[dreg:$0x4] =	wrdreg s10;
	s17 =	ssub.s32 $0x2, s3;
	s3 =	sshll.u32 s3, $0x4  }
0xb: {  	s18 =	sshrl.u32 s17, $0x1;
	s3 =	sor.u32 s12, s3;
	s12 =	simm.s32 $0x50  }
0xc: {  	v0 =	vlaneseq.u32;
	v3 =	vimm.s32 $0xEFCDAB89;
	v4 =	vimm.s32 $0x67452301;
	s19 =	sshrl.u32 s11, $0x2;
	s3 =	smul.u32 $0x2710, s3;
	s12 =	simm.s32 @!p0 $0x4E  }
0xd: {  	v5 =	vimm.s32 $0x54761032;
	v6 =	vimm.s32 $0xBA98FEDC;
	v7 =	vimm.s32 $0x32107654;
	s9 =	sadd.s32 s9, s8;
	s16 =	sadd.s32 s19, s2;
	[dreg:$0x5] =	wrdreg s12  }
0xe: {  	vm0 =	vmmov $0xffff;
	v8 =	vimm.s32 $0x76543210;
	vm1 =	vcmask $0x300;
	s8 =	sadd.s32 $0xBC00, s0;
	[dreg:$0x6] =	wrdreg s16;
	s25 =	sadd.s32 $0x50, s3  }
0xf: {  	v26 =	vimm.s32 $0x0;
	v1 =	vand.u32 $0x7, v0;
	v2 =	vshrl.u32 v0, $0x3;
	s20 =	sshrl.u32 s3, $0x3;
	s26 =	sadd.s32 $0x78, s3;
	[dreg:$0xd] =	wrdreg s25  }
0x10: {  	v3 =	vunpack.c.l.s4.s8 v3;
	v60 =	vunpack.c.l.s4.s8 v4;
	v4 =	vimm.s32 $0xDCFE98BA;
	s9 =	sshrl.u32 s9, $0x3;
	s13 =	sadd.s32 s7, s20;
	[dreg:$0xe] =	wrdreg s26  }
0x11: {  	v0 =	vor.u32 $0x8, v0;
	v5 =	vunpack.c.l.s4.s8 v5;
	v4 =	vunpack.c.l.s4.s8 v4;
	s0 =	sadd.s32 s9, s0;
	s22 =	sadd.s32 s1, s20;
	[dreg:$0x7] =	wrdreg s13  }
0x12: {  	v6 =	vunpack.c.l.s4.s8 v6;
	v8 =	vunpack.c.l.s4.s8 v8;
	v59 =	vmul.u32 $0x8, v2;
	s9 =	ssub.s32 s17, s18;
	s10 =	sadd.s32 s8, s20;
	[dreg:$0x8] =	wrdreg s22  }
0x13: {  	v61 =	vunpack.c.0.s8.s32 v4;
	v4 =	vunpack.c.l.s4.s8 v7;
	v7 =	vimm.s32 $0xFEDCBA98;
	s21 =	sadd.s32 $0x28, s3;
	s30 =	smax.u32 s9, $0x1;
	[dreg:$0x9] =	wrdreg s10  }
0x14: {  	[tilespmem:$0x1FFE0] =	vst v0;
	v3 =	vunpack.c.0.s8.s32 v3;
	v0 =	vunpack.c.0.s8.s32 v60;
	v7 =	vunpack.c.l.s4.s8 v7;
	s11 =	sshrl.u32 s21, $0x3;
	s0 =	sadd.s32 $0xB2000, s0;
	[dreg:$0xf] =	wrdreg s30  }
0x15: {  	s31 =	simm.s32 $0x0;
	v5 =	vunpack.c.0.s8.s32 v5;
	v6 =	vunpack.c.0.s8.s32 v6;
	v4 =	vunpack.c.0.s8.s32 v4;
	s23 =	sadd.s32 s7, s11;
	[dreg:$0x10] =	wrdreg s0  }
0x16: {  	v62 =	vunpack.c.0.s8.s32 v8;
	v0 =	vcombine.low v0, v3;
	s17 =	simm.s32 $0xA400;
	v10 =	vunpack.c.0.s8.s32 v7;
	s1 =	sadd.s32 s1, s11;
	[dreg:$0xa] =	wrdreg s23  }
0x17: {  	[tilespmem:$0x1FFC0] =	vst v1;
	v3 =	vcombine.low v5, v61;
	s18 =	simm.s32 $0x4;
	s24 =	sadd.s32 s8, s11;
	v9 =	vcombine.low v4, v6;
	v4 =	vimm.f32 $1.000000000e+00;
	[dreg:$0xb] =	wrdreg s1  }
0x18: {  	[tilespmem:$0x1FFD0] =	vst v59;
	v27 =	vand.u32 $0xF, v0;
	s20 =	simm.s32 $0x3;
	s13 =	simm.s32 $0x1;
	[dreg:$0xc] =	wrdreg s24;
	v59 =	vsel vm1, $0xBF800000, v4;
	v63 =	vand.u32 $0xF, v10  }
0x19: {  	v6 =	vand.u32 $0xF, v3;
	s23 =	simm.s32 $0x8;
	s24 =	simm.s32 $0xBA00;
	s1 =	simm.s32 $0x0;
	v7 =	vand.u32 $0xF, v9;
	v8 =	vcombine.low v63, v62;
	[tilespmem:$0x1FFF0] =	vst v59  }
.LBB2_1:
0x1a: {  	[dreg:$0x11] =	wrdreg s1  }
0x1b: {  	s0 =	rddreg [dreg:$0x4];
	s30 =	simm.s32 $0xB800  }
0x1c: {  	[tilespmem:s30], [sflag:$0x8] =	stream.linear.gather [hbm4b:s0+s4], $0x200, $0x38;
	[tilespmem:$0x1F680] =	vst v63  }
0x1d: {  	_ =	swait.ge [sflag:s23], $0x200  }
0x1e: {  	[sflag:s23] =	ssyncset.done $0x0  }
0x1f: {  	v0 =	vimm.f32 $0.0e+00;
	[sflag:s23] =	ssyncadd.s32 $0xFFFFFE00  }
0x20: {  	[tilespmem:$0xBA00] =	vst v0  }
0x21: {  	[tilespmem:$0xBA10] =	vst v0  }
0x22: {  	[tilespmem:$0xBA20] =	vst v0  }
0x23: {  	[tilespmem:$0xBA30] =	vst v0  }
0x24: {  	[tilespmem:$0xBA40] =	vst v0  }
0x25: {  	[tilespmem:$0xBA50] =	vst v0  }
0x26: {  	[tilespmem:$0xBA60] =	vst v0  }
0x27: {  	[tilespmem:$0xBA70] =	vst v0  }
0x28: {  	[tilespmem:$0xBA80] =	vst v0  }
0x29: {  	[tilespmem:$0xBA90] =	vst v0  }
0x2a: {  	[tilespmem:$0xBAA0] =	vst v0  }
0x2b: {  	[tilespmem:$0xBAB0] =	vst v0  }
0x2c: {  	[tilespmem:$0xBAC0] =	vst v0  }
0x2d: {  	[tilespmem:$0xBAD0] =	vst v0  }
0x2e: {  	[tilespmem:$0xBAE0] =	vst v0  }
0x2f: {  	[tilespmem:$0xBAF0] =	vst v0  }
0x30: {  	[tilespmem:$0xBB00] =	vst v0  }
0x31: {  	[tilespmem:$0xBB10] =	vst v0  }
0x32: {  	[tilespmem:$0xBB20] =	vst v0  }
0x33: {  	[tilespmem:$0xBB30] =	vst v0  }
0x34: {  	[tilespmem:$0xBB40] =	vst v0  }
0x35: {  	[tilespmem:$0xBB50] =	vst v0  }
0x36: {  	[tilespmem:$0xBB60] =	vst v0  }
0x37: {  	[tilespmem:$0xBB70] =	vst v0  }
0x38: {  	[tilespmem:$0xBB80] =	vst v0  }
0x39: {  	[tilespmem:$0xBB90] =	vst v0  }
0x3a: {  	[tilespmem:$0xBBA0] =	vst v0  }
0x3b: {  	[tilespmem:$0xBBB0] =	vst v0  }
0x3c: {  	[tilespmem:$0xBBC0] =	vst v0  }
0x3d: {  	[tilespmem:$0xBBD0] =	vst v0  }
0x3e: {  	[tilespmem:$0xBBE0] =	vst v0  }
0x3f: {  	[tilespmem:$0xBBF0] =	vst v0  }
0x40: {  	[tilespmem:$0xBC00] =	vst v0  }
0x41: {  	[tilespmem:$0xBC10] =	vst v0  }
0x42: {  	[tilespmem:$0xBC20] =	vst v0  }
0x43: {  	[tilespmem:$0xBC30] =	vst v0  }
0x44: {  	[tilespmem:$0xBC40] =	vst v0  }
0x45: {  	[tilespmem:$0xBC50] =	vst v0  }
0x46: {  	[tilespmem:$0xBC60] =	vst v0  }
0x47: {  	[tilespmem:$0xBC70] =	vst v0  }
0x48: {  	v24 =	vld [tilespmem:$0xB800];
	[tilespmem:$0xBC80] =	vst v0  }
0x49: {  	v25 =	vld [tilespmem:$0xB810];
	[tilespmem:$0xBC90] =	vst v0  }
0x4a: {  	v35 =	vld [tilespmem:$0xB820];
	[tilespmem:$0xBCA0] =	vst v0  }
0x4b: {  	v45 =	vld [tilespmem:$0xB830];
	[tilespmem:$0xBCB0] =	vst v0  }
0x4c: {  	v17 =	vld [tilespmem:$0xB840];
	[tilespmem:$0xBCC0] =	vst v0  }
0x4d: {  	v15 =	vld [tilespmem:$0xB850];
	[tilespmem:$0xBCD0] =	vst v0  }
0x4e: {  	v16 =	vld [tilespmem:$0xB860];
	[tilespmem:$0xBCE0] =	vst v0  }
0x4f: {  	v18 =	vld [tilespmem:$0xB870];
	[tilespmem:$0xBCF0] =	vst v0  }
0x50: {  	v21 =	vld [tilespmem:$0xB880];
	[tilespmem:$0xBD00] =	vst v0  }
0x51: {  	v30 =	vld [tilespmem:$0xB890];
	[tilespmem:$0xBD10] =	vst v0  }
0x52: {  	v63 =	vld [tilespmem:$0xB8A0];
	[tilespmem:$0xBD20] =	vst v0  }
0x53: {  	v1 =	vld [tilespmem:$0xB8B0];
	[tilespmem:$0xBD30] =	vst v0  }
0x54: {  	v5 =	vld [tilespmem:$0xB8C0];
	[tilespmem:$0xBD40] =	vst v0  }
0x55: {  	v31 =	vld [tilespmem:$0xB8D0];
	[tilespmem:$0xBD50] =	vst v0  }
0x56: {  	v2 =	vld [tilespmem:$0xB8E0];
	[tilespmem:$0xBD60] =	vst v0  }
0x57: {  	v3 =	vld [tilespmem:$0xB8F0];
	[tilespmem:$0xBD70] =	vst v0  }
0x58: {  	v4 =	vld [tilespmem:$0xB900];
	[tilespmem:$0xBD80] =	vst v0  }
0x59: {  	v19 =	vld [tilespmem:$0xB910];
	[tilespmem:$0xBD90] =	vst v0  }
0x5a: {  	v29 =	vld [tilespmem:$0xB920];
	[tilespmem:$0xBDA0] =	vst v0  }
0x5b: {  	v9 =	vld [tilespmem:$0xB930];
	[tilespmem:$0xBDB0] =	vst v0  }
0x5c: {  	[tilespmem:$0xBDC0] =	vst v0;
	v14 =	vld [tilespmem:$0xB980]  }
0x5d: {  	v10 =	vld [tilespmem:$0xB940];
	[tilespmem:$0xBDD0] =	vst v0  }
0x5e: {  	p0 =	sne.s32 s12, $0x1;
	v11 =	vld [tilespmem:$0xB950];
	[tilespmem:$0xBDE0] =	vst v0  }
.Ltmp0:
0x5f: {  	v12 =	vld [tilespmem:$0xB960];
	[tilespmem:$0xBDF0] =	vst v0;
	(pc) =	sbr.rel @!p0 .LBB2_3-.Ltmp0, $4  }
0x60: {  	v13 =	vld [tilespmem:$0xB970];
	[spmem:s16] =	stream.linear.scatter [tilespmem:s24], [sflag:$0x8], $0x400, $0x38  }
0x61: {  	[tilespmem:$0x1FFB0] =	vst v14  }
0x62: {  	_ =	swait.ge [sflag:s23], $0x400  }
0x63: {  	s3 =	smov.u32 s16;
	s0 =	sadd.s32 $0xFFFFFFFF, s12;
	[sflag:s23] =	ssyncset.done $0x0  }
.LBB2_2:
0x64: {  	p1 =	sne.s32 s0, $0x1;
	[sflag:s23] =	ssyncadd.s32 $0xFFFFFC00;
	s3 =	sadd.s32 $0x400, s3  }
.Ltmp1:
0x65: {  	s0 =	sadd.s32 $0xFFFFFFFF, s0;
	(pc) =	sbr.rel @p1 .LBB2_2-.Ltmp1, $4  }
0x66: {  	_ = 	snop  }
0x67: {  	[spmem:s3] =	stream.linear.scatter [tilespmem:s24], [sflag:$0x8], $0x400, $0x38;
	[tilespmem:$0x1F680] =	vst v63  }
0x68: {  	_ =	swait.ge [sflag:s23], $0x400  }
0x69: {  	[sflag:s23] =	ssyncset.done $0x0  }
.LBB2_3:
0x6a: {  	[tilespmem:$0x1FE60] =	vst v12  }
0x6b: {  	[tilespmem:$0x1FE70] =	vst v11  }
0x6c: {  	[tilespmem:$0x1FE80] =	vst v10  }
0x6d: {  	[tilespmem:$0x1FE90] =	vst v9  }
0x6e: {  	[tilespmem:$0x1FEA0] =	vst v4  }
0x6f: {  	[tilespmem:$0x1FEB0] =	vst v3  }
0x70: {  	[tilespmem:$0x1FEC0] =	vst v2  }
0x71: {  	[tilespmem:$0x1FED0] =	vst v1  }
0x72: {  	[sflag:s23] =	ssyncadd.s32 $0xFFFFFC00;
	[tilespmem:$0x1FE50] =	vst v13  }
0x73: {  	[bflag:$0x0] =	sbarrier.arrive $0xFFFF  }
0x74: {  	s0 =	rddreg [dreg:$0x7]  }
0x75: {  	[tilespmem:s31], [sflag:$0x5] =	stream.linear.gather [hbm4b:s0+s31], $0x28, $0x38;
	[tilespmem:$0x1F680] =	vst v63  }
0x76: {  	s1 =	simm.s32 $0x80;
	s16 =	rddreg [dreg:$0x8]  }
0x77: {  	[tilespmem:s1], [sflag:$0x5] =	stream.linear.gather [hbm4b:s16+s31], $0x28, $0x38;
	[tilespmem:$0x1F680] =	vst v63  }
0x78: {  	s21 =	simm.s32 $0x100;
	s19 =	rddreg [dreg:$0x9]  }
0x79: {  	[tilespmem:s21], [sflag:$0x5] =	stream.linear.gather [hbm4b:s19+s31], $0x28, $0x38;
	[tilespmem:$0x1F680] =	vst v63  }
0x7a: {  	_ =	swait.ge [sflag:s28], $0x28  }
0x7b: {  	[sflag:s28] =	ssyncset.done $0x0  }
0x7c: {  	[sflag:s28] =	ssyncadd.s32 $0xFFFFFFD8  }
0x7d: {  	_ =	swait.ge [sflag:s28], $0x28  }
0x7e: {  	[sflag:s28] =	ssyncset.done $0x0  }
0x7f: {  	[sflag:s28] =	ssyncadd.s32 $0xFFFFFFD8  }
0x80: {  	_ =	swait.ge [sflag:s28], $0x28  }
0x81: {  	[sflag:s28] =	ssyncset.done $0x0  }
0x82: {  	s25 =	simm.s32 $0x180;
	s22 =	rddreg [dreg:$0xa];
	[sflag:s28] =	ssyncadd.s32 $0xFFFFFFD8  }
0x83: {  	[tilespmem:s25], [sflag:$0x6] =	stream.linear.gather [hbm4b:s22+s31], $0x28, $0x38;
	[tilespmem:$0x1F680] =	vst v63  }
0x84: {  	s30 =	simm.s32 $0x200;
	s26 =	rddreg [dreg:$0xb]  }
0x85: {  	[tilespmem:s30], [sflag:$0x6] =	stream.linear.gather [hbm4b:s26+s31], $0x28, $0x38;
	[tilespmem:$0x1F680] =	vst v63  }
0x86: {  	s3 =	simm.s32 $0x280;
	s9 =	simm.s32 $0x6;
	s1 =	rddreg [dreg:$0xc]  }
0x87: {  	[tilespmem:s3], [sflag:$0x6] =	stream.linear.gather [hbm4b:s1+s31], $0x28, $0x38;
	[tilespmem:$0x1F680] =	vst v63  }
0x88: {  	_ =	swait.ge [sflag:s9], $0x28  }
0x89: {  	[sflag:s9] =	ssyncset.done $0x0  }
0x8a: {  	[sflag:s9] =	ssyncadd.s32 $0xFFFFFFD8  }
0x8b: {  	_ =	swait.ge [sflag:s9], $0x28  }
0x8c: {  	[sflag:s9] =	ssyncset.done $0x0  }
0x8d: {  	[sflag:s9] =	ssyncadd.s32 $0xFFFFFFD8  }
0x8e: {  	_ =	swait.ge [sflag:s9], $0x28  }
0x8f: {  	[sflag:s9] =	ssyncset.done $0x0  }
0x90: {  	[sflag:s9] =	ssyncadd.s32 $0xFFFFFFD8  }
0x91: {  	v0 =	vld [tilespmem:$0x0];
	_ =	sdelay $0x2  }
0x92: {  	v61 =	vld [tilespmem:$0x1FFC0]  }
0x93: {  	v62 =	vld [tilespmem:$0x1FFD0]  }
0x94: {  	v4 =	vld [tilespmem:$0x1FFE0];
	v3 =	vshll.u32 v0, $0x1  }
0x95: {  	v0 =	vand.u32 $0x7, v0;
	v3 =	vand.u32 $0xFFFFFFF0, v3  }
0x96: {  	v0 =	vor.u32 v0, v3  }
0x97: {  	v3 =	vperm.xlane v0, v61;
	_ =	sdelay $0x1  }
0x98: {  	v0 =	vperm.xlane v0, v4;
	v3 =	vadd.s32 v62, v3;
	_ =	sdelay $0x1  }
0x99: {  	v0 =	vadd.s32 v62, v0;
	_ =	sdelay $0x1  }
0x9a: {  	s10 =	simm.s32 $0x400  }
0x9b: {  	[tilespmem:s10], [sflag:$0x1] =	stream.indirect_vreg.gather [hbm4b:s5+s31], $0x80, v3, vm0, $0xb8;
	[tilespmem:$0x1F680] =	vst v63  }
0x9c: {  	s11 =	simm.s32 $0xC00  }
0x9d: {  	[tilespmem:s11], [sflag:$0x1] =	stream.indirect_vreg.gather [hbm4b:s5+s31], $0x80, v0, vm0, $0xb8;
	[tilespmem:$0x1F680] =	vst v63  }
0x9e: {  	v0 =	vld [tilespmem:$0x10];
	_ =	sdelay $0x4  }
0x9f: {  	v3 =	vshll.u32 v0, $0x1  }
0xa0: {  	v0 =	vand.u32 $0x7, v0;
	v3 =	vand.u32 $0xFFFFFFF0, v3  }
0xa1: {  	v0 =	vor.u32 v0, v3  }
0xa2: {  	v3 =	vperm.xlane v0, v61;
	_ =	sdelay $0x1  }
0xa3: {  	v0 =	vperm.xlane v0, v4;
	v3 =	vadd.s32 v62, v3;
	_ =	sdelay $0x1  }
0xa4: {  	v0 =	vadd.s32 v62, v0;
	_ =	sdelay $0x1  }
0xa5: {  	s12 =	simm.s32 $0x1400  }
0xa6: {  	[tilespmem:s12], [sflag:$0x1] =	stream.indirect_vreg.gather [hbm4b:s5+s31], $0x80, v3, vm0, $0xb8;
	[tilespmem:$0x1F680] =	vst v63  }
0xa7: {  	s16 =	simm.s32 $0x1C00  }
0xa8: {  	[tilespmem:s16], [sflag:$0x1] =	stream.indirect_vreg.gather [hbm4b:s5+s31], $0x80, v0, vm0, $0xb8;
	[tilespmem:$0x1F680] =	vst v63  }
0xa9: {  	v0 =	vld.msk [tilespmem:$0x20], $0xff;
	_ =	sdelay $0x4  }
0xaa: {  	v3 =	vshll.u32 v0, $0x1  }
0xab: {  	v0 =	vand.u32 $0x7, v0;
	v3 =	vand.u32 $0xFFFFFFF0, v3  }
0xac: {  	v0 =	vor.u32 v0, v3  }
0xad: {  	v0 =	vperm.xlane v0, v61;
	_ =	sdelay $0x1  }
0xae: {  	v0 =	vadd.s32 v62, v0;
	_ =	sdelay $0x3  }
0xaf: {  	s19 =	simm.s32 $0x2400  }
0xb0: {  	[tilespmem:s19], [sflag:$0x1] =	stream.indirect_vreg.gather [hbm4b:s5+s31], $0x80, v0, vm0, $0xb8;
	[tilespmem:$0x1F680] =	vst v63  }
0xb1: {  	v0 =	vld [tilespmem:$0x80];
	_ =	sdelay $0x4  }
0xb2: {  	v3 =	vshll.u32 v0, $0x1  }
0xb3: {  	v0 =	vand.u32 $0x7, v0;
	v3 =	vand.u32 $0xFFFFFFF0, v3  }
0xb4: {  	v0 =	vor.u32 v0, v3  }
0xb5: {  	v3 =	vperm.xlane v0, v61;
	_ =	sdelay $0x1  }
0xb6: {  	v0 =	vperm.xlane v0, v4;
	v3 =	vadd.s32 v62, v3;
	_ =	sdelay $0x1  }
0xb7: {  	v0 =	vadd.s32 v62, v0;
	_ =	sdelay $0x1  }
0xb8: {  	s21 =	simm.s32 $0x2C00  }
0xb9: {  	[tilespmem:s21], [sflag:$0x2] =	stream.indirect_vreg.gather [hbm4b:s6+s31], $0x80, v3, vm0, $0xb8;
	[tilespmem:$0x1F680] =	vst v63  }
0xba: {  	s22 =	simm.s32 $0x3400  }
0xbb: {  	[tilespmem:s22], [sflag:$0x2] =	stream.indirect_vreg.gather [hbm4b:s6+s31], $0x80, v0, vm0, $0xb8;
	[tilespmem:$0x1F680] =	vst v63  }
0xbc: {  	v0 =	vld [tilespmem:$0x90];
	_ =	sdelay $0x4  }
0xbd: {  	v3 =	vshll.u32 v0, $0x1  }
0xbe: {  	v0 =	vand.u32 $0x7, v0;
	v3 =	vand.u32 $0xFFFFFFF0, v3  }
0xbf: {  	v0 =	vor.u32 v0, v3  }
0xc0: {  	v3 =	vperm.xlane v0, v61;
	_ =	sdelay $0x1  }
0xc1: {  	v0 =	vperm.xlane v0, v4;
	v3 =	vadd.s32 v62, v3;
	_ =	sdelay $0x1  }
0xc2: {  	v0 =	vadd.s32 v62, v0;
	_ =	sdelay $0x1  }
0xc3: {  	s25 =	simm.s32 $0x3C00  }
0xc4: {  	[tilespmem:s25], [sflag:$0x2] =	stream.indirect_vreg.gather [hbm4b:s6+s31], $0x80, v3, vm0, $0xb8;
	[tilespmem:$0x1F680] =	vst v63  }
0xc5: {  	s26 =	simm.s32 $0x4400  }
0xc6: {  	[tilespmem:s26], [sflag:$0x2] =	stream.indirect_vreg.gather [hbm4b:s6+s31], $0x80, v0, vm0, $0xb8;
	[tilespmem:$0x1F680] =	vst v63  }
0xc7: {  	v0 =	vld.msk [tilespmem:$0xA0], $0xff;
	_ =	sdelay $0x1  }
0xc8: {  	[tilespmem:$0x1FEE0] =	vst v5  }
0xc9: {  	[tilespmem:$0x1FEF0] =	vst v30  }
0xca: {  	[tilespmem:$0x1FF00] =	vst v29  }
0xcb: {  	[tilespmem:$0x1FF10] =	vst v25;
	v3 =	vshll.u32 v0, $0x1  }
0xcc: {  	[tilespmem:$0x1FF20] =	vst v24;
	v0 =	vand.u32 $0x7, v0;
	v3 =	vand.u32 $0xFFFFFFF0, v3  }
0xcd: {  	[tilespmem:$0x1FF30] =	vst v63;
	v0 =	vor.u32 v0, v3  }
0xce: {  	[tilespmem:$0x1FF40] =	vst v19;
	v0 =	vperm.xlane v0, v61  }
0xcf: {  	[tilespmem:$0x1FF50] =	vst v31  }
0xd0: {  	[tilespmem:$0x1FF60] =	vst v21;
	v0 =	vadd.s32 v62, v0  }
0xd1: {  	[tilespmem:$0x1FF70] =	vst v17  }
0xd2: {  	[tilespmem:$0x1FF80] =	vst v45  }
0xd3: {  	[tilespmem:$0x1FF90] =	vst v18  }
0xd4: {  	s30 =	simm.s32 $0x4C00;
	[tilespmem:$0x1FFA0] =	vst v35;
	s21 =	simm.s32 $0x0  }
0xd5: {  	v9 =	vmov v59;
	v10 =	vimm.s32 $0x3F800000;
	v13 =	vmov v15;
	[tilespmem:s30], [sflag:$0x2] =	stream.indirect_vreg.gather [hbm4b:s6+s31], $0x80, v0, vm0, $0xb8;
	[tilespmem:$0x1F680] =	vst v63  }
.LBB2_4:
0xd6: {  	p1 =	seq.s32 s21, $0x0  }
0xd7: {  	s0 =	simm.s32 @!p1 $0x6  }
0xd8: {  	_ =	swait.ge @!p1 [sflag:s0], $0x28  }
0xd9: {  	[sflag:s0] =	ssyncset.done @!p1 $0x0  }
0xda: {  	[sflag:s0] =	ssyncadd.s32 @!p1 $0xFFFFFFD8  }
0xdb: {  	_ =	swait.ge @!p1 [sflag:s0], $0x28  }
0xdc: {  	[sflag:s0] =	ssyncset.done @!p1 $0x0  }
0xdd: {  	[sflag:s0] =	ssyncadd.s32 @!p1 $0xFFFFFFD8  }
0xde: {  	_ =	swait.ge @!p1 [sflag:s0], $0x28  }
0xdf: {  	[sflag:s0] =	ssyncset.done @!p1 $0x0  }
0xe0: {  	[sflag:s0] =	ssyncadd.s32 @!p1 $0xFFFFFFD8  }
0xe1: {  	v0 =	vld [tilespmem:$0x180];
	_ =	sdelay $0x2  }
0xe2: {  	v1 =	vld [tilespmem:$0x1FFC0]  }
0xe3: {  	v2 =	vld [tilespmem:$0x1FFD0]  }
0xe4: {  	v4 =	vld [tilespmem:$0x1FFE0];
	v3 =	vshll.u32 v0, $0x1  }
0xe5: {  	v0 =	vand.u32 $0x7, v0;
	v3 =	vand.u32 $0xFFFFFFF0, v3  }
0xe6: {  	v0 =	vor.u32 v0, v3  }
0xe7: {  	v3 =	vperm.xlane v0, v1;
	_ =	sdelay $0x1  }
0xe8: {  	v0 =	vperm.xlane v0, v4;
	v3 =	vadd.s32 v2, v3;
	_ =	sdelay $0x1  }
0xe9: {  	v0 =	vadd.s32 v2, v0;
	_ =	sdelay $0x1  }
0xea: {  	s11 =	simm.s32 $0x5400  }
0xeb: {  	[tilespmem:s11], [sflag:$0x3] =	stream.indirect_vreg.gather [hbm4b:s5+s4], $0x80, v3, vm0, $0xb8;
	[tilespmem:$0x1F680] =	vst v63  }
0xec: {  	s12 =	simm.s32 $0x5C00  }
0xed: {  	[tilespmem:s12], [sflag:$0x3] =	stream.indirect_vreg.gather [hbm4b:s5+s4], $0x80, v0, vm0, $0xb8;
	[tilespmem:$0x1F680] =	vst v63  }
0xee: {  	v0 =	vld [tilespmem:$0x190];
	_ =	sdelay $0x4  }
0xef: {  	v3 =	vshll.u32 v0, $0x1  }
0xf0: {  	v0 =	vand.u32 $0x7, v0;
	v3 =	vand.u32 $0xFFFFFFF0, v3  }
0xf1: {  	v0 =	vor.u32 v0, v3  }
0xf2: {  	v3 =	vperm.xlane v0, v1;
	_ =	sdelay $0x1  }
0xf3: {  	v0 =	vperm.xlane v0, v4;
	v3 =	vadd.s32 v2, v3;
	_ =	sdelay $0x1  }
0xf4: {  	v0 =	vadd.s32 v2, v0;
	_ =	sdelay $0x1  }
0xf5: {  	s16 =	simm.s32 $0x6400  }
0xf6: {  	[tilespmem:s16], [sflag:$0x3] =	stream.indirect_vreg.gather [hbm4b:s5+s4], $0x80, v3, vm0, $0xb8;
	[tilespmem:$0x1F680] =	vst v63  }
0xf7: {  	s19 =	simm.s32 $0x6C00  }
0xf8: {  	[tilespmem:s19], [sflag:$0x3] =	stream.indirect_vreg.gather [hbm4b:s5+s4], $0x80, v0, vm0, $0xb8;
	[tilespmem:$0x1F680] =	vst v63  }
0xf9: {  	v0 =	vld.msk [tilespmem:$0x1A0], $0xff;
	_ =	sdelay $0x4  }
0xfa: {  	v3 =	vshll.u32 v0, $0x1  }
0xfb: {  	v0 =	vand.u32 $0x7, v0;
	v3 =	vand.u32 $0xFFFFFFF0, v3  }
0xfc: {  	v0 =	vor.u32 v0, v3  }
0xfd: {  	v0 =	vperm.xlane v0, v1;
	_ =	sdelay $0x1  }
0xfe: {  	v0 =	vadd.s32 v2, v0;
	_ =	sdelay $0x3  }
0xff: {  	s22 =	simm.s32 $0x7400  }
0x100: {  	[tilespmem:s22], [sflag:$0x3] =	stream.indirect_vreg.gather [hbm4b:s5+s4], $0x80, v0, vm0, $0xb8;
	[tilespmem:$0x1F680] =	vst v63  }
0x101: {  	v0 =	vld [tilespmem:$0x200];
	_ =	sdelay $0x4  }
0x102: {  	v3 =	vshll.u32 v0, $0x1  }
0x103: {  	v0 =	vand.u32 $0x7, v0;
	v3 =	vand.u32 $0xFFFFFFF0, v3  }
0x104: {  	v0 =	vor.u32 v0, v3  }
0x105: {  	v3 =	vperm.xlane v0, v1;
	_ =	sdelay $0x1  }
0x106: {  	v0 =	vperm.xlane v0, v4;
	v3 =	vadd.s32 v2, v3;
	_ =	sdelay $0x1  }
0x107: {  	v0 =	vadd.s32 v2, v0;
	_ =	sdelay $0x1  }
0x108: {  	s25 =	simm.s32 $0x7C00  }
0x109: {  	[tilespmem:s25], [sflag:$0x4] =	stream.indirect_vreg.gather [hbm4b:s6+s4], $0x80, v3, vm0, $0xb8;
	[tilespmem:$0x1F680] =	vst v63  }
0x10a: {  	s26 =	simm.s32 $0x8400  }
0x10b: {  	[tilespmem:s26], [sflag:$0x4] =	stream.indirect_vreg.gather [hbm4b:s6+s4], $0x80, v0, vm0, $0xb8;
	[tilespmem:$0x1F680] =	vst v63  }
0x10c: {  	v0 =	vld [tilespmem:$0x210];
	_ =	sdelay $0x4  }
0x10d: {  	v3 =	vshll.u32 v0, $0x1  }
0x10e: {  	v0 =	vand.u32 $0x7, v0;
	v3 =	vand.u32 $0xFFFFFFF0, v3  }
0x10f: {  	v0 =	vor.u32 v0, v3  }
0x110: {  	v3 =	vperm.xlane v0, v1;
	_ =	sdelay $0x1  }
0x111: {  	v0 =	vperm.xlane v0, v4;
	v3 =	vadd.s32 v2, v3;
	_ =	sdelay $0x1  }
0x112: {  	v0 =	vadd.s32 v2, v0;
	_ =	sdelay $0x1  }
0x113: {  	s30 =	simm.s32 $0x8C00  }
0x114: {  	[tilespmem:s30], [sflag:$0x4] =	stream.indirect_vreg.gather [hbm4b:s6+s4], $0x80, v3, vm0, $0xb8;
	[tilespmem:$0x1F680] =	vst v63  }
0x115: {  	s1 =	simm.s32 $0x9400  }
0x116: {  	[tilespmem:s1], [sflag:$0x4] =	stream.indirect_vreg.gather [hbm4b:s6+s4], $0x80, v0, vm0, $0xb8;
	[tilespmem:$0x1F680] =	vst v63  }
0x117: {  	v0 =	vld.msk [tilespmem:$0x220], $0xff;
	_ =	sdelay $0x4  }
0x118: {  	v3 =	vshll.u32 v0, $0x1  }
0x119: {  	v0 =	vand.u32 $0x7, v0;
	v3 =	vand.u32 $0xFFFFFFF0, v3  }
0x11a: {  	v0 =	vor.u32 v0, v3  }
0x11b: {  	v0 =	vperm.xlane v0, v1;
	_ =	sdelay $0x1  }
0x11c: {  	v0 =	vadd.s32 v2, v0;
	_ =	sdelay $0x3  }
0x11d: {  	s3 =	simm.s32 $0x9C00  }
0x11e: {  	[tilespmem:s3], [sflag:$0x4] =	stream.indirect_vreg.gather [hbm4b:s6+s4], $0x80, v0, vm0, $0xb8;
	[tilespmem:$0x1F680] =	vst v63  }
0x11f: {  	_ =	swait.ge [sflag:s13], $0x2800  }
0x120: {  	[sflag:s13] =	ssyncset.done $0x0  }
0x121: {  	[sflag:s13] =	ssyncadd.s32 $0xFFFFD800  }
0x122: {  	_ =	swait.ge [sflag:s14], $0x2800  }
0x123: {  	[sflag:s14] =	ssyncset.done $0x0  }
0x124: {  	s0 =	simm.s32 @!p1 $0x7;
	[sflag:s14] =	ssyncadd.s32 $0xFFFFD800  }
0x125: {  	_ =	swait.ge @!p1 [sflag:s0], $0x1400  }
0x126: {  	s9 =	sand.u32 $0x380, s31;
	s3 =	sand.u32 $0x3800, s31;
	[sflag:s0] =	ssyncset.done @!p1 $0x0  }
0x127: {  	s10 =	sor.u32 s9, s3;
	[sflag:s0] =	ssyncadd.s32 @!p1 $0xFFFFEC00  }
0x128: {  	v1 =	vld [tilespmem:s10+$0x400];
	_ =	sdelay $0x4  }
0x129: {  	[tilespmem:$0x1FDE0] =	vst v1  }
0x12a: {  	v2 =	vld [tilespmem:s10+$0x2C00];
	_ =	sdelay $0x4  }
0x12b: {  	[tilespmem:$0x1FE20] =	vst v2  }
0x12c: {  	v0 =	vld [tilespmem:s10+$0x410]  }
0x12d: {  	v3 =	vld [tilespmem:s10+$0x2C10]  }
0x12e: {  	v36 =	vld [tilespmem:s10+$0x420]  }
0x12f: {  	v37 =	vld [tilespmem:s10+$0x2C20]  }
0x130: {  	v39 =	vmul.f32 v2, v1;
	v38 =	vld [tilespmem:s10+$0x430]  }
0x131: {  	v40 =	vld [tilespmem:s10+$0x2C30]  }
0x132: {  	v41 =	vld [tilespmem:s10+$0x440];
	v0 =	vmul.f32 v3, v0;
	v3 =	vmul.f32 v9, v39  }
0x133: {  	v52 =	vld [tilespmem:s10+$0x2C40]  }
0x134: {  	v53 =	vld [tilespmem:s10+$0x2C50];
	v36 =	vmul.f32 v37, v36;
	v0 =	vadd.f32 v0, v3  }
0x135: {  	v3 =	vld [tilespmem:s10+$0x450]  }
0x136: {  	v54 =	vld [tilespmem:s10+$0x460];
	v38 =	vmul.f32 v40, v38;
	v0 =	vadd.f32 v36, v0  }
0x137: {  	v55 =	vld [tilespmem:s10+$0x2C60]  }
0x138: {  	v56 =	vld [tilespmem:s10+$0x470];
	v39 =	vmul.f32 v52, v41;
	v0 =	vadd.f32 v38, v0  }
0x139: {  	v57 =	vld [tilespmem:s10+$0x2C70]  }
0x13a: {  	v3 =	vmul.f32 v53, v3;
	v0 =	vadd.f32 v39, v0;
	_ =	sdelay $0x1  }
0x13b: {  	v0 =	vadd.f32 v3, v0;
	v3 =	vmul.f32 v55, v54;
	_ =	sdelay $0x1  }
0x13c: {  	v0 =	vadd.f32 v3, v0;
	v3 =	vmul.f32 v57, v56;
	_ =	sdelay $0x1  }
0x13d: {  	v0 =	vadd.f32 v3, v0;
	_ =	sdelay $0x1  }
0x13e: {  	v3 =	vperm.xlane v0, v27;
	_ =	sdelay $0x1  }
0x13f: {  	v0 =	vadd.f32 v0, v3;
	_ =	sdelay $0x1  }
0x140: {  	v3 =	vperm.xlane v0, v6;
	_ =	sdelay $0x1  }
0x141: {  	v0 =	vadd.f32 v0, v3;
	_ =	sdelay $0x1  }
0x142: {  	v3 =	vperm.xlane v0, v7;
	_ =	sdelay $0x1  }
0x143: {  	v0 =	vadd.f32 v0, v3;
	_ =	sdelay $0x1  }
0x144: {  	v3 =	vperm.xlane v0, v8;
	_ =	sdelay $0x1  }
0x145: {  	v0 =	vadd.f32 v0, v3;
	_ =	sdelay $0x1  }
0x146: {  	v0 =	vsub.f32 $0.0e+00, v0;
	_ =	sdelay $0x1  }
0x147: {  	v36 =	vmax.f32 v0, $1.000010010e+00  }
0x148: {  	v0 =	vadd.f32 $-1.000000000e+00, v36;
	v3 =	vadd.f32 $1.000000000e+00, v36;
	_ =	sdelay $0x1  }
0x149: {  	v0 =	vmul.f32 v3, v0;
	_ =	sdelay $0x1  }
0x14a: {  	v3 =	vshra.s32 v0, $0x1;
	v58 =	vmul.f32 $5.000000000e-01, v0  }
0x14b: {  	v3 =	vsub.s32 $0x5F3759DF, v3  }
0x14c: {  	v59 =	vmul.f32 v3, v58;
	_ =	sdelay $0x1  }
0x14d: {  	v38 =	vmul.f32 v3, v59;
	_ =	sdelay $0x1  }
0x14e: {  	v38 =	vsub.f32 $1.500000000e+00, v38;
	_ =	sdelay $0x1  }
0x14f: {  	v3 =	vmul.f32 v3, v38;
	_ =	sdelay $0x1  }
0x150: {  	v38 =	vmul.f32 v3, v58;
	_ =	sdelay $0x1  }
0x151: {  	v38 =	vmul.f32 v38, v3;
	_ =	sdelay $0x1  }
0x152: {  	s11 =	simm.s32 $0x80;
	s9 =	simm.s32 $0x100;
	v60 =	vsub.f32 $1.500000000e+00, v38  }
0x153: {  	s3 =	sand.u32 $0x380, s11;
	s0 =	sand.u32 $0x3800, s9  }
0x154: {  	s11 =	sor.u32 s3, s0;
	v3 =	vmul.f32 v60, v3  }
0x155: {  	v61 =	vld [tilespmem:s11+$0x410]  }
0x156: {  	v39 =	vld [tilespmem:s11+$0x2C00];
	v37 =	vmul.f32 v3, v58  }
0x157: {  	v38 =	vld [tilespmem:s11+$0x400]  }
0x158: {  	v62 =	vld [tilespmem:s11+$0x2C10];
	v37 =	vmul.f32 v37, v3;
	_ =	sdelay $0x1  }
0x159: {  	v42 =	vld [tilespmem:s11+$0x420];
	v37 =	vsub.f32 $1.500000000e+00, v37  }
0x15a: {  	v43 =	vld [tilespmem:s11+$0x2C20]  }
0x15b: {  	v44 =	vld [tilespmem:s11+$0x430];
	v46 =	vmul.f32 v39, v38;
	v1 =	vmul.f32 v37, v3  }
0x15c: {  	v47 =	vld [tilespmem:s11+$0x2C30];
	v40 =	vmul.f32 v62, v61  }
0x15d: {  	v32 =	vld [tilespmem:s11+$0x440];
	v46 =	vmul.f32 v9, v46;
	[tilespmem:$0x1FE10] =	vst v1;
	v0 =	vmul.f32 v1, v0  }
0x15e: {  	v3 =	vld [tilespmem:s11+$0x2C40]  }
0x15f: {  	v33 =	vmul.f32 v43, v42;
	v40 =	vadd.f32 v40, v46;
	v34 =	vld [tilespmem:s11+$0x450];
	v0 =	vadd.f32 v0, v36  }
0x160: {  	v48 =	vld [tilespmem:s11+$0x2C50]  }
0x161: {  	v44 =	vmul.f32 v47, v44;
	v37 =	vadd.f32 v33, v40;
	v49 =	vld [tilespmem:s11+$0x460];
	v52 =	vand.u32 $0x7FFFFF, v0  }
0x162: {  	v50 =	vld [tilespmem:s11+$0x2C60];
	vm1 =	vgt.u32 v52, $0x3504F3  }
0x163: {  	v51 =	vld [tilespmem:s11+$0x470];
	v37 =	vadd.f32 v44, v37;
	v3 =	vmul.f32 v3, v32;
	v55 =	vsel vm1, $0x3F000000, v10  }
0x164: {  	v53 =	vld [tilespmem:s11+$0x2C70];
	v42 =	vor.u32 v52, v55  }
0x165: {  	v54 =	vmul.f32 v48, v34;
	v3 =	vadd.f32 v3, v37;
	v57 =	vadd.f32 $1.000000000e+00, v42;
	_ =	sdelay $0x1  }
0x166: {  	v56 =	vmul.f32 v50, v49;
	v3 =	vadd.f32 v54, v3;
	(erf) = vrcp.f32 v57;
	_ =	sdelay $0x1  }
0x167: {  	v58 =	vmul.f32 v53, v51;
	v3 =	vadd.f32 v56, v3;
	_ =	sdelay $0x1  }
0x168: {  	v3 =	vadd.f32 v58, v3;
	_ =	sdelay $0x1  }
0x169: {  	v37 =	vperm.xlane v3, v27;
	_ =	sdelay $0x1  }
0x16a: {  	v59 =	vadd.f32 $-1.000000000e+00, v42;
	v3 =	vadd.f32 v3, v37  }
0x16b: {  	v60 =	vpop (erf)  }
0x16c: {  	v37 =	vperm.xlane v3, v6;
	v40 =	vmul.f32 v60, v59;
	_ =	sdelay $0x1  }
0x16d: {  	v3 =	vadd.f32 v3, v37;
	v41 =	vmul.f32 v40, v40;
	_ =	sdelay $0x1  }
0x16e: {  	v37 =	vperm.xlane v3, v7;
	v61 =	vmul.f32 $1.111111120e-01, v41;
	_ =	sdelay $0x1  }
0x16f: {  	v3 =	vadd.f32 v3, v37;
	v37 =	vadd.f32 $1.428571340e-01, v61;
	_ =	sdelay $0x1  }
0x170: {  	s12 =	simm.s32 $0x0;
	v4 =	vld [tilespmem:$0x1FEB0];
	v62 =	vperm.xlane v3, v8;
	v37 =	vmul.f32 v37, v41  }
0x171: {  	v11 =	vld [tilespmem:$0x1FEC0];
	s0 =	sand.u32 $0x30, s12  }
0x172: {  	s16 =	sand.u32 $0xFFFFFFF0, s31;
	v12 =	vld [tilespmem:$0x1FEA0];
	s0 =	smin.u32 s0, $0x18;
	v3 =	vadd.f32 v3, v62;
	v50 =	vadd.f32 $2.000000030e-01, v37  }
0x173: {  	v44 =	vld [tilespmem:s0+$0x100];
	s0 =	smin.u32 s16, $0x18  }
0x174: {  	v43 =	vld [tilespmem:s10+$0x3070];
	s0 =	ssub.s32 $0x0, s0;
	v3 =	vsub.f32 $0.0e+00, v3;
	v50 =	vmul.f32 v50, v41  }
0x175: {  	v46 =	vld [tilespmem:s10+$0x860];
	v34 =	vmov s0  }
0x176: {  	v32 =	vld [tilespmem:s10+$0x3060];
	v57 =	vsel vm1, $0x1, v26;
	v37 =	vmax.f32 v3, $1.000010010e+00;
	v50 =	vadd.f32 $3.333333430e-01, v50  }
0x177: {  	v55 =	vld [tilespmem:s10+$0x3040];
	v56 =	vshra.s32 v0, $0x17;
	v52 =	vadd.f32 $-1.000000000e+00, v37;
	v53 =	vadd.f32 $1.000000000e+00, v37  }
0x178: {  	v44 =	vperm.xlane v44, v34;
	v34 =	vld [tilespmem:s10+$0x3020];
	v33 =	vadd.s32 v57, v56;
	v41 =	vmul.f32 v50, v41  }
0x179: {  	v42 =	vld [tilespmem:s10+$0x870];
	v40 =	vadd.f32 v40, v40;
	v0 =	vmul.f32 v53, v52;
	v53 =	vadd.s32 $0x4B000000, v33  }
0x17a: {  	v56 =	vld [tilespmem:s10+$0x3000];
	v53 =	vadd.f32 $-8.388735000e+06, v53;
	v41 =	vadd.f32 $1.000000000e+00, v41  }
0x17b: {  	v61 =	vld [tilespmem:s10+$0x800];
	v62 =	vshra.s32 v0, $0x1;
	v58 =	vmul.f32 $5.000000000e-01, v0  }
0x17c: {  	v54 =	vld [tilespmem:s10+$0x840];
	v60 =	vsub.s32 $0x5F3759DF, v62;
	v53 =	vmul.f32 $6.931471820e-01, v53;
	v40 =	vmul.f32 v41, v40  }
0x17d: {  	v59 =	vld [tilespmem:s10+$0x810];
	v50 =	vmul.f32 v60, v58  }
0x17e: {  	v62 =	vld [tilespmem:s10+$0x3010];
	v1 =	vadd.f32 v40, v53  }
0x17f: {  	v57 =	vld [tilespmem:s10+$0x3030];
	v42 =	vadd.f32 v43, v42;
	v43 =	vadd.f32 v32, v46;
	v32 =	vmul.f32 v60, v50  }
0x180: {  	v49 =	vadd.f32 v56, v61;
	v33 =	vld [tilespmem:s10+$0x820];
	v50 =	vmul.f32 v1, v12  }
0x181: {  	v47 =	vmul.f32 v44, v4;
	v52 =	vld [tilespmem:s10+$0x830];
	v41 =	vsub.f32 $1.500000000e+00, v32  }
0x182: {  	v14 =	vld [tilespmem:$0x1FE90];
	v61 =	vmul.f32 v44, v5;
	v40 =	vadd.f32 v55, v54;
	v55 =	vadd.f32 v50, v49  }
0x183: {  	v15 =	vld [tilespmem:$0x1FED0];
	v60 =	vmul.f32 v60, v41;
	v41 =	vadd.f32 v62, v59;
	v59 =	vmul.f32 v44, v21  }
0x184: {  	v23 =	vld [tilespmem:$0x1FE80];
	v53 =	vmul.f32 v44, v11;
	v32 =	vmul.f32 v1, v19  }
0x185: {  	v51 =	vld [tilespmem:s10+$0x850];
	v46 =	vadd.f32 v34, v33;
	v33 =	vmul.f32 v1, v29;
	v55 =	vadd.f32 v55, v59  }
0x186: {  	v3 =	vld [tilespmem:s10+$0x3050];
	v52 =	vadd.f32 v57, v52;
	v34 =	vmul.f32 v44, v30;
	v41 =	vadd.f32 v32, v41  }
0x187: {  	v26 =	vld [tilespmem:$0x1FE70];
	v46 =	vadd.f32 v33, v46;
	v32 =	vmul.f32 v1, v14;
	v33 =	vsub.f32 $0.0e+00, v55  }
0x188: {  	v54 =	vmul.f32 v44, v31;
	v59 =	vmul.f32 v44, v63;
	v56 =	vadd.f32 v41, v34  }
0x189: {  	v41 =	vmul.f32 v44, v15;
	v44 =	vadd.f32 v32, v52;
	v32 =	vmul.f32 $1.442695020e+00, v33;
	_ =	sdelay $0x1  }
0x18a: {  	v3 =	vadd.f32 v3, v51;
	v34 =	vmul.f32 v1, v23;
	(erf) = vpow2.f32 v32;
	v32 =	vld [tilespmem:$0x1FE60]  }
0x18b: {  	v28 =	vld [tilespmem:$0x1FE50];
	v46 =	vadd.f32 v46, v59;
	v59 =	vmul.f32 v1, v26;
	v33 =	vsub.f32 $0.0e+00, v56  }
0x18c: {  	s19 =	simm.s32 $0x200;
	s22 =	simm.s32 $0x100;
	v44 =	vadd.f32 v44, v41;
	v40 =	vadd.f32 v34, v40  }
0x18d: {  	s3 =	sand.u32 $0x380, s22;
	s0 =	sand.u32 $0x3800, s19;
	v57 =	vmul.f32 v60, v58;
	v51 =	vsub.f32 $0.0e+00, v46;
	v3 =	vadd.f32 v59, v3  }
0x18e: {  	s0 =	sor.u32 s3, s0;
	[tilespmem:$0x1FE00] =	vst v1;
	v41 =	vmul.f32 $1.442695020e+00, v33;
	v34 =	vsub.f32 $0.0e+00, v44;
	v61 =	vadd.f32 v40, v61  }
0x18f: {  	v52 =	vld [tilespmem:s0+$0x410];
	v51 =	vmul.f32 $1.442695020e+00, v51;
	v3 =	vadd.f32 v3, v54;
	v62 =	vmul.f32 v1, v32  }
0x190: {  	v59 =	vld [tilespmem:s0+$0x2C10];
	v33 =	vmovc v63;
	(erf) = vpow2.f32 v41;
	v63 =	vsub.f32 $0.0e+00, v61;
	v1 =	vmul.f32 v1, v28  }
0x191: {  	v40 =	vld [tilespmem:s0+$0x2C00];
	(erf) = vpow2.f32 v51;
	v43 =	vadd.f32 v62, v43;
	v62 =	vmul.f32 $1.442695020e+00, v34  }
0x192: {  	v41 =	vld [tilespmem:s0+$0x400];
	v51 =	vmul.f32 v57, v60;
	v57 =	vmul.f32 $1.442695020e+00, v63;
	v1 =	vadd.f32 v1, v42  }
0x193: {  	v34 =	vsub.f32 $0.0e+00, v3;
	v42 =	vadd.f32 v43, v53;
	(erf) = vpow2.f32 v62  }
0x194: {  	(erf) = vpow2.f32 v57  }
0x195: {  	v1 =	vadd.f32 v1, v47;
	v63 =	vsub.f32 $0.0e+00, v42  }
0x196: {  	v52 =	vmul.f32 v59, v52;
	v51 =	vsub.f32 $1.500000000e+00, v51;
	v43 =	vmul.f32 $1.442695020e+00, v34  }
0x197: {  	v54 =	vmul.f32 v40, v41;
	v53 =	vld [tilespmem:s0+$0x420];
	v57 =	vsub.f32 $0.0e+00, v1;
	v34 =	vpop (erf);
	v47 =	vmul.f32 $1.442695020e+00, v63  }
0x198: {  	v51 =	vmul.f32 v51, v60;
	v62 =	vld [tilespmem:s0+$0x2C20];
	(erf) = vpow2.f32 v43;
	v59 =	vadd.f32 $1.000000000e+00, v34  }
0x199: {  	v48 =	vld [tilespmem:s0+$0x2C30];
	v34 =	vpop (erf);
	v57 =	vmul.f32 $1.442695020e+00, v57;
	(erf) = vpow2.f32 v47  }
0x19a: {  	v58 =	vmul.f32 v51, v58;
	v43 =	vld [tilespmem:s0+$0x430];
	v60 =	vadd.f32 $1.000000000e+00, v34;
	(erf) = vrcp.f32 v59  }
0x19b: {  	v54 =	vmul.f32 v9, v54;
	v50 =	vpop (erf);
	v34 =	vld [tilespmem:s0+$0x2C40];
	(erf) = vpow2.f32 v57  }
0x19c: {  	v58 =	vmul.f32 v58, v51;
	v63 =	vadd.f32 $1.000000000e+00, v50;
	v59 =	vld [tilespmem:s0+$0x440];
	(erf) = vrcp.f32 v60;
	v49 =	vpop (erf)  }
0x19d: {  	v52 =	vadd.f32 v52, v54;
	v54 =	vld [tilespmem:s0+$0x450];
	v53 =	vmul.f32 v62, v53;
	v60 =	vadd.f32 $1.000000000e+00, v49;
	v50 =	vpop (erf)  }
0x19e: {  	v58 =	vsub.f32 $1.500000000e+00, v58;
	v62 =	vld [tilespmem:s0+$0x2C50];
	(erf) = vrcp.f32 v63;
	v63 =	vadd.f32 $1.000000000e+00, v50  }
0x19f: {  	v47 =	vmul.f32 v48, v43;
	v52 =	vadd.f32 v53, v52  }
0x1a0: {  	v43 =	vmul.f32 v58, v51;
	(erf) = vrcp.f32 v60  }
0x1a1: {  	v58 =	vld [tilespmem:s0+$0x2C60];
	v47 =	vadd.f32 v47, v52;
	v34 =	vmul.f32 v34, v59;
	v60 =	vpop (erf)  }
0x1a2: {  	v57 =	vld [tilespmem:s0+$0x460];
	v0 =	vmul.f32 v43, v0;
	(erf) = vrcp.f32 v63;
	v52 =	vadd.f32 $1.000000000e+00, v60;
	v63 =	vpop (erf)  }
0x1a3: {  	v59 =	vld [tilespmem:s0+$0x470];
	v47 =	vadd.f32 v34, v47;
	v34 =	vmul.f32 v62, v54;
	v51 =	vadd.f32 $1.000000000e+00, v63;
	v50 =	vpop (erf)  }
0x1a4: {  	v2 =	vadd.f32 v0, v37;
	v60 =	vld [tilespmem:s0+$0x2C70];
	v0 =	vmul.f32 v50, v55;
	(erf) = vrcp.f32 v52;
	v62 =	vpop (erf)  }
0x1a5: {  	v47 =	vadd.f32 v34, v47;
	v52 =	vadd.f32 $1.000000000e+00, v62;
	v63 =	vpop (erf);
	(erf) = vrcp.f32 v51  }
0x1a6: {  	v22 =	vmovc v21;
	v21 =	vmovc v25;
	v34 =	vand.u32 $0x7FFFFF, v2;
	v0 =	vmul.f32 v0, v24;
	v53 =	vmul.f32 v63, v56  }
0x1a7: {  	v50 =	vmul.f32 v58, v57;
	vm1 =	vgt.u32 v34, $0x3504F3;
	v57 =	vpop (erf);
	(erf) = vrcp.f32 v52  }
0x1a8: {  	v46 =	vmul.f32 v57, v46;
	v0 =	vadd.f32 $0.0e+00, v0;
	v58 =	vmul.f32 v53, v21  }
0x1a9: {  	v59 =	vmul.f32 v60, v59;
	v60 =	vsel vm1, $0x3F000000, v10;
	v62 =	vpop (erf)  }
0x1aa: {  	v46 =	vmul.f32 v46, v35;
	v44 =	vmul.f32 v62, v44;
	v0 =	vadd.f32 v0, v58  }
0x1ab: {  	v51 =	vor.u32 v34, v60;
	v63 =	vpop (erf)  }
0x1ac: {  	v44 =	vmul.f32 v44, v45;
	v34 =	vmul.f32 v63, v61;
	v0 =	vadd.f32 v0, v46  }
0x1ad: {  	v47 =	vadd.f32 v50, v47;
	v50 =	vpop (erf)  }
0x1ae: {  	v57 =	vmul.f32 v34, v17;
	v0 =	vadd.f32 v0, v44;
	v3 =	vmul.f32 v50, v3  }
0x1af: {  	v47 =	vadd.f32 v59, v47;
	v59 =	vpop (erf)  }
0x1b0: {  	v25 =	vmovc v2;
	v2 =	vld [tilespmem:s11+$0x870];
	v42 =	vmul.f32 v59, v42;
	v0 =	vadd.f32 v0, v57;
	v3 =	vmul.f32 v3, v13  }
0x1b1: {  	v49 =	vadd.f32 $1.000000000e+00, v51;
	v61 =	vpop (erf)  }
0x1b2: {  	v1 =	vmul.f32 v61, v1;
	v0 =	vadd.f32 v0, v3;
	v3 =	vmul.f32 v42, v16  }
0x1b3: {  	s25 =	simm.s32 $0x300;
	s9 =	simm.s32 $0x180;
	v48 =	vperm.xlane v47, v27;
	(erf) = vrcp.f32 v49  }
0x1b4: {  	s12 =	sand.u32 $0x380, s9;
	s3 =	sand.u32 $0x3800, s25;
	v1 =	vmul.f32 v1, v18;
	v0 =	vadd.f32 v0, v3  }
0x1b5: {  	s25 =	sor.u32 s12, s3;
	[tilespmem:$0x1FDC0] =	vst v2;
	v58 =	vadd.f32 v47, v48  }
0x1b6: {  	v52 =	vld [tilespmem:s25+$0x440];
	v0 =	vadd.f32 v0, v1  }
0x1b7: {  	v53 =	vld [tilespmem:s25+$0x430];
	v60 =	vperm.xlane v58, v6  }
0x1b8: {  	s26 =	simm.s32 $0x1;
	v55 =	vld [tilespmem:s25+$0x2C20];
	v48 =	vperm.xlane v0, v27  }
0x1b9: {  	v20 =	vmovc v19;
	s3 =	sand.u32 $0x30, s26;
	v19 =	vmovc v5;
	v5 =	vmov v35;
	v35 =	vmov v45;
	v45 =	vld [tilespmem:s25+$0x2C30];
	v62 =	vadd.f32 v58, v60  }
0x1ba: {  	s3 =	smin.u32 s3, $0x18;
	v63 =	vadd.f32 $-1.000000000e+00, v51;
	v51 =	vld [tilespmem:s25+$0x420];
	v0 =	vadd.f32 v0, v48  }
0x1bb: {  	v44 =	vperm.xlane v62, v7;
	v1 =	vld [tilespmem:s3+$0x100]  }
0x1bc: {  	v3 =	vld [tilespmem:s25+$0x2C40];
	v34 =	vpop (erf);
	v54 =	vperm.xlane v0, v6  }
0x1bd: {  	v46 =	vld [tilespmem:s25+$0x2C00];
	v42 =	vadd.f32 v62, v44;
	v56 =	vmul.f32 v34, v63  }
0x1be: {  	v59 =	vld [tilespmem:s25+$0x2C10];
	v0 =	vadd.f32 v0, v54  }
0x1bf: {  	v58 =	vld [tilespmem:s25+$0x410];
	v49 =	vperm.xlane v42, v8;
	v60 =	vmul.f32 v56, v56  }
0x1c0: {  	v44 =	vld [tilespmem:s25+$0x400];
	[tilespmem:$0x1FDD0] =	vst v1;
	v47 =	vperm.xlane v0, v7  }
0x1c1: {  	v42 =	vadd.f32 v42, v49;
	v50 =	vmul.f32 $1.111111120e-01, v60;
	v1 =	vmul.f32 v3, v52;
	v63 =	vld [tilespmem:s11+$0x3070]  }
0x1c2: {  	v61 =	vld [tilespmem:s11+$0x860];
	v57 =	vadd.f32 v0, v47;
	v0 =	vmul.f32 v45, v53  }
0x1c3: {  	v42 =	vsub.f32 $0.0e+00, v42;
	v34 =	vadd.f32 $1.428571340e-01, v50;
	v50 =	vld [tilespmem:s11+$0x3060];
	[tilespmem:$0x1FE40] =	vst v1  }
0x1c4: {  	v62 =	vld [tilespmem:s11+$0x850];
	[tilespmem:$0x1FE30] =	vst v0;
	v0 =	vmul.f32 v55, v51  }
0x1c5: {  	v42 =	vmax.f32 v42, $1.000010010e+00  }
0x1c6: {  	v2 =	vadd.f32 $-1.000000000e+00, v42;
	v1 =	vadd.f32 $1.000000000e+00, v42;
	[tilespmem:$0x1FDF0] =	vst v0;
	v0 =	vld [tilespmem:$0x1FDC0];
	_ =	sdelay $0x1  }
0x1c7: {  	v54 =	vmul.f32 v34, v60;
	v34 =	vmul.f32 v1, v2;
	_ =	sdelay $0x1  }
0x1c8: {  	v49 =	vadd.f32 $2.000000030e-01, v54;
	v52 =	vshra.s32 v34, $0x1  }
0x1c9: {  	v54 =	vmul.f32 v59, v58;
	v59 =	vsub.s32 $0x5F3759DF, v52;
	v52 =	vadd.f32 v63, v0;
	v0 =	vld [tilespmem:$0x1FFB0]  }
0x1ca: {  	v53 =	vmul.f32 v49, v60;
	v1 =	vperm.xlane v57, v8  }
0x1cb: {  	v51 =	vld [tilespmem:s11+$0x3050]  }
0x1cc: {  	v53 =	vadd.f32 $3.333333430e-01, v53;
	v1 =	vadd.f32 v57, v1;
	v55 =	vld [tilespmem:s11+$0x840]  }
0x1cd: {  	v56 =	vadd.f32 v56, v56;
	v58 =	vld [tilespmem:s11+$0x3040]  }
0x1ce: {  	v53 =	vmul.f32 v53, v60;
	v48 =	vld [tilespmem:s11+$0x830];
	v2 =	vadd.f32 v1, v0;
	v0 =	vimm.s32 $0x0  }
0x1cf: {  	v49 =	vmul.f32 $5.000000000e-01, v34;
	v47 =	vld [tilespmem:s11+$0x3030];
	v1 =	vshra.s32 v25, $0x17;
	v0 =	vsel vm1, $0x1, v0  }
0x1d0: {  	v50 =	vadd.f32 v50, v61;
	v45 =	vld [tilespmem:s11+$0x820];
	v53 =	vadd.f32 $1.000000000e+00, v53;
	v0 =	vadd.s32 v0, v1  }
0x1d1: {  	v61 =	vld [tilespmem:s11+$0x800];
	v63 =	vmul.f32 v59, v49;
	v2 =	vsub.f32 $0.0e+00, v2;
	v0 =	vadd.s32 $0x4B000000, v0  }
0x1d2: {  	s3 =	simm.s32 $0x1;
	v53 =	vmul.f32 v53, v56;
	v56 =	vld [tilespmem:s11+$0x3000];
	v0 =	vadd.f32 $-8.388735000e+06, v0  }
0x1d3: {  	s30 =	sand.u32 $0xFFFFFFF0, s3;
	v60 =	vmul.f32 v59, v63;
	v25 =	vld [tilespmem:$0x1FDD0];
	v2 =	vmul.f32 $1.442695020e+00, v2  }
0x1d4: {  	s12 =	smin.u32 s30, $0x18;
	v3 =	vld [tilespmem:s11+$0x3020];
	v51 =	vadd.f32 v51, v62;
	v0 =	vmul.f32 $6.931471820e-01, v0  }
0x1d5: {  	s12 =	ssub.s32 $0x1, s12;
	v62 =	vmul.f32 v46, v44;
	v63 =	vld [tilespmem:s11+$0x3010];
	v60 =	vsub.f32 $1.500000000e+00, v60;
	(erf) = vpow2.f32 v2  }
0x1d6: {  	v57 =	vmov s12;
	v1 =	vld [tilespmem:s11+$0x810];
	v2 =	vadd.f32 v47, v48;
	v47 =	vadd.f32 v53, v0  }
0x1d7: {  	v55 =	vadd.f32 v58, v55;
	v62 =	vmul.f32 v9, v62;
	v58 =	vmul.f32 v59, v60  }
0x1d8: {  	v60 =	vadd.f32 v56, v61;
	v57 =	vperm.xlane v25, v57;
	v53 =	vmul.f32 v47, v12  }
0x1d9: {  	v3 =	vadd.f32 v3, v45  }
0x1da: {  	v48 =	vadd.f32 v54, v62;
	v54 =	vmul.f32 v57, v22;
	v45 =	vadd.f32 v53, v60  }
0x1db: {  	v1 =	vadd.f32 v63, v1;
	v61 =	vmul.f32 v47, v20  }
0x1dc: {  	v63 =	vmul.f32 v47, v29;
	v54 =	vadd.f32 v45, v54  }
0x1dd: {  	v1 =	vadd.f32 v61, v1;
	v61 =	vmul.f32 v47, v32  }
0x1de: {  	v3 =	vadd.f32 v63, v3;
	v63 =	vmul.f32 v57, v33;
	v33 =	vpop (erf);
	v32 =	vsub.f32 $0.0e+00, v54  }
0x1df: {  	v0 =	vmul.f32 v57, v19;
	v45 =	vadd.f32 $1.000000000e+00, v33  }
0x1e0: {  	v60 =	vmul.f32 v57, v30;
	v32 =	vmul.f32 $1.442695020e+00, v32  }
0x1e1: {  	v62 =	vmul.f32 v47, v28;
	(erf) = vrcp.f32 v45  }
0x1e2: {  	v1 =	vadd.f32 v1, v60;
	(erf) = vpow2.f32 v32;
	v32 =	vmul.f32 v57, v4;
	v4 =	vld [tilespmem:$0x1FDE0]  }
0x1e3: {  	v59 =	vadd.f32 v62, v52;
	v62 =	vmul.f32 v47, v14;
	v52 =	vmul.f32 v57, v15  }
0x1e4: {  	v60 =	vadd.f32 v3, v63;
	v3 =	vmul.f32 v47, v23;
	v33 =	vsub.f32 $0.0e+00, v1  }
0x1e5: {  	v50 =	vadd.f32 v61, v50;
	v2 =	vadd.f32 v62, v2;
	v61 =	vmul.f32 v58, v49  }
0x1e6: {  	v3 =	vadd.f32 v3, v55;
	v62 =	vsub.f32 $0.0e+00, v60;
	v55 =	vmul.f32 $1.442695020e+00, v33  }
0x1e7: {  	v45 =	vmul.f32 v61, v58;
	v61 =	vmul.f32 v36, v4;
	v4 =	vld [tilespmem:$0x1FDF0]  }
0x1e8: {  	v53 =	vmul.f32 $1.442695020e+00, v62;
	v56 =	vadd.f32 v3, v0;
	v0 =	vmul.f32 v57, v11  }
0x1e9: {  	v52 =	vadd.f32 v2, v52;
	(erf) = vpow2.f32 v55  }
0x1ea: {  	(erf) = vpow2.f32 v53;
	v53 =	vadd.f32 v50, v0;
	v0 =	vsub.f32 $0.0e+00, v56  }
0x1eb: {  	v3 =	vsub.f32 $0.0e+00, v52  }
0x1ec: {  	v0 =	vmul.f32 $1.442695020e+00, v0;
	v48 =	vadd.f32 v4, v48;
	v4 =	vld [tilespmem:$0x1FE00]  }
0x1ed: {  	v3 =	vmul.f32 $1.442695020e+00, v3;
	_ =	sdelay $0x1  }
0x1ee: {  	(erf) = vpow2.f32 v3  }
0x1ef: {  	(erf) = vpow2.f32 v0;
	v0 =	vpop (erf)  }
0x1f0: {  	v0 =	vmul.f32 v0, v4;
	v4 =	vld [tilespmem:$0x1FE10]  }
0x1f1: {  	v2 =	vmul.f32 v47, v26;
	_ =	sdelay $0x1  }
0x1f2: {  	v63 =	vmul.f32 v57, v31;
	v2 =	vadd.f32 v2, v51;
	_ =	sdelay $0x1  }
0x1f3: {  	v55 =	vadd.f32 v2, v63;
	v2 =	vsub.f32 $1.500000000e+00, v45;
	v45 =	vmul.f32 v0, v4;
	v4 =	vld [tilespmem:$0x1FE20];
	_ =	sdelay $0x3  }
0x1f4: {  	v33 =	vsub.f32 $0.0e+00, v55  }
0x1f5: {  	v3 =	vsub.f32 $0.0e+00, v53;
	v57 =	vsub.f32 v4, v61;
	v4 =	vld [tilespmem:$0x1FE30]  }
0x1f6: {  	v51 =	vadd.f32 v59, v32;
	v62 =	vmul.f32 $1.442695020e+00, v33;
	v32 =	vpop (erf)  }
0x1f7: {  	v3 =	vmul.f32 $1.442695020e+00, v3;
	v33 =	vadd.f32 $1.000000000e+00, v32  }
0x1f8: {  	v2 =	vmul.f32 v2, v58;
	v58 =	vld [tilespmem:s25+$0x450];
	(erf) = vpow2.f32 v62  }
0x1f9: {  	(erf) = vpow2.f32 v3;
	v3 =	vld [tilespmem:s25+$0x2C50]  }
0x1fa: {  	v63 =	vsub.f32 $0.0e+00, v51;
	v49 =	vmul.f32 v2, v49;
	v32 =	vpop (erf);
	v48 =	vadd.f32 v4, v48;
	v4 =	vld [tilespmem:$0x1FE40]  }
0x1fb: {  	(erf) = vrcp.f32 v33;
	v33 =	vpop (erf)  }
0x1fc: {  	v59 =	vld [tilespmem:s25+$0x2C60];
	v50 =	vmul.f32 $1.442695020e+00, v63;
	v49 =	vmul.f32 v49, v2;
	v62 =	vadd.f32 $1.000000000e+00, v33  }
0x1fd: {  	v0 =	vld [tilespmem:s25+$0x460];
	v61 =	vadd.f32 $1.000000000e+00, v32  }
0x1fe: {  	v49 =	vsub.f32 $1.500000000e+00, v49;
	(erf) = vpow2.f32 v50;
	v50 =	vld [tilespmem:s25+$0x470]  }
0x1ff: {  	v3 =	vmul.f32 v3, v58;
	v33 =	vpop (erf);
	v32 =	vld [tilespmem:s25+$0x2C70];
	(erf) = vrcp.f32 v61;
	v48 =	vadd.f32 v4, v48  }
0x200: {  	v57 =	vmul.f32 v45, v57;
	(erf) = vrcp.f32 v62;
	v62 =	vpop (erf)  }
0x201: {  	s26 =	simm.s32 $0xA440;
	v3 =	vadd.f32 v3, v48;
	v48 =	vmul.f32 v49, v2;
	v2 =	vadd.f32 $1.000000000e+00, v62  }
0x202: {  	v0 =	vmul.f32 v59, v0;
	[tilespmem:s26+$0xFFFFFFC0] =	vst v57;
	v57 =	vadd.f32 $1.000000000e+00, v33  }
0x203: {  	v58 =	vld [tilespmem:s10+$0x410]  }
0x204: {  	(erf) = vrcp.f32 v57;
	v0 =	vadd.f32 v0, v3;
	v3 =	vmul.f32 v32, v50;
	v32 =	vpop (erf)  }
0x205: {  	v63 =	vld [tilespmem:s10+$0x2C10];
	(erf) = vrcp.f32 v2;
	v2 =	vpop (erf)  }
0x206: {  	v2 =	vadd.f32 $1.000000000e+00, v2  }
0x207: {  	v25 =	vmovc v9;
	v28 =	vmov v31;
	v33 =	vmul.f32 v48, v34;
	v50 =	vadd.f32 $1.000000000e+00, v32  }
0x208: {  	v23 =	vmov v20;
	v58 =	vmul.f32 v58, v36;
	v0 =	vadd.f32 v3, v0;
	v3 =	vpop (erf)  }
0x209: {  	(erf) = vrcp.f32 v50;
	v34 =	vmul.f32 v3, v54;
	v54 =	vadd.f32 v33, v42;
	v3 =	vpop (erf)  }
0x20a: {  	v62 =	vsub.f32 v63, v58;
	(erf) = vrcp.f32 v2;
	v61 =	vadd.f32 $1.000000000e+00, v3;
	v2 =	vpop (erf)  }
0x20b: {  	v26 =	vmovc v19;
	v32 =	vmovc v29;
	v3 =	vand.u32 $0x7FFFFF, v54;
	v63 =	vmul.f32 v34, v24;
	v1 =	vmul.f32 v2, v1  }
0x20c: {  	v50 =	vmul.f32 v45, v62;
	v2 =	vpop (erf);
	(erf) = vrcp.f32 v61;
	vm1 =	vgt.u32 v3, $0x3504F3  }
0x20d: {  	s22 =	simm.s32 $0xA440;
	s16 =	simm.s32 $0x400;
	s12 =	simm.s32 $0xFFFFFFD9;
	v33 =	vmovc v30;
	v49 =	vmul.f32 v2, v60;
	v57 =	vadd.f32 $0.0e+00, v63;
	v34 =	vmovc v22;
	v58 =	vmul.f32 v1, v21  }
.LBB2_5:
0x20e: {  	v1 =	vperm.xlane v0, v27;
	v2 =	vsel vm1, $0x3F000000, v10;
	v59 =	vpop (erf);
	[tilespmem:s26+$0xFFFFFFD0] =	vst v50;
	v21 =	vld [tilespmem:$0x1FFB0]  }
0x20f: {  	s9 =	sadd.s32 $0x80, s9;
	v61 =	vadd.f32 v57, v58;
	v49 =	vmul.f32 v49, v5;
	v52 =	vmul.f32 v59, v52;
	v57 =	vld [tilespmem:s10+$0x420]  }
0x210: {  	s30 =	sand.u32 $0x3800, s16;
	s1 =	sand.u32 $0x380, s9;
	v0 =	vadd.f32 v0, v1;
	v1 =	vor.u32 v3, v2;
	v2 =	vld [tilespmem:s0+$0x870];
	v3 =	vpop (erf)  }
0x211: {  	s30 =	sor.u32 s1, s30;
	v49 =	vadd.f32 v61, v49;
	v50 =	vmul.f32 v52, v35;
	v3 =	vmul.f32 v3, v56;
	v52 =	vld [tilespmem:s10+$0x2C20]  }
0x212: {  	v56 =	vld [tilespmem:s30+$0x440];
	v59 =	vadd.f32 $1.000000000e+00, v1;
	v60 =	vpop (erf);
	v58 =	vperm.xlane v0, v6  }
0x213: {  	v61 =	vld [tilespmem:s30+$0x2C40];
	v49 =	vadd.f32 v49, v50;
	v3 =	vmul.f32 v3, v17;
	v50 =	vmul.f32 v60, v55  }
0x214: {  	v55 =	vpop (erf);
	v60 =	vld [tilespmem:s30+$0x430];
	(erf) = vrcp.f32 v59;
	v0 =	vadd.f32 v0, v58;
	v57 =	vmul.f32 v57, v36  }
0x215: {  	v58 =	vld [tilespmem:s30+$0x2C30];
	v62 =	vmul.f32 v55, v53;
	v3 =	vadd.f32 v49, v3;
	v49 =	vmul.f32 v50, v13  }
0x216: {  	v55 =	vld [tilespmem:s30+$0x420];
	v63 =	vpop (erf);
	v59 =	vperm.xlane v0, v7;
	v52 =	vsub.f32 v52, v57  }
0x217: {  	v53 =	vld [tilespmem:s30+$0x410];
	v3 =	vadd.f32 v3, v49;
	v49 =	vmul.f32 v62, v16;
	v50 =	vmul.f32 v63, v51  }
0x218: {  	v57 =	vld [tilespmem:s30+$0x2C20];
	v52 =	vmul.f32 v45, v52  }
0x219: {  	v62 =	vld [tilespmem:s30+$0x2C10];
	v0 =	vadd.f32 v0, v59;
	v3 =	vadd.f32 v3, v49;
	v59 =	vmul.f32 v50, v18  }
0x21a: {  	s12 =	sadd.s32 $0x1, s12;
	v51 =	vld [tilespmem:s30+$0x400];
	[tilespmem:s26+$0xFFFFFFE0] =	vst v52  }
0x21b: {  	s19 =	sadd.s32 $0x28, s12;
	v4 =	vperm.xlane v0, v8;
	v3 =	vadd.f32 v3, v59;
	v59 =	vld [tilespmem:s10+$0x430]  }
0x21c: {  	s1 =	sand.u32 $0x30, s19;
	v1 =	vadd.f32 $-1.000000000e+00, v1;
	v50 =	vld [tilespmem:s30+$0x2C00]  }
0x21d: {  	s3 =	sadd.s32 $0x1, s3;
	s1 =	smin.u32 s1, $0x18;
	v49 =	vmul.f32 v61, v56;
	v61 =	vld [tilespmem:s10+$0x2C30];
	v0 =	vadd.f32 v0, v4;
	v52 =	vpop (erf)  }
0x21e: {  	s19 =	sand.u32 $0xFFFFFFF0, s3;
	v56 =	vperm.xlane v3, v27;
	v1 =	vmul.f32 v52, v1;
	v52 =	vld [tilespmem:s1+$0x100]  }
0x21f: {  	s19 =	smin.u32 s19, $0x18;
	v58 =	vmul.f32 v58, v60;
	v60 =	vmul.f32 v57, v55;
	v63 =	vld [tilespmem:s0+$0x860];
	v0 =	vsub.f32 $0.0e+00, v0  }
0x220: {  	s19 =	ssub.s32 s3, s19;
	v12 =	vld [tilespmem:s0+$0x850];
	v3 =	vadd.f32 v3, v56;
	v56 =	vmul.f32 v1, v1;
	v59 =	vmul.f32 v59, v36  }
0x221: {  	v55 =	vmul.f32 v62, v53;
	v62 =	vmov s19;
	v57 =	vmax.f32 v0, $1.000010010e+00;
	v0 =	vld [tilespmem:s0+$0x3060]  }
0x222: {  	v53 =	vld [tilespmem:s0+$0x3070];
	v10 =	vperm.xlane v3, v6;
	v11 =	vmul.f32 $1.111111120e-01, v56;
	v59 =	vsub.f32 v61, v59  }
0x223: {  	v4 =	vadd.f32 $-1.000000000e+00, v57;
	v61 =	vadd.f32 $1.000000000e+00, v57;
	v52 =	vperm.xlane v52, v62;
	v62 =	vld [tilespmem:s0+$0x3050]  }
0x224: {  	v29 =	vmovc v13;
	v3 =	vadd.f32 v3, v10;
	v10 =	vadd.f32 $1.428571340e-01, v11;
	v11 =	vld [tilespmem:s0+$0x840];
	v13 =	vmul.f32 v45, v59  }
0x225: {  	v59 =	vmul.f32 v61, v4;
	v4 =	vld [tilespmem:s0+$0x3040]  }
0x226: {  	v61 =	vperm.xlane v3, v7;
	v10 =	vmul.f32 v10, v56;
	v14 =	vadd.f32 v0, v63;
	v0 =	vld [tilespmem:$0x1FEB0];
	[tilespmem:s26+$0xFFFFFFF0] =	vst v13  }
0x227: {  	v54 =	vshra.s32 v54, $0x17;
	v63 =	vld [tilespmem:s10+$0x440]  }
0x228: {  	v20 =	vimm.s32 $0x0;
	v61 =	vadd.f32 v3, v61;
	v10 =	vadd.f32 $2.000000030e-01, v10;
	v15 =	vld [tilespmem:s0+$0x830]  }
0x229: {  	v31 =	vmovc v18;
	v1 =	vadd.f32 v1, v1;
	v2 =	vadd.f32 v53, v2;
	v13 =	vshra.s32 v59, $0x1;
	v18 =	vld [tilespmem:s0+$0x3030]  }
0x22a: {  	v30 =	vmovc v17;
	v12 =	vadd.f32 v62, v12;
	v17 =	vld [tilespmem:s10+$0x2C40];
	v62 =	vperm.xlane v61, v8;
	v10 =	vmul.f32 v10, v56  }
0x22b: {  	v13 =	vsub.s32 $0x5F3759DF, v13;
	v19 =	vld [tilespmem:s0+$0x820];
	v53 =	vmul.f32 v52, v0;
	v0 =	vmul.f32 $5.000000000e-01, v59  }
0x22c: {  	v61 =	vadd.f32 v61, v62;
	v62 =	vsel vm1, $0x1, v20;
	v10 =	vadd.f32 $3.333333430e-01, v10;
	v20 =	vld [tilespmem:s0+$0x3020]  }
0x22d: {  	v24 =	vmovc v16;
	v16 =	vmul.f32 v13, v0;
	v63 =	vmul.f32 v63, v36;
	v54 =	vadd.s32 v62, v54;
	v62 =	vld [tilespmem:s0+$0x810]  }
0x22e: {  	v15 =	vadd.f32 v18, v15;
	v61 =	vadd.f32 v61, v21;
	v10 =	vmul.f32 v10, v56;
	v56 =	vld [tilespmem:s0+$0x3010]  }
0x22f: {  	v3 =	vld [tilespmem:$0x1FEC0];
	v54 =	vadd.s32 $0x4B000000, v54;
	v16 =	vmul.f32 v13, v16;
	v17 =	vsub.f32 v17, v63  }
0x230: {  	v9 =	vmul.f32 v50, v51;
	v22 =	vld [tilespmem:s0+$0x3000];
	v54 =	vadd.f32 $-8.388735000e+06, v54;
	v10 =	vadd.f32 $1.000000000e+00, v10  }
0x231: {  	v63 =	vld [tilespmem:s0+$0x800];
	v61 =	vsub.f32 $0.0e+00, v61;
	v16 =	vsub.f32 $1.500000000e+00, v16;
	v17 =	vmul.f32 v45, v17  }
0x232: {  	v18 =	vmul.f32 $6.931471820e-01, v54;
	v1 =	vmul.f32 v10, v1;
	v10 =	vadd.f32 v20, v19;
	v20 =	vld [tilespmem:$0x1FED0]  }
0x233: {  	v13 =	vmul.f32 v13, v16;
	v16 =	vmul.f32 $1.442695020e+00, v61;
	v19 =	vadd.f32 v56, v62;
	v62 =	vld [tilespmem:$0x1FEA0]  }
0x234: {  	v9 =	vmul.f32 v25, v9;
	[tilespmem:s26+$0x0] =	vst v17;
	v1 =	vadd.f32 v1, v18;
	v18 =	vld [tilespmem:$0x1FF30]  }
0x235: {  	v4 =	vadd.f32 v4, v11;
	v11 =	vmul.f32 v52, v28;
	(erf) = vpow2.f32 v16;
	v16 =	vld [tilespmem:s10+$0x450]  }
0x236: {  	v3 =	vmul.f32 v52, v3;
	v21 =	vmul.f32 v52, v26  }
0x237: {  	v9 =	vadd.f32 v55, v9;
	v54 =	vmul.f32 v52, v33;
	v56 =	vld [tilespmem:s10+$0x2C50];
	v61 =	vmul.f32 v1, v23  }
0x238: {  	v22 =	vadd.f32 v22, v63;
	v63 =	vld [tilespmem:$0x1FE60];
	v17 =	vmul.f32 v13, v0;
	v20 =	vmul.f32 v52, v20  }
0x239: {  	v55 =	vmul.f32 v1, v62;
	v62 =	vld [tilespmem:$0x1FE50];
	v19 =	vadd.f32 v61, v19;
	v61 =	vmul.f32 v1, v32  }
0x23a: {  	v18 =	vmul.f32 v52, v18;
	v16 =	vmul.f32 v16, v36  }
0x23b: {  	v52 =	vmul.f32 v52, v34;
	v22 =	vadd.f32 v55, v22;
	v10 =	vadd.f32 v61, v10;
	v61 =	vld [tilespmem:$0x1FE80]  }
0x23c: {  	v17 =	vmul.f32 v17, v13;
	v16 =	vsub.f32 v56, v16;
	v56 =	vld [tilespmem:$0x1FE90]  }
0x23d: {  	v55 =	vmul.f32 v1, v63;
	v63 =	vadd.f32 v22, v52  }
0x23e: {  	v17 =	vsub.f32 $1.500000000e+00, v17;
	v22 =	vld [tilespmem:$0x1FE70];
	v62 =	vmul.f32 v1, v62  }
0x23f: {  	v14 =	vadd.f32 v55, v14;
	v55 =	vsub.f32 $0.0e+00, v63  }
0x240: {  	v16 =	vmul.f32 v45, v16;
	v2 =	vadd.f32 v62, v2;
	v62 =	vadd.f32 v19, v54  }
0x241: {  	v19 =	vpop (erf);
	v54 =	vmul.f32 v1, v61;
	v61 =	vadd.f32 v10, v18;
	v52 =	vmul.f32 v1, v56  }
0x242: {  	v19 =	vadd.f32 $1.000000000e+00, v19;
	v55 =	vmul.f32 $1.442695020e+00, v55;
	[tilespmem:s26+$0x10] =	vst v16;
	v56 =	vsub.f32 $0.0e+00, v62  }
0x243: {  	v22 =	vmul.f32 v1, v22;
	v4 =	vadd.f32 v54, v4;
	v10 =	vld [tilespmem:s10+$0x460];
	v15 =	vadd.f32 v52, v15  }
0x244: {  	v16 =	vsub.f32 $0.0e+00, v61;
	(erf) = vrcp.f32 v19;
	v19 =	vmul.f32 v37, v38  }
0x245: {  	v38 =	vmovc v41;
	(erf) = vpow2.f32 v55;
	v52 =	vadd.f32 v15, v20;
	v15 =	vmul.f32 $1.442695020e+00, v56  }
0x246: {  	v41 =	vmovc v44;
	v44 =	vmovc v51;
	v51 =	vadd.f32 v2, v53;
	v12 =	vadd.f32 v22, v12;
	v16 =	vmul.f32 $1.442695020e+00, v16;
	v20 =	vld [tilespmem:s10+$0x2C60]  }
0x247: {  	v56 =	vadd.f32 v4, v21;
	v18 =	vsub.f32 $0.0e+00, v52;
	(erf) = vpow2.f32 v15  }
0x248: {  	v53 =	vadd.f32 v14, v3;
	v55 =	vadd.f32 v12, v11;
	v10 =	vmul.f32 v10, v36  }
0x249: {  	v2 =	vsub.f32 $0.0e+00, v56;
	(erf) = vpow2.f32 v16;
	v4 =	vmul.f32 $1.442695020e+00, v18  }
0x24a: {  	v14 =	vsub.f32 $0.0e+00, v51;
	v11 =	vmul.f32 v17, v13;
	v12 =	vsub.f32 $0.0e+00, v55  }
0x24b: {  	v15 =	vmul.f32 $1.442695020e+00, v2;
	v3 =	vsub.f32 v20, v10;
	(erf) = vpow2.f32 v4  }
0x24c: {  	v13 =	vld [tilespmem:s30+$0x460];
	v14 =	vmul.f32 $1.442695020e+00, v14;
	v10 =	vmul.f32 $1.442695020e+00, v12;
	v12 =	vsub.f32 $0.0e+00, v53  }
0x24d: {  	v17 =	vld [tilespmem:s30+$0x2C50];
	v2 =	vpop (erf);
	(erf) = vpow2.f32 v15;
	v3 =	vmul.f32 v45, v3  }
0x24e: {  	v9 =	vadd.f32 v60, v9;
	v4 =	vld [tilespmem:s30+$0x470];
	v12 =	vmul.f32 $1.442695020e+00, v12;
	v16 =	vpop (erf);
	v2 =	vmul.f32 v2, v47  }
0x24f: {  	v0 =	vmul.f32 v11, v0;
	v15 =	vld [tilespmem:s30+$0x450];
	v47 =	vmovc v1;
	v18 =	vadd.f32 $1.000000000e+00, v16;
	(erf) = vpow2.f32 v10;
	[tilespmem:s26+$0x20] =	vst v3  }
0x250: {  	v2 =	vmul.f32 v2, v43;
	v3 =	vsub.f32 v39, v19;
	v10 =	vld [tilespmem:s10+$0x470];
	v1 =	vpop (erf);
	(erf) = vpow2.f32 v12  }
0x251: {  	v0 =	vmul.f32 v0, v11;
	v12 =	vld [tilespmem:s30+$0x2C60];
	v1 =	vadd.f32 $1.000000000e+00, v1;
	(erf) = vrcp.f32 v18  }
0x252: {  	v9 =	vadd.f32 v58, v9;
	v3 =	vmul.f32 v2, v3;
	v16 =	vpop (erf);
	v18 =	vld [tilespmem:s30+$0x2C70];
	(erf) = vpow2.f32 v14  }
0x253: {  	s26 =	sadd.s32 $0x80, s26;
	v14 =	vld [tilespmem:s10+$0x2C70];
	v19 =	vadd.f32 $1.000000000e+00, v16;
	(erf) = vrcp.f32 v1  }
0x254: {  	s10 =	smov.u32 s11;
	[tilespmem:s26+$0xFFFFFFC0] =	vst v3;
	v1 =	vadd.f32 v49, v9;
	v9 =	vmul.f32 v17, v15;
	v15 =	vpop (erf)  }
0x255: {  	v20 =	vsub.f32 $1.500000000e+00, v0;
	(erf) = vrcp.f32 v19;
	v3 =	vadd.f32 $1.000000000e+00, v15;
	v15 =	vld [tilespmem:s10+$0x410]  }
0x256: {  	v10 =	vmul.f32 v10, v36;
	v1 =	vadd.f32 v9, v1;
	v9 =	vmul.f32 v12, v13;
	v0 =	vpop (erf)  }
0x257: {  	v43 =	vmovc v48;
	v48 =	vmul.f32 v20, v11;
	v0 =	vadd.f32 $1.000000000e+00, v0;
	(erf) = vrcp.f32 v3;
	v3 =	vld [tilespmem:s10+$0x2C10]  }
0x258: {  	v11 =	vpop (erf);
	v10 =	vsub.f32 v14, v10;
	v1 =	vadd.f32 v9, v1;
	v14 =	vmul.f32 v18, v4  }
0x259: {  	v36 =	vmov v37;
	v11 =	vadd.f32 $1.000000000e+00, v11;
	(erf) = vrcp.f32 v0;
	v12 =	vpop (erf)  }
0x25a: {  	v0 =	vadd.f32 v14, v1;
	v1 =	vadd.f32 $1.000000000e+00, v12;
	v4 =	vpop (erf);
	v12 =	vmul.f32 v15, v36  }
0x25b: {  	(erf) = vrcp.f32 v11;
	v9 =	vpop (erf)  }
0x25c: {  	v20 =	vmul.f32 v45, v10;
	v11 =	vld [tilespmem:$0x1FF20];
	v10 =	vpop (erf);
	(erf) = vrcp.f32 v1;
	v1 =	vsub.f32 v3, v12  }
0x25d: {  	v39 =	vmov v40;
	v19 =	vmul.f32 v48, v59;
	v45 =	vmov v2  }
0x25e: {  	p1 =	sne.s32 s16, $0x2700;
	v40 =	vmovc v46;
	v46 =	vmovc v50;
	v37 =	vmov v42;
	v42 =	vmov v57;
	v50 =	vmul.f32 v45, v1;
	v1 =	vld [tilespmem:$0x1FF10]  }
.Ltmp2:
0x25f: {  	v54 =	vadd.f32 v19, v42;
	v4 =	vmul.f32 v4, v63;
	(pc) =	sbr.rel @p1 .LBB2_5-.Ltmp2, $4  }
0x260: {  	v9 =	vadd.f32 $1.000000000e+00, v9  }
0x261: {  	v3 =	vand.u32 $0x7FFFFF, v54;
	v10 =	vmul.f32 v10, v62;
	v2 =	vpop (erf);
	v4 =	vmul.f32 v4, v11  }
0x262: {  	s16 =	sadd.s32 $0x100, s16;
	s11 =	smov.u32 s0;
	v16 =	vmovc v24;
	v17 =	vmovc v30;
	vm1 =	vgt.u32 v3, $0x3504F3;
	(erf) = vrcp.f32 v9;
	v49 =	vmul.f32 v2, v61  }
0x263: {  	s0 =	smov.u32 s25;
	s25 =	smov.u32 s30;
	v13 =	vmovc v29;
	v18 =	vmovc v31;
	[tilespmem:s22+$0x30] =	vst v20;
	s22 =	smov.u32 s26;
	v57 =	vadd.f32 $0.0e+00, v4;
	v58 =	vmul.f32 v10, v1;
	v10 =	vimm.s32 $0x3F800000  }
0x264: {  	_ = 	snop  }
0x265: {  	v1 =	vsel vm1, $0x3F000000, v10;
	v2 =	vpop (erf);
	v9 =	vmul.f32 v49, v5;
	v4 =	vadd.f32 v57, v58  }
0x266: {  	v2 =	vmul.f32 v2, v52;
	v1 =	vor.u32 v3, v1;
	v61 =	vpop (erf)  }
0x267: {  	v3 =	vmul.f32 v61, v56;
	v4 =	vadd.f32 v4, v9;
	v9 =	vperm.xlane v0, v27  }
0x268: {  	v10 =	vadd.f32 $1.000000000e+00, v1;
	v2 =	vmul.f32 v2, v35  }
0x269: {  	v11 =	vpop (erf);
	v3 =	vmul.f32 v3, v17  }
0x26a: {  	(erf) = vrcp.f32 v10;
	v2 =	vadd.f32 v4, v2;
	v4 =	vmul.f32 v11, v55  }
0x26b: {  	v0 =	vadd.f32 v0, v9;
	v9 =	vpop (erf)  }
0x26c: {  	v2 =	vadd.f32 v2, v3;
	v62 =	vmul.f32 v4, v13;
	v4 =	vmul.f32 v9, v53  }
0x26d: {  	v9 =	vperm.xlane v0, v6;
	v10 =	vpop (erf)  }
0x26e: {  	v2 =	vadd.f32 v2, v62;
	v12 =	vmul.f32 v4, v16;
	v4 =	vmul.f32 v10, v51;
	_ =	sdelay $0x1  }
0x26f: {  	v0 =	vadd.f32 v0, v9;
	v2 =	vadd.f32 v2, v12;
	v14 =	vmul.f32 v4, v18;
	_ =	sdelay $0x1  }
0x270: {  	v1 =	vadd.f32 $-1.000000000e+00, v1;
	v4 =	vperm.xlane v0, v7;
	v2 =	vadd.f32 v2, v14  }
0x271: {  	v15 =	vpop (erf)  }
0x272: {  	v0 =	vadd.f32 v0, v4;
	v1 =	vmul.f32 v15, v1;
	v4 =	vperm.xlane v2, v27;
	_ =	sdelay $0x1  }
0x273: {  	v2 =	vadd.f32 v2, v4;
	v4 =	vmul.f32 v1, v1;
	_ =	sdelay $0x1  }
0x274: {  	v9 =	vmul.f32 $1.111111120e-01, v4;
	_ =	sdelay $0x1  }
0x275: {  	v9 =	vadd.f32 $1.428571340e-01, v9;
	_ =	sdelay $0x1  }
0x276: {  	v9 =	vmul.f32 v9, v4  }
0x277: {  	v20 =	vperm.xlane v2, v6  }
0x278: {  	v9 =	vadd.f32 $2.000000030e-01, v9  }
0x279: {  	v11 =	vld [tilespmem:s0+$0x3070];
	v2 =	vadd.f32 v2, v20  }
0x27a: {  	v3 =	vld [tilespmem:s0+$0x870];
	v19 =	vperm.xlane v0, v8;
	v9 =	vmul.f32 v9, v4  }
0x27b: {  	v21 =	vperm.xlane v2, v7  }
0x27c: {  	v63 =	vmovc v5;
	v5 =	vimm.s32 $0x0;
	v0 =	vadd.f32 v0, v19;
	v9 =	vadd.f32 $3.333333430e-01, v9  }
0x27d: {  	v60 =	vld [tilespmem:$0x1FFB0];
	v20 =	vshra.s32 v54, $0x17;
	v2 =	vadd.f32 v2, v21;
	v21 =	vsel vm1, $0x1, v5  }
0x27e: {  	v52 =	vld [tilespmem:s0+$0x830];
	v0 =	vsub.f32 $0.0e+00, v0;
	v20 =	vadd.s32 v21, v20;
	v4 =	vmul.f32 v9, v4  }
0x27f: {  	v61 =	vld [tilespmem:s0+$0x800];
	v3 =	vadd.f32 v11, v3;
	v1 =	vadd.f32 v1, v1;
	v20 =	vadd.s32 $0x4B000000, v20  }
0x280: {  	s9 =	sadd.s32 $0x1, s12;
	v11 =	vld [tilespmem:s0+$0x3000];
	v49 =	vmax.f32 v0, $1.000010010e+00;
	v20 =	vadd.f32 $-8.388735000e+06, v20;
	v4 =	vadd.f32 $1.000000000e+00, v4  }
0x281: {  	s1 =	sadd.s32 $0x28, s9;
	v12 =	vadd.f32 $-1.000000000e+00, v49;
	v14 =	vadd.f32 $1.000000000e+00, v49;
	v5 =	vld [tilespmem:$0x1FEA0];
	v22 =	vperm.xlane v2, v8  }
0x282: {  	v59 =	vmov v13;
	s1 =	sand.u32 $0x30, s1;
	v13 =	vld [tilespmem:s0+$0x860];
	v20 =	vmul.f32 $6.931471820e-01, v20;
	v1 =	vmul.f32 v4, v1  }
0x283: {  	s1 =	smin.u32 s1, $0x18;
	v62 =	vld [tilespmem:$0x1FEC0];
	v0 =	vmul.f32 v14, v12  }
0x284: {  	s3 =	sadd.s32 $0x1, s3;
	v10 =	vld [tilespmem:s1+$0x100];
	v2 =	vadd.f32 v2, v22;
	v51 =	vadd.f32 v1, v20  }
0x285: {  	s19 =	sand.u32 $0xFFFFFFF0, s3;
	v57 =	vmov v18;
	v18 =	vld [tilespmem:s0+$0x840];
	v11 =	vadd.f32 v11, v61;
	v19 =	vshra.s32 v0, $0x1  }
0x286: {  	s1 =	smin.u32 s19, $0x18;
	v22 =	vmul.f32 $5.000000000e-01, v0;
	v2 =	vadd.f32 v2, v60;
	v61 =	vmul.f32 v51, v5;
	v5 =	vld [tilespmem:$0x1FF30]  }
0x287: {  	s1 =	ssub.s32 s3, s1;
	v15 =	vld [tilespmem:s0+$0x3060];
	v19 =	vsub.s32 $0x5F3759DF, v19  }
0x288: {  	v35 =	vmov s1;
	v12 =	vld [tilespmem:s0+$0x3040];
	v9 =	vmul.f32 v19, v22;
	v2 =	vsub.f32 $0.0e+00, v2  }
0x289: {  	v10 =	vperm.xlane v10, v35;
	v21 =	vld [tilespmem:s0+$0x3030]  }
0x28a: {  	v9 =	vmul.f32 v19, v9;
	v2 =	vmul.f32 $1.442695020e+00, v2;
	v4 =	vld [tilespmem:$0x1FEB0]  }
0x28b: {  	v56 =	vmov v17;
	v17 =	vmul.f32 v10, v5;
	v5 =	vld [tilespmem:$0x1FED0]  }
0x28c: {  	v9 =	vsub.f32 $1.500000000e+00, v9;
	(erf) = vpow2.f32 v2  }
0x28d: {  	v53 =	vld [tilespmem:s0+$0x810];
	v2 =	vmul.f32 v10, v62;
	v1 =	vadd.f32 v12, v18;
	v12 =	vmul.f32 v10, v28  }
0x28e: {  	v13 =	vadd.f32 v15, v13;
	v15 =	vld [tilespmem:s0+$0x3010];
	v9 =	vmul.f32 v19, v9;
	v18 =	vmul.f32 v10, v26  }
0x28f: {  	v19 =	vadd.f32 v21, v52;
	v21 =	vmul.f32 v10, v34;
	v4 =	vmul.f32 v10, v4  }
0x290: {  	v11 =	vadd.f32 v61, v11;
	v61 =	vmul.f32 v10, v33;
	v10 =	vmul.f32 v10, v5;
	v5 =	vld [tilespmem:$0x1FE90]  }
0x291: {  	v58 =	vmov v16;
	v16 =	vld [tilespmem:s0+$0x850]  }
0x292: {  	v35 =	vld [tilespmem:s0+$0x3020]  }
0x293: {  	v54 =	vld [tilespmem:s0+$0x820];
	v15 =	vadd.f32 v15, v53;
	v62 =	vmul.f32 v51, v23  }
0x294: {  	v14 =	vld [tilespmem:s0+$0x3050]  }
0x295: {  	v15 =	vadd.f32 v62, v15;
	v62 =	vmul.f32 v51, v5;
	v5 =	vld [tilespmem:$0x1FE70];
	_ =	sdelay $0x3  }
0x296: {  	v14 =	vadd.f32 v14, v16;
	v16 =	vadd.f32 v35, v54;
	v35 =	vmul.f32 v51, v32  }
0x297: {  	v11 =	vadd.f32 v11, v21;
	v52 =	vmul.f32 v51, v5;
	v5 =	vld [tilespmem:$0x1FE80]  }
0x298: {  	v16 =	vadd.f32 v35, v16  }
0x299: {  	v15 =	vadd.f32 v15, v61;
	v35 =	vsub.f32 $0.0e+00, v11  }
0x29a: {  	v61 =	vpop (erf);
	v16 =	vadd.f32 v16, v17  }
0x29b: {  	v25 =	vld [tilespmem:$0x1FE60];
	v54 =	vadd.f32 $1.000000000e+00, v61;
	v53 =	vmul.f32 $1.442695020e+00, v35;
	v35 =	vsub.f32 $0.0e+00, v15  }
0x29c: {  	v19 =	vadd.f32 v62, v19;
	v14 =	vadd.f32 v52, v14;
	v52 =	vld [tilespmem:$0x1FE50];
	v62 =	vmul.f32 v51, v5  }
0x29d: {  	(erf) = vrcp.f32 v54;
	v17 =	vmul.f32 $1.442695020e+00, v35  }
0x29e: {  	v61 =	vsub.f32 $0.0e+00, v16;
	(erf) = vpow2.f32 v53;
	v1 =	vadd.f32 v62, v1  }
0x29f: {  	v20 =	vmul.f32 v9, v22;
	(erf) = vpow2.f32 v17;
	v10 =	vadd.f32 v19, v10  }
0x2a0: {  	v19 =	vmul.f32 $1.442695020e+00, v61;
	v62 =	vmul.f32 v51, v25;
	v1 =	vadd.f32 v1, v18  }
0x2a1: {  	v35 =	vsub.f32 $0.0e+00, v10;
	v12 =	vadd.f32 v14, v12;
	v54 =	vmul.f32 v51, v52  }
0x2a2: {  	(erf) = vpow2.f32 v19;
	v13 =	vadd.f32 v62, v13;
	v61 =	vsub.f32 $0.0e+00, v1  }
0x2a3: {  	v55 =	vmul.f32 $1.442695020e+00, v35;
	v62 =	vmul.f32 v20, v9;
	v3 =	vadd.f32 v54, v3  }
0x2a4: {  	v20 =	vsub.f32 $0.0e+00, v12;
	v2 =	vadd.f32 v13, v2;
	v14 =	vmul.f32 $1.442695020e+00, v61  }
0x2a5: {  	(erf) = vpow2.f32 v55;
	v3 =	vadd.f32 v3, v4;
	v21 =	vsub.f32 $1.500000000e+00, v62  }
0x2a6: {  	v13 =	vmul.f32 $1.442695020e+00, v20;
	v4 =	vsub.f32 $0.0e+00, v2;
	(erf) = vpow2.f32 v14  }
0x2a7: {  	v9 =	vmul.f32 v21, v9  }
0x2a8: {  	v5 =	vpop (erf);
	v4 =	vmul.f32 $1.442695020e+00, v4;
	(erf) = vpow2.f32 v13  }
0x2a9: {  	v53 =	vpop (erf);
	v35 =	vsub.f32 $0.0e+00, v3  }
0x2aa: {  	v54 =	vadd.f32 $1.000000000e+00, v53;
	(erf) = vpow2.f32 v4;
	v4 =	vmul.f32 v9, v22  }
0x2ab: {  	v55 =	vmul.f32 $1.442695020e+00, v35;
	v61 =	vpop (erf)  }
0x2ac: {  	v14 =	vadd.f32 $1.000000000e+00, v61;
	(erf) = vrcp.f32 v54;
	v4 =	vmul.f32 v4, v9  }
0x2ad: {  	v62 =	vpop (erf);
	(erf) = vpow2.f32 v55  }
0x2ae: {  	v17 =	vadd.f32 $1.000000000e+00, v62;
	v18 =	vpop (erf);
	(erf) = vrcp.f32 v14;
	v4 =	vsub.f32 $1.500000000e+00, v4  }
0x2af: {  	v19 =	vpop (erf)  }
0x2b0: {  	(erf) = vrcp.f32 v17;
	v53 =	vmul.f32 v4, v9;
	v4 =	vadd.f32 $1.000000000e+00, v19  }
0x2b1: {  	v14 =	vadd.f32 $1.000000000e+00, v18;
	v9 =	vpop (erf)  }
0x2b2: {  	v9 =	vadd.f32 $1.000000000e+00, v9  }
0x2b3: {  	v62 =	vld [tilespmem:$0x1FF20];
	(erf) = vrcp.f32 v14  }
0x2b4: {  	(erf) = vrcp.f32 v4;
	v4 =	vpop (erf)  }
0x2b5: {  	v61 =	vld [tilespmem:$0x1FF10];
	v0 =	vmul.f32 v53, v0;
	v4 =	vadd.f32 $1.000000000e+00, v4;
	v20 =	vpop (erf)  }
0x2b6: {  	(erf) = vrcp.f32 v9;
	v11 =	vmul.f32 v20, v11;
	v9 =	vpop (erf)  }
0x2b7: {  	v0 =	vadd.f32 v0, v49;
	v9 =	vadd.f32 $1.000000000e+00, v9;
	v21 =	vpop (erf);
	(erf) = vrcp.f32 v4  }
0x2b8: {  	v11 =	vmul.f32 v11, v62;
	v13 =	vmul.f32 v21, v15  }
0x2b9: {  	v4 =	vand.u32 $0x7FFFFF, v0;
	v22 =	vpop (erf);
	(erf) = vrcp.f32 v9  }
0x2ba: {  	v35 =	vmul.f32 v22, v16;
	v9 =	vadd.f32 $0.0e+00, v11;
	v11 =	vmul.f32 v13, v61  }
0x2bb: {  	[tilespmem:$0x1FDB0] =	vst v5;
	v5 =	vimm.s32 $0x3F800000;
	vm1 =	vgt.u32 v4, $0x3504F3  }
0x2bc: {  	v54 =	vsel vm1, $0x3F000000, v5;
	v5 =	vld [tilespmem:$0x1FF80];
	v9 =	vadd.f32 v9, v11;
	v11 =	vmul.f32 v35, v63  }
0x2bd: {  	v4 =	vor.u32 v4, v54  }
0x2be: {  	v55 =	vpop (erf);
	v9 =	vadd.f32 v9, v11;
	v11 =	vadd.f32 $1.000000000e+00, v4  }
0x2bf: {  	v10 =	vmul.f32 v55, v10  }
0x2c0: {  	(erf) = vrcp.f32 v11  }
0x2c1: {  	v17 =	vpop (erf);
	v10 =	vmul.f32 v10, v5  }
0x2c2: {  	v1 =	vmul.f32 v17, v1;
	v18 =	vpop (erf)  }
0x2c3: {  	v9 =	vadd.f32 v9, v10;
	v10 =	vmul.f32 v18, v12  }
0x2c4: {  	v1 =	vmul.f32 v1, v56  }
0x2c5: {  	v19 =	vpop (erf)  }
0x2c6: {  	v2 =	vmul.f32 v19, v2;
	v1 =	vadd.f32 v9, v1;
	v9 =	vmul.f32 v10, v59  }
0x2c7: {  	v21 =	vadd.f32 $-1.000000000e+00, v4;
	v10 =	vpop (erf)  }
0x2c8: {  	v2 =	vmul.f32 v2, v58;
	v1 =	vadd.f32 v1, v9;
	v3 =	vmul.f32 v10, v3  }
0x2c9: {  	v22 =	vpop (erf)  }
0x2ca: {  	v1 =	vadd.f32 v1, v2;
	v20 =	vmul.f32 v3, v57;
	v2 =	vmul.f32 v22, v21;
	_ =	sdelay $0x1  }
0x2cb: {  	v1 =	vadd.f32 v1, v20;
	v3 =	vmul.f32 v2, v2;
	_ =	sdelay $0x1  }
0x2cc: {  	v4 =	vperm.xlane v1, v27;
	v10 =	vmul.f32 $1.111111120e-01, v3;
	_ =	sdelay $0x1  }
0x2cd: {  	v1 =	vadd.f32 v1, v4;
	v10 =	vadd.f32 $1.428571340e-01, v10;
	_ =	sdelay $0x1  }
0x2ce: {  	v4 =	vperm.xlane v1, v6;
	v10 =	vmul.f32 v10, v3;
	_ =	sdelay $0x1  }
0x2cf: {  	v1 =	vadd.f32 v1, v4;
	v10 =	vadd.f32 $2.000000030e-01, v10  }
0x2d0: {  	s30 =	sadd.s32 $0x1, s9;
	v14 =	vld [tilespmem:s25+$0x3060]  }
0x2d1: {  	s1 =	sadd.s32 $0x28, s30;
	v15 =	vld [tilespmem:s25+$0x850];
	v35 =	vperm.xlane v1, v7;
	v10 =	vmul.f32 v10, v3  }
0x2d2: {  	s1 =	sand.u32 $0x30, s1;
	v0 =	vshra.s32 v0, $0x17;
	v13 =	vld [tilespmem:s25+$0x3050];
	v55 =	vimm.s32 $0x0  }
0x2d3: {  	s1 =	smin.u32 s1, $0x18;
	v17 =	vld [tilespmem:s25+$0x3030];
	v20 =	vsel vm1, $0x1, v55;
	v1 =	vadd.f32 v1, v35;
	v10 =	vadd.f32 $3.333333430e-01, v10  }
0x2d4: {  	v11 =	vld [tilespmem:s1+$0x100];
	v0 =	vadd.s32 v20, v0  }
0x2d5: {  	v12 =	vld [tilespmem:s25+$0x860];
	v0 =	vadd.s32 $0x4B000000, v0;
	v54 =	vperm.xlane v1, v8;
	v3 =	vmul.f32 v10, v3  }
0x2d6: {  	v19 =	vld [tilespmem:s25+$0x830];
	v0 =	vadd.f32 $-8.388735000e+06, v0;
	v2 =	vadd.f32 v2, v2  }
0x2d7: {  	v21 =	vld [tilespmem:s25+$0x820];
	v1 =	vadd.f32 v1, v54;
	v3 =	vadd.f32 $1.000000000e+00, v3  }
0x2d8: {  	v20 =	vld [tilespmem:s25+$0x3020]  }
0x2d9: {  	v22 =	vld [tilespmem:s25+$0x800];
	v0 =	vmul.f32 $6.931471820e-01, v0;
	v1 =	vadd.f32 v1, v60;
	v2 =	vmul.f32 v3, v2  }
0x2da: {  	v54 =	vld [tilespmem:s25+$0x3000]  }
0x2db: {  	s9 =	sadd.s32 $0x1, s3;
	v10 =	vld [tilespmem:s25+$0x810];
	v1 =	vsub.f32 $0.0e+00, v1;
	v0 =	vadd.f32 v2, v0  }
0x2dc: {  	s3 =	sand.u32 $0xFFFFFFF0, s9;
	v2 =	vadd.f32 v13, v15;
	v13 =	vadd.f32 v17, v19;
	v19 =	vld [tilespmem:$0x1FEA0]  }
0x2dd: {  	s3 =	smin.u32 s3, $0x18;
	v3 =	vld [tilespmem:s25+$0x3010]  }
0x2de: {  	s1 =	ssub.s32 s9, s3;
	v1 =	vmul.f32 $1.442695020e+00, v1  }
0x2df: {  	v16 =	vld [tilespmem:s25+$0x840];
	v35 =	vmov s1  }
0x2e0: {  	v9 =	vld [tilespmem:s25+$0x870];
	v21 =	vadd.f32 v20, v21;
	v11 =	vperm.xlane v11, v35;
	(erf) = vpow2.f32 v1  }
0x2e1: {  	v4 =	vld [tilespmem:s25+$0x3070];
	v1 =	vadd.f32 v14, v12;
	v14 =	vadd.f32 v54, v22;
	v35 =	vmul.f32 v0, v19  }
0x2e2: {  	v18 =	vld [tilespmem:s25+$0x3040];
	v3 =	vadd.f32 v3, v10;
	v10 =	vmul.f32 v0, v23;
	v23 =	vmul.f32 v0, v32  }
0x2e3: {  	v22 =	vmul.f32 v11, v34;
	v14 =	vadd.f32 v35, v14  }
0x2e4: {  	v15 =	vadd.f32 v23, v21;
	v21 =	vld [tilespmem:$0x1FF30]  }
0x2e5: {  	v14 =	vadd.f32 v14, v22;
	v22 =	vld [tilespmem:$0x1FE90]  }
0x2e6: {  	v4 =	vadd.f32 v4, v9;
	v23 =	vld [tilespmem:$0x1FED0]  }
0x2e7: {  	v9 =	vadd.f32 v18, v16;
	v18 =	vmul.f32 v11, v33;
	v3 =	vadd.f32 v10, v3;
	_ =	sdelay $0x1  }
0x2e8: {  	v10 =	vmul.f32 v0, v25;
	v3 =	vadd.f32 v3, v18  }
0x2e9: {  	v33 =	vmovc v25;
	v54 =	vmovc v34;
	v25 =	vld [tilespmem:$0x1FE80];
	v32 =	vmul.f32 v11, v21;
	v34 =	vsub.f32 $0.0e+00, v14;
	v55 =	vmul.f32 v0, v22  }
0x2ea: {  	v1 =	vadd.f32 v10, v1;
	v20 =	vsub.f32 $0.0e+00, v3;
	v10 =	vmul.f32 v11, v23  }
0x2eb: {  	v15 =	vadd.f32 v15, v32;
	v18 =	vmul.f32 $1.442695020e+00, v34;
	v34 =	vld [tilespmem:$0x1FE70];
	v13 =	vadd.f32 v55, v13;
	_ =	sdelay $0x1  }
0x2ec: {  	v35 =	vpop (erf);
	v10 =	vadd.f32 v13, v10;
	v13 =	vmul.f32 $1.442695020e+00, v20;
	v20 =	vsub.f32 $0.0e+00, v15  }
0x2ed: {  	v16 =	vadd.f32 $1.000000000e+00, v35;
	v55 =	vmul.f32 v0, v25  }
0x2ee: {  	v17 =	vmul.f32 $1.442695020e+00, v20;
	v20 =	vld [tilespmem:$0x1FEC0]  }
0x2ef: {  	(erf) = vrcp.f32 v16;
	v9 =	vadd.f32 v55, v9;
	v55 =	vmul.f32 v0, v34  }
0x2f0: {  	(erf) = vpow2.f32 v18;
	v18 =	vld [tilespmem:$0x1FEB0]  }
0x2f1: {  	v32 =	vmul.f32 v11, v28;
	v2 =	vadd.f32 v55, v2  }
0x2f2: {  	v12 =	vmul.f32 v11, v26  }
0x2f3: {  	v2 =	vadd.f32 v2, v32;
	v32 =	vmul.f32 v0, v52;
	v55 =	vmul.f32 v11, v20  }
0x2f4: {  	v9 =	vadd.f32 v9, v12;
	v35 =	vsub.f32 $0.0e+00, v10;
	(erf) = vpow2.f32 v13  }
0x2f5: {  	v4 =	vadd.f32 v32, v4;
	v11 =	vmul.f32 v11, v18;
	v1 =	vadd.f32 v1, v55  }
0x2f6: {  	v12 =	vmul.f32 $1.442695020e+00, v35;
	v35 =	vsub.f32 $0.0e+00, v9  }
0x2f7: {  	v4 =	vadd.f32 v4, v11;
	v11 =	vsub.f32 $0.0e+00, v1  }
0x2f8: {  	(erf) = vpow2.f32 v17;
	v32 =	vmul.f32 $1.442695020e+00, v35;
	v55 =	vsub.f32 $0.0e+00, v2  }
0x2f9: {  	(erf) = vpow2.f32 v12;
	v11 =	vmul.f32 $1.442695020e+00, v11  }
0x2fa: {  	v35 =	vmul.f32 $1.442695020e+00, v55  }
0x2fb: {  	v13 =	vpop (erf);
	(erf) = vpow2.f32 v32  }
0x2fc: {  	v32 =	vpop (erf);
	(erf) = vpow2.f32 v35  }
0x2fd: {  	v55 =	vsub.f32 $0.0e+00, v4;
	(erf) = vpow2.f32 v11;
	v11 =	vpop (erf)  }
0x2fe: {  	v35 =	vadd.f32 $1.000000000e+00, v32;
	v11 =	vadd.f32 $1.000000000e+00, v11  }
0x2ff: {  	v16 =	vmul.f32 $1.442695020e+00, v55  }
0x300: {  	(erf) = vrcp.f32 v35  }
0x301: {  	(erf) = vpow2.f32 v16;
	v55 =	vpop (erf)  }
0x302: {  	(erf) = vrcp.f32 v11;
	v11 =	vpop (erf)  }
0x303: {  	v11 =	vadd.f32 $1.000000000e+00, v11  }
0x304: {  	v12 =	vadd.f32 $1.000000000e+00, v55;
	_ =	sdelay $0x1  }
0x305: {  	(erf) = vrcp.f32 v12;
	v17 =	vpop (erf)  }
0x306: {  	(erf) = vrcp.f32 v11;
	v11 =	vpop (erf)  }
0x307: {  	v11 =	vadd.f32 $1.000000000e+00, v11  }
0x308: {  	v12 =	vadd.f32 $1.000000000e+00, v17  }
0x309: {  	v32 =	vpop (erf)  }
0x30a: {  	(erf) = vrcp.f32 v12;
	v35 =	vpop (erf)  }
0x30b: {  	(erf) = vrcp.f32 v11;
	v11 =	vpop (erf)  }
0x30c: {  	v11 =	vadd.f32 $1.000000000e+00, v11  }
0x30d: {  	v12 =	vadd.f32 $1.000000000e+00, v32;
	v14 =	vmul.f32 v35, v14;
	_ =	sdelay $0x1  }
0x30e: {  	(erf) = vrcp.f32 v12;
	v16 =	vmul.f32 v14, v62;
	v55 =	vpop (erf)  }
0x30f: {  	v3 =	vmul.f32 v55, v3;
	(erf) = vrcp.f32 v11;
	v11 =	vpop (erf)  }
0x310: {  	v11 =	vmul.f32 v11, v15  }
0x311: {  	v12 =	vadd.f32 $0.0e+00, v16;
	v3 =	vmul.f32 v3, v61;
	v17 =	vpop (erf)  }
0x312: {  	v10 =	vmul.f32 v17, v10;
	v11 =	vmul.f32 v11, v63  }
0x313: {  	v3 =	vadd.f32 v12, v3;
	v35 =	vpop (erf)  }
0x314: {  	v9 =	vmul.f32 v35, v9;
	v10 =	vmul.f32 v10, v5  }
0x315: {  	v3 =	vadd.f32 v3, v11  }
0x316: {  	v9 =	vmul.f32 v9, v56;
	v11 =	vpop (erf)  }
0x317: {  	v3 =	vadd.f32 v3, v10;
	v2 =	vmul.f32 v11, v2  }
0x318: {  	v10 =	vpop (erf)  }
0x319: {  	v3 =	vadd.f32 v3, v9;
	v1 =	vmul.f32 v10, v1;
	v2 =	vmul.f32 v2, v59  }
0x31a: {  	v26 =	vmov v28;
	v9 =	vpop (erf)  }
0x31b: {  	v28 =	vmovc v61;
	v61 =	vmul.f32 v9, v4;
	v1 =	vmul.f32 v1, v58;
	v2 =	vadd.f32 v3, v2;
	_ =	sdelay $0x1  }
0x31c: {  	v55 =	vmov v62;
	v62 =	vmul.f32 v61, v57;
	v1 =	vadd.f32 v2, v1;
	_ =	sdelay $0x1  }
0x31d: {  	v1 =	vadd.f32 v1, v62;
	_ =	sdelay $0x1  }
0x31e: {  	v2 =	vperm.xlane v1, v27;
	_ =	sdelay $0x1  }
0x31f: {  	v1 =	vadd.f32 v1, v2;
	_ =	sdelay $0x1  }
0x320: {  	v2 =	vperm.xlane v1, v6;
	_ =	sdelay $0x1  }
0x321: {  	v1 =	vadd.f32 v1, v2;
	_ =	sdelay $0x1  }
0x322: {  	v2 =	vperm.xlane v1, v7;
	_ =	sdelay $0x1  }
0x323: {  	v1 =	vadd.f32 v1, v2;
	_ =	sdelay $0x1  }
0x324: {  	v2 =	vperm.xlane v1, v8;
	_ =	sdelay $0x1  }
0x325: {  	v1 =	vadd.f32 v1, v2;
	_ =	sdelay $0x1  }
0x326: {  	v1 =	vadd.f32 v1, v60;
	_ =	sdelay $0x1  }
0x327: {  	v1 =	vsub.f32 $0.0e+00, v1;
	_ =	sdelay $0x1  }
0x328: {  	v1 =	vmul.f32 $1.442695020e+00, v1;
	_ =	sdelay $0x1  }
0x329: {  	(erf) = vpow2.f32 v1;
	_ =	sdelay $0x8  }
0x32a: {  	v1 =	vpop (erf)  }
0x32b: {  	v1 =	vadd.f32 $1.000000000e+00, v1;
	_ =	sdelay $0x1  }
0x32c: {  	v32 =	vmov v63;
	v63 =	vld [tilespmem:$0x1FDB0];
	(erf) = vrcp.f32 v1;
	_ =	sdelay $0x4  }
0x32d: {  	v12 =	vmul.f32 v37, v38;
	v1 =	vmul.f32 v63, v47;
	_ =	sdelay $0x1  }
0x32e: {  	v17 =	vmul.f32 v13, v51;
	v15 =	vsub.f32 v39, v12;
	v14 =	vmul.f32 v1, v43  }
0x32f: {  	v16 =	vmul.f32 v42, v41  }
0x330: {  	v35 =	vmul.f32 v17, v48;
	v1 =	vmul.f32 v14, v15;
	v4 =	vpop (erf)  }
0x331: {  	s12 =	sadd.s32 $0x80, s26;
	v2 =	vsub.f32 v40, v16;
	v0 =	vmul.f32 v4, v0;
	v4 =	vmul.f32 v49, v44  }
0x332: {  	[tilespmem:s12+$0xFFFFFFC0] =	vst v1  }
0x333: {  	v48 =	vmul.f32 v35, v2;
	v51 =	vld [tilespmem:s11+$0x410];
	v44 =	vmul.f32 v0, v53;
	v47 =	vsub.f32 v46, v4  }
0x334: {  	s16 =	sadd.s32 $0x80, s12  }
0x335: {  	[tilespmem:s16+$0xFFFFFFC0] =	vst v48;
	v53 =	vld [tilespmem:s11+$0x2C10];
	v0 =	vmul.f32 v44, v47  }
0x336: {  	s19 =	sadd.s32 $0x80, s16;
	v1 =	vld [tilespmem:s0+$0x410]  }
0x337: {  	v4 =	vld [tilespmem:s0+$0x2C10];
	[tilespmem:s19+$0xFFFFFFC0] =	vst v0  }
0x338: {  	v2 =	vmul.f32 v51, v37;
	v0 =	vld [tilespmem:s25+$0x410];
	_ =	sdelay $0x1  }
0x339: {  	v9 =	vld [tilespmem:s25+$0x2C10];
	v2 =	vsub.f32 v53, v2  }
0x33a: {  	v1 =	vmul.f32 v1, v42  }
0x33b: {  	v2 =	vmul.f32 v14, v2  }
0x33c: {  	[tilespmem:s26+$0xFFFFFFD0] =	vst v50;
	v1 =	vsub.f32 v4, v1;
	v0 =	vmul.f32 v0, v49  }
0x33d: {  	v56 =	vld [tilespmem:s10+$0x420];
	[tilespmem:s12+$0xFFFFFFD0] =	vst v2  }
0x33e: {  	v1 =	vmul.f32 v35, v1;
	v2 =	vld [tilespmem:s11+$0x420];
	v0 =	vsub.f32 v9, v0  }
0x33f: {  	v4 =	vld [tilespmem:s10+$0x2C20]  }
0x340: {  	[tilespmem:s16+$0xFFFFFFD0] =	vst v1;
	v9 =	vld [tilespmem:s11+$0x2C20];
	v0 =	vmul.f32 v44, v0  }
0x341: {  	v1 =	vld [tilespmem:s0+$0x420]  }
0x342: {  	v57 =	vmul.f32 v56, v36;
	v10 =	vld [tilespmem:s0+$0x2C20];
	[tilespmem:s19+$0xFFFFFFD0] =	vst v0  }
0x343: {  	v2 =	vmul.f32 v2, v37;
	v58 =	vld [tilespmem:s25+$0x420]  }
0x344: {  	v0 =	vsub.f32 v4, v57  }
0x345: {  	v4 =	vld [tilespmem:s25+$0x2C20];
	v2 =	vsub.f32 v9, v2  }
0x346: {  	v1 =	vmul.f32 v1, v42;
	v0 =	vmul.f32 v45, v0  }
0x347: {  	v59 =	vmul.f32 v14, v2  }
0x348: {  	v1 =	vsub.f32 v10, v1;
	[tilespmem:s26+$0xFFFFFFE0] =	vst v0;
	v3 =	vmul.f32 v58, v49  }
0x349: {  	v60 =	vld [tilespmem:s10+$0x430];
	[tilespmem:s12+$0xFFFFFFE0] =	vst v59  }
0x34a: {  	v61 =	vmul.f32 v35, v1;
	v62 =	vld [tilespmem:s11+$0x430];
	v3 =	vsub.f32 v4, v3  }
0x34b: {  	v4 =	vld [tilespmem:s10+$0x2C30]  }
0x34c: {  	[tilespmem:s16+$0xFFFFFFE0] =	vst v61;
	v9 =	vld [tilespmem:s11+$0x2C30];
	v3 =	vmul.f32 v44, v3  }
0x34d: {  	v0 =	vld [tilespmem:s0+$0x430]  }
0x34e: {  	v10 =	vld [tilespmem:s0+$0x2C30];
	v2 =	vmul.f32 v60, v36;
	[tilespmem:s19+$0xFFFFFFE0] =	vst v3  }
0x34f: {  	v1 =	vmul.f32 v62, v37;
	v3 =	vld [tilespmem:s25+$0x430]  }
0x350: {  	v2 =	vsub.f32 v4, v2  }
0x351: {  	v4 =	vld [tilespmem:s25+$0x2C30];
	v1 =	vsub.f32 v9, v1  }
0x352: {  	v0 =	vmul.f32 v0, v42;
	v2 =	vmul.f32 v45, v2  }
0x353: {  	v1 =	vmul.f32 v14, v1  }
0x354: {  	v0 =	vsub.f32 v10, v0;
	[tilespmem:s26+$0xFFFFFFF0] =	vst v2;
	v3 =	vmul.f32 v3, v49  }
0x355: {  	[tilespmem:s12+$0xFFFFFFF0] =	vst v1;
	v2 =	vld [tilespmem:s10+$0x440]  }
0x356: {  	v0 =	vmul.f32 v35, v0;
	v1 =	vld [tilespmem:s11+$0x440];
	v3 =	vsub.f32 v4, v3  }
0x357: {  	v4 =	vld [tilespmem:s10+$0x2C40]  }
0x358: {  	[tilespmem:s16+$0xFFFFFFF0] =	vst v0;
	v9 =	vld [tilespmem:s11+$0x2C40];
	v3 =	vmul.f32 v44, v3  }
0x359: {  	v0 =	vld [tilespmem:s0+$0x440]  }
0x35a: {  	v10 =	vld [tilespmem:s0+$0x2C40];
	v2 =	vmul.f32 v2, v36;
	[tilespmem:s19+$0xFFFFFFF0] =	vst v3  }
0x35b: {  	v1 =	vmul.f32 v1, v37;
	v3 =	vld [tilespmem:s25+$0x440]  }
0x35c: {  	v2 =	vsub.f32 v4, v2  }
0x35d: {  	v4 =	vld [tilespmem:s25+$0x2C40];
	v1 =	vsub.f32 v9, v1  }
0x35e: {  	v0 =	vmul.f32 v0, v42;
	v2 =	vmul.f32 v45, v2  }
0x35f: {  	v1 =	vmul.f32 v14, v1  }
0x360: {  	v0 =	vsub.f32 v10, v0;
	[tilespmem:s26+$0x0] =	vst v2;
	v3 =	vmul.f32 v3, v49  }
0x361: {  	[tilespmem:s12+$0x0] =	vst v1;
	v2 =	vld [tilespmem:s10+$0x450]  }
0x362: {  	v0 =	vmul.f32 v35, v0;
	v1 =	vld [tilespmem:s11+$0x450];
	v3 =	vsub.f32 v4, v3  }
0x363: {  	v4 =	vld [tilespmem:s10+$0x2C50]  }
0x364: {  	[tilespmem:s16+$0x0] =	vst v0;
	v9 =	vld [tilespmem:s11+$0x2C50];
	v3 =	vmul.f32 v44, v3  }
0x365: {  	v0 =	vld [tilespmem:s0+$0x450]  }
0x366: {  	v10 =	vld [tilespmem:s0+$0x2C50];
	v2 =	vmul.f32 v2, v36;
	[tilespmem:s19+$0x0] =	vst v3  }
0x367: {  	v1 =	vmul.f32 v1, v37;
	v3 =	vld [tilespmem:s25+$0x450]  }
0x368: {  	v2 =	vsub.f32 v4, v2  }
0x369: {  	v4 =	vld [tilespmem:s25+$0x2C50];
	v1 =	vsub.f32 v9, v1  }
0x36a: {  	v0 =	vmul.f32 v0, v42;
	v2 =	vmul.f32 v45, v2  }
0x36b: {  	v1 =	vmul.f32 v14, v1  }
0x36c: {  	v0 =	vsub.f32 v10, v0;
	[tilespmem:s26+$0x10] =	vst v2;
	v3 =	vmul.f32 v3, v49  }
0x36d: {  	[tilespmem:s12+$0x10] =	vst v1;
	v2 =	vld [tilespmem:s10+$0x460]  }
0x36e: {  	v0 =	vmul.f32 v35, v0;
	v1 =	vld [tilespmem:s11+$0x460];
	v3 =	vsub.f32 v4, v3  }
0x36f: {  	v9 =	vld [tilespmem:s11+$0x2C60]  }
0x370: {  	[tilespmem:s16+$0x10] =	vst v0;
	v4 =	vld [tilespmem:s10+$0x2C60];
	v3 =	vmul.f32 v44, v3  }
0x371: {  	v0 =	vld [tilespmem:s0+$0x460]  }
0x372: {  	v10 =	vld [tilespmem:s0+$0x2C60];
	[tilespmem:s19+$0x10] =	vst v3  }
0x373: {  	v2 =	vmul.f32 v2, v36;
	v3 =	vld [tilespmem:s25+$0x460]  }
0x374: {  	v1 =	vmul.f32 v1, v37  }
0x375: {  	v2 =	vsub.f32 v4, v2;
	v4 =	vld [tilespmem:s25+$0x2C60]  }
0x376: {  	v0 =	vmul.f32 v0, v42;
	v1 =	vsub.f32 v9, v1  }
0x377: {  	v2 =	vmul.f32 v45, v2  }
0x378: {  	v0 =	vsub.f32 v10, v0;
	v1 =	vmul.f32 v14, v1;
	v3 =	vmul.f32 v3, v49  }
0x379: {  	[tilespmem:s26+$0x20] =	vst v2  }
0x37a: {  	v0 =	vmul.f32 v35, v0;
	[tilespmem:s12+$0x20] =	vst v1;
	v2 =	vld [tilespmem:s10+$0x470];
	v3 =	vsub.f32 v4, v3  }
0x37b: {  	v1 =	vld [tilespmem:s11+$0x470]  }
0x37c: {  	[tilespmem:s16+$0x20] =	vst v0;
	v9 =	vld [tilespmem:s11+$0x2C70];
	v3 =	vmul.f32 v44, v3  }
0x37d: {  	v0 =	vld [tilespmem:s0+$0x470]  }
0x37e: {  	v4 =	vld [tilespmem:s10+$0x2C70];
	[tilespmem:s19+$0x20] =	vst v3  }
0x37f: {  	v3 =	vld [tilespmem:s25+$0x470]  }
0x380: {  	v10 =	vld [tilespmem:s0+$0x2C70]  }
0x381: {  	v2 =	vmul.f32 v2, v36;
	v11 =	vld [tilespmem:s25+$0x2C70]  }
0x382: {  	v1 =	vmul.f32 v1, v37  }
0x383: {  	v0 =	vmul.f32 v0, v42;
	v2 =	vsub.f32 v4, v2  }
0x384: {  	v1 =	vsub.f32 v9, v1;
	v3 =	vmul.f32 v3, v49  }
0x385: {  	v0 =	vsub.f32 v10, v0;
	v2 =	vmul.f32 v45, v2  }
0x386: {  	v1 =	vmul.f32 v14, v1;
	v3 =	vsub.f32 v11, v3  }
0x387: {  	v0 =	vmul.f32 v35, v0;
	[tilespmem:s22+$0x30] =	vst v2  }
0x388: {  	[tilespmem:s12+$0x30] =	vst v1;
	v63 =	vmul.f32 v44, v3  }
0x389: {  	[tilespmem:s16+$0x30] =	vst v0  }
0x38a: {  	[tilespmem:s19+$0x30] =	vst v63  }
0x38b: {  	v0 =	vld [tilespmem:$0x0]  }
0x38c: {  	v1 =	vld [tilespmem:$0x10]  }
0x38d: {  	v2 =	vld [tilespmem:$0x18]  }
0x38e: {  	p1 =	seq.s32 s21, $0x7C  }
.Ltmp3:
0x38f: {  	_ = 	snop;
	(pc) =	sbr.rel @p1 .LBB2_8-.Ltmp3, $4  }
0x390: {  	[tilespmem:$0x300] =	vst v0  }
0x391: {  	v56 =	vmov v34;
	v48 =	vmov v25;
	[tilespmem:$0x310] =	vst v1  }
0x392: {  	s30 =	simm.s32 $0x300;
	v25 =	vmovc v5;
	v43 =	vmovc v23;
	v46 =	vmov v22;
	v47 =	vmov v33;
	v53 =	vmov v32;
	[tilespmem:$0x318] =	vst v2  }
0x393: {  	v61 =	vmovc v20;
	v62 =	vmovc v18;
	v45 =	vmov v19;
	v49 =	vmov v6;
	v63 =	vmov v21;
	[spmem:s2] =	stream.indirect.scatter.add.f32 [tilespmem:s17], [sflag:$0x7], $0x80, s30, s15, $0xb8;
	[tilespmem:$0x1F680] =	vst v63  }
0x394: {  	s0 =	smul.u32 $0x50, s21  }
0x395: {  	s1 =	rddreg [dreg:$0xd]  }
0x396: {  	s0 =	sadd.s32 s0, s1  }
0x397: {  	s0 =	sshrl.u32 s0, $0x3  }
0x398: {  	s30 =	rddreg [dreg:$0x1];
	s26 =	sadd.s32 s7, s0  }
0x399: {  	[tilespmem:s4], [sflag:$0x5] =	stream.linear.gather [hbm4b:s26+s4], $0x28, $0x38;
	[tilespmem:$0x1F680] =	vst v63  }
0x39a: {  	s3 =	simm.s32 $0x80;
	s1 =	sadd.s32 s30, s0  }
0x39b: {  	[tilespmem:s3], [sflag:$0x5] =	stream.linear.gather [hbm4b:s1+s4], $0x28, $0x38;
	[tilespmem:$0x1F680] =	vst v63  }
0x39c: {  	s0 =	sadd.s32 s8, s0;
	s3 =	simm.s32 $0x100  }
0x39d: {  	[tilespmem:s3], [sflag:$0x5] =	stream.linear.gather [hbm4b:s0+s4], $0x28, $0x38;
	[tilespmem:$0x1F680] =	vst v63  }
0x39e: {  	_ =	swait.ge [sflag:s28], $0x28  }
0x39f: {  	[sflag:s28] =	ssyncset.done $0x0  }
0x3a0: {  	[sflag:s28] =	ssyncadd.s32 $0xFFFFFFD8  }
0x3a1: {  	_ =	swait.ge [sflag:s28], $0x28  }
0x3a2: {  	[sflag:s28] =	ssyncset.done $0x0  }
0x3a3: {  	[sflag:s28] =	ssyncadd.s32 $0xFFFFFFD8  }
0x3a4: {  	_ =	swait.ge [sflag:s28], $0x28  }
0x3a5: {  	[sflag:s28] =	ssyncset.done $0x0  }
0x3a6: {  	[sflag:s28] =	ssyncadd.s32 $0xFFFFFFD8  }
0x3a7: {  	v0 =	vld [tilespmem:$0x0];
	_ =	sdelay $0x2  }
0x3a8: {  	v2 =	vld [tilespmem:$0x1FFC0]  }
0x3a9: {  	v3 =	vld [tilespmem:$0x1FFD0]  }
0x3aa: {  	v4 =	vld [tilespmem:$0x1FFE0];
	v1 =	vshll.u32 v0, $0x1  }
0x3ab: {  	v0 =	vand.u32 $0x7, v0;
	v1 =	vand.u32 $0xFFFFFFF0, v1  }
0x3ac: {  	v0 =	vor.u32 v0, v1  }
0x3ad: {  	v1 =	vperm.xlane v0, v2;
	_ =	sdelay $0x1  }
0x3ae: {  	v0 =	vperm.xlane v0, v4;
	v1 =	vadd.s32 v3, v1;
	_ =	sdelay $0x1  }
0x3af: {  	v0 =	vadd.s32 v3, v0;
	_ =	sdelay $0x1  }
0x3b0: {  	s9 =	simm.s32 $0x400  }
0x3b1: {  	[tilespmem:s9], [sflag:$0x1] =	stream.indirect_vreg.gather [hbm4b:s5+s4], $0x80, v1, vm0, $0xb8;
	[tilespmem:$0x1F680] =	vst v63  }
0x3b2: {  	s10 =	simm.s32 $0xC00  }
0x3b3: {  	[tilespmem:s10], [sflag:$0x1] =	stream.indirect_vreg.gather [hbm4b:s5+s4], $0x80, v0, vm0, $0xb8;
	[tilespmem:$0x1F680] =	vst v63  }
0x3b4: {  	v0 =	vld [tilespmem:$0x10];
	_ =	sdelay $0x4  }
0x3b5: {  	v51 =	vshll.u32 v0, $0x1  }
0x3b6: {  	v0 =	vand.u32 $0x7, v0;
	v1 =	vand.u32 $0xFFFFFFF0, v51  }
0x3b7: {  	v0 =	vor.u32 v0, v1  }
0x3b8: {  	v1 =	vperm.xlane v0, v2;
	_ =	sdelay $0x1  }
0x3b9: {  	v0 =	vperm.xlane v0, v4;
	v1 =	vadd.s32 v3, v1;
	_ =	sdelay $0x1  }
0x3ba: {  	v0 =	vadd.s32 v3, v0;
	_ =	sdelay $0x1  }
0x3bb: {  	s11 =	simm.s32 $0x1400  }
0x3bc: {  	[tilespmem:s11], [sflag:$0x1] =	stream.indirect_vreg.gather [hbm4b:s5+s4], $0x80, v1, vm0, $0xb8;
	[tilespmem:$0x1F680] =	vst v63  }
0x3bd: {  	s12 =	simm.s32 $0x1C00  }
0x3be: {  	[tilespmem:s12], [sflag:$0x1] =	stream.indirect_vreg.gather [hbm4b:s5+s4], $0x80, v0, vm0, $0xb8;
	[tilespmem:$0x1F680] =	vst v63  }
0x3bf: {  	v0 =	vld.msk [tilespmem:$0x20], $0xff;
	_ =	sdelay $0x4  }
0x3c0: {  	v57 =	vshll.u32 v0, $0x1  }
0x3c1: {  	v0 =	vand.u32 $0x7, v0;
	v1 =	vand.u32 $0xFFFFFFF0, v57  }
0x3c2: {  	v0 =	vor.u32 v0, v1  }
0x3c3: {  	v0 =	vperm.xlane v0, v2;
	_ =	sdelay $0x1  }
0x3c4: {  	v0 =	vadd.s32 v3, v0;
	_ =	sdelay $0x3  }
0x3c5: {  	s16 =	simm.s32 $0x2400  }
0x3c6: {  	[tilespmem:s16], [sflag:$0x1] =	stream.indirect_vreg.gather [hbm4b:s5+s4], $0x80, v0, vm0, $0xb8;
	[tilespmem:$0x1F680] =	vst v63  }
0x3c7: {  	v0 =	vld [tilespmem:$0x80];
	_ =	sdelay $0x4  }
0x3c8: {  	v58 =	vshll.u32 v0, $0x1  }
0x3c9: {  	v0 =	vand.u32 $0x7, v0;
	v1 =	vand.u32 $0xFFFFFFF0, v58  }
0x3ca: {  	v0 =	vor.u32 v0, v1  }
0x3cb: {  	v1 =	vperm.xlane v0, v2;
	_ =	sdelay $0x1  }
0x3cc: {  	v0 =	vperm.xlane v0, v4;
	v1 =	vadd.s32 v3, v1;
	_ =	sdelay $0x1  }
0x3cd: {  	v0 =	vadd.s32 v3, v0;
	_ =	sdelay $0x1  }
0x3ce: {  	s19 =	simm.s32 $0x2C00  }
0x3cf: {  	[tilespmem:s19], [sflag:$0x2] =	stream.indirect_vreg.gather [hbm4b:s6+s4], $0x80, v1, vm0, $0xb8;
	[tilespmem:$0x1F680] =	vst v63  }
0x3d0: {  	s22 =	simm.s32 $0x3400  }
0x3d1: {  	[tilespmem:s22], [sflag:$0x2] =	stream.indirect_vreg.gather [hbm4b:s6+s4], $0x80, v0, vm0, $0xb8;
	[tilespmem:$0x1F680] =	vst v63  }
0x3d2: {  	v0 =	vld [tilespmem:$0x90];
	_ =	sdelay $0x4  }
0x3d3: {  	v59 =	vshll.u32 v0, $0x1  }
0x3d4: {  	v0 =	vand.u32 $0x7, v0;
	v1 =	vand.u32 $0xFFFFFFF0, v59  }
0x3d5: {  	v0 =	vor.u32 v0, v1  }
0x3d6: {  	v1 =	vperm.xlane v0, v2;
	_ =	sdelay $0x1  }
0x3d7: {  	v0 =	vperm.xlane v0, v4;
	v1 =	vadd.s32 v3, v1;
	_ =	sdelay $0x1  }
0x3d8: {  	v0 =	vadd.s32 v3, v0;
	_ =	sdelay $0x1  }
0x3d9: {  	s25 =	simm.s32 $0x3C00  }
0x3da: {  	[tilespmem:s25], [sflag:$0x2] =	stream.indirect_vreg.gather [hbm4b:s6+s4], $0x80, v1, vm0, $0xb8;
	[tilespmem:$0x1F680] =	vst v63  }
0x3db: {  	s26 =	simm.s32 $0x4400  }
0x3dc: {  	[tilespmem:s26], [sflag:$0x2] =	stream.indirect_vreg.gather [hbm4b:s6+s4], $0x80, v0, vm0, $0xb8;
	[tilespmem:$0x1F680] =	vst v63  }
0x3dd: {  	v0 =	vld.msk [tilespmem:$0xA0], $0xff;
	_ =	sdelay $0x4  }
0x3de: {  	v60 =	vshll.u32 v0, $0x1  }
0x3df: {  	v0 =	vand.u32 $0x7, v0;
	v1 =	vand.u32 $0xFFFFFFF0, v60  }
0x3e0: {  	v0 =	vor.u32 v0, v1  }
0x3e1: {  	v0 =	vperm.xlane v0, v2;
	_ =	sdelay $0x1  }
0x3e2: {  	v0 =	vadd.s32 v3, v0;
	_ =	sdelay $0x3  }
0x3e3: {  	s30 =	simm.s32 $0x4C00  }
0x3e4: {  	[tilespmem:s30], [sflag:$0x2] =	stream.indirect_vreg.gather [hbm4b:s6+s4], $0x80, v0, vm0, $0xb8;
	[tilespmem:$0x1F680] =	vst v63  }
.LBB2_8:
0x3e5: {  	_ =	swait.ge [sflag:s20], $0x2800  }
0x3e6: {  	[sflag:s20] =	ssyncset.done $0x0  }
0x3e7: {  	[sflag:s20] =	ssyncadd.s32 $0xFFFFD800  }
0x3e8: {  	_ =	swait.ge [sflag:s18], $0x2800  }
0x3e9: {  	[sflag:s18] =	ssyncset.done $0x0  }
0x3ea: {  	[sflag:s18] =	ssyncadd.s32 $0xFFFFD800  }
0x3eb: {  	s0 =	simm.s32 $0x0;
	_ =	swait.ge [sflag:s29], $0x1400  }
0x3ec: {  	s1 =	sand.u32 $0x3800, s0;
	s3 =	sand.u32 $0x380, s0;
	[sflag:s29] =	ssyncset.done $0x0  }
0x3ed: {  	s10 =	sor.u32 s3, s1;
	[sflag:s29] =	ssyncadd.s32 $0xFFFFEC00  }
0x3ee: {  	v9 =	vld [tilespmem:s10+$0x5400];
	_ =	sdelay $0x4  }
0x3ef: {  	[tilespmem:$0x1FD80] =	vst v9  }
0x3f0: {  	v5 =	vld [tilespmem:s10+$0x7C00];
	_ =	sdelay $0x4  }
0x3f1: {  	v59 =	vld [tilespmem:$0x1FFF0];
	[tilespmem:$0x1FDA0] =	vst v5  }
0x3f2: {  	v0 =	vld [tilespmem:s10+$0x5410]  }
0x3f3: {  	v1 =	vld [tilespmem:s10+$0x7C10]  }
0x3f4: {  	v2 =	vld [tilespmem:s10+$0x5420]  }
0x3f5: {  	v3 =	vld [tilespmem:s10+$0x7C20]  }
0x3f6: {  	v9 =	vmul.f32 v5, v9;
	v4 =	vld [tilespmem:s10+$0x5430]  }
0x3f7: {  	v10 =	vld [tilespmem:s10+$0x7C30]  }
0x3f8: {  	v11 =	vld [tilespmem:s10+$0x5440];
	v0 =	vmul.f32 v1, v0;
	v1 =	vmul.f32 v59, v9  }
0x3f9: {  	v9 =	vld [tilespmem:s10+$0x7C40]  }
0x3fa: {  	v2 =	vmul.f32 v3, v2;
	v3 =	vld [tilespmem:s10+$0x7C50];
	v0 =	vadd.f32 v0, v1  }
0x3fb: {  	v1 =	vld [tilespmem:s10+$0x5450]  }
0x3fc: {  	v4 =	vmul.f32 v10, v4;
	v10 =	vld [tilespmem:s10+$0x5460];
	v0 =	vadd.f32 v2, v0  }
0x3fd: {  	v2 =	vld [tilespmem:s10+$0x7C60]  }
0x3fe: {  	v9 =	vmul.f32 v9, v11;
	v11 =	vld [tilespmem:s10+$0x5470];
	v0 =	vadd.f32 v4, v0  }
0x3ff: {  	v4 =	vld [tilespmem:s10+$0x7C70]  }
0x400: {  	v1 =	vmul.f32 v3, v1;
	v0 =	vadd.f32 v9, v0;
	_ =	sdelay $0x1  }
0x401: {  	v0 =	vadd.f32 v1, v0;
	v1 =	vmul.f32 v2, v10;
	_ =	sdelay $0x1  }
0x402: {  	v0 =	vadd.f32 v1, v0;
	v1 =	vmul.f32 v4, v11;
	_ =	sdelay $0x1  }
0x403: {  	v0 =	vadd.f32 v1, v0;
	_ =	sdelay $0x1  }
0x404: {  	v1 =	vperm.xlane v0, v27;
	_ =	sdelay $0x1  }
0x405: {  	v0 =	vadd.f32 v0, v1;
	_ =	sdelay $0x1  }
0x406: {  	v1 =	vperm.xlane v0, v49;
	_ =	sdelay $0x1  }
0x407: {  	v0 =	vadd.f32 v0, v1;
	_ =	sdelay $0x1  }
0x408: {  	v1 =	vperm.xlane v0, v7;
	_ =	sdelay $0x1  }
0x409: {  	v0 =	vadd.f32 v0, v1;
	_ =	sdelay $0x1  }
0x40a: {  	v1 =	vperm.xlane v0, v8;
	_ =	sdelay $0x1  }
0x40b: {  	v0 =	vadd.f32 v0, v1;
	_ =	sdelay $0x1  }
0x40c: {  	v0 =	vsub.f32 $0.0e+00, v0;
	_ =	sdelay $0x1  }
0x40d: {  	v36 =	vmax.f32 v0, $1.000010010e+00  }
0x40e: {  	v0 =	vadd.f32 $-1.000000000e+00, v36;
	v1 =	vadd.f32 $1.000000000e+00, v36;
	_ =	sdelay $0x1  }
0x40f: {  	v0 =	vmul.f32 v1, v0;
	_ =	sdelay $0x1  }
0x410: {  	v1 =	vshra.s32 v0, $0x1;
	v2 =	vmul.f32 $5.000000000e-01, v0  }
0x411: {  	v1 =	vsub.s32 $0x5F3759DF, v1  }
0x412: {  	v3 =	vmul.f32 v1, v2;
	_ =	sdelay $0x1  }
0x413: {  	v3 =	vmul.f32 v1, v3;
	_ =	sdelay $0x1  }
0x414: {  	v3 =	vsub.f32 $1.500000000e+00, v3;
	_ =	sdelay $0x1  }
0x415: {  	v1 =	vmul.f32 v1, v3;
	_ =	sdelay $0x1  }
0x416: {  	v3 =	vmul.f32 v1, v2;
	_ =	sdelay $0x1  }
0x417: {  	v3 =	vmul.f32 v3, v1;
	_ =	sdelay $0x1  }
0x418: {  	v3 =	vsub.f32 $1.500000000e+00, v3  }
0x419: {  	s9 =	simm.s32 $0x100;
	s11 =	simm.s32 $0x80  }
0x41a: {  	s1 =	sand.u32 $0x3800, s9;
	s3 =	sand.u32 $0x380, s11;
	v1 =	vmul.f32 v3, v1  }
0x41b: {  	s11 =	sor.u32 s3, s1  }
0x41c: {  	v38 =	vld [tilespmem:s11+$0x5400];
	v2 =	vmul.f32 v1, v2  }
0x41d: {  	v39 =	vld [tilespmem:s11+$0x7C00]  }
0x41e: {  	v4 =	vld [tilespmem:s11+$0x5410];
	v2 =	vmul.f32 v2, v1  }
0x41f: {  	v3 =	vld [tilespmem:s11+$0x7C10]  }
0x420: {  	v9 =	vld [tilespmem:s11+$0x5420];
	v2 =	vsub.f32 $1.500000000e+00, v2  }
0x421: {  	v10 =	vld [tilespmem:s11+$0x7C20]  }
0x422: {  	v13 =	vld [tilespmem:s11+$0x7C30];
	v12 =	vmul.f32 v39, v38;
	v5 =	vmul.f32 v2, v1  }
0x423: {  	v11 =	vld [tilespmem:s11+$0x5430]  }
0x424: {  	v12 =	vmul.f32 v59, v12;
	v3 =	vmul.f32 v3, v4;
	v4 =	vld [tilespmem:s11+$0x5440];
	[tilespmem:$0x1FD90] =	vst v5  }
0x425: {  	v1 =	vld [tilespmem:s11+$0x7C40]  }
0x426: {  	v3 =	vadd.f32 v3, v12;
	v2 =	vmul.f32 v10, v9;
	v0 =	vmul.f32 v5, v0;
	v9 =	vld [tilespmem:s11+$0x5450]  }
0x427: {  	v10 =	vld [tilespmem:s11+$0x7C50]  }
0x428: {  	v11 =	vmul.f32 v13, v11;
	v2 =	vadd.f32 v2, v3;
	v57 =	vld [tilespmem:s11+$0x5460];
	v0 =	vadd.f32 v0, v36  }
0x429: {  	v3 =	vld [tilespmem:s11+$0x7C60]  }
0x42a: {  	v58 =	vld [tilespmem:s11+$0x7C70];
	v2 =	vadd.f32 v11, v2;
	v11 =	vand.u32 $0x7FFFFF, v0;
	v1 =	vmul.f32 v1, v4  }
0x42b: {  	v23 =	vimm.s32 $0x3F800000;
	vm1 =	vgt.u32 v11, $0x3504F3;
	v4 =	vld [tilespmem:s11+$0x5470]  }
0x42c: {  	v1 =	vadd.f32 v1, v2;
	v2 =	vmul.f32 v10, v9;
	v9 =	vsel vm1, $0x3F000000, v23  }
0x42d: {  	v9 =	vor.u32 v11, v9  }
0x42e: {  	v1 =	vadd.f32 v2, v1;
	v2 =	vmul.f32 v3, v57;
	v3 =	vadd.f32 $1.000000000e+00, v9;
	_ =	sdelay $0x1  }
0x42f: {  	v1 =	vadd.f32 v2, v1;
	v2 =	vmul.f32 v58, v4;
	(erf) = vrcp.f32 v3;
	_ =	sdelay $0x1  }
0x430: {  	v1 =	vadd.f32 v2, v1;
	_ =	sdelay $0x1  }
0x431: {  	v2 =	vperm.xlane v1, v27;
	_ =	sdelay $0x1  }
0x432: {  	v1 =	vadd.f32 v1, v2;
	_ =	sdelay $0x1  }
0x433: {  	v3 =	vadd.f32 $-1.000000000e+00, v9;
	v2 =	vperm.xlane v1, v49  }
0x434: {  	v4 =	vpop (erf)  }
0x435: {  	v1 =	vadd.f32 v1, v2;
	v2 =	vmul.f32 v4, v3;
	_ =	sdelay $0x1  }
0x436: {  	v6 =	vld [tilespmem:$0x1FEF0];
	v3 =	vperm.xlane v1, v7;
	v4 =	vmul.f32 v2, v2  }
0x437: {  	v5 =	vld [tilespmem:$0x1FEE0]  }
0x438: {  	v60 =	vld [tilespmem:s10+$0x5860];
	v1 =	vadd.f32 v1, v3;
	v3 =	vmul.f32 $1.111111120e-01, v4  }
0x439: {  	v32 =	vld [tilespmem:s10+$0x8060]  }
0x43a: {  	v14 =	vld [tilespmem:s10+$0x5850];
	v10 =	vperm.xlane v1, v8;
	v3 =	vadd.f32 $1.428571340e-01, v3  }
0x43b: {  	v17 =	vld [tilespmem:s10+$0x5840]  }
0x43c: {  	v18 =	vld [tilespmem:s10+$0x8040];
	v1 =	vadd.f32 v1, v10;
	v3 =	vmul.f32 v3, v4  }
0x43d: {  	v22 =	vld [tilespmem:s10+$0x5810]  }
0x43e: {  	v40 =	vld [tilespmem:s10+$0x5800];
	v1 =	vsub.f32 $0.0e+00, v1;
	v3 =	vadd.f32 $2.000000030e-01, v3  }
0x43f: {  	s12 =	simm.s32 $0x0;
	v41 =	vld [tilespmem:s10+$0x8000]  }
0x440: {  	s0 =	sand.u32 $0xFFFFFFF0, s0;
	s1 =	sand.u32 $0x30, s12;
	v12 =	vld [tilespmem:s10+$0x5820];
	v37 =	vmax.f32 v1, $1.000010010e+00;
	v3 =	vmul.f32 v3, v4  }
0x441: {  	s0 =	smin.u32 s0, $0x18;
	s1 =	smin.u32 s1, $0x18;
	v44 =	vld [tilespmem:s10+$0x8020];
	v15 =	vadd.f32 $-1.000000000e+00, v37;
	v16 =	vadd.f32 $1.000000000e+00, v37  }
0x442: {  	s0 =	ssub.s32 $0x0, s0;
	v19 =	vshra.s32 v0, $0x17;
	v0 =	vimm.s32 $0x0;
	v11 =	vld [tilespmem:s1+$0x280];
	v3 =	vadd.f32 $3.333333430e-01, v3  }
0x443: {  	v34 =	vmov s0;
	v20 =	vsel vm1, $0x1, v0;
	v9 =	vld [tilespmem:s10+$0x5870];
	v0 =	vmul.f32 v16, v15  }
0x444: {  	v33 =	vadd.s32 v20, v19;
	v2 =	vadd.f32 v2, v2;
	v10 =	vld [tilespmem:s10+$0x8070];
	v3 =	vmul.f32 v3, v4  }
0x445: {  	v20 =	vld [tilespmem:s10+$0x8030];
	v16 =	vadd.s32 $0x4B000000, v33;
	v4 =	vshra.s32 v0, $0x1;
	v21 =	vmul.f32 $5.000000000e-01, v0  }
0x446: {  	v1 =	vld [tilespmem:s10+$0x8050];
	v16 =	vadd.f32 $-8.388735000e+06, v16;
	v4 =	vsub.s32 $0x5F3759DF, v4;
	v3 =	vadd.f32 $1.000000000e+00, v3  }
0x447: {  	v51 =	vadd.f32 v41, v40;
	v11 =	vperm.xlane v11, v34;
	v34 =	vld [tilespmem:$0x1FF00];
	v35 =	vmul.f32 v4, v21  }
0x448: {  	v12 =	vadd.f32 v44, v12;
	v15 =	vld [tilespmem:s10+$0x5830];
	v16 =	vmul.f32 $6.931471820e-01, v16;
	v2 =	vmul.f32 v3, v2  }
0x449: {  	v42 =	vld [tilespmem:s10+$0x8010];
	v13 =	vmul.f32 v11, v62;
	v3 =	vadd.f32 v10, v9;
	v10 =	vmul.f32 v4, v35  }
0x44a: {  	v33 =	vmovc v26;
	v50 =	vadd.f32 v2, v16;
	v16 =	vadd.f32 v18, v17;
	v17 =	vmul.f32 v11, v26;
	v26 =	vld [tilespmem:$0x1FF40]  }
0x44b: {  	v40 =	vmul.f32 v11, v5;
	v58 =	vmul.f32 v11, v54;
	v1 =	vadd.f32 v1, v14  }
0x44c: {  	v9 =	vadd.f32 v32, v60;
	v35 =	vmul.f32 v11, v6;
	v10 =	vsub.f32 $1.500000000e+00, v10  }
0x44d: {  	v15 =	vadd.f32 v20, v15;
	v57 =	vmul.f32 v50, v45;
	v32 =	vmul.f32 v50, v34  }
0x44e: {  	v44 =	vmul.f32 v50, v46;
	v4 =	vmul.f32 v4, v10;
	v10 =	vadd.f32 v42, v22  }
0x44f: {  	v18 =	vadd.f32 v57, v51;
	v12 =	vadd.f32 v32, v12;
	v60 =	vmul.f32 v50, v26  }
0x450: {  	v51 =	vmul.f32 v11, v63;
	v14 =	vadd.f32 v44, v15;
	v32 =	vmul.f32 v50, v56  }
0x451: {  	v2 =	vmul.f32 v11, v61;
	v18 =	vadd.f32 v18, v58;
	v10 =	vadd.f32 v60, v10  }
0x452: {  	v11 =	vmul.f32 v11, v43;
	v12 =	vadd.f32 v12, v51;
	v1 =	vadd.f32 v32, v1  }
0x453: {  	s16 =	simm.s32 $0x200;
	s19 =	simm.s32 $0x100;
	v57 =	vmul.f32 v50, v48;
	v54 =	vsub.f32 $0.0e+00, v18;
	v10 =	vadd.f32 v10, v35  }
0x454: {  	s0 =	sand.u32 $0x3800, s16;
	s1 =	sand.u32 $0x380, s19;
	v11 =	vadd.f32 v14, v11;
	v32 =	vmul.f32 v50, v52;
	v1 =	vadd.f32 v1, v17  }
0x455: {  	s0 =	sor.u32 s1, s0;
	v35 =	vadd.f32 v57, v16;
	v58 =	vmul.f32 $1.442695020e+00, v54;
	v60 =	vsub.f32 $0.0e+00, v10  }
0x456: {  	v19 =	vld [tilespmem:s0+$0x5410];
	v3 =	vadd.f32 v32, v3;
	v57 =	vmul.f32 v50, v47;
	v54 =	vsub.f32 $0.0e+00, v12  }
0x457: {  	v41 =	vld [tilespmem:s0+$0x5400];
	v14 =	vadd.f32 v35, v40;
	(erf) = vpow2.f32 v58;
	v51 =	vmul.f32 $1.442695020e+00, v60  }
0x458: {  	v20 =	vmul.f32 v4, v21;
	v9 =	vadd.f32 v57, v9;
	v40 =	vld [tilespmem:s0+$0x7C00];
	v58 =	vsub.f32 $0.0e+00, v11  }
0x459: {  	v16 =	vmul.f32 $1.442695020e+00, v54;
	v60 =	vld [tilespmem:s0+$0x7C10];
	v44 =	vsub.f32 $0.0e+00, v14;
	(erf) = vpow2.f32 v51  }
0x45a: {  	v2 =	vadd.f32 v9, v2;
	v35 =	vmul.f32 $1.442695020e+00, v58;
	v51 =	vmul.f32 v20, v4  }
0x45b: {  	v9 =	vsub.f32 $0.0e+00, v1;
	v54 =	vmul.f32 $1.442695020e+00, v44;
	(erf) = vpow2.f32 v16  }
0x45c: {  	v15 =	vld [tilespmem:s0+$0x5420];
	v3 =	vadd.f32 v3, v13;
	(erf) = vpow2.f32 v35  }
0x45d: {  	v9 =	vmul.f32 $1.442695020e+00, v9;
	v16 =	vsub.f32 $1.500000000e+00, v51;
	v35 =	vld [tilespmem:s0+$0x7C20];
	(erf) = vpow2.f32 v54  }
0x45e: {  	v57 =	vsub.f32 $0.0e+00, v2;
	v58 =	vmul.f32 v40, v41;
	v17 =	vmul.f32 v60, v19;
	v54 =	vld [tilespmem:s0+$0x7C30]  }
0x45f: {  	v60 =	vsub.f32 $0.0e+00, v3;
	v4 =	vmul.f32 v16, v4;
	(erf) = vpow2.f32 v9;
	v9 =	vld [tilespmem:s0+$0x5430]  }
0x460: {  	v13 =	vmul.f32 $1.442695020e+00, v57;
	v57 =	vld [tilespmem:s0+$0x5440];
	v19 =	vmul.f32 v59, v58;
	v32 =	vpop (erf)  }
0x461: {  	v20 =	vmul.f32 $1.442695020e+00, v60;
	v60 =	vld [tilespmem:s0+$0x7C40];
	v21 =	vmul.f32 v4, v21;
	v44 =	vadd.f32 $1.000000000e+00, v32  }
0x462: {  	v15 =	vmul.f32 v35, v15;
	v51 =	vpop (erf);
	(erf) = vpow2.f32 v13  }
0x463: {  	v6 =	vmovc v43;
	v21 =	vmul.f32 v21, v4;
	v22 =	vadd.f32 $1.000000000e+00, v51;
	(erf) = vrcp.f32 v44  }
0x464: {  	v42 =	vld [tilespmem:s0+$0x7C50];
	v17 =	vadd.f32 v17, v19;
	v9 =	vmul.f32 v54, v9;
	v58 =	vpop (erf);
	(erf) = vpow2.f32 v20  }
0x465: {  	v19 =	vld [tilespmem:s0+$0x5450];
	v21 =	vsub.f32 $1.500000000e+00, v21;
	v43 =	vadd.f32 $1.000000000e+00, v58;
	v32 =	vpop (erf);
	(erf) = vrcp.f32 v22  }
0x466: {  	v35 =	vadd.f32 v15, v17;
	v54 =	vmul.f32 v60, v57;
	v57 =	vld [tilespmem:s0+$0x5460];
	v22 =	vadd.f32 $1.000000000e+00, v32;
	v51 =	vpop (erf)  }
0x467: {  	v60 =	vld [tilespmem:s0+$0x7C60];
	(erf) = vrcp.f32 v43;
	v43 =	vmul.f32 v21, v4;
	v4 =	vadd.f32 $1.000000000e+00, v51  }
0x468: {  	v9 =	vadd.f32 v9, v35;
	(erf) = vrcp.f32 v22;
	_ =	sdelay $0x1  }
0x469: {  	v44 =	vld [tilespmem:s0+$0x7C70];
	v35 =	vmul.f32 v42, v19;
	v58 =	vpop (erf);
	v9 =	vadd.f32 v54, v9  }
0x46a: {  	v32 =	vld [tilespmem:s0+$0x5470];
	v13 =	vadd.f32 $1.000000000e+00, v58;
	v0 =	vmul.f32 v43, v0;
	(erf) = vrcp.f32 v4;
	v4 =	vpop (erf)  }
0x46b: {  	v9 =	vadd.f32 v35, v9;
	v57 =	vmul.f32 v60, v57;
	v4 =	vadd.f32 $1.000000000e+00, v4;
	v42 =	vpop (erf)  }
0x46c: {  	v22 =	vadd.f32 v0, v37;
	(erf) = vrcp.f32 v13;
	v0 =	vmul.f32 v42, v18;
	v51 =	vpop (erf)  }
0x46d: {  	v9 =	vadd.f32 v57, v9;
	v54 =	vpop (erf);
	(erf) = vrcp.f32 v4  }
0x46e: {  	v4 =	vand.u32 $0x7FFFFF, v22;
	v0 =	vmul.f32 v0, v55;
	v10 =	vmul.f32 v54, v10  }
0x46f: {  	v60 =	vmul.f32 v44, v32;
	v13 =	vadd.f32 $1.000000000e+00, v51;
	vm1 =	vgt.u32 v4, $0x3504F3;
	v58 =	vpop (erf)  }
0x470: {  	v12 =	vmul.f32 v58, v12;
	v21 =	vpop (erf);
	v0 =	vadd.f32 $0.0e+00, v0;
	v10 =	vmul.f32 v10, v28  }
0x471: {  	(erf) = vrcp.f32 v13;
	v20 =	vsel vm1, $0x3F000000, v23;
	v11 =	vmul.f32 v21, v11  }
0x472: {  	v4 =	vor.u32 v4, v20;
	v0 =	vadd.f32 v0, v10;
	v10 =	vmul.f32 v12, v53  }
0x473: {  	v9 =	vadd.f32 v60, v9;
	v23 =	vpop (erf);
	v35 =	vadd.f32 $1.000000000e+00, v4  }
0x474: {  	v0 =	vadd.f32 v0, v10;
	v10 =	vmul.f32 v11, v25;
	v11 =	vmul.f32 v23, v14;
	_ =	sdelay $0x1  }
0x475: {  	v32 =	vperm.xlane v9, v27;
	(erf) = vrcp.f32 v35;
	v42 =	vpop (erf)  }
0x476: {  	v1 =	vmul.f32 v42, v1;
	v0 =	vadd.f32 v0, v10;
	v10 =	vmul.f32 v11, v30  }
0x477: {  	v9 =	vadd.f32 v9, v32;
	v11 =	vpop (erf)  }
0x478: {  	s22 =	simm.s32 $0x300;
	s9 =	simm.s32 $0x180;
	v1 =	vmul.f32 v1, v29;
	v0 =	vadd.f32 v0, v10;
	v2 =	vmul.f32 v11, v2  }
0x479: {  	s26 =	simm.s32 $0x1;
	s25 =	sand.u32 $0x380, s9;
	s1 =	sand.u32 $0x3800, s22;
	v10 =	vperm.xlane v9, v49;
	v11 =	vpop (erf)  }
0x47a: {  	s25 =	sor.u32 s25, s1;
	s1 =	sand.u32 $0x30, s26;
	v16 =	vld [tilespmem:s11+$0x8070];
	v0 =	vadd.f32 v0, v1;
	v1 =	vmul.f32 v2, v24;
	v2 =	vmul.f32 v11, v3  }
0x47b: {  	s1 =	smin.u32 s1, $0x18;
	v15 =	vld [tilespmem:s11+$0x5840]  }
0x47c: {  	v19 =	vld [tilespmem:s1+$0x280];
	v9 =	vadd.f32 v9, v10;
	v0 =	vadd.f32 v0, v1;
	v1 =	vmul.f32 v2, v31  }
0x47d: {  	v54 =	vld [tilespmem:s25+$0x7C20];
	v4 =	vadd.f32 $-1.000000000e+00, v4  }
0x47e: {  	v13 =	vld [tilespmem:s25+$0x5420];
	v44 =	vperm.xlane v9, v7;
	v51 =	vpop (erf);
	v0 =	vadd.f32 v0, v1  }
0x47f: {  	v12 =	vld [tilespmem:s25+$0x5410];
	v4 =	vmul.f32 v51, v4  }
0x480: {  	v14 =	vld [tilespmem:s25+$0x7C10];
	v9 =	vadd.f32 v9, v44;
	v53 =	vperm.xlane v0, v27  }
0x481: {  	v25 =	vld [tilespmem:$0x1FFB0];
	v17 =	vmul.f32 v4, v4  }
0x482: {  	v10 =	vld [tilespmem:s25+$0x5430];
	v20 =	vperm.xlane v9, v8;
	v0 =	vadd.f32 v0, v53  }
0x483: {  	v11 =	vld [tilespmem:s25+$0x5440];
	v32 =	vmul.f32 $1.111111120e-01, v17  }
0x484: {  	v2 =	vld [tilespmem:s25+$0x7C40];
	v9 =	vadd.f32 v9, v20;
	v21 =	vperm.xlane v0, v49  }
0x485: {  	v1 =	vld [tilespmem:s25+$0x7C30];
	v18 =	vadd.f32 $1.428571340e-01, v32  }
0x486: {  	v30 =	vmov v52;
	v52 =	vld [tilespmem:s11+$0x5820];
	v9 =	vsub.f32 $0.0e+00, v9;
	v0 =	vadd.f32 v0, v21  }
0x487: {  	v60 =	vmov v29;
	v29 =	vmov v55;
	v55 =	vld [tilespmem:s11+$0x8020];
	v12 =	vmul.f32 v14, v12  }
0x488: {  	v3 =	vld [tilespmem:s11+$0x5870];
	v18 =	vmul.f32 v18, v17;
	v42 =	vmax.f32 v9, $1.000010010e+00;
	v9 =	vperm.xlane v0, v7  }
0x489: {  	v14 =	vld [tilespmem:s11+$0x8040];
	v57 =	vmul.f32 v2, v11;
	v35 =	vadd.f32 $-1.000000000e+00, v42;
	v11 =	vadd.f32 $1.000000000e+00, v42  }
0x48a: {  	v23 =	vmovc v31;
	v31 =	vmovc v46;
	v46 =	vld [tilespmem:s25+$0x7C00];
	v51 =	vadd.f32 $2.000000030e-01, v18;
	v9 =	vadd.f32 v0, v9;
	v0 =	vmul.f32 v1, v10  }
0x48b: {  	v22 =	vshra.s32 v22, $0x17;
	v44 =	vld [tilespmem:s25+$0x5400];
	v1 =	vmul.f32 v54, v13;
	v54 =	vmul.f32 v11, v35  }
0x48c: {  	v20 =	vld [tilespmem:s11+$0x5860];
	v13 =	vmul.f32 v51, v17;
	v35 =	vimm.s32 $0x0;
	v11 =	vperm.xlane v9, v8  }
0x48d: {  	s3 =	simm.s32 $0x1;
	v4 =	vadd.f32 v4, v4;
	v3 =	vadd.f32 v16, v3;
	v2 =	vld [tilespmem:s11+$0x5850];
	v35 =	vsel vm1, $0x1, v35  }
0x48e: {  	s30 =	sand.u32 $0xFFFFFFF0, s3;
	v21 =	vld [tilespmem:s11+$0x8060];
	v53 =	vshra.s32 v54, $0x1;
	v13 =	vadd.f32 $3.333333430e-01, v13;
	v9 =	vadd.f32 v9, v11  }
0x48f: {  	s1 =	smin.u32 s30, $0x18;
	v32 =	vmovc v47;
	v47 =	vld [tilespmem:s11+$0x5830];
	v58 =	vmul.f32 $5.000000000e-01, v54;
	v18 =	vsub.s32 $0x5F3759DF, v53;
	v53 =	vadd.s32 v35, v22  }
0x490: {  	s1 =	ssub.s32 $0x1, s1;
	v10 =	vld [tilespmem:s11+$0x8050];
	v13 =	vmul.f32 v13, v17;
	v17 =	vadd.s32 $0x4B000000, v53;
	v9 =	vadd.f32 v9, v25  }
0x491: {  	v51 =	vld [tilespmem:s11+$0x8030];
	v11 =	vmov s1;
	v16 =	vmul.f32 v18, v58;
	v17 =	vadd.f32 $-8.388735000e+06, v17  }
0x492: {  	v35 =	vld [tilespmem:s11+$0x8000];
	v11 =	vperm.xlane v19, v11;
	v13 =	vadd.f32 $1.000000000e+00, v13;
	v9 =	vsub.f32 $0.0e+00, v9  }
0x493: {  	v19 =	vadd.f32 v21, v20;
	v20 =	vld [tilespmem:s11+$0x5800];
	v16 =	vmul.f32 v18, v16;
	v17 =	vmul.f32 $6.931471820e-01, v17  }
0x494: {  	v14 =	vadd.f32 v14, v15;
	v22 =	vld [tilespmem:s11+$0x5810];
	v4 =	vmul.f32 v13, v4;
	v9 =	vmul.f32 $1.442695020e+00, v9  }
0x495: {  	v53 =	vld [tilespmem:s11+$0x8010];
	v2 =	vadd.f32 v10, v2;
	v16 =	vsub.f32 $1.500000000e+00, v16  }
0x496: {  	(erf) = vpow2.f32 v9;
	v9 =	vadd.f32 v51, v47;
	v47 =	vadd.f32 v4, v17  }
0x497: {  	v10 =	vmul.f32 v46, v44;
	v15 =	vmul.f32 v18, v16;
	v16 =	vadd.f32 v55, v52  }
0x498: {  	v13 =	vadd.f32 v35, v20;
	v35 =	vmovc v26;
	v55 =	vmul.f32 v47, v45;
	v45 =	vmul.f32 v47, v26;
	v26 =	vld [tilespmem:$0x1FF60]  }
0x499: {  	v10 =	vmul.f32 v59, v10;
	v52 =	vmul.f32 v47, v30;
	v30 =	vld [tilespmem:$0x1FEF0]  }
0x49a: {  	v53 =	vadd.f32 v53, v22  }
0x49b: {  	v10 =	vadd.f32 v12, v10;
	v48 =	vmul.f32 v47, v48  }
0x49c: {  	v13 =	vadd.f32 v55, v13;
	v17 =	vadd.f32 v45, v53;
	v53 =	vmul.f32 v47, v34  }
0x49d: {  	v3 =	vadd.f32 v52, v3;
	v45 =	vmul.f32 v47, v32;
	v51 =	vmul.f32 v11, v26  }
0x49e: {  	v52 =	vmul.f32 v47, v31;
	v14 =	vadd.f32 v48, v14;
	v55 =	vmul.f32 v11, v30  }
0x49f: {  	v12 =	vadd.f32 v13, v51;
	v51 =	vadd.f32 v53, v16;
	v53 =	vmul.f32 v11, v63  }
0x4a0: {  	v19 =	vadd.f32 v45, v19;
	v9 =	vadd.f32 v52, v9  }
0x4a1: {  	v17 =	vadd.f32 v17, v55;
	v55 =	vmul.f32 v11, v6;
	v45 =	vpop (erf);
	v13 =	vadd.f32 v51, v53  }
0x4a2: {  	v4 =	vmul.f32 v11, v5;
	v16 =	vadd.f32 $1.000000000e+00, v45;
	v32 =	vsub.f32 $0.0e+00, v12  }
0x4a3: {  	v52 =	vadd.f32 v9, v55;
	v9 =	vmul.f32 v47, v56;
	v56 =	vsub.f32 $0.0e+00, v13  }
0x4a4: {  	v53 =	vsub.f32 $0.0e+00, v17;
	(erf) = vrcp.f32 v16;
	v51 =	vmul.f32 $1.442695020e+00, v32  }
0x4a5: {  	v20 =	vmul.f32 $1.442695020e+00, v56;
	v56 =	vadd.f32 v14, v4;
	v4 =	vmul.f32 v11, v61  }
0x4a6: {  	v55 =	vmul.f32 v15, v58;
	v2 =	vadd.f32 v9, v2;
	v18 =	vmul.f32 $1.442695020e+00, v53  }
0x4a7: {  	(erf) = vpow2.f32 v51;
	v53 =	vadd.f32 v19, v4;
	v4 =	vsub.f32 $0.0e+00, v56  }
0x4a8: {  	v9 =	vmul.f32 v11, v33;
	(erf) = vpow2.f32 v18;
	v18 =	vsub.f32 $0.0e+00, v52  }
0x4a9: {  	v4 =	vmul.f32 $1.442695020e+00, v4  }
0x4aa: {  	v16 =	vmul.f32 v55, v15;
	v55 =	vadd.f32 v2, v9;
	v9 =	vmul.f32 $1.442695020e+00, v18  }
0x4ab: {  	v5 =	vld [tilespmem:$0x1FD90];
	(erf) = vpow2.f32 v20  }
0x4ac: {  	v11 =	vmul.f32 v11, v62;
	v21 =	vsub.f32 $0.0e+00, v55;
	(erf) = vpow2.f32 v9  }
0x4ad: {  	v9 =	vsub.f32 $0.0e+00, v53;
	(erf) = vpow2.f32 v4;
	v4 =	vpop (erf)  }
0x4ae: {  	v51 =	vadd.f32 v3, v11;
	v3 =	vld [tilespmem:$0x1FD80];
	v11 =	vmul.f32 $1.442695020e+00, v21;
	v4 =	vmul.f32 v4, v50  }
0x4af: {  	v22 =	vld [tilespmem:s25+$0x5450];
	v1 =	vadd.f32 v1, v10;
	v9 =	vmul.f32 $1.442695020e+00, v9  }
0x4b0: {  	v2 =	vsub.f32 $1.500000000e+00, v16;
	(erf) = vpow2.f32 v11;
	v45 =	vmul.f32 v4, v5;
	v5 =	vld [tilespmem:$0x1FDA0]  }
0x4b1: {  	(erf) = vpow2.f32 v9;
	v9 =	vld [tilespmem:s25+$0x7C50]  }
0x4b2: {  	v2 =	vmul.f32 v2, v15;
	v10 =	vsub.f32 $0.0e+00, v51;
	v11 =	vpop (erf)  }
0x4b3: {  	v3 =	vmul.f32 v36, v3;
	v11 =	vadd.f32 $1.000000000e+00, v11;
	v32 =	vpop (erf)  }
0x4b4: {  	v0 =	vadd.f32 v0, v1;
	v15 =	vmul.f32 v2, v58;
	v10 =	vmul.f32 $1.442695020e+00, v10;
	v4 =	vld [tilespmem:s25+$0x5460];
	v1 =	vpop (erf)  }
0x4b5: {  	(erf) = vrcp.f32 v11;
	v11 =	vld [tilespmem:s25+$0x7C60];
	v1 =	vadd.f32 $1.000000000e+00, v1;
	v3 =	vsub.f32 v5, v3  }
0x4b6: {  	v15 =	vmul.f32 v15, v2;
	v16 =	vadd.f32 $1.000000000e+00, v32;
	v9 =	vmul.f32 v9, v22  }
0x4b7: {  	(erf) = vpow2.f32 v10;
	v3 =	vmul.f32 v45, v3  }
0x4b8: {  	s26 =	simm.s32 $0xA440;
	v0 =	vadd.f32 v57, v0;
	v33 =	vld [tilespmem:s25+$0x7C70];
	(erf) = vrcp.f32 v16  }
0x4b9: {  	v10 =	vld [tilespmem:s25+$0x5470];
	(erf) = vrcp.f32 v1;
	v1 =	vpop (erf);
	[tilespmem:s26+$0xFFFFFFC0] =	vst v3;
	v3 =	vsub.f32 $1.500000000e+00, v15  }
0x4ba: {  	v0 =	vadd.f32 v9, v0;
	v4 =	vmul.f32 v11, v4;
	v9 =	vpop (erf)  }
0x4bb: {  	v48 =	vmul.f32 v3, v2;
	v2 =	vadd.f32 $1.000000000e+00, v9  }
0x4bc: {  	v1 =	vadd.f32 $1.000000000e+00, v1  }
0x4bd: {  	v58 =	vld [tilespmem:s10+$0x5410]  }
0x4be: {  	(erf) = vrcp.f32 v1;
	v0 =	vadd.f32 v4, v0;
	v1 =	vmul.f32 v33, v10;
	v4 =	vpop (erf)  }
0x4bf: {  	v3 =	vld [tilespmem:s10+$0x7C10];
	v4 =	vadd.f32 $1.000000000e+00, v4;
	(erf) = vrcp.f32 v2;
	v2 =	vpop (erf)  }
0x4c0: {  	v0 =	vadd.f32 v1, v0;
	v1 =	vadd.f32 $1.000000000e+00, v2  }
0x4c1: {  	v9 =	vmul.f32 v48, v54  }
0x4c2: {  	v31 =	vmov v24;
	v10 =	vmul.f32 v58, v36;
	v2 =	vpop (erf)  }
0x4c3: {  	(erf) = vrcp.f32 v4;
	v54 =	vadd.f32 v9, v42;
	v2 =	vmul.f32 v2, v12;
	v4 =	vpop (erf)  }
0x4c4: {  	v9 =	vsub.f32 v3, v10;
	v4 =	vadd.f32 $1.000000000e+00, v4;
	(erf) = vrcp.f32 v1;
	v1 =	vpop (erf)  }
0x4c5: {  	v24 =	vmovc v59;
	v6 =	vmovc v49;
	v3 =	vand.u32 $0x7FFFFF, v54;
	v2 =	vmul.f32 v2, v29;
	v29 =	vld [tilespmem:$0x1FFA0];
	v1 =	vmul.f32 v1, v17  }
0x4c6: {  	v32 =	vld [tilespmem:$0x1FF80];
	vm1 =	vgt.u32 v3, $0x3504F3;
	v50 =	vmul.f32 v45, v9;
	(erf) = vrcp.f32 v4;
	v10 =	vpop (erf)  }
0x4c7: {  	s12 =	simm.s32 $0xFFFFFFD9;
	s16 =	simm.s32 $0x400;
	s22 =	simm.s32 $0xA440;
	v5 =	vmovc v60;
	v33 =	vmovc v23;
	v57 =	vadd.f32 $0.0e+00, v2;
	v49 =	vmul.f32 v10, v13;
	v58 =	vmul.f32 v1, v28;
	v28 =	vld [tilespmem:$0x1FF70]  }
.LBB2_9:
0x4c8: {  	v2 =	vimm.s32 $0x3F800000  }
0x4c9: {  	v1 =	vperm.xlane v0, v27;
	v4 =	vpop (erf);
	[tilespmem:s26+$0xFFFFFFD0] =	vst v50;
	v2 =	vsel vm1, $0x3F000000, v2  }
0x4ca: {  	s9 =	sadd.s32 $0x80, s9;
	v9 =	vadd.f32 v57, v58;
	v10 =	vmul.f32 v49, v29;
	v4 =	vmul.f32 v4, v52;
	v11 =	vld [tilespmem:s10+$0x5420]  }
0x4cb: {  	s1 =	sand.u32 $0x3800, s16;
	s19 =	sand.u32 $0x380, s9;
	v0 =	vadd.f32 v0, v1;
	v1 =	vor.u32 v3, v2;
	v2 =	vld [tilespmem:s0+$0x5870];
	v3 =	vpop (erf)  }
0x4cc: {  	s30 =	sor.u32 s19, s1;
	v9 =	vadd.f32 v9, v10;
	v4 =	vmul.f32 v4, v32;
	v3 =	vmul.f32 v3, v56;
	v10 =	vld [tilespmem:s10+$0x7C20]  }
0x4cd: {  	v12 =	vld [tilespmem:s30+$0x5440];
	v15 =	vpop (erf);
	v13 =	vperm.xlane v0, v6  }
0x4ce: {  	v16 =	vld [tilespmem:s30+$0x7C40];
	v4 =	vadd.f32 v9, v4;
	v3 =	vmul.f32 v3, v28;
	v9 =	vmul.f32 v15, v55  }
0x4cf: {  	v18 =	vadd.f32 $1.000000000e+00, v1;
	v17 =	vld [tilespmem:s30+$0x5430];
	v59 =	vpop (erf);
	v0 =	vadd.f32 v0, v13;
	v11 =	vmul.f32 v11, v36  }
0x4d0: {  	v60 =	vld [tilespmem:s30+$0x7C30];
	v3 =	vadd.f32 v4, v3;
	v4 =	vmul.f32 v9, v5;
	v9 =	vmul.f32 v59, v53  }
0x4d1: {  	v21 =	vld [tilespmem:s30+$0x5420];
	(erf) = vrcp.f32 v18;
	v14 =	vpop (erf);
	v22 =	vperm.xlane v0, v7;
	v10 =	vsub.f32 v10, v11  }
0x4d2: {  	v23 =	vld [tilespmem:s30+$0x5410];
	v3 =	vadd.f32 v3, v4;
	v4 =	vmul.f32 v9, v31;
	v9 =	vmul.f32 v14, v51  }
0x4d3: {  	v19 =	vld [tilespmem:s30+$0x7C10];
	v10 =	vmul.f32 v45, v10  }
0x4d4: {  	v11 =	vld [tilespmem:s30+$0x7C20];
	v0 =	vadd.f32 v0, v22;
	v3 =	vadd.f32 v3, v4;
	v4 =	vmul.f32 v9, v33  }
0x4d5: {  	v51 =	vld [tilespmem:s30+$0x5400];
	[tilespmem:s26+$0xFFFFFFE0] =	vst v10  }
0x4d6: {  	v10 =	vperm.xlane v0, v8;
	v3 =	vadd.f32 v3, v4;
	v4 =	vld [tilespmem:s10+$0x5430]  }
0x4d7: {  	v50 =	vld [tilespmem:s30+$0x7C00]  }
0x4d8: {  	s12 =	sadd.s32 $0x1, s12;
	v53 =	vld [tilespmem:s10+$0x7C30];
	v0 =	vadd.f32 v0, v10;
	v10 =	vperm.xlane v3, v27  }
0x4d9: {  	s19 =	sadd.s32 $0x28, s12;
	v1 =	vadd.f32 $-1.000000000e+00, v1;
	v49 =	vmul.f32 v16, v12;
	v13 =	vld [tilespmem:s0+$0x8070]  }
0x4da: {  	s3 =	sadd.s32 $0x1, s3;
	s1 =	sand.u32 $0x30, s19;
	v58 =	vmul.f32 v60, v17;
	v60 =	vmul.f32 v11, v21;
	v15 =	vld [tilespmem:s0+$0x5860];
	v9 =	vpop (erf);
	v3 =	vadd.f32 v3, v10  }
0x4db: {  	s19 =	sand.u32 $0xFFFFFFF0, s3;
	s1 =	smin.u32 s1, $0x18;
	v20 =	vld [tilespmem:s0+$0x5850];
	v1 =	vmul.f32 v9, v1;
	v4 =	vmul.f32 v4, v36  }
0x4dc: {  	s19 =	smin.u32 s19, $0x18;
	v11 =	vmul.f32 v19, v23;
	v9 =	vld [tilespmem:s1+$0x280];
	v56 =	vperm.xlane v3, v6  }
0x4dd: {  	s19 =	ssub.s32 s3, s19;
	v19 =	vld [tilespmem:s0+$0x5840];
	v0 =	vsub.f32 $0.0e+00, v0;
	v10 =	vmul.f32 v1, v1;
	v4 =	vsub.f32 v53, v4  }
0x4de: {  	v14 =	vmov s19;
	v12 =	vld [tilespmem:s0+$0x8040];
	v55 =	vmul.f32 v50, v51;
	v3 =	vadd.f32 v3, v56  }
0x4df: {  	v23 =	vld [tilespmem:$0x1FEE0];
	v57 =	vmax.f32 v0, $1.000010010e+00;
	v52 =	vmul.f32 $1.111111120e-01, v10;
	v4 =	vmul.f32 v45, v4  }
0x4e0: {  	v0 =	vld [tilespmem:s0+$0x8060];
	v59 =	vadd.f32 $-1.000000000e+00, v57;
	v53 =	vadd.f32 $1.000000000e+00, v57;
	v56 =	vperm.xlane v3, v7  }
0x4e1: {  	v9 =	vperm.xlane v9, v14;
	v14 =	vld [tilespmem:s0+$0x8050];
	v16 =	vmul.f32 v24, v55;
	v55 =	vadd.f32 $1.428571340e-01, v52;
	[tilespmem:s26+$0xFFFFFFF0] =	vst v4  }
0x4e2: {  	v2 =	vadd.f32 v13, v2;
	v59 =	vmul.f32 v53, v59;
	v13 =	vadd.f32 v3, v56;
	v18 =	vld [tilespmem:s10+$0x5440]  }
0x4e3: {  	v17 =	vmul.f32 v55, v10;
	v3 =	vmul.f32 v9, v61;
	v61 =	vld [tilespmem:$0x1FF50]  }
0x4e4: {  	v53 =	vmul.f32 v9, v62;
	v52 =	vld [tilespmem:s10+$0x7C40];
	v62 =	vperm.xlane v13, v8  }
0x4e5: {  	v12 =	vadd.f32 v12, v19;
	v17 =	vadd.f32 $2.000000030e-01, v17;
	v21 =	vld [tilespmem:s0+$0x5830]  }
0x4e6: {  	v54 =	vshra.s32 v54, $0x17;
	v15 =	vadd.f32 v0, v15;
	v55 =	vld [tilespmem:s0+$0x8030];
	v13 =	vadd.f32 v13, v62  }
0x4e7: {  	v14 =	vadd.f32 v14, v20;
	v56 =	vld [tilespmem:s0+$0x5820];
	v17 =	vmul.f32 v17, v10;
	v18 =	vmul.f32 v18, v36  }
0x4e8: {  	v62 =	vimm.s32 $0x0;
	v19 =	vmul.f32 v9, v61;
	v61 =	vld [tilespmem:s0+$0x8020];
	v13 =	vadd.f32 v13, v25  }
0x4e9: {  	v17 =	vadd.f32 $3.333333430e-01, v17;
	v20 =	vsel vm1, $0x1, v62;
	v62 =	vld [tilespmem:s0+$0x8000];
	v18 =	vsub.f32 v52, v18  }
0x4ea: {  	v0 =	vmul.f32 $5.000000000e-01, v59;
	v20 =	vadd.s32 v20, v54;
	v54 =	vld [tilespmem:s0+$0x5810];
	v13 =	vsub.f32 $0.0e+00, v13  }
0x4eb: {  	v4 =	vshra.s32 v59, $0x1;
	v10 =	vmul.f32 v17, v10;
	v17 =	vld [tilespmem:s0+$0x8010];
	v18 =	vmul.f32 v45, v18  }
0x4ec: {  	v1 =	vadd.f32 v1, v1;
	v4 =	vsub.s32 $0x5F3759DF, v4;
	v52 =	vld [tilespmem:s0+$0x5800];
	v13 =	vmul.f32 $1.442695020e+00, v13  }
0x4ed: {  	v22 =	vmul.f32 v4, v0;
	v25 =	vld [tilespmem:$0x1FE50];
	v20 =	vadd.s32 $0x4B000000, v20;
	v10 =	vadd.f32 $1.000000000e+00, v10;
	[tilespmem:s26+$0x0] =	vst v18  }
0x4ee: {  	v20 =	vadd.f32 $-8.388735000e+06, v20;
	(erf) = vpow2.f32 v13;
	v13 =	vld [tilespmem:s10+$0x5450]  }
0x4ef: {  	v22 =	vmul.f32 v4, v22;
	v1 =	vmul.f32 v10, v1;
	v10 =	vadd.f32 v61, v56;
	v61 =	vld [tilespmem:$0x1FED0]  }
0x4f0: {  	v21 =	vadd.f32 v55, v21;
	v20 =	vmul.f32 $6.931471820e-01, v20;
	v55 =	vld [tilespmem:s10+$0x7C50]  }
0x4f1: {  	v22 =	vsub.f32 $1.500000000e+00, v22;
	v52 =	vadd.f32 v62, v52;
	v62 =	vld [tilespmem:$0x1FEA0]  }
0x4f2: {  	v23 =	vmul.f32 v9, v23;
	v1 =	vadd.f32 v1, v20  }
0x4f3: {  	v4 =	vmul.f32 v4, v22;
	v13 =	vmul.f32 v13, v36  }
0x4f4: {  	v22 =	vmul.f32 v9, v61;
	v61 =	vmul.f32 v1, v25;
	v25 =	vld [tilespmem:$0x1FE60]  }
0x4f5: {  	v11 =	vadd.f32 v11, v16;
	v56 =	vmul.f32 v4, v0;
	v13 =	vsub.f32 v55, v13;
	v55 =	vld [tilespmem:$0x1FE90]  }
0x4f6: {  	v17 =	vadd.f32 v17, v54;
	v54 =	vmul.f32 v9, v30;
	v16 =	vmul.f32 v1, v62  }
0x4f7: {  	v11 =	vadd.f32 v60, v11;
	v18 =	vmul.f32 v56, v4;
	v56 =	vmul.f32 v1, v35  }
0x4f8: {  	v20 =	vmul.f32 v9, v63;
	v9 =	vmul.f32 v9, v26;
	v16 =	vadd.f32 v16, v52  }
0x4f9: {  	v18 =	vsub.f32 $1.500000000e+00, v18;
	v17 =	vadd.f32 v56, v17;
	v56 =	vmul.f32 v1, v34  }
0x4fa: {  	v52 =	vmul.f32 v1, v25;
	v25 =	vmovc v63;
	v63 =	vadd.f32 v16, v9;
	v16 =	vmul.f32 v1, v55;
	v55 =	vld [tilespmem:$0x1FE80]  }
0x4fb: {  	v4 =	vmul.f32 v18, v4;
	v10 =	vadd.f32 v56, v10;
	v62 =	vadd.f32 v17, v54;
	v9 =	vld [tilespmem:$0x1FE70];
	v54 =	vpop (erf)  }
0x4fc: {  	v2 =	vadd.f32 v61, v2;
	v17 =	vadd.f32 $1.000000000e+00, v54  }
0x4fd: {  	v0 =	vmul.f32 v4, v0;
	v61 =	vadd.f32 v10, v20;
	v13 =	vmul.f32 v45, v13  }
0x4fe: {  	v15 =	vadd.f32 v52, v15;
	v56 =	vsub.f32 $0.0e+00, v63;
	(erf) = vrcp.f32 v17  }
0x4ff: {  	v16 =	vadd.f32 v16, v21;
	v21 =	vmul.f32 v1, v55;
	v55 =	vsub.f32 $0.0e+00, v62  }
0x500: {  	[tilespmem:s26+$0x10] =	vst v13;
	v54 =	vmul.f32 $1.442695020e+00, v56;
	v56 =	vsub.f32 $0.0e+00, v61;
	v9 =	vmul.f32 v1, v9  }
0x501: {  	v52 =	vadd.f32 v16, v22;
	v10 =	vadd.f32 v21, v12;
	v12 =	vld [tilespmem:s10+$0x5460];
	v13 =	vmul.f32 $1.442695020e+00, v55  }
0x502: {  	(erf) = vpow2.f32 v54;
	v9 =	vadd.f32 v9, v14;
	v14 =	vmul.f32 v37, v38  }
0x503: {  	v20 =	vld [tilespmem:s10+$0x7C60];
	v16 =	vmul.f32 $1.442695020e+00, v56;
	v17 =	vsub.f32 $0.0e+00, v52;
	(erf) = vpow2.f32 v13  }
0x504: {  	v38 =	vmovc v41;
	v41 =	vmovc v44;
	v44 =	vmov v51;
	v51 =	vadd.f32 v2, v53;
	v56 =	vadd.f32 v10, v23  }
0x505: {  	v55 =	vadd.f32 v9, v19;
	v10 =	vmul.f32 $1.442695020e+00, v17;
	(erf) = vpow2.f32 v16  }
0x506: {  	v53 =	vadd.f32 v15, v3;
	v2 =	vsub.f32 $0.0e+00, v56;
	v9 =	vmul.f32 v12, v36  }
0x507: {  	v54 =	vsub.f32 $0.0e+00, v51;
	v21 =	vsub.f32 $0.0e+00, v55;
	(erf) = vpow2.f32 v10  }
0x508: {  	v0 =	vmul.f32 v0, v4;
	v22 =	vmul.f32 $1.442695020e+00, v2;
	v3 =	vsub.f32 v20, v9  }
0x509: {  	v60 =	vld [tilespmem:s30+$0x5450];
	v15 =	vmul.f32 $1.442695020e+00, v54;
	v23 =	vsub.f32 $0.0e+00, v53;
	v10 =	vmul.f32 $1.442695020e+00, v21  }
0x50a: {  	v13 =	vld [tilespmem:s30+$0x5460];
	(erf) = vpow2.f32 v22;
	v2 =	vpop (erf);
	v3 =	vmul.f32 v45, v3  }
0x50b: {  	v11 =	vadd.f32 v58, v11;
	v12 =	vmul.f32 $1.442695020e+00, v23;
	v22 =	vld [tilespmem:s30+$0x7C50];
	v21 =	vpop (erf);
	v2 =	vmul.f32 v2, v47  }
0x50c: {  	v9 =	vld [tilespmem:s30+$0x5470];
	(erf) = vpow2.f32 v10;
	v47 =	vmov v1;
	v17 =	vadd.f32 $1.000000000e+00, v21;
	[tilespmem:s26+$0x20] =	vst v3;
	v1 =	vpop (erf)  }
0x50d: {  	(erf) = vpow2.f32 v12;
	v2 =	vmul.f32 v2, v43;
	v3 =	vsub.f32 v39, v14;
	v39 =	vmovc v40;
	v10 =	vld [tilespmem:s10+$0x5470]  }
0x50e: {  	v40 =	vmov v46;
	v23 =	vld [tilespmem:s30+$0x7C60];
	v1 =	vadd.f32 $1.000000000e+00, v1;
	(erf) = vrcp.f32 v17;
	v46 =	vpop (erf)  }
0x50f: {  	v54 =	vld [tilespmem:s10+$0x7C70];
	(erf) = vpow2.f32 v15;
	v3 =	vmul.f32 v2, v3;
	v14 =	vadd.f32 $1.000000000e+00, v46  }
0x510: {  	s26 =	sadd.s32 $0x80, s26;
	v58 =	vld [tilespmem:s30+$0x7C70];
	v21 =	vpop (erf);
	(erf) = vrcp.f32 v1;
	v1 =	vadd.f32 v49, v11;
	v11 =	vmul.f32 v22, v60  }
0x511: {  	s10 =	smov.u32 s11;
	v60 =	vsub.f32 $1.500000000e+00, v0;
	[tilespmem:s26+$0xFFFFFFC0] =	vst v3;
	v3 =	vadd.f32 $1.000000000e+00, v21  }
0x512: {  	v43 =	vmovc v48;
	(erf) = vrcp.f32 v14;
	v22 =	vld [tilespmem:s10+$0x5410];
	v1 =	vadd.f32 v11, v1;
	v10 =	vmul.f32 v10, v36  }
0x513: {  	v48 =	vmul.f32 v60, v4;
	v36 =	vmov v37;
	v23 =	vmul.f32 v23, v13;
	v0 =	vpop (erf)  }
0x514: {  	v37 =	vmovc v42;
	(erf) = vrcp.f32 v3;
	v3 =	vld [tilespmem:s10+$0x7C10];
	v42 =	vmovc v57;
	v0 =	vadd.f32 $1.000000000e+00, v0;
	v4 =	vsub.f32 v54, v10  }
0x515: {  	v57 =	vmul.f32 v48, v59;
	v11 =	vpop (erf);
	v1 =	vadd.f32 v23, v1;
	v54 =	vmul.f32 v58, v9  }
0x516: {  	v11 =	vadd.f32 $1.000000000e+00, v11;
	(erf) = vrcp.f32 v0;
	v58 =	vpop (erf);
	v4 =	vmul.f32 v45, v4  }
0x517: {  	v0 =	vadd.f32 v54, v1;
	v1 =	vadd.f32 $1.000000000e+00, v58;
	v9 =	vpop (erf);
	v59 =	vmul.f32 v22, v36  }
0x518: {  	(erf) = vrcp.f32 v11;
	v10 =	vpop (erf)  }
0x519: {  	v11 =	vld [tilespmem:$0x1FF20];
	[tilespmem:s22+$0x30] =	vst v4;
	v4 =	vadd.f32 $1.000000000e+00, v10;
	v10 =	vpop (erf);
	(erf) = vrcp.f32 v1;
	v1 =	vsub.f32 v3, v59  }
0x51a: {  	v45 =	vmov v2  }
0x51b: {  	p2 =	sne.s32 s16, $0x2700;
	v46 =	vmov v50;
	v50 =	vmul.f32 v45, v1;
	v1 =	vld [tilespmem:$0x1FF10]  }
.Ltmp4:
0x51c: {  	v54 =	vadd.f32 v57, v42;
	v9 =	vmul.f32 v9, v63;
	(pc) =	sbr.rel @p2 .LBB2_9-.Ltmp4, $4  }
0x51d: {  	_ = 	snop  }
0x51e: {  	v63 =	vmovc v25;
	v25 =	vld [tilespmem:$0x1FFB0];
	v3 =	vand.u32 $0x7FFFFF, v54;
	v10 =	vmul.f32 v10, v62;
	v9 =	vmul.f32 v9, v11  }
0x51f: {  	s16 =	sadd.s32 $0x100, s16;
	s11 =	smov.u32 s0;
	v62 =	vld [tilespmem:$0x1FEB0];
	vm1 =	vgt.u32 v3, $0x3504F3;
	v2 =	vpop (erf);
	(erf) = vrcp.f32 v4  }
0x520: {  	s0 =	smov.u32 s25;
	s25 =	smov.u32 s30;
	s22 =	smov.u32 s26;
	v49 =	vmul.f32 v2, v61;
	v61 =	vld [tilespmem:$0x1FEC0];
	v57 =	vadd.f32 $0.0e+00, v9;
	v58 =	vmul.f32 v10, v1  }
0x521: {  	_ = 	snop  }
0x522: {  	v1 =	vimm.s32 $0x3F800000;
	v2 =	vpop (erf);
	v4 =	vadd.f32 v57, v58;
	v9 =	vmul.f32 v49, v29  }
0x523: {  	v1 =	vsel vm1, $0x3F000000, v1;
	v2 =	vmul.f32 v2, v52  }
0x524: {  	v1 =	vor.u32 v3, v1;
	v3 =	vpop (erf);
	v4 =	vadd.f32 v4, v9;
	v9 =	vperm.xlane v0, v27  }
0x525: {  	v2 =	vmul.f32 v2, v32;
	v3 =	vmul.f32 v3, v56  }
0x526: {  	v10 =	vadd.f32 $1.000000000e+00, v1;
	v11 =	vpop (erf)  }
0x527: {  	v2 =	vadd.f32 v4, v2;
	v3 =	vmul.f32 v3, v28;
	v4 =	vmul.f32 v11, v55  }
0x528: {  	v0 =	vadd.f32 v0, v9;
	(erf) = vrcp.f32 v10;
	v9 =	vpop (erf)  }
0x529: {  	v2 =	vadd.f32 v2, v3;
	v3 =	vmul.f32 v4, v5;
	v4 =	vmul.f32 v9, v53  }
0x52a: {  	v10 =	vpop (erf)  }
0x52b: {  	v2 =	vadd.f32 v2, v3;
	v3 =	vmul.f32 v4, v31;
	v4 =	vmul.f32 v10, v51  }
0x52c: {  	v9 =	vperm.xlane v0, v6  }
0x52d: {  	v2 =	vadd.f32 v2, v3;
	v3 =	vmul.f32 v4, v33  }
0x52e: {  	v0 =	vadd.f32 v0, v9;
	_ =	sdelay $0x1  }
0x52f: {  	v1 =	vadd.f32 $-1.000000000e+00, v1;
	v4 =	vperm.xlane v0, v7;
	v2 =	vadd.f32 v2, v3  }
0x530: {  	v3 =	vpop (erf)  }
0x531: {  	v0 =	vadd.f32 v0, v4;
	v4 =	vperm.xlane v2, v27;
	v1 =	vmul.f32 v3, v1;
	_ =	sdelay $0x1  }
0x532: {  	v2 =	vadd.f32 v2, v4;
	v4 =	vmul.f32 v1, v1  }
0x533: {  	v3 =	vperm.xlane v0, v8  }
0x534: {  	v9 =	vmul.f32 $1.111111120e-01, v4  }
0x535: {  	v13 =	vld [tilespmem:s0+$0x5860];
	v0 =	vadd.f32 v0, v3;
	v3 =	vperm.xlane v2, v6  }
0x536: {  	v15 =	vld [tilespmem:s0+$0x8060];
	v9 =	vadd.f32 $1.428571340e-01, v9  }
0x537: {  	v16 =	vld [tilespmem:s0+$0x5850];
	v2 =	vadd.f32 v2, v3  }
0x538: {  	v18 =	vld [tilespmem:s0+$0x5840];
	v9 =	vmul.f32 v9, v4  }
0x539: {  	s9 =	sadd.s32 $0x1, s12;
	v23 =	vld [tilespmem:s0+$0x5830];
	v55 =	vmovc v5;
	v5 =	vimm.s32 $0x0;
	v0 =	vsub.f32 $0.0e+00, v0;
	v59 =	vperm.xlane v2, v7  }
0x53a: {  	v20 =	vshra.s32 v54, $0x17;
	s1 =	sadd.s32 $0x28, s9;
	v11 =	vld [tilespmem:s0+$0x8070];
	v21 =	vsel vm1, $0x1, v5;
	v9 =	vadd.f32 $2.000000030e-01, v9  }
0x53b: {  	s1 =	sand.u32 $0x30, s1;
	v5 =	vld [tilespmem:$0x1FF50];
	v20 =	vadd.s32 v21, v20;
	v49 =	vmax.f32 v0, $1.000010010e+00;
	v2 =	vadd.f32 v2, v59  }
0x53c: {  	s1 =	smin.u32 s1, $0x18;
	v21 =	vld [tilespmem:s0+$0x8030];
	v12 =	vadd.f32 $-1.000000000e+00, v49;
	v14 =	vadd.f32 $1.000000000e+00, v49;
	v9 =	vmul.f32 v9, v4  }
0x53d: {  	s3 =	sadd.s32 $0x1, s3;
	v10 =	vld [tilespmem:s1+$0x280];
	v60 =	vperm.xlane v2, v8  }
0x53e: {  	v57 =	vmovc v29;
	v29 =	vmovc v31;
	s19 =	sand.u32 $0xFFFFFFF0, s3;
	v20 =	vadd.s32 $0x4B000000, v20;
	v31 =	vld [tilespmem:$0x1FEA0];
	v0 =	vmul.f32 v14, v12;
	v9 =	vadd.f32 $3.333333430e-01, v9  }
0x53f: {  	s1 =	smin.u32 s19, $0x18;
	v20 =	vadd.f32 $-8.388735000e+06, v20;
	v3 =	vld [tilespmem:s0+$0x5870];
	v2 =	vadd.f32 v2, v60  }
0x540: {  	s1 =	ssub.s32 s3, s1;
	v14 =	vld [tilespmem:s0+$0x8050];
	v19 =	vshra.s32 v0, $0x1;
	v22 =	vmul.f32 $5.000000000e-01, v0;
	v4 =	vmul.f32 v9, v4  }
0x541: {  	v17 =	vmov s1;
	v59 =	vld [tilespmem:s0+$0x5810];
	v19 =	vsub.s32 $0x5F3759DF, v19;
	v2 =	vadd.f32 v2, v25  }
0x542: {  	v1 =	vadd.f32 v1, v1;
	v60 =	vld [tilespmem:s0+$0x8010];
	v9 =	vmul.f32 v19, v22;
	v4 =	vadd.f32 $1.000000000e+00, v4  }
0x543: {  	v20 =	vmul.f32 $6.931471820e-01, v20;
	v10 =	vperm.xlane v10, v17;
	v17 =	vld [tilespmem:s0+$0x5800];
	v2 =	vsub.f32 $0.0e+00, v2  }
0x544: {  	v3 =	vadd.f32 v11, v3;
	v11 =	vld [tilespmem:s0+$0x8000];
	v9 =	vmul.f32 v19, v9;
	v1 =	vmul.f32 v4, v1  }
0x545: {  	v33 =	vld [tilespmem:s0+$0x5820];
	v14 =	vadd.f32 v14, v16;
	v2 =	vmul.f32 $1.442695020e+00, v2  }
0x546: {  	v16 =	vld [tilespmem:s0+$0x8020];
	v9 =	vsub.f32 $1.500000000e+00, v9;
	v51 =	vadd.f32 v1, v20  }
0x547: {  	v58 =	vmovc v32;
	v32 =	vld [tilespmem:s0+$0x8040];
	v13 =	vadd.f32 v15, v13;
	v15 =	vadd.f32 v60, v59;
	(erf) = vpow2.f32 v2  }
0x548: {  	v56 =	vmovc v28;
	v28 =	vld [tilespmem:$0x1FEE0];
	v9 =	vmul.f32 v19, v9;
	v19 =	vadd.f32 v21, v23;
	v23 =	vmul.f32 v51, v35  }
0x549: {  	v53 =	vmul.f32 v10, v30;
	v12 =	vmul.f32 v10, v5;
	v11 =	vadd.f32 v11, v17;
	v59 =	vld [tilespmem:$0x1FE90]  }
0x54a: {  	v60 =	vld [tilespmem:$0x1FED0];
	v4 =	vmul.f32 v10, v62;
	v17 =	vmul.f32 v51, v31;
	v15 =	vadd.f32 v23, v15  }
0x54b: {  	v5 =	vmovc v34;
	v16 =	vadd.f32 v16, v33;
	v2 =	vmul.f32 v10, v61;
	v34 =	vmul.f32 v51, v34  }
0x54c: {  	v33 =	vld [tilespmem:$0x1FE80];
	v21 =	vmul.f32 v10, v26;
	v11 =	vadd.f32 v17, v11;
	v15 =	vadd.f32 v15, v53  }
0x54d: {  	v1 =	vadd.f32 v32, v18;
	v32 =	vld [tilespmem:$0x1FE70];
	v17 =	vmul.f32 v10, v63;
	v16 =	vadd.f32 v34, v16  }
0x54e: {  	v24 =	vmovc v35;
	v11 =	vadd.f32 v11, v21;
	v21 =	vmul.f32 v51, v59;
	v35 =	vsub.f32 $0.0e+00, v15  }
0x54f: {  	v18 =	vmul.f32 v10, v28;
	v10 =	vmul.f32 v10, v60;
	v16 =	vadd.f32 v16, v17  }
0x550: {  	v52 =	vsub.f32 $0.0e+00, v11;
	v53 =	vpop (erf);
	v19 =	vadd.f32 v21, v19;
	v17 =	vmul.f32 $1.442695020e+00, v35;
	v35 =	vld [tilespmem:$0x1FE60]  }
0x551: {  	v30 =	vld [tilespmem:$0x1FE50];
	v20 =	vmul.f32 v9, v22;
	v21 =	vmul.f32 v51, v33;
	v53 =	vadd.f32 $1.000000000e+00, v53  }
0x552: {  	v23 =	vmul.f32 v51, v32;
	v52 =	vmul.f32 $1.442695020e+00, v52;
	v10 =	vadd.f32 v19, v10  }
0x553: {  	v1 =	vadd.f32 v21, v1;
	v19 =	vsub.f32 $0.0e+00, v16;
	(erf) = vrcp.f32 v53  }
0x554: {  	v14 =	vadd.f32 v23, v14;
	(erf) = vpow2.f32 v52;
	v34 =	vsub.f32 $0.0e+00, v10  }
0x555: {  	v19 =	vmul.f32 $1.442695020e+00, v19;
	v1 =	vadd.f32 v1, v18;
	v21 =	vmul.f32 v51, v35  }
0x556: {  	v12 =	vadd.f32 v14, v12;
	(erf) = vpow2.f32 v17;
	v17 =	vmul.f32 v51, v30  }
0x557: {  	v18 =	vmul.f32 $1.442695020e+00, v34;
	v34 =	vsub.f32 $0.0e+00, v1;
	v13 =	vadd.f32 v21, v13  }
0x558: {  	(erf) = vpow2.f32 v19;
	v19 =	vmul.f32 v20, v9;
	v3 =	vadd.f32 v17, v3  }
0x559: {  	v52 =	vsub.f32 $0.0e+00, v12;
	v14 =	vmul.f32 $1.442695020e+00, v34;
	v2 =	vadd.f32 v13, v2  }
0x55a: {  	(erf) = vpow2.f32 v18;
	v17 =	vsub.f32 $1.500000000e+00, v19;
	v3 =	vadd.f32 v3, v4  }
0x55b: {  	(erf) = vpow2.f32 v14;
	v13 =	vmul.f32 $1.442695020e+00, v52;
	v4 =	vsub.f32 $0.0e+00, v2  }
0x55c: {  	v9 =	vmul.f32 v17, v9;
	v53 =	vpop (erf)  }
0x55d: {  	v18 =	vpop (erf);
	(erf) = vpow2.f32 v13;
	v4 =	vmul.f32 $1.442695020e+00, v4  }
0x55e: {  	v54 =	vsub.f32 $0.0e+00, v3;
	v17 =	vadd.f32 $1.000000000e+00, v18  }
0x55f: {  	(erf) = vpow2.f32 v4;
	v4 =	vmul.f32 v9, v22  }
0x560: {  	v34 =	vmul.f32 $1.442695020e+00, v54;
	v52 =	vpop (erf)  }
0x561: {  	v14 =	vadd.f32 $1.000000000e+00, v52;
	(erf) = vrcp.f32 v17;
	v4 =	vmul.f32 v4, v9  }
0x562: {  	v17 =	vpop (erf);
	(erf) = vpow2.f32 v34  }
0x563: {  	[tilespmem:$0x1FD70] =	vst v53;
	v53 =	vadd.f32 $1.000000000e+00, v17;
	v54 =	vpop (erf);
	(erf) = vrcp.f32 v14;
	v4 =	vsub.f32 $1.500000000e+00, v4  }
0x564: {  	v34 =	vpop (erf)  }
0x565: {  	(erf) = vrcp.f32 v53;
	v53 =	vmul.f32 v4, v9;
	v4 =	vadd.f32 $1.000000000e+00, v34  }
0x566: {  	v14 =	vadd.f32 $1.000000000e+00, v54;
	v9 =	vpop (erf)  }
0x567: {  	v9 =	vadd.f32 $1.000000000e+00, v9  }
0x568: {  	(erf) = vrcp.f32 v14  }
0x569: {  	(erf) = vrcp.f32 v4;
	v4 =	vpop (erf)  }
0x56a: {  	v34 =	vpop (erf)  }
0x56b: {  	(erf) = vrcp.f32 v9;
	v11 =	vmul.f32 v34, v11;
	v9 =	vpop (erf);
	v34 =	vld [tilespmem:$0x1FF20]  }
0x56c: {  	v0 =	vmul.f32 v53, v0;
	v52 =	vpop (erf)  }
0x56d: {  	v13 =	vmul.f32 v52, v15;
	v52 =	vld [tilespmem:$0x1FF10]  }
0x56e: {  	v0 =	vadd.f32 v0, v49;
	v4 =	vadd.f32 $1.000000000e+00, v4  }
0x56f: {  	v54 =	vimm.s32 $0x3F800000;
	v9 =	vadd.f32 $1.000000000e+00, v9  }
0x570: {  	(erf) = vrcp.f32 v4;
	v4 =	vand.u32 $0x7FFFFF, v0;
	v11 =	vmul.f32 v11, v34  }
0x571: {  	vm1 =	vgt.u32 v4, $0x3504F3;
	v14 =	vpop (erf);
	(erf) = vrcp.f32 v9  }
0x572: {  	v9 =	vadd.f32 $0.0e+00, v11;
	v11 =	vmul.f32 v13, v52;
	v13 =	vmul.f32 v14, v16  }
0x573: {  	v14 =	vsel vm1, $0x3F000000, v54;
	v54 =	vpop (erf)  }
0x574: {  	v10 =	vmul.f32 v54, v10;
	v9 =	vadd.f32 v9, v11;
	v11 =	vmul.f32 v13, v57  }
0x575: {  	v4 =	vor.u32 v4, v14  }
0x576: {  	v54 =	vpop (erf);
	v10 =	vmul.f32 v10, v58;
	v9 =	vadd.f32 v9, v11;
	v11 =	vadd.f32 $1.000000000e+00, v4  }
0x577: {  	v1 =	vmul.f32 v54, v1;
	v54 =	vpop (erf)  }
0x578: {  	v9 =	vadd.f32 v9, v10;
	v10 =	vmul.f32 v54, v12;
	(erf) = vrcp.f32 v11  }
0x579: {  	v1 =	vmul.f32 v1, v56  }
0x57a: {  	v26 =	vld [tilespmem:$0x1FF90];
	v54 =	vpop (erf)  }
0x57b: {  	v2 =	vmul.f32 v54, v2;
	v1 =	vadd.f32 v9, v1;
	v9 =	vmul.f32 v10, v55  }
0x57c: {  	v10 =	vpop (erf)  }
0x57d: {  	v2 =	vmul.f32 v2, v29;
	v1 =	vadd.f32 v1, v9;
	v3 =	vmul.f32 v10, v3;
	_ =	sdelay $0x1  }
0x57e: {  	v1 =	vadd.f32 v1, v2;
	v14 =	vmul.f32 v3, v26  }
0x57f: {  	v15 =	vadd.f32 $-1.000000000e+00, v4  }
0x580: {  	v1 =	vadd.f32 v1, v14;
	v3 =	vpop (erf)  }
0x581: {  	v2 =	vmul.f32 v3, v15  }
0x582: {  	v4 =	vperm.xlane v1, v27  }
0x583: {  	v3 =	vmul.f32 v2, v2  }
0x584: {  	v1 =	vadd.f32 v1, v4  }
0x585: {  	v10 =	vmul.f32 $1.111111120e-01, v3  }
0x586: {  	v4 =	vperm.xlane v1, v6  }
0x587: {  	v10 =	vadd.f32 $1.428571340e-01, v10  }
0x588: {  	v18 =	vld [tilespmem:s25+$0x8040];
	v1 =	vadd.f32 v1, v4  }
0x589: {  	v19 =	vld [tilespmem:s25+$0x5830];
	v10 =	vmul.f32 v10, v3  }
0x58a: {  	v21 =	vld [tilespmem:s25+$0x5820];
	v54 =	vperm.xlane v1, v7  }
0x58b: {  	v20 =	vimm.s32 $0x0;
	v23 =	vld [tilespmem:s25+$0x8000];
	v10 =	vadd.f32 $2.000000030e-01, v10  }
0x58c: {  	s30 =	sadd.s32 $0x1, s9;
	v22 =	vld [tilespmem:s25+$0x5800];
	v0 =	vshra.s32 v0, $0x17;
	v20 =	vsel vm1, $0x1, v20;
	v1 =	vadd.f32 v1, v54  }
0x58d: {  	s1 =	sadd.s32 $0x28, s30;
	v0 =	vadd.s32 v20, v0;
	v20 =	vld [tilespmem:s25+$0x8020];
	v10 =	vmul.f32 v10, v3  }
0x58e: {  	s1 =	sand.u32 $0x30, s1;
	v16 =	vld [tilespmem:s25+$0x5840];
	v17 =	vperm.xlane v1, v8  }
0x58f: {  	s1 =	smin.u32 s1, $0x18;
	v13 =	vld [tilespmem:s25+$0x8050];
	v10 =	vadd.f32 $3.333333430e-01, v10  }
0x590: {  	v11 =	vld [tilespmem:s1+$0x280];
	v1 =	vadd.f32 v1, v17  }
0x591: {  	v0 =	vadd.s32 $0x4B000000, v0;
	v9 =	vld [tilespmem:s25+$0x5870];
	v3 =	vmul.f32 v10, v3  }
0x592: {  	s9 =	sadd.s32 $0x1, s3;
	v0 =	vadd.f32 $-8.388735000e+06, v0;
	v4 =	vld [tilespmem:s25+$0x8070];
	v1 =	vadd.f32 v1, v25  }
0x593: {  	s3 =	sand.u32 $0xFFFFFFF0, s9;
	v12 =	vld [tilespmem:s25+$0x5860];
	v2 =	vadd.f32 v2, v2;
	v3 =	vadd.f32 $1.000000000e+00, v3  }
0x594: {  	s3 =	smin.u32 s3, $0x18;
	v14 =	vld [tilespmem:s25+$0x8060];
	v1 =	vsub.f32 $0.0e+00, v1  }
0x595: {  	v0 =	vmul.f32 $6.931471820e-01, v0;
	s1 =	ssub.s32 s9, s3;
	v15 =	vld [tilespmem:s25+$0x5850];
	v2 =	vmul.f32 v3, v2  }
0x596: {  	v54 =	vmov s1;
	v10 =	vld [tilespmem:s25+$0x5810];
	v1 =	vmul.f32 $1.442695020e+00, v1  }
0x597: {  	v11 =	vperm.xlane v11, v54;
	v4 =	vadd.f32 v4, v9;
	v3 =	vld [tilespmem:s25+$0x8010];
	v0 =	vadd.f32 v2, v0  }
0x598: {  	v9 =	vadd.f32 v18, v16;
	v16 =	vadd.f32 v20, v21;
	v21 =	vld [tilespmem:$0x1FF60];
	(erf) = vpow2.f32 v1  }
0x599: {  	v17 =	vld [tilespmem:s25+$0x8030];
	v1 =	vadd.f32 v14, v12;
	v14 =	vadd.f32 v23, v22;
	v54 =	vmul.f32 v0, v31;
	_ =	sdelay $0x1  }
0x59a: {  	v22 =	vld [tilespmem:$0x1FEF0];
	v14 =	vadd.f32 v54, v14;
	v54 =	vmul.f32 v0, v5  }
0x59b: {  	v2 =	vadd.f32 v13, v15;
	v3 =	vadd.f32 v3, v10  }
0x59c: {  	v10 =	vmul.f32 v0, v24;
	v15 =	vadd.f32 v54, v16;
	v16 =	vmul.f32 v0, v59  }
0x59d: {  	v13 =	vadd.f32 v17, v19;
	v17 =	vmul.f32 v11, v21  }
0x59e: {  	v12 =	vmul.f32 v11, v28;
	v3 =	vadd.f32 v10, v3;
	v10 =	vmul.f32 v0, v35  }
0x59f: {  	v18 =	vmul.f32 v11, v22;
	v14 =	vadd.f32 v14, v17;
	v17 =	vmul.f32 v11, v63  }
0x5a0: {  	v31 =	vld [tilespmem:$0x1FF50];
	v59 =	vmul.f32 v11, v61;
	v1 =	vadd.f32 v10, v1;
	v13 =	vadd.f32 v16, v13;
	v16 =	vpop (erf)  }
0x5a1: {  	v10 =	vmul.f32 v11, v60;
	v3 =	vadd.f32 v3, v18;
	v16 =	vadd.f32 $1.000000000e+00, v16  }
0x5a2: {  	v18 =	vsub.f32 $0.0e+00, v14;
	v15 =	vadd.f32 v15, v17;
	v17 =	vmul.f32 v0, v33  }
0x5a3: {  	(erf) = vrcp.f32 v16;
	v16 =	vmul.f32 v0, v32  }
0x5a4: {  	v18 =	vmul.f32 $1.442695020e+00, v18;
	v35 =	vsub.f32 $0.0e+00, v3;
	v9 =	vadd.f32 v17, v9  }
0x5a5: {  	v10 =	vadd.f32 v13, v10;
	v2 =	vadd.f32 v16, v2;
	v16 =	vmul.f32 v11, v31  }
0x5a6: {  	v17 =	vsub.f32 $0.0e+00, v15;
	v13 =	vmul.f32 $1.442695020e+00, v35;
	v9 =	vadd.f32 v9, v12  }
0x5a7: {  	(erf) = vpow2.f32 v18;
	v2 =	vadd.f32 v2, v16;
	v16 =	vmul.f32 v0, v30  }
0x5a8: {  	v54 =	vsub.f32 $0.0e+00, v10;
	v17 =	vmul.f32 $1.442695020e+00, v17;
	(erf) = vpow2.f32 v13  }
0x5a9: {  	v1 =	vadd.f32 v1, v59;
	v11 =	vmul.f32 v11, v62;
	v4 =	vadd.f32 v16, v4  }
0x5aa: {  	v12 =	vmul.f32 $1.442695020e+00, v54;
	(erf) = vpow2.f32 v17;
	v17 =	vsub.f32 $0.0e+00, v9  }
0x5ab: {  	v4 =	vadd.f32 v4, v11;
	v11 =	vsub.f32 $0.0e+00, v1  }
0x5ac: {  	(erf) = vpow2.f32 v12;
	v60 =	vsub.f32 $0.0e+00, v2  }
0x5ad: {  	v16 =	vmul.f32 $1.442695020e+00, v17;
	v11 =	vmul.f32 $1.442695020e+00, v11  }
0x5ae: {  	v61 =	vmul.f32 $1.442695020e+00, v60  }
0x5af: {  	(erf) = vpow2.f32 v16;
	v13 =	vpop (erf)  }
0x5b0: {  	v17 =	vpop (erf);
	(erf) = vpow2.f32 v61  }
0x5b1: {  	v16 =	vsub.f32 $0.0e+00, v4;
	(erf) = vpow2.f32 v11;
	v11 =	vpop (erf)  }
0x5b2: {  	v62 =	vadd.f32 $1.000000000e+00, v17;
	v11 =	vadd.f32 $1.000000000e+00, v11  }
0x5b3: {  	v16 =	vmul.f32 $1.442695020e+00, v16  }
0x5b4: {  	(erf) = vrcp.f32 v62  }
0x5b5: {  	(erf) = vpow2.f32 v16;
	v32 =	vpop (erf)  }
0x5b6: {  	(erf) = vrcp.f32 v11;
	v11 =	vpop (erf)  }
0x5b7: {  	v11 =	vadd.f32 $1.000000000e+00, v11  }
0x5b8: {  	v12 =	vadd.f32 $1.000000000e+00, v32;
	_ =	sdelay $0x1  }
0x5b9: {  	(erf) = vrcp.f32 v12;
	v33 =	vpop (erf)  }
0x5ba: {  	(erf) = vrcp.f32 v11;
	v11 =	vpop (erf)  }
0x5bb: {  	v11 =	vadd.f32 $1.000000000e+00, v11  }
0x5bc: {  	v12 =	vadd.f32 $1.000000000e+00, v33  }
0x5bd: {  	v35 =	vpop (erf)  }
0x5be: {  	(erf) = vrcp.f32 v12;
	v16 =	vpop (erf)  }
0x5bf: {  	(erf) = vrcp.f32 v11;
	v11 =	vpop (erf)  }
0x5c0: {  	v11 =	vadd.f32 $1.000000000e+00, v11  }
0x5c1: {  	v12 =	vadd.f32 $1.000000000e+00, v35;
	v14 =	vmul.f32 v16, v14;
	_ =	sdelay $0x1  }
0x5c2: {  	(erf) = vrcp.f32 v12;
	v59 =	vmul.f32 v14, v34;
	v54 =	vpop (erf)  }
0x5c3: {  	v3 =	vmul.f32 v54, v3;
	(erf) = vrcp.f32 v11;
	v11 =	vpop (erf)  }
0x5c4: {  	v11 =	vmul.f32 v11, v15  }
0x5c5: {  	v12 =	vadd.f32 $0.0e+00, v59;
	v3 =	vmul.f32 v3, v52;
	v60 =	vpop (erf)  }
0x5c6: {  	v10 =	vmul.f32 v60, v10;
	v11 =	vmul.f32 v11, v57  }
0x5c7: {  	v3 =	vadd.f32 v12, v3;
	v61 =	vpop (erf)  }
0x5c8: {  	v9 =	vmul.f32 v61, v9;
	v10 =	vmul.f32 v10, v58  }
0x5c9: {  	v3 =	vadd.f32 v3, v11  }
0x5ca: {  	v9 =	vmul.f32 v9, v56;
	v11 =	vpop (erf)  }
0x5cb: {  	v3 =	vadd.f32 v3, v10;
	v2 =	vmul.f32 v11, v2  }
0x5cc: {  	v10 =	vpop (erf)  }
0x5cd: {  	v3 =	vadd.f32 v3, v9;
	v1 =	vmul.f32 v10, v1;
	v2 =	vmul.f32 v2, v55  }
0x5ce: {  	v9 =	vpop (erf)  }
0x5cf: {  	v1 =	vmul.f32 v1, v29;
	v2 =	vadd.f32 v3, v2;
	v3 =	vmul.f32 v9, v4;
	_ =	sdelay $0x1  }
0x5d0: {  	v1 =	vadd.f32 v2, v1;
	v62 =	vmul.f32 v3, v26;
	_ =	sdelay $0x1  }
0x5d1: {  	v1 =	vadd.f32 v1, v62;
	_ =	sdelay $0x1  }
0x5d2: {  	v2 =	vperm.xlane v1, v27;
	_ =	sdelay $0x1  }
0x5d3: {  	v1 =	vadd.f32 v1, v2;
	_ =	sdelay $0x1  }
0x5d4: {  	v2 =	vperm.xlane v1, v6;
	_ =	sdelay $0x1  }
0x5d5: {  	v1 =	vadd.f32 v1, v2;
	_ =	sdelay $0x1  }
0x5d6: {  	v2 =	vperm.xlane v1, v7;
	_ =	sdelay $0x1  }
0x5d7: {  	v1 =	vadd.f32 v1, v2;
	_ =	sdelay $0x1  }
0x5d8: {  	v2 =	vperm.xlane v1, v8;
	_ =	sdelay $0x1  }
0x5d9: {  	v1 =	vadd.f32 v1, v2;
	_ =	sdelay $0x1  }
0x5da: {  	v1 =	vadd.f32 v1, v25;
	_ =	sdelay $0x1  }
0x5db: {  	v1 =	vsub.f32 $0.0e+00, v1;
	_ =	sdelay $0x1  }
0x5dc: {  	v1 =	vmul.f32 $1.442695020e+00, v1;
	_ =	sdelay $0x1  }
0x5dd: {  	(erf) = vpow2.f32 v1;
	_ =	sdelay $0x8  }
0x5de: {  	v1 =	vpop (erf)  }
0x5df: {  	v1 =	vadd.f32 $1.000000000e+00, v1;
	_ =	sdelay $0x1  }
0x5e0: {  	v12 =	vld [tilespmem:$0x1FD70];
	(erf) = vrcp.f32 v1;
	_ =	sdelay $0x4  }
0x5e1: {  	v14 =	vmul.f32 v37, v38;
	v1 =	vmul.f32 v12, v47;
	_ =	sdelay $0x1  }
0x5e2: {  	v32 =	vsub.f32 v39, v14;
	v3 =	vmul.f32 v13, v51;
	v15 =	vmul.f32 v1, v43  }
0x5e3: {  	v33 =	vmul.f32 v42, v41  }
0x5e4: {  	v35 =	vmul.f32 v3, v48;
	v1 =	vmul.f32 v15, v32;
	v4 =	vpop (erf)  }
0x5e5: {  	s12 =	sadd.s32 $0x80, s26;
	v2 =	vsub.f32 v40, v33;
	v0 =	vmul.f32 v4, v0;
	v4 =	vmul.f32 v49, v44  }
0x5e6: {  	[tilespmem:s12+$0xFFFFFFC0] =	vst v1  }
0x5e7: {  	v48 =	vmul.f32 v35, v2;
	v51 =	vld [tilespmem:s11+$0x5410];
	v44 =	vmul.f32 v0, v53;
	v47 =	vsub.f32 v46, v4  }
0x5e8: {  	s16 =	sadd.s32 $0x80, s12  }
0x5e9: {  	[tilespmem:s16+$0xFFFFFFC0] =	vst v48;
	v3 =	vld [tilespmem:s11+$0x7C10];
	v0 =	vmul.f32 v44, v47  }
0x5ea: {  	s19 =	sadd.s32 $0x80, s16;
	v1 =	vld [tilespmem:s0+$0x5410]  }
0x5eb: {  	v4 =	vld [tilespmem:s0+$0x7C10];
	[tilespmem:s19+$0xFFFFFFC0] =	vst v0  }
0x5ec: {  	v2 =	vmul.f32 v51, v37;
	v0 =	vld [tilespmem:s25+$0x5410];
	_ =	sdelay $0x1  }
0x5ed: {  	v2 =	vsub.f32 v3, v2;
	v9 =	vld [tilespmem:s25+$0x7C10]  }
0x5ee: {  	v1 =	vmul.f32 v1, v42  }
0x5ef: {  	v2 =	vmul.f32 v15, v2  }
0x5f0: {  	[tilespmem:s26+$0xFFFFFFD0] =	vst v50;
	v1 =	vsub.f32 v4, v1;
	v0 =	vmul.f32 v0, v49  }
0x5f1: {  	v3 =	vld [tilespmem:s10+$0x5420];
	[tilespmem:s12+$0xFFFFFFD0] =	vst v2  }
0x5f2: {  	v1 =	vmul.f32 v35, v1;
	v2 =	vld [tilespmem:s11+$0x5420];
	v0 =	vsub.f32 v9, v0  }
0x5f3: {  	v4 =	vld [tilespmem:s10+$0x7C20]  }
0x5f4: {  	[tilespmem:s16+$0xFFFFFFD0] =	vst v1;
	v9 =	vld [tilespmem:s11+$0x7C20];
	v0 =	vmul.f32 v44, v0  }
0x5f5: {  	v1 =	vld [tilespmem:s0+$0x5420]  }
0x5f6: {  	v53 =	vmul.f32 v3, v36;
	v10 =	vld [tilespmem:s0+$0x7C20];
	[tilespmem:s19+$0xFFFFFFD0] =	vst v0  }
0x5f7: {  	v2 =	vmul.f32 v2, v37;
	v3 =	vld [tilespmem:s25+$0x5420]  }
0x5f8: {  	v0 =	vsub.f32 v4, v53  }
0x5f9: {  	v4 =	vld [tilespmem:s25+$0x7C20];
	v2 =	vsub.f32 v9, v2  }
0x5fa: {  	v1 =	vmul.f32 v1, v42;
	v0 =	vmul.f32 v45, v0  }
0x5fb: {  	v54 =	vmul.f32 v15, v2  }
0x5fc: {  	v1 =	vsub.f32 v10, v1;
	[tilespmem:s26+$0xFFFFFFE0] =	vst v0;
	v3 =	vmul.f32 v3, v49  }
0x5fd: {  	v59 =	vld [tilespmem:s10+$0x5430];
	[tilespmem:s12+$0xFFFFFFE0] =	vst v54  }
0x5fe: {  	v60 =	vmul.f32 v35, v1;
	v61 =	vld [tilespmem:s11+$0x5430];
	v3 =	vsub.f32 v4, v3  }
0x5ff: {  	v4 =	vld [tilespmem:s10+$0x7C30]  }
0x600: {  	[tilespmem:s16+$0xFFFFFFE0] =	vst v60;
	v9 =	vld [tilespmem:s11+$0x7C30];
	v3 =	vmul.f32 v44, v3  }
0x601: {  	v0 =	vld [tilespmem:s0+$0x5430]  }
0x602: {  	v10 =	vld [tilespmem:s0+$0x7C30];
	v2 =	vmul.f32 v59, v36;
	[tilespmem:s19+$0xFFFFFFE0] =	vst v3  }
0x603: {  	v1 =	vmul.f32 v61, v37;
	v3 =	vld [tilespmem:s25+$0x5430]  }
0x604: {  	v2 =	vsub.f32 v4, v2  }
0x605: {  	v4 =	vld [tilespmem:s25+$0x7C30];
	v1 =	vsub.f32 v9, v1  }
0x606: {  	v0 =	vmul.f32 v0, v42;
	v2 =	vmul.f32 v45, v2  }
0x607: {  	v1 =	vmul.f32 v15, v1  }
0x608: {  	v0 =	vsub.f32 v10, v0;
	[tilespmem:s26+$0xFFFFFFF0] =	vst v2;
	v3 =	vmul.f32 v3, v49  }
0x609: {  	[tilespmem:s12+$0xFFFFFFF0] =	vst v1;
	v2 =	vld [tilespmem:s10+$0x5440]  }
0x60a: {  	v0 =	vmul.f32 v35, v0;
	v1 =	vld [tilespmem:s11+$0x5440];
	v3 =	vsub.f32 v4, v3  }
0x60b: {  	v4 =	vld [tilespmem:s10+$0x7C40]  }
0x60c: {  	[tilespmem:s16+$0xFFFFFFF0] =	vst v0;
	v9 =	vld [tilespmem:s11+$0x7C40];
	v3 =	vmul.f32 v44, v3  }
0x60d: {  	v0 =	vld [tilespmem:s0+$0x5440]  }
0x60e: {  	v10 =	vld [tilespmem:s0+$0x7C40];
	v2 =	vmul.f32 v2, v36;
	[tilespmem:s19+$0xFFFFFFF0] =	vst v3  }
0x60f: {  	v1 =	vmul.f32 v1, v37;
	v3 =	vld [tilespmem:s25+$0x5440]  }
0x610: {  	v2 =	vsub.f32 v4, v2  }
0x611: {  	v4 =	vld [tilespmem:s25+$0x7C40];
	v1 =	vsub.f32 v9, v1  }
0x612: {  	v0 =	vmul.f32 v0, v42;
	v2 =	vmul.f32 v45, v2  }
0x613: {  	v1 =	vmul.f32 v15, v1  }
0x614: {  	v0 =	vsub.f32 v10, v0;
	[tilespmem:s26+$0x0] =	vst v2;
	v3 =	vmul.f32 v3, v49  }
0x615: {  	[tilespmem:s12+$0x0] =	vst v1;
	v2 =	vld [tilespmem:s10+$0x5450]  }
0x616: {  	v0 =	vmul.f32 v35, v0;
	v1 =	vld [tilespmem:s11+$0x5450];
	v3 =	vsub.f32 v4, v3  }
0x617: {  	v4 =	vld [tilespmem:s10+$0x7C50]  }
0x618: {  	[tilespmem:s16+$0x0] =	vst v0;
	v9 =	vld [tilespmem:s11+$0x7C50];
	v3 =	vmul.f32 v44, v3  }
0x619: {  	v0 =	vld [tilespmem:s0+$0x5450]  }
0x61a: {  	v10 =	vld [tilespmem:s0+$0x7C50];
	v2 =	vmul.f32 v2, v36;
	[tilespmem:s19+$0x0] =	vst v3  }
0x61b: {  	v1 =	vmul.f32 v1, v37;
	v3 =	vld [tilespmem:s25+$0x5450]  }
0x61c: {  	v2 =	vsub.f32 v4, v2  }
0x61d: {  	v4 =	vld [tilespmem:s25+$0x7C50];
	v1 =	vsub.f32 v9, v1  }
0x61e: {  	v0 =	vmul.f32 v0, v42;
	v2 =	vmul.f32 v45, v2  }
0x61f: {  	v1 =	vmul.f32 v15, v1  }
0x620: {  	v0 =	vsub.f32 v10, v0;
	[tilespmem:s26+$0x10] =	vst v2;
	v3 =	vmul.f32 v3, v49  }
0x621: {  	[tilespmem:s12+$0x10] =	vst v1;
	v2 =	vld [tilespmem:s10+$0x5460]  }
0x622: {  	v0 =	vmul.f32 v35, v0;
	v1 =	vld [tilespmem:s11+$0x5460];
	v3 =	vsub.f32 v4, v3  }
0x623: {  	v9 =	vld [tilespmem:s11+$0x7C60]  }
0x624: {  	[tilespmem:s16+$0x10] =	vst v0;
	v4 =	vld [tilespmem:s10+$0x7C60];
	v3 =	vmul.f32 v44, v3  }
0x625: {  	v0 =	vld [tilespmem:s0+$0x5460]  }
0x626: {  	v10 =	vld [tilespmem:s0+$0x7C60];
	[tilespmem:s19+$0x10] =	vst v3  }
0x627: {  	v2 =	vmul.f32 v2, v36;
	v3 =	vld [tilespmem:s25+$0x5460]  }
0x628: {  	v1 =	vmul.f32 v1, v37  }
0x629: {  	v2 =	vsub.f32 v4, v2;
	v4 =	vld [tilespmem:s25+$0x7C60]  }
0x62a: {  	v0 =	vmul.f32 v0, v42;
	v1 =	vsub.f32 v9, v1  }
0x62b: {  	v2 =	vmul.f32 v45, v2  }
0x62c: {  	v0 =	vsub.f32 v10, v0;
	v1 =	vmul.f32 v15, v1;
	v3 =	vmul.f32 v3, v49  }
0x62d: {  	[tilespmem:s26+$0x20] =	vst v2  }
0x62e: {  	v0 =	vmul.f32 v35, v0;
	[tilespmem:s12+$0x20] =	vst v1;
	v2 =	vld [tilespmem:s10+$0x5470];
	v3 =	vsub.f32 v4, v3  }
0x62f: {  	v1 =	vld [tilespmem:s11+$0x5470]  }
0x630: {  	[tilespmem:s16+$0x20] =	vst v0;
	v9 =	vld [tilespmem:s11+$0x7C70];
	v3 =	vmul.f32 v44, v3  }
0x631: {  	v0 =	vld [tilespmem:s0+$0x5470]  }
0x632: {  	v4 =	vld [tilespmem:s10+$0x7C70];
	[tilespmem:s19+$0x20] =	vst v3  }
0x633: {  	v3 =	vld [tilespmem:s25+$0x5470]  }
0x634: {  	v10 =	vld [tilespmem:s0+$0x7C70]  }
0x635: {  	v2 =	vmul.f32 v2, v36;
	v11 =	vld [tilespmem:s25+$0x7C70]  }
0x636: {  	v1 =	vmul.f32 v1, v37  }
0x637: {  	v0 =	vmul.f32 v0, v42;
	v2 =	vsub.f32 v4, v2  }
0x638: {  	v1 =	vsub.f32 v9, v1;
	v3 =	vmul.f32 v3, v49  }
0x639: {  	v0 =	vsub.f32 v10, v0;
	v2 =	vmul.f32 v45, v2  }
0x63a: {  	v1 =	vmul.f32 v15, v1;
	v3 =	vsub.f32 v11, v3  }
0x63b: {  	v0 =	vmul.f32 v35, v0;
	[tilespmem:s22+$0x30] =	vst v2  }
0x63c: {  	[tilespmem:s12+$0x30] =	vst v1;
	v62 =	vmul.f32 v44, v3  }
0x63d: {  	[tilespmem:s16+$0x30] =	vst v0  }
0x63e: {  	[tilespmem:s19+$0x30] =	vst v62  }
0x63f: {  	v0 =	vld [tilespmem:$0x180]  }
0x640: {  	v1 =	vld [tilespmem:$0x190]  }
0x641: {  	v2 =	vld [tilespmem:$0x198];
	_ =	sdelay $0x1  }
.Ltmp5:
0x642: {  	_ = 	snop;
	(pc) =	sbr.rel @p1 .LBB2_12-.Ltmp5, $4  }
0x643: {  	[tilespmem:$0x380] =	vst v0  }
0x644: {  	[tilespmem:$0x390] =	vst v1  }
0x645: {  	s30 =	simm.s32 $0x380;
	[tilespmem:$0x398] =	vst v2  }
0x646: {  	v18 =	vmov v26;
	v26 =	vimm.s32 $0x0;
	[spmem:s2] =	stream.indirect.scatter.add.f32 [tilespmem:s17], [sflag:$0x7], $0x80, s30, s15, $0xb8;
	[tilespmem:$0x1F680] =	vst v63  }
0x647: {  	s0 =	smul.u32 $0x50, s21  }
0x648: {  	s1 =	rddreg [dreg:$0xe]  }
0x649: {  	s0 =	sadd.s32 s0, s1  }
0x64a: {  	s0 =	sshrl.u32 s0, $0x3  }
0x64b: {  	s3 =	simm.s32 $0x180;
	s22 =	sadd.s32 s7, s0  }
0x64c: {  	[tilespmem:s3], [sflag:$0x6] =	stream.linear.gather [hbm4b:s22+s4], $0x28, $0x38;
	[tilespmem:$0x1F680] =	vst v63  }
.Ltmp6:
0x64d: {  	s25 =	rddreg [dreg:$0x1];
	(pc) =	sbr.rel .LBB2_4-.Ltmp6, $4  }
0x64e: {  	s26 =	simm.s32 $0x200;
	s1 =	sadd.s32 s25, s0  }
0x64f: {  	v19 =	vmov v24;
	v20 =	vmov v5;
	v24 =	vmov v34;
	[tilespmem:s26], [sflag:$0x6] =	stream.linear.gather [hbm4b:s1+s4], $0x28, $0x38;
	[tilespmem:$0x1F680] =	vst v63  }
0x650: {  	v25 =	vmovc v52;
	v35 =	vmovc v57;
	v45 =	vmov v58;
	v17 =	vmov v56;
	v13 =	vmov v55;
	s30 =	simm.s32 $0x280;
	s21 =	sadd.s32 $0x1, s21;
	s0 =	sadd.s32 s8, s0  }
0x651: {  	v16 =	vmovc v29;
	v30 =	vmovc v22;
	v9 =	vld [tilespmem:$0x1FFF0];
	v10 =	vimm.s32 $0x3F800000;
	v5 =	vmov v28;
	v29 =	vmov v20;
	[tilespmem:s30], [sflag:$0x6] =	stream.linear.gather [hbm4b:s0+s4], $0x28, $0x38  }
.LBB2_12:
0x652: {  	_ =	swait.ge [sflag:s29], $0x1400  }
0x653: {  	[sflag:s29] =	ssyncset.done $0x0  }
0x654: {  	[sflag:s29] =	ssyncadd.s32 $0xFFFFEC00  }
0x655: {  	s0 =	stileid.u32;
	[bflag:$0x0] =	sbarrier.arrive $0xFFFF  }
.Ltmp7:
0x656: {  	s0 =	sshll.u32 s0, $0x6;
	s16 =	rddreg [dreg:$0x6];
	(pc) =	sbr.rel @!p0 .LBB2_14-.Ltmp7, $4  }
0x657: {  	s0 =	sor.u32 $0x1C08, s0;
	s9 =	rddreg [dreg:$0x10];
	s1 =	sshrl.u32 s16, $0x3  }
0x658: {  	[hbm:s9], [sflag:s0] =	dma.local [spmem:s1], $0x80  }
0x659: {  	s10 =	smov.u32 s16;
	s12 =	rddreg [dreg:$0x5]  }
0x65a: {  	s9 =	sadd.s32 $0x80, s9;
	_ =	swait.ge [sflag:s23], $0x80;
	s3 =	sadd.s32 $0xFFFFFFFF, s12  }
.LBB2_13:
0x65b: {  	[sflag:s23] =	ssyncset.done $0x0;
	s10 =	sadd.s32 $0x400, s10;
	p0 =	sne.s32 s3, $0x1  }
.Ltmp8:
0x65c: {  	s1 =	sshrl.u32 s10, $0x3;
	[sflag:s23] =	ssyncadd.s32 $0xFFFFFF80;
	(pc) =	sbr.rel @p0 .LBB2_13-.Ltmp8, $3  }
0x65d: {  	[hbm:s9], [sflag:s0] =	dma.local [spmem:s1], $0x80  }
0x65e: {  	s3 =	sadd.s32 $0xFFFFFFFF, s3;
	_ =	sdelay $0x1  }
0x65f: {  	s9 =	sadd.s32 $0x80, s9;
	_ =	swait.ge [sflag:s23], $0x80  }
.LBB2_14:
0x660: {  	s1 =	rddreg [dreg:$0x11]  }
0x661: {  	s0 =	rddreg [dreg:$0xf];
	s1 =	sadd.s32 $0x1, s1  }
0x662: {  	p0 =	sne.s32 s1, s0  }
.Ltmp9:
0x663: {  	_ = 	snop;
	(pc) =	sbr.rel @p0 .LBB2_1-.Ltmp9, $3  }
0x664: {  	_ =	sdelay $0x1  }
0x665: {  	[sflag:s23] =	ssyncset.done $0x0  }
0x666: {  	v59 =	vld [tilespmem:$0x1FFF0];
	[sflag:s23] =	ssyncadd.s32 $0xFFFFFF80  }
0x667: {  	_ =	sfence.sel $0x180000  }
0x668: {  	[bflag:$0x0] =	sbarrier.arrive $0xFFFF  }
0x669: {  	_ =	strace $0x90000047  }
0x66a: {  	s0 =	stileid.u32;
	[bflag:$0x2] =	sbarrier.arrive $0xFFFF  }
0x66b: {  	p0 =	sne.s32 s0, $0x0;
	s0 =	rddreg [dreg:$0x3]  }
0x66c: {  	s0 =	sadd.s32 @!p0 $0x100000, s0  }
0x66d: {  	[sflag:s0] =	ssyncadd.tile.s32 @!p0 $0x1;
	_ =	shalt  }
.Lfunc_end2:
_tile_overlayer_lowered:
.L_overlay_start_2:
0x66e: {  	(tag) =	ssettag $0x2  }
0x66f: {  	s0 =	rddreg [dreg:$0x0];
	s2 =	stileid.u32  }
0x670: {  	s1 =	rddreg [dreg:$0x1];
	p0 =	sne.s32 s2, $0x0  }
0x671: {  	s3 =	rddreg [dreg:$0x2];
	[bflag:$0x3] =	sbarrier.arrive $0xFFFF;
	s2 =	simm.s32 @!p0 $0x1C08  }
0x672: {  	[timem:s3], [sflag:s2] =	dma.local @!p0 [hbm:s0], s1  }
0x673: {  	s0 =	simm.s32 @!p0 $0x8  }
0x674: {  	_ =	swait.ge @!p0 [sflag:s0], s1  }
0x675: {  	s1 =	ssub.s32 @!p0 $0x0, s1;
	[sflag:s0] =	ssyncset.done @!p0 $0x0  }
0x676: {  	[sflag:s0] =	ssyncadd.s32 @!p0 s1  }
0x677: {  	[bflag:$0x3] =	sbarrier.arrive $0xFFFF  }
0x678: {  	_ =	shalt  }

</sc_bundles>
